<compile_context>
chip_gen: v7x
topology: tpu7x:2x2x1
jax: 0.10.2.dev20260603
libtpu: 0.0.44.dev20260713+nightly
codegen_flags: <defaults>
</compile_context>

<pallas_src>
import functools

import jax
import jax.numpy as jnp
from jax import lax
from jax.experimental import pallas as pl
from jax.experimental.pallas import tpu as pltpu
from jax.experimental.pallas import tpu_sc as plsc

N_NODES = 10000
N_EDGES = 320000
N_GRAPHS = 32
RBF_SIZE = 16
MAX_DIST = 20.0

NC = 2
NS = 16
NW = NC * NS
EW_PER = N_EDGES // NW
CH = 80
CPW = 126
EPW = CPW * CH
NP = 10240
ROWS_PER = NP // NS
AW = 64


def _sigmoid(x):
    return 1.0 / (1.0 + jnp.exp(-x))


def _edge_body(d_ref, ef_ref, We1_ref, be1_ref, We2_ref, be2_ref,
               We_ref, be_ref, out_ref):
    d = d_ref[...]
    centers = lax.broadcasted_iota(jnp.int32, (1, RBF_SIZE), 1).astype(
        jnp.float32) * (MAX_DIST / (RBF_SIZE - 1))
    rbf = jnp.exp(-(d - centers) ** 2)
    e = jnp.concatenate([rbf, ef_ref[...]], axis=1)
    h = jnp.dot(e, We1_ref[...], preferred_element_type=jnp.float32)
    h = jnp.maximum(h + be1_ref[...], 0.0)
    h = jnp.dot(h, We2_ref[...], preferred_element_type=jnp.float32)
    h = jnp.maximum(h + be2_ref[...], 0.0)
    ew = jnp.dot(h, We_ref[...], preferred_element_type=jnp.float32)
    out_ref[...] = ew + be_ref[...]


def _edge_encoder(distances, edge_features, We1, be1, We2, be2, W_e, b_e):
    BE = 8000
    grid = (N_EDGES // BE,)
    full = lambda shape: pl.BlockSpec(shape, lambda i: (0, 0))
    return pl.pallas_call(
        _edge_body,
        grid=grid,
        in_specs=[
            pl.BlockSpec((BE, 1), lambda i: (i, 0)),
            pl.BlockSpec((BE, 16), lambda i: (i, 0)),
            full((32, 4)), full((1, 4)), full((4, 8)), full((1, 8)),
            full((8, 64)), full((1, 64)),
        ],
        out_specs=pl.BlockSpec((BE, 64), lambda i: (i, 0)),
        out_shape=jax.ShapeDtypeStruct((N_EDGES, 64), jnp.float32),
    )(distances.reshape(N_EDGES, 1), edge_features,
      We1, be1.reshape(1, 4), We2, be2.reshape(1, 8),
      W_e, b_e.reshape(1, 64))


def _node_body(res_ref, nf_ref, emb_ref, Wn1_ref, bn1_ref, Wn2_ref, bn2_ref,
               Ws_ref, x2_ref, xs_ref):
    r = res_ref[...]
    oh = (r == lax.broadcasted_iota(jnp.int32, (1, 22), 1)).astype(
        jnp.float32)
    emb = jnp.dot(oh, emb_ref[...], preferred_element_type=jnp.float32)
    x = jnp.concatenate([emb, nf_ref[...]], axis=1)
    h = jnp.dot(x, Wn1_ref[...], preferred_element_type=jnp.float32)
    h = jnp.maximum(h + bn1_ref[...], 0.0)
    h = jnp.dot(h, Wn2_ref[...], preferred_element_type=jnp.float32)
    x2 = jnp.maximum(h + bn2_ref[...], 0.0)
    x2_ref[...] = x2
    xs_ref[...] = jnp.dot(x2, Ws_ref[...],
                          preferred_element_type=jnp.float32)


def _node_encoder(residues, node_features, emb_table, Wn1, bn1, Wn2, bn2, W_s):
    BN = 2000
    grid = (N_NODES // BN,)
    full = lambda shape: pl.BlockSpec(shape, lambda i: (0, 0))
    return pl.pallas_call(
        _node_body,
        grid=grid,
        in_specs=[
            pl.BlockSpec((BN, 1), lambda i: (i, 0)),
            pl.BlockSpec((BN, 96), lambda i: (i, 0)),
            full((22, 32)), full((128, 8)), full((1, 8)),
            full((8, 16)), full((1, 16)), full((16, 64)),
        ],
        out_specs=[
            pl.BlockSpec((BN, 16), lambda i: (i, 0)),
            pl.BlockSpec((BN, AW), lambda i: (i, 0)),
        ],
        out_shape=[
            jax.ShapeDtypeStruct((N_NODES, 16), jnp.float32),
            jax.ShapeDtypeStruct((N_NODES, AW), jnp.float32),
        ],
    )(residues.reshape(N_NODES, 1), node_features,
      emb_table, Wn1, bn1.reshape(1, 8), Wn2, bn2.reshape(1, 16), W_s)


def _sc_body(ew_hbm, xs_hbm, idx_hbm, agg_out, deg_out,
             agg_sh, idxA, idxB, ewbA, ewbB, gsA, grA, gsB, grB, mb, deg,
             sliA, sleA, sliB, sleB, sgsA, sgrA, sgsB, sgrB):
    c = lax.axis_index("c")
    s = lax.axis_index("s")
    wid = c * NS + s
    row0 = s * ROWS_PER
    blk0 = wid * CPW
    ones16 = jnp.ones((16,), jnp.float32)

    @pl.loop(0, CH)
    def _zero_mb(r):
        for j in range(AW // 16):
            mb[r, pl.ds(16 * j, 16)] = jnp.zeros((16,), jnp.float32)

    for k in range(ROWS_PER // CH):
        pltpu.sync_copy(mb, agg_sh.at[pl.ds(row0 + k * CH, CH)])

    @pl.loop(0, NP // 16)
    def _zero_deg(i):
        deg[pl.ds(i * 16, 16)] = jnp.zeros((16,), jnp.float32)

    plsc.subcore_barrier()

    def lin_start(blk, idxb, ewb, sem_i, sem_e):
        pltpu.async_copy(idx_hbm.at[blk], idxb, sem_i)
        pltpu.async_copy(ew_hbm.at[pl.ds(blk * CH, CH)], ewb, sem_e)

    def lin_wait(blk, idxb, ewb, sem_i, sem_e):
        pltpu.make_async_copy(idx_hbm.at[blk], idxb, sem_i).wait()
        pltpu.make_async_copy(ew_hbm.at[pl.ds(blk * CH, CH)], ewb,
                              sem_e).wait()

    def fuse_scatter(gbuf, ewb, idxb, row):
        @pl.loop(0, CH, unroll=8)
        def _fuse(r):
            for g in range(AW // 16):
                sl = pl.ds(16 * g, 16)
                gbuf[r, sl] = jnp.maximum(gbuf[r, sl] + ewb[r, sl], 0.0)

        pltpu.sync_copy(gbuf, agg_sh.at[idxb.at[row]], add=True)
        for j in range(CH // 16):
            iv = idxb[row, pl.ds(16 * j, 16)]
            plsc.addupdate_scatter(deg, [iv], ones16)

    lin_start(blk0, idxA, ewbA, sliA, sleA)
    lin_start(blk0 + 1, idxB, ewbB, sliB, sleB)

    @pl.loop(0, CPW // 2)
    def _iter(k2):
        cA = 2 * k2
        cB = cA + 1
        lin_wait(blk0 + cA, idxA, ewbA, sliA, sleA)
        pltpu.async_copy(xs_hbm.at[idxA.at[0]], gsA, sgsA)
        pltpu.async_copy(xs_hbm.at[idxA.at[1]], grA, sgrA)
        lin_wait(blk0 + cB, idxB, ewbB, sliB, sleB)
        pltpu.async_copy(xs_hbm.at[idxB.at[0]], gsB, sgsB)
        pltpu.async_copy(xs_hbm.at[idxB.at[1]], grB, sgrB)

        pltpu.make_async_copy(xs_hbm.at[idxA.at[0]], gsA, sgsA).wait()
        fuse_scatter(gsA, ewbA, idxA, 1)
        pltpu.make_async_copy(xs_hbm.at[idxA.at[1]], grA, sgrA).wait()
        fuse_scatter(grA, ewbA, idxA, 0)
        nA = jnp.minimum(cA + 2, CPW - 1)
        lin_start(blk0 + nA, idxA, ewbA, sliA, sleA)

        pltpu.make_async_copy(xs_hbm.at[idxB.at[0]], gsB, sgsB).wait()
        fuse_scatter(gsB, ewbB, idxB, 1)
        pltpu.make_async_copy(xs_hbm.at[idxB.at[1]], grB, sgrB).wait()
        fuse_scatter(grB, ewbB, idxB, 0)
        nB = jnp.minimum(cB + 2, CPW - 1)
        lin_start(blk0 + nB, idxB, ewbB, sliB, sleB)

    lin_wait(blk0 + CPW - 1, idxA, ewbA, sliA, sleA)
    lin_wait(blk0 + CPW - 1, idxB, ewbB, sliB, sleB)

    plsc.subcore_barrier()
    pltpu.sync_copy(agg_sh.at[pl.ds(row0, ROWS_PER)],
                    agg_out.at[c, pl.ds(row0, ROWS_PER)])
    pltpu.sync_copy(deg, deg_out.at[wid])


def _sc_aggregate(ew_pad, xs_pad, idx_pack):
    mesh = plsc.VectorSubcoreMesh(core_axis_name="c", subcore_axis_name="s")
    dma = pltpu.SemaphoreType.DMA
    return pl.kernel(
        _sc_body,
        out_type=[
            jax.ShapeDtypeStruct((NC, NP, AW), jnp.float32),
            jax.ShapeDtypeStruct((NW, NP), jnp.float32),
        ],
        mesh=mesh,
        compiler_params=pltpu.CompilerParams(use_tc_tiling_on_sc=False,
                                             needs_layout_passes=False),
        scratch_types=[
            pltpu.VMEM_SHARED((NP, AW), jnp.float32),
            pltpu.VMEM((2, CH), jnp.int32),
            pltpu.VMEM((2, CH), jnp.int32),
            pltpu.VMEM((CH, AW), jnp.float32),
            pltpu.VMEM((CH, AW), jnp.float32),
            pltpu.VMEM((CH, AW), jnp.float32),
            pltpu.VMEM((CH, AW), jnp.float32),
            pltpu.VMEM((CH, AW), jnp.float32),
            pltpu.VMEM((CH, AW), jnp.float32),
            pltpu.VMEM((CH, AW), jnp.float32),
            pltpu.VMEM((NP,), jnp.float32),
            dma, dma, dma, dma, dma, dma, dma, dma,
        ],
    )(ew_pad, xs_pad, idx_pack)


def _epi_body(x2_ref, ap_ref, dp_ref, gid_ref, Wn_ref, Win_ref, bn_ref,
              Wg_ref, bg_ref, Wno_ref, bno_ref, no_ref, go_ref):
    asum = ap_ref[0] + ap_ref[1]
    deg = lax.dot_general(dp_ref[...], jnp.ones((NW, 1), jnp.float32),
                          (((0,), (0,)), ((), ())),
                          preferred_element_type=jnp.float32)
    deg = jnp.maximum(deg[:N_NODES], 1.0)
    agg = asum / deg
    x2 = x2_ref[...]
    x3 = jnp.dot(x2, Wn_ref[...], preferred_element_type=jnp.float32)
    x3 = x3 + jnp.dot(agg, Win_ref[...], preferred_element_type=jnp.float32)
    x3 = jnp.maximum(x3 + bn_ref[...], 0.0)
    no_ref[...] = _sigmoid(
        jnp.dot(x3, Wno_ref[...], preferred_element_type=jnp.float32)
        + bno_ref[...])
    oh = (gid_ref[...] ==
          lax.broadcasted_iota(jnp.int32, (N_GRAPHS, N_NODES), 0)
          ).astype(jnp.float32)
    gsum = jnp.dot(oh, x3, preferred_element_type=jnp.float32)
    nper = jnp.maximum(jnp.sum(oh, axis=1, keepdims=True), 1.0)
    gmean = gsum / nper
    go_ref[...] = _sigmoid(
        jnp.dot(gmean, Wg_ref[...], preferred_element_type=jnp.float32)
        + bg_ref[...])


def _epilog(x2, agg_parts, deg_parts, node_graph_ids, W_n, W_in, b_n,
            W_g, b_g, W_no, b_no):
    full = lambda shape: pl.BlockSpec(shape, lambda i: tuple(0 for _ in shape))
    return pl.pallas_call(
        _epi_body,
        grid=(1,),
        in_specs=[
            full((N_NODES, 16)),
            full((NC, N_NODES, AW)),
            full((NW, NP)),
            full((1, N_NODES)),
            full((16, 128)), full((64, 128)), full((1, 128)),
            full((128, 2)), full((1, 2)), full((128, 2)), full((1, 2)),
        ],
        out_specs=[
            full((N_NODES, 2)),
            full((N_GRAPHS, 2)),
        ],
        out_shape=[
            jax.ShapeDtypeStruct((N_NODES, 2), jnp.float32),
            jax.ShapeDtypeStruct((N_GRAPHS, 2), jnp.float32),
        ],
    )(x2, agg_parts, deg_parts, node_graph_ids.reshape(1, N_NODES),
      W_n, W_in, b_n.reshape(1, 128), W_g, b_g.reshape(1, 2),
      W_no, b_no.reshape(1, 2))


def kernel(distances, edge_features, residues, node_features, senders,
           receivers, node_graph_ids, emb_table, We1, be1, We2, be2,
           Wn1, bn1, Wn2, bn2, W_e, W_s, b_e, W_n, W_in, b_n, W_g, b_g,
           W_no, b_no):
    senders = jnp.asarray(senders, jnp.int32)
    receivers = jnp.asarray(receivers, jnp.int32)
    residues = jnp.asarray(residues, jnp.int32)
    node_graph_ids = jnp.asarray(node_graph_ids, jnp.int32)

    ew = _edge_encoder(distances, edge_features, We1, be1, We2, be2, W_e, b_e)
    x2, xs_pad = _node_encoder(residues, node_features, emb_table,
                               Wn1, bn1, Wn2, bn2, W_s)
    xs_pad = jnp.pad(xs_pad, ((0, NP - N_NODES), (0, 0)))
    snd_p = jnp.pad(senders.reshape(NW, EW_PER),
                    ((0, 0), (0, EPW - EW_PER)), constant_values=N_NODES)
    rcv_p = jnp.pad(receivers.reshape(NW, EW_PER),
                    ((0, 0), (0, EPW - EW_PER)), constant_values=N_NODES)
    idx_pack = jnp.stack([snd_p.reshape(NW, CPW, CH),
                          rcv_p.reshape(NW, CPW, CH)], axis=2)
    idx_pack = idx_pack.reshape(NW * CPW, 2, CH)
    ew_pad = jnp.pad(ew.reshape(NW, EW_PER, AW),
                     ((0, 0), (0, EPW - EW_PER), (0, 0))
                     ).reshape(NW * EPW, AW)
    agg_parts, deg_parts = _sc_aggregate(ew_pad, xs_pad, idx_pack)
    node_out, global_out = _epilog(x2, agg_parts, deg_parts, node_graph_ids,
                                   W_n, W_in, b_n, W_g, b_g, W_no, b_no)
    return (node_out, global_out)

# --- scband reference (transcript-rebuilt; emitter-appended) ---
"""Pipeline reference for scband-protein-gnno-global-24438363914613 (READ-ONLY COPY).

The authoritative reference and input builder live on the scoring server;
editing this copy changes nothing except your own understanding.
"""

import jax, jax.numpy as jnp
import numpy as np

N_NODES = 10000
N_EDGES = 320000
N_GRAPHS = 32
RBF_SIZE = 16
MIN_DIST = 0.0
MAX_DIST = 20.0


def setup_inputs(seed: int = 0) -> dict:
    key = jax.random.key(seed)
    ks = jax.random.split(key, 30)
    inp = {}
    inp['distances'] = jax.random.uniform(ks[0], (N_EDGES,), dtype=jnp.float32)
    inp['edge_features'] = jax.random.normal(ks[1], (N_EDGES, 16), dtype=jnp.float32)
    inp['residues'] = jax.random.randint(ks[2], (N_NODES,), 0, 22)
    inp['node_features'] = jax.random.normal(ks[3], (N_NODES, 96), dtype=jnp.float32)
    inp['senders'] = jax.random.randint(ks[4], (N_EDGES,), 0, N_NODES)
    inp['receivers'] = jax.random.randint(ks[5], (N_EDGES,), 0, N_NODES)
    inp['node_graph_ids'] = jnp.sort(jax.random.randint(ks[6], (N_NODES,), 0, N_GRAPHS))
    s = 0.1
    inp['emb_table'] = jax.random.normal(ks[7], (22, 32), dtype=jnp.float32) * s
    inp['We1'] = jax.random.normal(ks[8], (32, 4), dtype=jnp.float32) * s
    inp['be1'] = jnp.zeros((4,), dtype=jnp.float32)
    inp['We2'] = jax.random.normal(ks[9], (4, 8), dtype=jnp.float32) * s
    inp['be2'] = jnp.zeros((8,), dtype=jnp.float32)
    inp['Wn1'] = jax.random.normal(ks[10], (128, 8), dtype=jnp.float32) * s
    inp['bn1'] = jnp.zeros((8,), dtype=jnp.float32)
    inp['Wn2'] = jax.random.normal(ks[11], (8, 16), dtype=jnp.float32) * s
    inp['bn2'] = jnp.zeros((16,), dtype=jnp.float32)
    inp['W_e'] = jax.random.normal(ks[12], (8, 64), dtype=jnp.float32) * s
    inp['W_s'] = jax.random.normal(ks[13], (16, 64), dtype=jnp.float32) * s
    inp['b_e'] = jnp.zeros((64,), dtype=jnp.float32)
    inp['W_n'] = jax.random.normal(ks[14], (16, 128), dtype=jnp.float32) * s
    inp['W_in'] = jax.random.normal(ks[15], (64, 128), dtype=jnp.float32) * s
    inp['b_n'] = jnp.zeros((128,), dtype=jnp.float32)
    inp['W_g'] = jax.random.normal(ks[16], (128, 2), dtype=jnp.float32) * s
    inp['b_g'] = jnp.zeros((2,), dtype=jnp.float32)
    inp['W_no'] = jax.random.normal(ks[17], (128, 2), dtype=jnp.float32) * s
    inp['b_no'] = jnp.zeros((2,), dtype=jnp.float32)
    return inp


def reference(distances, edge_features, residues, node_features, senders, receivers, node_graph_ids,
              emb_table, We1, be1, We2, be2, Wn1, bn1, Wn2, bn2,
              W_e, W_s, b_e, W_n, W_in, b_n, W_g, b_g, W_no, b_no):
    # --- preprocessing ---
    # RbfDistanceEncodingEdges
    centers = jnp.linspace(MIN_DIST, MAX_DIST, RBF_SIZE)
    rbf = jnp.exp(-(distances[:, None] - centers[None, :]) ** 2)
    e = jnp.concatenate([rbf, edge_features], axis=1)  # (E, 32)
    # ResidueEmbedding
    res_emb = jnp.take(emb_table, residues, axis=0)
    x = jnp.concatenate([res_emb, node_features], axis=1)  # (N, 128)
    # DuplicateEdges
    snd = jnp.concatenate([senders, receivers], axis=0)
    rcv = jnp.concatenate([receivers, senders], axis=0)
    e = jnp.tile(e, (2, 1))  # (2E, 32)
    # --- encoder ---
    e = jax.nn.relu(e @ We1 + be1)
    e = jax.nn.relu(e @ We2 + be2)  # (2E, 8)
    x = jax.nn.relu(x @ Wn1 + bn1)
    x = jax.nn.relu(x @ Wn2 + bn2)  # (N, 16)
    # --- message passing layer (layers=1) ---
    e = jax.nn.relu(e @ W_e + jnp.take(x, snd, axis=0) @ W_s + b_e)  # (2E, 64)
    agg_sum = jax.ops.segment_sum(e, rcv, num_segments=N_NODES)
    deg = jax.ops.segment_sum(jnp.ones((e.shape[0],), dtype=e.dtype), rcv, num_segments=N_NODES)
    agg = agg_sum / jnp.clip(deg, 1.0)[:, None]  # mean aggregation of incoming edges
    x = jax.nn.relu(x @ W_n + agg @ W_in + b_n)  # (N, 128)
    # --- readout ---
    g_sum = jax.ops.segment_sum(x, node_graph_ids, num_segments=N_GRAPHS)
    n_per = jax.ops.segment_sum(jnp.ones((N_NODES,), dtype=x.dtype), node_graph_ids, num_segments=N_GRAPHS)
    g_mean = g_sum / jnp.clip(n_per, 1.0)[:, None]
    global_out = jax.nn.sigmoid(g_mean @ W_g + b_g)  # (B, 2)
    node_out = jax.nn.sigmoid(x @ W_no + b_no)       # (N, 2)
    return (node_out, global_out)

if __name__ == "__main__":
    import jax
    _d = setup_inputs()
    print(jax.jit(kernel)(*tuple(_d.values())))

</pallas_src>

<mosaic_0001>
#map = affine_map<(d0, d1) -> (0, 0)>
#map1 = affine_map<(d0, d1) -> (0, 0, 0)>
module attributes {stable_mosaic.version = 14 : i64} {
  func.func @_sc_body(%arg0: i32, %arg1: i32, %arg2: memref<322560x64xf32, #tpu.memory_space<hbm>>, %arg3: memref<10240x64xf32, #tpu.memory_space<hbm>>, %arg4: memref<4032x2x80xi32, #tpu.memory_space<hbm>>, %arg5: memref<2x10240x64xf32, #tpu.memory_space<hbm>>, %arg6: memref<32x10240xf32, #tpu.memory_space<hbm>>, %arg7: memref<10240x64xf32, #tpu.memory_space<vmem_shared>>, %arg8: memref<2x80xi32, #tpu.memory_space<vmem>>, %arg9: memref<2x80xi32, #tpu.memory_space<vmem>>, %arg10: memref<80x64xf32, #tpu.memory_space<vmem>>, %arg11: memref<80x64xf32, #tpu.memory_space<vmem>>, %arg12: memref<80x64xf32, #tpu.memory_space<vmem>>, %arg13: memref<80x64xf32, #tpu.memory_space<vmem>>, %arg14: memref<80x64xf32, #tpu.memory_space<vmem>>, %arg15: memref<80x64xf32, #tpu.memory_space<vmem>>, %arg16: memref<80x64xf32, #tpu.memory_space<vmem>>, %arg17: memref<10240xf32, #tpu.memory_space<vmem>>, %arg18: memref<!tpu.dma_semaphore, #tpu.memory_space<semaphore_mem>>, %arg19: memref<!tpu.dma_semaphore, #tpu.memory_space<semaphore_mem>>, %arg20: memref<!tpu.dma_semaphore, #tpu.memory_space<semaphore_mem>>, %arg21: memref<!tpu.dma_semaphore, #tpu.memory_space<semaphore_mem>>, %arg22: memref<!tpu.dma_semaphore, #tpu.memory_space<semaphore_mem>>, %arg23: memref<!tpu.dma_semaphore, #tpu.memory_space<semaphore_mem>>, %arg24: memref<!tpu.dma_semaphore, #tpu.memory_space<semaphore_mem>>, %arg25: memref<!tpu.dma_semaphore, #tpu.memory_space<semaphore_mem>>) attributes {dimension_semantics = [#tpu.dimension_semantics<core_parallel>, #tpu.dimension_semantics<subcore_parallel>], iteration_bounds = array<i64: 2, 16>, scalar_prefetch = 0 : i64, scratch_operands = 19 : i64, tpu.core_type = #tpu.core_type<sc_vector_subcore>, window_params = [{transform_indices = #map}, {transform_indices = #map}, {transform_indices = #map1}, {transform_indices = #map1}, {transform_indices = #map}]} {
    %mul3A = arith.constant 16 : i32
    %mul3A_0 = arith.muli %arg0, %mul3A : i32
    %add3A = arith.addi %mul3A_0, %arg1 : i32
    %mul3A_1 = arith.constant 640 : i32
    %mul3A_2 = arith.muli %arg1, %mul3A_1 : i32
    %mul3A_3 = arith.constant 126 : i32
    %mul3A_4 = arith.muli %add3A, %mul3A_3 : i32
    %broadcast_in_dim3A = arith.constant 1.000000e+00 : f32
    %broadcast_in_dim3A_5 = vector.broadcast %broadcast_in_dim3A : f32 to vector<16xf32>
    %scan3A = arith.constant 0 : i32
    %scan3A_6 = arith.constant 80 : i32
    %scan3A_7 = arith.addi %scan3A, %scan3A_6 : i32
    %scan3A_8 = arith.constant 1 : i32
    scf.for %scan3A_100 = %scan3A to %scan3A_7 step %scan3A_8  : i32 {
      %mul3A_101 = arith.constant 1 : i32
      %mul3A_102 = arith.muli %scan3A_100, %mul3A_101 : i32
      %add3A_103 = arith.constant 0 : i32
      %add3A_104 = arith.addi %add3A_103, %mul3A_102 : i32
      %broadcast_in_dim3A_105 = arith.constant 0.000000e+00 : f32
      %broadcast_in_dim3A_106 = vector.broadcast %broadcast_in_dim3A_105 : f32 to vector<16xf32>
      %swap3A = arith.index_cast %add3A_104 : i32 to index
      %swap3A_107 = arith.constant 0 : index
      %swap3A_108 = tpu.vector_load %arg16[%swap3A, %swap3A_107] {strides = array<i32>} : memref<80x64xf32, #tpu.memory_space<vmem>>, vector<16xf32>,
      tpu.vector_store %arg16[%swap3A, %swap3A_107], %broadcast_in_dim3A_106 {strides = array<i32>} : memref<80x64xf32, #tpu.memory_space<vmem>>, vector<16xf32>,
      %broadcast_in_dim3A_109 = arith.constant 0.000000e+00 : f32
      %broadcast_in_dim3A_110 = vector.broadcast %broadcast_in_dim3A_109 : f32 to vector<16xf32>
      %swap3A_111 = arith.index_cast %add3A_104 : i32 to index
      %swap3A_112 = arith.constant 16 : index
      %swap3A_113 = tpu.vector_load %arg16[%swap3A_111, %swap3A_112] {strides = array<i32>} : memref<80x64xf32, #tpu.memory_space<vmem>>, vector<16xf32>,
      tpu.vector_store %arg16[%swap3A_111, %swap3A_112], %broadcast_in_dim3A_110 {strides = array<i32>} : memref<80x64xf32, #tpu.memory_space<vmem>>, vector<16xf32>,
      %broadcast_in_dim3A_114 = arith.constant 0.000000e+00 : f32
      %broadcast_in_dim3A_115 = vector.broadcast %broadcast_in_dim3A_114 : f32 to vector<16xf32>
      %swap3A_116 = arith.index_cast %add3A_104 : i32 to index
      %swap3A_117 = arith.constant 32 : index
      %swap3A_118 = tpu.vector_load %arg16[%swap3A_116, %swap3A_117] {strides = array<i32>} : memref<80x64xf32, #tpu.memory_space<vmem>>, vector<16xf32>,
      tpu.vector_store %arg16[%swap3A_116, %swap3A_117], %broadcast_in_dim3A_115 {strides = array<i32>} : memref<80x64xf32, #tpu.memory_space<vmem>>, vector<16xf32>,
      %broadcast_in_dim3A_119 = arith.constant 0.000000e+00 : f32
      %broadcast_in_dim3A_120 = vector.broadcast %broadcast_in_dim3A_119 : f32 to vector<16xf32>
      %swap3A_121 = arith.index_cast %add3A_104 : i32 to index
      %swap3A_122 = arith.constant 48 : index
      %swap3A_123 = tpu.vector_load %arg16[%swap3A_121, %swap3A_122] {strides = array<i32>} : memref<80x64xf32, #tpu.memory_space<vmem>>, vector<16xf32>,
      tpu.vector_store %arg16[%swap3A_121, %swap3A_122], %broadcast_in_dim3A_120 {strides = array<i32>} : memref<80x64xf32, #tpu.memory_space<vmem>>, vector<16xf32>,
    }
    %scan3A_9 = arith.constant 80 : i32
    %add3A_10 = arith.constant 0 : i32
    %add3A_11 = arith.addi %mul3A_2, %add3A_10 : i32
    "tpu.region"() ({
      %run_scoped3A = tpu.sem_alloc : memref<!tpu.dma_semaphore, #tpu.memory_space<semaphore_mem>>
      %dma_start3A_100 = arith.constant 0 : i32
      %dma_start3A_101 = tpu.memref_slice %arg7[%add3A_11, %dma_start3A_100] : memref<10240x64xf32, #tpu.memory_space<vmem_shared>> -> memref<80x64xf32, #tpu.memory_space<vmem_shared>>
      %dma_start3A_102 = arith.constant 0 : i32
      %dma_start3A_103 = tpu.memref_slice %arg7[%add3A_11, %dma_start3A_102] : memref<10240x64xf32, #tpu.memory_space<vmem_shared>> -> memref<80x64xf32, #tpu.memory_space<vmem_shared>>
      tpu.enqueue_dma source(%arg16 : memref<80x64xf32, #tpu.memory_space<vmem>>) target(%dma_start3A_103 : memref<80x64xf32, #tpu.memory_space<vmem_shared>>) target_semaphore(%run_scoped3A : memref<!tpu.dma_semaphore, #tpu.memory_space<semaphore_mem>>)
      %dma_wait3A_104 = arith.constant 0 : i32
      %dma_wait3A_105 = tpu.memref_slice %arg7[%add3A_11, %dma_wait3A_104] : memref<10240x64xf32, #tpu.memory_space<vmem_shared>> -> memref<80x64xf32, #tpu.memory_space<vmem_shared>>
      %dma_wait3A_106 = arith.constant 0 : i32
      %dma_wait3A_107 = tpu.memref_slice %arg7[%add3A_11, %dma_wait3A_106] : memref<10240x64xf32, #tpu.memory_space<vmem_shared>> -> memref<80x64xf32, #tpu.memory_space<vmem_shared>>
      tpu.wait_dma2 semaphore(%run_scoped3A : memref<!tpu.dma_semaphore, #tpu.memory_space<semaphore_mem>>) src(%arg16 : memref<80x64xf32, #tpu.memory_space<vmem>>) dst(%dma_wait3A_107 : memref<80x64xf32, #tpu.memory_space<vmem_shared>>)
      tpu.yield
    }) : () -> ()
    %add3A_12 = arith.constant 80 : i32
    %add3A_13 = arith.addi %mul3A_2, %add3A_12 : i32
    "tpu.region"() ({
      %run_scoped3A = tpu.sem_alloc : memref<!tpu.dma_semaphore, #tpu.memory_space<semaphore_mem>>
      %dma_start3A_100 = arith.constant 0 : i32
      %dma_start3A_101 = tpu.memref_slice %arg7[%add3A_13, %dma_start3A_100] : memref<10240x64xf32, #tpu.memory_space<vmem_shared>> -> memref<80x64xf32, #tpu.memory_space<vmem_shared>>
      %dma_start3A_102 = arith.constant 0 : i32
      %dma_start3A_103 = tpu.memref_slice %arg7[%add3A_13, %dma_start3A_102] : memref<10240x64xf32, #tpu.memory_space<vmem_shared>> -> memref<80x64xf32, #tpu.memory_space<vmem_shared>>
      tpu.enqueue_dma source(%arg16 : memref<80x64xf32, #tpu.memory_space<vmem>>) target(%dma_start3A_103 : memref<80x64xf32, #tpu.memory_space<vmem_shared>>) target_semaphore(%run_scoped3A : memref<!tpu.dma_semaphore, #tpu.memory_space<semaphore_mem>>)
      %dma_wait3A_104 = arith.constant 0 : i32
      %dma_wait3A_105 = tpu.memref_slice %arg7[%add3A_13, %dma_wait3A_104] : memref<10240x64xf32, #tpu.memory_space<vmem_shared>> -> memref<80x64xf32, #tpu.memory_space<vmem_shared>>
      %dma_wait3A_106 = arith.constant 0 : i32
      %dma_wait3A_107 = tpu.memref_slice %arg7[%add3A_13, %dma_wait3A_106] : memref<10240x64xf32, #tpu.memory_space<vmem_shared>> -> memref<80x64xf32, #tpu.memory_space<vmem_shared>>
      tpu.wait_dma2 semaphore(%run_scoped3A : memref<!tpu.dma_semaphore, #tpu.memory_space<semaphore_mem>>) src(%arg16 : memref<80x64xf32, #tpu.memory_space<vmem>>) dst(%dma_wait3A_107 : memref<80x64xf32, #tpu.memory_space<vmem_shared>>)
      tpu.yield
    }) : () -> ()
    %add3A_14 = arith.constant 160 : i32
    %add3A_15 = arith.addi %mul3A_2, %add3A_14 : i32
    "tpu.region"() ({
      %run_scoped3A = tpu.sem_alloc : memref<!tpu.dma_semaphore, #tpu.memory_space<semaphore_mem>>
      %dma_start3A_100 = arith.constant 0 : i32
      %dma_start3A_101 = tpu.memref_slice %arg7[%add3A_15, %dma_start3A_100] : memref<10240x64xf32, #tpu.memory_space<vmem_shared>> -> memref<80x64xf32, #tpu.memory_space<vmem_shared>>
      %dma_start3A_102 = arith.constant 0 : i32
      %dma_start3A_103 = tpu.memref_slice %arg7[%add3A_15, %dma_start3A_102] : memref<10240x64xf32, #tpu.memory_space<vmem_shared>> -> memref<80x64xf32, #tpu.memory_space<vmem_shared>>
      tpu.enqueue_dma source(%arg16 : memref<80x64xf32, #tpu.memory_space<vmem>>) target(%dma_start3A_103 : memref<80x64xf32, #tpu.memory_space<vmem_shared>>) target_semaphore(%run_scoped3A : memref<!tpu.dma_semaphore, #tpu.memory_space<semaphore_mem>>)
      %dma_wait3A_104 = arith.constant 0 : i32
      %dma_wait3A_105 = tpu.memref_slice %arg7[%add3A_15, %dma_wait3A_104] : memref<10240x64xf32, #tpu.memory_space<vmem_shared>> -> memref<80x64xf32, #tpu.memory_space<vmem_shared>>
      %dma_wait3A_106 = arith.constant 0 : i32
      %dma_wait3A_107 = tpu.memref_slice %arg7[%add3A_15, %dma_wait3A_106] : memref<10240x64xf32, #tpu.memory_space<vmem_shared>> -> memref<80x64xf32, #tpu.memory_space<vmem_shared>>
      tpu.wait_dma2 semaphore(%run_scoped3A : memref<!tpu.dma_semaphore, #tpu.memory_space<semaphore_mem>>) src(%arg16 : memref<80x64xf32, #tpu.memory_space<vmem>>) dst(%dma_wait3A_107 : memref<80x64xf32, #tpu.memory_space<vmem_shared>>)
      tpu.yield
    }) : () -> ()
    %add3A_16 = arith.constant 240 : i32
    %add3A_17 = arith.addi %mul3A_2, %add3A_16 : i32
    "tpu.region"() ({
      %run_scoped3A = tpu.sem_alloc : memref<!tpu.dma_semaphore, #tpu.memory_space<semaphore_mem>>
      %dma_start3A_100 = arith.constant 0 : i32
      %dma_start3A_101 = tpu.memref_slice %arg7[%add3A_17, %dma_start3A_100] : memref<10240x64xf32, #tpu.memory_space<vmem_shared>> -> memref<80x64xf32, #tpu.memory_space<vmem_shared>>
      %dma_start3A_102 = arith.constant 0 : i32
      %dma_start3A_103 = tpu.memref_slice %arg7[%add3A_17, %dma_start3A_102] : memref<10240x64xf32, #tpu.memory_space<vmem_shared>> -> memref<80x64xf32, #tpu.memory_space<vmem_shared>>
      tpu.enqueue_dma source(%arg16 : memref<80x64xf32, #tpu.memory_space<vmem>>) target(%dma_start3A_103 : memref<80x64xf32, #tpu.memory_space<vmem_shared>>) target_semaphore(%run_scoped3A : memref<!tpu.dma_semaphore, #tpu.memory_space<semaphore_mem>>)
      %dma_wait3A_104 = arith.constant 0 : i32
      %dma_wait3A_105 = tpu.memref_slice %arg7[%add3A_17, %dma_wait3A_104] : memref<10240x64xf32, #tpu.memory_space<vmem_shared>> -> memref<80x64xf32, #tpu.memory_space<vmem_shared>>
      %dma_wait3A_106 = arith.constant 0 : i32
      %dma_wait3A_107 = tpu.memref_slice %arg7[%add3A_17, %dma_wait3A_106] : memref<10240x64xf32, #tpu.memory_space<vmem_shared>> -> memref<80x64xf32, #tpu.memory_space<vmem_shared>>
      tpu.wait_dma2 semaphore(%run_scoped3A : memref<!tpu.dma_semaphore, #tpu.memory_space<semaphore_mem>>) src(%arg16 : memref<80x64xf32, #tpu.memory_space<vmem>>) dst(%dma_wait3A_107 : memref<80x64xf32, #tpu.memory_space<vmem_shared>>)
      tpu.yield
    }) : () -> ()
    %add3A_18 = arith.constant 320 : i32
    %add3A_19 = arith.addi %mul3A_2, %add3A_18 : i32
    "tpu.region"() ({
      %run_scoped3A = tpu.sem_alloc : memref<!tpu.dma_semaphore, #tpu.memory_space<semaphore_mem>>
      %dma_start3A_100 = arith.constant 0 : i32
      %dma_start3A_101 = tpu.memref_slice %arg7[%add3A_19, %dma_start3A_100] : memref<10240x64xf32, #tpu.memory_space<vmem_shared>> -> memref<80x64xf32, #tpu.memory_space<vmem_shared>>
      %dma_start3A_102 = arith.constant 0 : i32
      %dma_start3A_103 = tpu.memref_slice %arg7[%add3A_19, %dma_start3A_102] : memref<10240x64xf32, #tpu.memory_space<vmem_shared>> -> memref<80x64xf32, #tpu.memory_space<vmem_shared>>
      tpu.enqueue_dma source(%arg16 : memref<80x64xf32, #tpu.memory_space<vmem>>) target(%dma_start3A_103 : memref<80x64xf32, #tpu.memory_space<vmem_shared>>) target_semaphore(%run_scoped3A : memref<!tpu.dma_semaphore, #tpu.memory_space<semaphore_mem>>)
      %dma_wait3A_104 = arith.constant 0 : i32
      %dma_wait3A_105 = tpu.memref_slice %arg7[%add3A_19, %dma_wait3A_104] : memref<10240x64xf32, #tpu.memory_space<vmem_shared>> -> memref<80x64xf32, #tpu.memory_space<vmem_shared>>
      %dma_wait3A_106 = arith.constant 0 : i32
      %dma_wait3A_107 = tpu.memref_slice %arg7[%add3A_19, %dma_wait3A_106] : memref<10240x64xf32, #tpu.memory_space<vmem_shared>> -> memref<80x64xf32, #tpu.memory_space<vmem_shared>>
      tpu.wait_dma2 semaphore(%run_scoped3A : memref<!tpu.dma_semaphore, #tpu.memory_space<semaphore_mem>>) src(%arg16 : memref<80x64xf32, #tpu.memory_space<vmem>>) dst(%dma_wait3A_107 : memref<80x64xf32, #tpu.memory_space<vmem_shared>>)
      tpu.yield
    }) : () -> ()
    %add3A_20 = arith.constant 400 : i32
    %add3A_21 = arith.addi %mul3A_2, %add3A_20 : i32
    "tpu.region"() ({
      %run_scoped3A = tpu.sem_alloc : memref<!tpu.dma_semaphore, #tpu.memory_space<semaphore_mem>>
      %dma_start3A_100 = arith.constant 0 : i32
      %dma_start3A_101 = tpu.memref_slice %arg7[%add3A_21, %dma_start3A_100] : memref<10240x64xf32, #tpu.memory_space<vmem_shared>> -> memref<80x64xf32, #tpu.memory_space<vmem_shared>>
      %dma_start3A_102 = arith.constant 0 : i32
      %dma_start3A_103 = tpu.memref_slice %arg7[%add3A_21, %dma_start3A_102] : memref<10240x64xf32, #tpu.memory_space<vmem_shared>> -> memref<80x64xf32, #tpu.memory_space<vmem_shared>>
      tpu.enqueue_dma source(%arg16 : memref<80x64xf32, #tpu.memory_space<vmem>>) target(%dma_start3A_103 : memref<80x64xf32, #tpu.memory_space<vmem_shared>>) target_semaphore(%run_scoped3A : memref<!tpu.dma_semaphore, #tpu.memory_space<semaphore_mem>>)
      %dma_wait3A_104 = arith.constant 0 : i32
      %dma_wait3A_105 = tpu.memref_slice %arg7[%add3A_21, %dma_wait3A_104] : memref<10240x64xf32, #tpu.memory_space<vmem_shared>> -> memref<80x64xf32, #tpu.memory_space<vmem_shared>>
      %dma_wait3A_106 = arith.constant 0 : i32
      %dma_wait3A_107 = tpu.memref_slice %arg7[%add3A_21, %dma_wait3A_106] : memref<10240x64xf32, #tpu.memory_space<vmem_shared>> -> memref<80x64xf32, #tpu.memory_space<vmem_shared>>
      tpu.wait_dma2 semaphore(%run_scoped3A : memref<!tpu.dma_semaphore, #tpu.memory_space<semaphore_mem>>) src(%arg16 : memref<80x64xf32, #tpu.memory_space<vmem>>) dst(%dma_wait3A_107 : memref<80x64xf32, #tpu.memory_space<vmem_shared>>)
      tpu.yield
    }) : () -> ()
    %add3A_22 = arith.constant 480 : i32
    %add3A_23 = arith.addi %mul3A_2, %add3A_22 : i32
    "tpu.region"() ({
      %run_scoped3A = tpu.sem_alloc : memref<!tpu.dma_semaphore, #tpu.memory_space<semaphore_mem>>
      %dma_start3A_100 = arith.constant 0 : i32
      %dma_start3A_101 = tpu.memref_slice %arg7[%add3A_23, %dma_start3A_100] : memref<10240x64xf32, #tpu.memory_space<vmem_shared>> -> memref<80x64xf32, #tpu.memory_space<vmem_shared>>
      %dma_start3A_102 = arith.constant 0 : i32
      %dma_start3A_103 = tpu.memref_slice %arg7[%add3A_23, %dma_start3A_102] : memref<10240x64xf32, #tpu.memory_space<vmem_shared>> -> memref<80x64xf32, #tpu.memory_space<vmem_shared>>
      tpu.enqueue_dma source(%arg16 : memref<80x64xf32, #tpu.memory_space<vmem>>) target(%dma_start3A_103 : memref<80x64xf32, #tpu.memory_space<vmem_shared>>) target_semaphore(%run_scoped3A : memref<!tpu.dma_semaphore, #tpu.memory_space<semaphore_mem>>)
      %dma_wait3A_104 = arith.constant 0 : i32
      %dma_wait3A_105 = tpu.memref_slice %arg7[%add3A_23, %dma_wait3A_104] : memref<10240x64xf32, #tpu.memory_space<vmem_shared>> -> memref<80x64xf32, #tpu.memory_space<vmem_shared>>
      %dma_wait3A_106 = arith.constant 0 : i32
      %dma_wait3A_107 = tpu.memref_slice %arg7[%add3A_23, %dma_wait3A_106] : memref<10240x64xf32, #tpu.memory_space<vmem_shared>> -> memref<80x64xf32, #tpu.memory_space<vmem_shared>>
      tpu.wait_dma2 semaphore(%run_scoped3A : memref<!tpu.dma_semaphore, #tpu.memory_space<semaphore_mem>>) src(%arg16 : memref<80x64xf32, #tpu.memory_space<vmem>>) dst(%dma_wait3A_107 : memref<80x64xf32, #tpu.memory_space<vmem_shared>>)
      tpu.yield
    }) : () -> ()
    %add3A_24 = arith.constant 560 : i32
    %add3A_25 = arith.addi %mul3A_2, %add3A_24 : i32
    "tpu.region"() ({
      %run_scoped3A = tpu.sem_alloc : memref<!tpu.dma_semaphore, #tpu.memory_space<semaphore_mem>>
      %dma_start3A_100 = arith.constant 0 : i32
      %dma_start3A_101 = tpu.memref_slice %arg7[%add3A_25, %dma_start3A_100] : memref<10240x64xf32, #tpu.memory_space<vmem_shared>> -> memref<80x64xf32, #tpu.memory_space<vmem_shared>>
      %dma_start3A_102 = arith.constant 0 : i32
      %dma_start3A_103 = tpu.memref_slice %arg7[%add3A_25, %dma_start3A_102] : memref<10240x64xf32, #tpu.memory_space<vmem_shared>> -> memref<80x64xf32, #tpu.memory_space<vmem_shared>>
      tpu.enqueue_dma source(%arg16 : memref<80x64xf32, #tpu.memory_space<vmem>>) target(%dma_start3A_103 : memref<80x64xf32, #tpu.memory_space<vmem_shared>>) target_semaphore(%run_scoped3A : memref<!tpu.dma_semaphore, #tpu.memory_space<semaphore_mem>>)
      %dma_wait3A_104 = arith.constant 0 : i32
      %dma_wait3A_105 = tpu.memref_slice %arg7[%add3A_25, %dma_wait3A_104] : memref<10240x64xf32, #tpu.memory_space<vmem_shared>> -> memref<80x64xf32, #tpu.memory_space<vmem_shared>>
      %dma_wait3A_106 = arith.constant 0 : i32
      %dma_wait3A_107 = tpu.memref_slice %arg7[%add3A_25, %dma_wait3A_106] : memref<10240x64xf32, #tpu.memory_space<vmem_shared>> -> memref<80x64xf32, #tpu.memory_space<vmem_shared>>
      tpu.wait_dma2 semaphore(%run_scoped3A : memref<!tpu.dma_semaphore, #tpu.memory_space<semaphore_mem>>) src(%arg16 : memref<80x64xf32, #tpu.memory_space<vmem>>) dst(%dma_wait3A_107 : memref<80x64xf32, #tpu.memory_space<vmem_shared>>)
      tpu.yield
    }) : () -> ()
    %scan3A_26 = arith.constant 0 : i32
    %scan3A_27 = arith.constant 640 : i32
    %scan3A_28 = arith.addi %scan3A_26, %scan3A_27 : i32
    %scan3A_29 = arith.constant 1 : i32
    scf.for %scan3A_100 = %scan3A_26 to %scan3A_28 step %scan3A_29  : i32 {
      %mul3A_101 = arith.constant 1 : i32
      %mul3A_102 = arith.muli %scan3A_100, %mul3A_101 : i32
      %add3A_103 = arith.constant 0 : i32
      %add3A_104 = arith.addi %add3A_103, %mul3A_102 : i32
      %broadcast_in_dim3A_105 = arith.constant 0.000000e+00 : f32
      %broadcast_in_dim3A_106 = vector.broadcast %broadcast_in_dim3A_105 : f32 to vector<16xf32>
      %mul3A_107 = arith.constant 16 : i32
      %mul3A_108 = arith.muli %add3A_104, %mul3A_107 : i32
      %swap3A = arith.index_cast %mul3A_108 : i32 to index
      %swap3A_109 = tpu.vector_load %arg17[%swap3A] {strides = array<i32>} : memref<10240xf32, #tpu.memory_space<vmem>>, vector<16xf32>,
      tpu.vector_store %arg17[%swap3A], %broadcast_in_dim3A_106 {strides = array<i32>} : memref<10240xf32, #tpu.memory_space<vmem>>, vector<16xf32>,
    }
    %scan3A_30 = arith.constant 640 : i32
    %barrier3A = arith.constant 0 : index
    tpu.barrier barrier_id(%barrier3A)
    %dma_start3A = arith.constant 0 : i32
    %dma_start3A_31 = arith.constant 0 : i32
    %dma_start3A_32 = tpu.memref_slice %arg4[%mul3A_4, %dma_start3A, %dma_start3A_31] : memref<4032x2x80xi32, #tpu.memory_space<hbm>> -> memref<1x2x80xi32, #tpu.memory_space<hbm>>
    %dma_start3A_33 = tpu.memref_squeeze %dma_start3A_32 : memref<1x2x80xi32, #tpu.memory_space<hbm>> -> memref<2x80xi32, #tpu.memory_space<hbm>>
    %dma_start3A_34 = arith.constant 0 : i32
    %dma_start3A_35 = arith.constant 0 : i32
    %dma_start3A_36 = tpu.memref_slice %arg4[%mul3A_4, %dma_start3A_34, %dma_start3A_35] : memref<4032x2x80xi32, #tpu.memory_space<hbm>> -> memref<1x2x80xi32, #tpu.memory_space<hbm>>
    %dma_start3A_37 = tpu.memref_squeeze %dma_start3A_36 : memref<1x2x80xi32, #tpu.memory_space<hbm>> -> memref<2x80xi32, #tpu.memory_space<hbm>>
    tpu.enqueue_dma source(%dma_start3A_37 : memref<2x80xi32, #tpu.memory_space<hbm>>) target(%arg8 : memref<2x80xi32, #tpu.memory_space<vmem>>) target_semaphore(%arg18 : memref<!tpu.dma_semaphore, #tpu.memory_space<semaphore_mem>>)
    %mul3A_38 = arith.constant 80 : i32
    %mul3A_39 = arith.muli %mul3A_4, %mul3A_38 : i32
    %dma_start3A_40 = arith.constant 0 : i32
    %dma_start3A_41 = tpu.memref_slice %arg2[%mul3A_39, %dma_start3A_40] : memref<322560x64xf32, #tpu.memory_space<hbm>> -> memref<80x64xf32, #tpu.memory_space<hbm>>
    %dma_start3A_42 = arith.constant 0 : i32
    %dma_start3A_43 = tpu.memref_slice %arg2[%mul3A_39, %dma_start3A_42] : memref<322560x64xf32, #tpu.memory_space<hbm>> -> memref<80x64xf32, #tpu.memory_space<hbm>>
    tpu.enqueue_dma source(%dma_start3A_43 : memref<80x64xf32, #tpu.memory_space<hbm>>) target(%arg10 : memref<80x64xf32, #tpu.memory_space<vmem>>) target_semaphore(%arg19 : memref<!tpu.dma_semaphore, #tpu.memory_space<semaphore_mem>>)
    %add3A_44 = arith.constant 1 : i32
    %add3A_45 = arith.addi %mul3A_4, %add3A_44 : i32
    %dma_start3A_46 = arith.constant 0 : i32
    %dma_start3A_47 = arith.constant 0 : i32
    %dma_start3A_48 = tpu.memref_slice %arg4[%add3A_45, %dma_start3A_46, %dma_start3A_47] : memref<4032x2x80xi32, #tpu.memory_space<hbm>> -> memref<1x2x80xi32, #tpu.memory_space<hbm>>
    %dma_start3A_49 = tpu.memref_squeeze %dma_start3A_48 : memref<1x2x80xi32, #tpu.memory_space<hbm>> -> memref<2x80xi32, #tpu.memory_space<hbm>>
    %dma_start3A_50 = arith.constant 0 : i32
    %dma_start3A_51 = arith.constant 0 : i32
    %dma_start3A_52 = tpu.memref_slice %arg4[%add3A_45, %dma_start3A_50, %dma_start3A_51] : memref<4032x2x80xi32, #tpu.memory_space<hbm>> -> memref<1x2x80xi32, #tpu.memory_space<hbm>>
    %dma_start3A_53 = tpu.memref_squeeze %dma_start3A_52 : memref<1x2x80xi32, #tpu.memory_space<hbm>> -> memref<2x80xi32, #tpu.memory_space<hbm>>
    tpu.enqueue_dma source(%dma_start3A_53 : memref<2x80xi32, #tpu.memory_space<hbm>>) target(%arg9 : memref<2x80xi32, #tpu.memory_space<vmem>>) target_semaphore(%arg20 : memref<!tpu.dma_semaphore, #tpu.memory_space<semaphore_mem>>)
    %mul3A_54 = arith.constant 80 : i32
    %mul3A_55 = arith.muli %add3A_45, %mul3A_54 : i32
    %dma_start3A_56 = arith.constant 0 : i32
    %dma_start3A_57 = tpu.memref_slice %arg2[%mul3A_55, %dma_start3A_56] : memref<322560x64xf32, #tpu.memory_space<hbm>> -> memref<80x64xf32, #tpu.memory_space<hbm>>
    %dma_start3A_58 = arith.constant 0 : i32
    %dma_start3A_59 = tpu.memref_slice %arg2[%mul3A_55, %dma_start3A_58] : memref<322560x64xf32, #tpu.memory_space<hbm>> -> memref<80x64xf32, #tpu.memory_space<hbm>>
    tpu.enqueue_dma source(%dma_start3A_59 : memref<80x64xf32, #tpu.memory_space<hbm>>) target(%arg11 : memref<80x64xf32, #tpu.memory_space<vmem>>) target_semaphore(%arg21 : memref<!tpu.dma_semaphore, #tpu.memory_space<semaphore_mem>>)
    %scan3A_60 = arith.constant 0 : i32
    %scan3A_61 = arith.constant 63 : i32
    %scan3A_62 = arith.addi %scan3A_60, %scan3A_61 : i32
    %scan3A_63 = arith.constant 1 : i32
    scf.for %scan3A_100 = %scan3A_60 to %scan3A_62 step %scan3A_63  : i32 {
      %mul3A_101 = arith.constant 1 : i32
      %mul3A_102 = arith.muli %scan3A_100, %mul3A_101 : i32
      %add3A_103 = arith.constant 0 : i32
      %add3A_104 = arith.addi %add3A_103, %mul3A_102 : i32
      %mul3A_105 = arith.constant 2 : i32
      %mul3A_106 = arith.muli %mul3A_105, %add3A_104 : i32
      %add3A_107 = arith.constant 1 : i32
      %add3A_108 = arith.addi %mul3A_106, %add3A_107 : i32
      %add3A_109 = arith.addi %mul3A_4, %mul3A_106 : i32
      %dma_wait3A_110 = arith.constant 0 : i32
      %dma_wait3A_111 = arith.constant 0 : i32
      %dma_wait3A_112 = tpu.memref_slice %arg4[%add3A_109, %dma_wait3A_110, %dma_wait3A_111] : memref<4032x2x80xi32, #tpu.memory_space<hbm>> -> memref<1x2x80xi32, #tpu.memory_space<hbm>>
      %dma_wait3A_113 = tpu.memref_squeeze %dma_wait3A_112 : memref<1x2x80xi32, #tpu.memory_space<hbm>> -> memref<2x80xi32, #tpu.memory_space<hbm>>
      %dma_wait3A_114 = arith.constant 0 : i32
      %dma_wait3A_115 = arith.constant 0 : i32
      %dma_wait3A_116 = tpu.memref_slice %arg4[%add3A_109, %dma_wait3A_114, %dma_wait3A_115] : memref<4032x2x80xi32, #tpu.memory_space<hbm>> -> memref<1x2x80xi32, #tpu.memory_space<hbm>>
      %dma_wait3A_117 = tpu.memref_squeeze %dma_wait3A_116 : memref<1x2x80xi32, #tpu.memory_space<hbm>> -> memref<2x80xi32, #tpu.memory_space<hbm>>
      tpu.wait_dma2 semaphore(%arg18 : memref<!tpu.dma_semaphore, #tpu.memory_space<semaphore_mem>>) src(%dma_wait3A_117 : memref<2x80xi32, #tpu.memory_space<hbm>>) dst(%arg8 : memref<2x80xi32, #tpu.memory_space<vmem>>)
      %mul3A_118 = arith.constant 80 : i32
      %mul3A_119 = arith.muli %add3A_109, %mul3A_118 : i32
      %dma_wait3A_120 = arith.constant 0 : i32
      %dma_wait3A_121 = tpu.memref_slice %arg2[%mul3A_119, %dma_wait3A_120] : memref<322560x64xf32, #tpu.memory_space<hbm>> -> memref<80x64xf32, #tpu.memory_space<hbm>>
      %dma_wait3A_122 = arith.constant 0 : i32
      %dma_wait3A_123 = tpu.memref_slice %arg2[%mul3A_119, %dma_wait3A_122] : memref<322560x64xf32, #tpu.memory_space<hbm>> -> memref<80x64xf32, #tpu.memory_space<hbm>>
      tpu.wait_dma2 semaphore(%arg19 : memref<!tpu.dma_semaphore, #tpu.memory_space<semaphore_mem>>) src(%dma_wait3A_123 : memref<80x64xf32, #tpu.memory_space<hbm>>) dst(%arg10 : memref<80x64xf32, #tpu.memory_space<vmem>>)
      %dma_start3A_124 = arith.constant 0 : i32
      %dma_start3A_125 = arith.constant 0 : i32
      %dma_start3A_126 = tpu.memref_slice %arg8[%dma_start3A_124, %dma_start3A_125] : memref<2x80xi32, #tpu.memory_space<vmem>> -> memref<1x80xi32, #tpu.memory_space<vmem>>
      %dma_start3A_127 = tpu.memref_squeeze %dma_start3A_126 : memref<1x80xi32, #tpu.memory_space<vmem>> -> memref<80xi32, #tpu.memory_space<vmem>>
      %dma_start3A_128 = arith.constant 0 : i32
      %dma_start3A_129 = arith.constant 0 : i32
      %dma_start3A_130 = tpu.memref_slice %arg3[%dma_start3A_128, %dma_start3A_129] : memref<10240x64xf32, #tpu.memory_space<hbm>> -> memref<10240x64xf32, #tpu.memory_space<hbm>>
      tpu.enqueue_indirect_dma source(%dma_start3A_130 : memref<10240x64xf32, #tpu.memory_space<hbm>>) target(%arg12 : memref<80x64xf32, #tpu.memory_space<vmem>>) offsets(%dma_start3A_127 : memref<80xi32, #tpu.memory_space<vmem>>) semaphore(%arg22 : memref<!tpu.dma_semaphore, #tpu.memory_space<semaphore_mem>>)
      %dma_start3A_131 = arith.constant 1 : i32
      %dma_start3A_132 = arith.constant 0 : i32
      %dma_start3A_133 = tpu.memref_slice %arg8[%dma_start3A_131, %dma_start3A_132] : memref<2x80xi32, #tpu.memory_space<vmem>> -> memref<1x80xi32, #tpu.memory_space<vmem>>
      %dma_start3A_134 = tpu.memref_squeeze %dma_start3A_133 : memref<1x80xi32, #tpu.memory_space<vmem>> -> memref<80xi32, #tpu.memory_space<vmem>>
      %dma_start3A_135 = arith.constant 0 : i32
      %dma_start3A_136 = arith.constant 0 : i32
      %dma_start3A_137 = tpu.memref_slice %arg3[%dma_start3A_135, %dma_start3A_136] : memref<10240x64xf32, #tpu.memory_space<hbm>> -> memref<10240x64xf32, #tpu.memory_space<hbm>>
      tpu.enqueue_indirect_dma source(%dma_start3A_137 : memref<10240x64xf32, #tpu.memory_space<hbm>>) target(%arg13 : memref<80x64xf32, #tpu.memory_space<vmem>>) offsets(%dma_start3A_134 : memref<80xi32, #tpu.memory_space<vmem>>) semaphore(%arg23 : memref<!tpu.dma_semaphore, #tpu.memory_space<semaphore_mem>>)
      %add3A_138 = arith.addi %mul3A_4, %add3A_108 : i32
      %dma_wait3A_139 = arith.constant 0 : i32
      %dma_wait3A_140 = arith.constant 0 : i32
      %dma_wait3A_141 = tpu.memref_slice %arg4[%add3A_138, %dma_wait3A_139, %dma_wait3A_140] : memref<4032x2x80xi32, #tpu.memory_space<hbm>> -> memref<1x2x80xi32, #tpu.memory_space<hbm>>
      %dma_wait3A_142 = tpu.memref_squeeze %dma_wait3A_141 : memref<1x2x80xi32, #tpu.memory_space<hbm>> -> memref<2x80xi32, #tpu.memory_space<hbm>>
      %dma_wait3A_143 = arith.constant 0 : i32
      %dma_wait3A_144 = arith.constant 0 : i32
      %dma_wait3A_145 = tpu.memref_slice %arg4[%add3A_138, %dma_wait3A_143, %dma_wait3A_144] : memref<4032x2x80xi32, #tpu.memory_space<hbm>> -> memref<1x2x80xi32, #tpu.memory_space<hbm>>
      %dma_wait3A_146 = tpu.memref_squeeze %dma_wait3A_145 : memref<1x2x80xi32, #tpu.memory_space<hbm>> -> memref<2x80xi32, #tpu.memory_space<hbm>>
      tpu.wait_dma2 semaphore(%arg20 : memref<!tpu.dma_semaphore, #tpu.memory_space<semaphore_mem>>) src(%dma_wait3A_146 : memref<2x80xi32, #tpu.memory_space<hbm>>) dst(%arg9 : memref<2x80xi32, #tpu.memory_space<vmem>>)
      %mul3A_147 = arith.constant 80 : i32
      %mul3A_148 = arith.muli %add3A_138, %mul3A_147 : i32
      %dma_wait3A_149 = arith.constant 0 : i32
      %dma_wait3A_150 = tpu.memref_slice %arg2[%mul3A_148, %dma_wait3A_149] : memref<322560x64xf32, #tpu.memory_space<hbm>> -> memref<80x64xf32, #tpu.memory_space<hbm>>
      %dma_wait3A_151 = arith.constant 0 : i32
      %dma_wait3A_152 = tpu.memref_slice %arg2[%mul3A_148, %dma_wait3A_151] : memref<322560x64xf32, #tpu.memory_space<hbm>> -> memref<80x64xf32, #tpu.memory_space<hbm>>
      tpu.wait_dma2 semaphore(%arg21 : memref<!tpu.dma_semaphore, #tpu.memory_space<semaphore_mem>>) src(%dma_wait3A_152 : memref<80x64xf32, #tpu.memory_space<hbm>>) dst(%arg11 : memref<80x64xf32, #tpu.memory_space<vmem>>)
      %dma_start3A_153 = arith.constant 0 : i32
      %dma_start3A_154 = arith.constant 0 : i32
      %dma_start3A_155 = tpu.memref_slice %arg9[%dma_start3A_153, %dma_start3A_154] : memref<2x80xi32, #tpu.memory_space<vmem>> -> memref<1x80xi32, #tpu.memory_space<vmem>>
      %dma_start3A_156 = tpu.memref_squeeze %dma_start3A_155 : memref<1x80xi32, #tpu.memory_space<vmem>> -> memref<80xi32, #tpu.memory_space<vmem>>
      %dma_start3A_157 = arith.constant 0 : i32
      %dma_start3A_158 = arith.constant 0 : i32
      %dma_start3A_159 = tpu.memref_slice %arg3[%dma_start3A_157, %dma_start3A_158] : memref<10240x64xf32, #tpu.memory_space<hbm>> -> memref<10240x64xf32, #tpu.memory_space<hbm>>
      tpu.enqueue_indirect_dma source(%dma_start3A_159 : memref<10240x64xf32, #tpu.memory_space<hbm>>) target(%arg14 : memref<80x64xf32, #tpu.memory_space<vmem>>) offsets(%dma_start3A_156 : memref<80xi32, #tpu.memory_space<vmem>>) semaphore(%arg24 : memref<!tpu.dma_semaphore, #tpu.memory_space<semaphore_mem>>)
      %dma_start3A_160 = arith.constant 1 : i32
      %dma_start3A_161 = arith.constant 0 : i32
      %dma_start3A_162 = tpu.memref_slice %arg9[%dma_start3A_160, %dma_start3A_161] : memref<2x80xi32, #tpu.memory_space<vmem>> -> memref<1x80xi32, #tpu.memory_space<vmem>>
      %dma_start3A_163 = tpu.memref_squeeze %dma_start3A_162 : memref<1x80xi32, #tpu.memory_space<vmem>> -> memref<80xi32, #tpu.memory_space<vmem>>
      %dma_start3A_164 = arith.constant 0 : i32
      %dma_start3A_165 = arith.constant 0 : i32
      %dma_start3A_166 = tpu.memref_slice %arg3[%dma_start3A_164, %dma_start3A_165] : memref<10240x64xf32, #tpu.memory_space<hbm>> -> memref<10240x64xf32, #tpu.memory_space<hbm>>
      tpu.enqueue_indirect_dma source(%dma_start3A_166 : memref<10240x64xf32, #tpu.memory_space<hbm>>) target(%arg15 : memref<80x64xf32, #tpu.memory_space<vmem>>) offsets(%dma_start3A_163 : memref<80xi32, #tpu.memory_space<vmem>>) semaphore(%arg25 : memref<!tpu.dma_semaphore, #tpu.memory_space<semaphore_mem>>)
      %dma_wait3A_167 = arith.constant 0 : i32
      %dma_wait3A_168 = arith.constant 0 : i32
      %dma_wait3A_169 = tpu.memref_slice %arg8[%dma_wait3A_167, %dma_wait3A_168] : memref<2x80xi32, #tpu.memory_space<vmem>> -> memref<1x80xi32, #tpu.memory_space<vmem>>
      %dma_wait3A_170 = tpu.memref_squeeze %dma_wait3A_169 : memref<1x80xi32, #tpu.memory_space<vmem>> -> memref<80xi32, #tpu.memory_space<vmem>>
      %dma_wait3A_171 = arith.constant 0 : i32
      %dma_wait3A_172 = arith.constant 0 : i32
      %dma_wait3A_173 = tpu.memref_slice %arg3[%dma_wait3A_171, %dma_wait3A_172] : memref<10240x64xf32, #tpu.memory_space<hbm>> -> memref<10240x64xf32, #tpu.memory_space<hbm>>
      tpu.wait_indirect_dma semaphore(%arg22 : memref<!tpu.dma_semaphore, #tpu.memory_space<semaphore_mem>>) src(%dma_wait3A_173 : memref<10240x64xf32, #tpu.memory_space<hbm>>) dst(%arg12 : memref<80x64xf32, #tpu.memory_space<vmem>>)
      %scan3A_174 = arith.constant 0 : i32
      %scan3A_175 = arith.constant 80 : i32
      %scan3A_176 = arith.addi %scan3A_174, %scan3A_175 : i32
      %scan3A_177 = arith.constant 8 : i32
      scf.for %scan3A_334 = %scan3A_174 to %scan3A_176 step %scan3A_177  : i32 {
        %mul3A_335 = arith.constant 1 : i32
        %mul3A_336 = arith.muli %scan3A_334, %mul3A_335 : i32
        %add3A_337 = arith.constant 0 : i32
        %add3A_338 = arith.addi %add3A_337, %mul3A_336 : i32
        %get3A_339 = arith.index_cast %add3A_338 : i32 to index
        %get3A_340 = arith.constant 0 : index
        %get3A_341 = tpu.vector_load %arg12[%get3A_339, %get3A_340] {strides = array<i32>} : memref<80x64xf32, #tpu.memory_space<vmem>>, vector<16xf32>,
        %get3A_342 = arith.index_cast %add3A_338 : i32 to index
        %get3A_343 = arith.constant 0 : index
        %get3A_344 = tpu.vector_load %arg10[%get3A_342, %get3A_343] {strides = array<i32>} : memref<80x64xf32, #tpu.memory_space<vmem>>, vector<16xf32>,
        %add3A_345 = arith.addf %get3A_341, %get3A_344 : vector<16xf32>
        %max3A = arith.constant 0.000000e+00 : f32
        %max3A_346 = vector.broadcast %max3A : f32 to vector<16xf32>
        %max3A_347 = arith.maximumf %add3A_345, %max3A_346 : vector<16xf32>
        %swap3A = arith.index_cast %add3A_338 : i32 to index
        %swap3A_348 = arith.constant 0 : index
        %swap3A_349 = tpu.vector_load %arg12[%swap3A, %swap3A_348] {strides = array<i32>} : memref<80x64xf32, #tpu.memory_space<vmem>>, vector<16xf32>,
        tpu.vector_store %arg12[%swap3A, %swap3A_348], %max3A_347 {strides = array<i32>} : memref<80x64xf32, #tpu.memory_space<vmem>>, vector<16xf32>,
        %get3A_350 = arith.index_cast %add3A_338 : i32 to index
        %get3A_351 = arith.constant 16 : index
        %get3A_352 = tpu.vector_load %arg12[%get3A_350, %get3A_351] {strides = array<i32>} : memref<80x64xf32, #tpu.memory_space<vmem>>, vector<16xf32>,
        %get3A_353 = arith.index_cast %add3A_338 : i32 to index
        %get3A_354 = arith.constant 16 : index
        %get3A_355 = tpu.vector_load %arg10[%get3A_353, %get3A_354] {strides = array<i32>} : memref<80x64xf32, #tpu.memory_space<vmem>>, vector<16xf32>,
        %add3A_356 = arith.addf %get3A_352, %get3A_355 : vector<16xf32>
        %max3A_357 = arith.constant 0.000000e+00 : f32
        %max3A_358 = vector.broadcast %max3A_357 : f32 to vector<16xf32>
        %max3A_359 = arith.maximumf %add3A_356, %max3A_358 : vector<16xf32>
        %swap3A_360 = arith.index_cast %add3A_338 : i32 to index
        %swap3A_361 = arith.constant 16 : index
        %swap3A_362 = tpu.vector_load %arg12[%swap3A_360, %swap3A_361] {strides = array<i32>} : memref<80x64xf32, #tpu.memory_space<vmem>>, vector<16xf32>,
        tpu.vector_store %arg12[%swap3A_360, %swap3A_361], %max3A_359 {strides = array<i32>} : memref<80x64xf32, #tpu.memory_space<vmem>>, vector<16xf32>,
        %get3A_363 = arith.index_cast %add3A_338 : i32 to index
        %get3A_364 = arith.constant 32 : index
        %get3A_365 = tpu.vector_load %arg12[%get3A_363, %get3A_364] {strides = array<i32>} : memref<80x64xf32, #tpu.memory_space<vmem>>, vector<16xf32>,
        %get3A_366 = arith.index_cast %add3A_338 : i32 to index
        %get3A_367 = arith.constant 32 : index
        %get3A_368 = tpu.vector_load %arg10[%get3A_366, %get3A_367] {strides = array<i32>} : memref<80x64xf32, #tpu.memory_space<vmem>>, vector<16xf32>,
        %add3A_369 = arith.addf %get3A_365, %get3A_368 : vector<16xf32>
        %max3A_370 = arith.constant 0.000000e+00 : f32
        %max3A_371 = vector.broadcast %max3A_370 : f32 to vector<16xf32>
        %max3A_372 = arith.maximumf %add3A_369, %max3A_371 : vector<16xf32>
        %swap3A_373 = arith.index_cast %add3A_338 : i32 to index
        %swap3A_374 = arith.constant 32 : index
        %swap3A_375 = tpu.vector_load %arg12[%swap3A_373, %swap3A_374] {strides = array<i32>} : memref<80x64xf32, #tpu.memory_space<vmem>>, vector<16xf32>,
        tpu.vector_store %arg12[%swap3A_373, %swap3A_374], %max3A_372 {strides = array<i32>} : memref<80x64xf32, #tpu.memory_space<vmem>>, vector<16xf32>,
        %get3A_376 = arith.index_cast %add3A_338 : i32 to index
        %get3A_377 = arith.constant 48 : index
        %get3A_378 = tpu.vector_load %arg12[%get3A_376, %get3A_377] {strides = array<i32>} : memref<80x64xf32, #tpu.memory_space<vmem>>, vector<16xf32>,
        %get3A_379 = arith.index_cast %add3A_338 : i32 to index
        %get3A_380 = arith.constant 48 : index
        %get3A_381 = tpu.vector_load %arg10[%get3A_379, %get3A_380] {strides = array<i32>} : memref<80x64xf32, #tpu.memory_space<vmem>>, vector<16xf32>,
        %add3A_382 = arith.addf %get3A_378, %get3A_381 : vector<16xf32>
        %max3A_383 = arith.constant 0.000000e+00 : f32
        %max3A_384 = vector.broadcast %max3A_383 : f32 to vector<16xf32>
        %max3A_385 = arith.maximumf %add3A_382, %max3A_384 : vector<16xf32>
        %swap3A_386 = arith.index_cast %add3A_338 : i32 to index
        %swap3A_387 = arith.constant 48 : index
        %swap3A_388 = tpu.vector_load %arg12[%swap3A_386, %swap3A_387] {strides = array<i32>} : memref<80x64xf32, #tpu.memory_space<vmem>>, vector<16xf32>,
        tpu.vector_store %arg12[%swap3A_386, %swap3A_387], %max3A_385 {strides = array<i32>} : memref<80x64xf32, #tpu.memory_space<vmem>>, vector<16xf32>,
        %scan3A_389 = arith.constant 1 : i32
        %scan3A_390 = arith.addi %scan3A_334, %scan3A_389 : i32
        %mul3A_391 = arith.constant 1 : i32
        %mul3A_392 = arith.muli %scan3A_390, %mul3A_391 : i32
        %add3A_393 = arith.constant 0 : i32
        %add3A_394 = arith.addi %add3A_393, %mul3A_392 : i32
        %get3A_395 = arith.index_cast %add3A_394 : i32 to index
        %get3A_396 = arith.constant 0 : index
        %get3A_397 = tpu.vector_load %arg12[%get3A_395, %get3A_396] {strides = array<i32>} : memref<80x64xf32, #tpu.memory_space<vmem>>, vector<16xf32>,
        %get3A_398 = arith.index_cast %add3A_394 : i32 to index
        %get3A_399 = arith.constant 0 : index
        %get3A_400 = tpu.vector_load %arg10[%get3A_398, %get3A_399] {strides = array<i32>} : memref<80x64xf32, #tpu.memory_space<vmem>>, vector<16xf32>,
        %add3A_401 = arith.addf %get3A_397, %get3A_400 : vector<16xf32>
        %max3A_402 = arith.constant 0.000000e+00 : f32
        %max3A_403 = vector.broadcast %max3A_402 : f32 to vector<16xf32>
        %max3A_404 = arith.maximumf %add3A_401, %max3A_403 : vector<16xf32>
        %swap3A_405 = arith.index_cast %add3A_394 : i32 to index
        %swap3A_406 = arith.constant 0 : index
        %swap3A_407 = tpu.vector_load %arg12[%swap3A_405, %swap3A_406] {strides = array<i32>} : memref<80x64xf32, #tpu.memory_space<vmem>>, vector<16xf32>,
        tpu.vector_store %arg12[%swap3A_405, %swap3A_406], %max3A_404 {strides = array<i32>} : memref<80x64xf32, #tpu.memory_space<vmem>>, vector<16xf32>,
        %get3A_408 = arith.index_cast %add3A_394 : i32 to index
        %get3A_409 = arith.constant 16 : index
        %get3A_410 = tpu.vector_load %arg12[%get3A_408, %get3A_409] {strides = array<i32>} : memref<80x64xf32, #tpu.memory_space<vmem>>, vector<16xf32>,
        %get3A_411 = arith.index_cast %add3A_394 : i32 to index
        %get3A_412 = arith.constant 16 : index
        %get3A_413 = tpu.vector_load %arg10[%get3A_411, %get3A_412] {strides = array<i32>} : memref<80x64xf32, #tpu.memory_space<vmem>>, vector<16xf32>,
        %add3A_414 = arith.addf %get3A_410, %get3A_413 : vector<16xf32>
        %max3A_415 = arith.constant 0.000000e+00 : f32
        %max3A_416 = vector.broadcast %max3A_415 : f32 to vector<16xf32>
        %max3A_417 = arith.maximumf %add3A_414, %max3A_416 : vector<16xf32>
        %swap3A_418 = arith.index_cast %add3A_394 : i32 to index
        %swap3A_419 = arith.constant 16 : index
        %swap3A_420 = tpu.vector_load %arg12[%swap3A_418, %swap3A_419] {strides = array<i32>} : memref<80x64xf32, #tpu.memory_space<vmem>>, vector<16xf32>,
        tpu.vector_store %arg12[%swap3A_418, %swap3A_419], %max3A_417 {strides = array<i32>} : memref<80x64xf32, #tpu.memory_space<vmem>>, vector<16xf32>,
        %get3A_421 = arith.index_cast %add3A_394 : i32 to index
        %get3A_422 = arith.constant 32 : index
        %get3A_423 = tpu.vector_load %arg12[%get3A_421, %get3A_422] {strides = array<i32>} : memref<80x64xf32, #tpu.memory_space<vmem>>, vector<16xf32>,
        %get3A_424 = arith.index_cast %add3A_394 : i32 to index
        %get3A_425 = arith.constant 32 : index
        %get3A_426 = tpu.vector_load %arg10[%get3A_424, %get3A_425] {strides = array<i32>} : memref<80x64xf32, #tpu.memory_space<vmem>>, vector<16xf32>,
        %add3A_427 = arith.addf %get3A_423, %get3A_426 : vector<16xf32>
        %max3A_428 = arith.constant 0.000000e+00 : f32
        %max3A_429 = vector.broadcast %max3A_428 : f32 to vector<16xf32>
        %max3A_430 = arith.maximumf %add3A_427, %max3A_429 : vector<16xf32>
        %swap3A_431 = arith.index_cast %add3A_394 : i32 to index
        %swap3A_432 = arith.constant 32 : index
        %swap3A_433 = tpu.vector_load %arg12[%swap3A_431, %swap3A_432] {strides = array<i32>} : memref<80x64xf32, #tpu.memory_space<vmem>>, vector<16xf32>,
        tpu.vector_store %arg12[%swap3A_431, %swap3A_432], %max3A_430 {strides = array<i32>} : memref<80x64xf32, #tpu.memory_space<vmem>>, vector<16xf32>,
        %get3A_434 = arith.index_cast %add3A_394 : i32 to index
        %get3A_435 = arith.constant 48 : index
        %get3A_436 = tpu.vector_load %arg12[%get3A_434, %get3A_435] {strides = array<i32>} : memref<80x64xf32, #tpu.memory_space<vmem>>, vector<16xf32>,
        %get3A_437 = arith.index_cast %add3A_394 : i32 to index
        %get3A_438 = arith.constant 48 : index
        %get3A_439 = tpu.vector_load %arg10[%get3A_437, %get3A_438] {strides = array<i32>} : memref<80x64xf32, #tpu.memory_space<vmem>>, vector<16xf32>,
        %add3A_440 = arith.addf %get3A_436, %get3A_439 : vector<16xf32>
        %max3A_441 = arith.constant 0.000000e+00 : f32
        %max3A_442 = vector.broadcast %max3A_441 : f32 to vector<16xf32>
        %max3A_443 = arith.maximumf %add3A_440, %max3A_442 : vector<16xf32>
        %swap3A_444 = arith.index_cast %add3A_394 : i32 to index
        %swap3A_445 = arith.constant 48 : index
        %swap3A_446 = tpu.vector_load %arg12[%swap3A_444, %swap3A_445] {strides = array<i32>} : memref<80x64xf32, #tpu.memory_space<vmem>>, vector<16xf32>,
        tpu.vector_store %arg12[%swap3A_444, %swap3A_445], %max3A_443 {strides = array<i32>} : memref<80x64xf32, #tpu.memory_space<vmem>>, vector<16xf32>,
        %scan3A_447 = arith.constant 2 : i32
        %scan3A_448 = arith.addi %scan3A_334, %scan3A_447 : i32
        %mul3A_449 = arith.constant 1 : i32
        %mul3A_450 = arith.muli %scan3A_448, %mul3A_449 : i32
        %add3A_451 = arith.constant 0 : i32
        %add3A_452 = arith.addi %add3A_451, %mul3A_450 : i32
        %get3A_453 = arith.index_cast %add3A_452 : i32 to index
        %get3A_454 = arith.constant 0 : index
        %get3A_455 = tpu.vector_load %arg12[%get3A_453, %get3A_454] {strides = array<i32>} : memref<80x64xf32, #tpu.memory_space<vmem>>, vector<16xf32>,
        %get3A_456 = arith.index_cast %add3A_452 : i32 to index
        %get3A_457 = arith.constant 0 : index
        %get3A_458 = tpu.vector_load %arg10[%get3A_456, %get3A_457] {strides = array<i32>} : memref<80x64xf32, #tpu.memory_space<vmem>>, vector<16xf32>,
        %add3A_459 = arith.addf %get3A_455, %get3A_458 : vector<16xf32>
        %max3A_460 = arith.constant 0.000000e+00 : f32
        %max3A_461 = vector.broadcast %max3A_460 : f32 to vector<16xf32>
        %max3A_462 = arith.maximumf %add3A_459, %max3A_461 : vector<16xf32>
        %swap3A_463 = arith.index_cast %add3A_452 : i32 to index
        %swap3A_464 = arith.constant 0 : index
        %swap3A_465 = tpu.vector_load %arg12[%swap3A_463, %swap3A_464] {strides = array<i32>} : memref<80x64xf32, #tpu.memory_space<vmem>>, vector<16xf32>,
        tpu.vector_store %arg12[%swap3A_463, %swap3A_464], %max3A_462 {strides = array<i32>} : memref<80x64xf32, #tpu.memory_space<vmem>>, vector<16xf32>,
        %get3A_466 = arith.index_cast %add3A_452 : i32 to index
        %get3A_467 = arith.constant 16 : index
        %get3A_468 = tpu.vector_load %arg12[%get3A_466, %get3A_467] {strides = array<i32>} : memref<80x64xf32, #tpu.memory_space<vmem>>, vector<16xf32>,
        %get3A_469 = arith.index_cast %add3A_452 : i32 to index
        %get3A_470 = arith.constant 16 : index
        %get3A_471 = tpu.vector_load %arg10[%get3A_469, %get3A_470] {strides = array<i32>} : memref<80x64xf32, #tpu.memory_space<vmem>>, vector<16xf32>,
        %add3A_472 = arith.addf %get3A_468, %get3A_471 : vector<16xf32>
        %max3A_473 = arith.constant 0.000000e+00 : f32
        %max3A_474 = vector.broadcast %max3A_473 : f32 to vector<16xf32>
        %max3A_475 = arith.maximumf %add3A_472, %max3A_474 : vector<16xf32>
        %swap3A_476 = arith.index_cast %add3A_452 : i32 to index
        %swap3A_477 = arith.constant 16 : index
        %swap3A_478 = tpu.vector_load %arg12[%swap3A_476, %swap3A_477] {strides = array<i32>} : memref<80x64xf32, #tpu.memory_space<vmem>>, vector<16xf32>,
        tpu.vector_store %arg12[%swap3A_476, %swap3A_477], %max3A_475 {strides = array<i32>} : memref<80x64xf32, #tpu.memory_space<vmem>>, vector<16xf32>,
        %get3A_479 = arith.index_cast %add3A_452 : i32 to index
        %get3A_480 = arith.constant 32 : index
        %get3A_481 = tpu.vector_load %arg12[%get3A_479, %get3A_480] {strides = array<i32>} : memref<80x64xf32, #tpu.memory_space<vmem>>, vector<16xf32>,
        %get3A_482 = arith.index_cast %add3A_452 : i32 to index
        %get3A_483 = arith.constant 32 : index
        %get3A_484 = tpu.vector_load %arg10[%get3A_482, %get3A_483] {strides = array<i32>} : memref<80x64xf32, #tpu.memory_space<vmem>>, vector<16xf32>,
        %add3A_485 = arith.addf %get3A_481, %get3A_484 : vector<16xf32>
        %max3A_486 = arith.constant 0.000000e+00 : f32
        %max3A_487 = vector.broadcast %max3A_486 : f32 to vector<16xf32>
        %max3A_488 = arith.maximumf %add3A_485, %max3A_487 : vector<16xf32>
        %swap3A_489 = arith.index_cast %add3A_452 : i32 to index
        %swap3A_490 = arith.constant 32 : index
        %swap3A_491 = tpu.vector_load %arg12[%swap3A_489, %swap3A_490] {strides = array<i32>} : memref<80x64xf32, #tpu.memory_space<vmem>>, vector<16xf32>,
        tpu.vector_store %arg12[%swap3A_489, %swap3A_490], %max3A_488 {strides = array<i32>} : memref<80x64xf32, #tpu.memory_space<vmem>>, vector<16xf32>,
        %get3A_492 = arith.index_cast %add3A_452 : i32 to index
        %get3A_493 = arith.constant 48 : index
        %get3A_494 = tpu.vector_load %arg12[%get3A_492, %get3A_493] {strides = array<i32>} : memref<80x64xf32, #tpu.memory_space<vmem>>, vector<16xf32>,
        %get3A_495 = arith.index_cast %add3A_452 : i32 to index
        %get3A_496 = arith.constant 48 : index
        %get3A_497 = tpu.vector_load %arg10[%get3A_495, %get3A_496] {strides = array<i32>} : memref<80x64xf32, #tpu.memory_space<vmem>>, vector<16xf32>,
        %add3A_498 = arith.addf %get3A_494, %get3A_497 : vector<16xf32>
        %max3A_499 = arith.constant 0.000000e+00 : f32
        %max3A_500 = vector.broadcast %max3A_499 : f32 to vector<16xf32>
        %max3A_501 = arith.maximumf %add3A_498, %max3A_500 : vector<16xf32>
        %swap3A_502 = arith.index_cast %add3A_452 : i32 to index
        %swap3A_503 = arith.constant 48 : index
        %swap3A_504 = tpu.vector_load %arg12[%swap3A_502, %swap3A_503] {strides = array<i32>} : memref<80x64xf32, #tpu.memory_space<vmem>>, vector<16xf32>,
        tpu.vector_store %arg12[%swap3A_502, %swap3A_503], %max3A_501 {strides = array<i32>} : memref<80x64xf32, #tpu.memory_space<vmem>>, vector<16xf32>,
        %scan3A_505 = arith.constant 3 : i32
        %scan3A_506 = arith.addi %scan3A_334, %scan3A_505 : i32
        %mul3A_507 = arith.constant 1 : i32
        %mul3A_508 = arith.muli %scan3A_506, %mul3A_507 : i32
        %add3A_509 = arith.constant 0 : i32
        %add3A_510 = arith.addi %add3A_509, %mul3A_508 : i32
        %get3A_511 = arith.index_cast %add3A_510 : i32 to index
        %get3A_512 = arith.constant 0 : index
        %get3A_513 = tpu.vector_load %arg12[%get3A_511, %get3A_512] {strides = array<i32>} : memref<80x64xf32, #tpu.memory_space<vmem>>, vector<16xf32>,
        %get3A_514 = arith.index_cast %add3A_510 : i32 to index
        %get3A_515 = arith.constant 0 : index
        %get3A_516 = tpu.vector_load %arg10[%get3A_514, %get3A_515] {strides = array<i32>} : memref<80x64xf32, #tpu.memory_space<vmem>>, vector<16xf32>,
        %add3A_517 = arith.addf %get3A_513, %get3A_516 : vector<16xf32>
        %max3A_518 = arith.constant 0.000000e+00 : f32
        %max3A_519 = vector.broadcast %max3A_518 : f32 to vector<16xf32>
        %max3A_520 = arith.maximumf %add3A_517, %max3A_519 : vector<16xf32>
        %swap3A_521 = arith.index_cast %add3A_510 : i32 to index
        %swap3A_522 = arith.constant 0 : index
        %swap3A_523 = tpu.vector_load %arg12[%swap3A_521, %swap3A_522] {strides = array<i32>} : memref<80x64xf32, #tpu.memory_space<vmem>>, vector<16xf32>,
        tpu.vector_store %arg12[%swap3A_521, %swap3A_522], %max3A_520 {strides = array<i32>} : memref<80x64xf32, #tpu.memory_space<vmem>>, vector<16xf32>,
        %get3A_524 = arith.index_cast %add3A_510 : i32 to index
        %get3A_525 = arith.constant 16 : index
        %get3A_526 = tpu.vector_load %arg12[%get3A_524, %get3A_525] {strides = array<i32>} : memref<80x64xf32, #tpu.memory_space<vmem>>, vector<16xf32>,
        %get3A_527 = arith.index_cast %add3A_510 : i32 to index
        %get3A_528 = arith.constant 16 : index
        %get3A_529 = tpu.vector_load %arg10[%get3A_527, %get3A_528] {strides = array<i32>} : memref<80x64xf32, #tpu.memory_space<vmem>>, vector<16xf32>,
        %add3A_530 = arith.addf %get3A_526, %get3A_529 : vector<16xf32>
        %max3A_531 = arith.constant 0.000000e+00 : f32
        %max3A_532 = vector.broadcast %max3A_531 : f32 to vector<16xf32>
        %max3A_533 = arith.maximumf %add3A_530, %max3A_532 : vector<16xf32>
        %swap3A_534 = arith.index_cast %add3A_510 : i32 to index
        %swap3A_535 = arith.constant 16 : index
        %swap3A_536 = tpu.vector_load %arg12[%swap3A_534, %swap3A_535] {strides = array<i32>} : memref<80x64xf32, #tpu.memory_space<vmem>>, vector<16xf32>,
        tpu.vector_store %arg12[%swap3A_534, %swap3A_535], %max3A_533 {strides = array<i32>} : memref<80x64xf32, #tpu.memory_space<vmem>>, vector<16xf32>,
        %get3A_537 = arith.index_cast %add3A_510 : i32 to index
        %get3A_538 = arith.constant 32 : index
        %get3A_539 = tpu.vector_load %arg12[%get3A_537, %get3A_538] {strides = array<i32>} : memref<80x64xf32, #tpu.memory_space<vmem>>, vector<16xf32>,
        %get3A_540 = arith.index_cast %add3A_510 : i32 to index
        %get3A_541 = arith.constant 32 : index
        %get3A_542 = tpu.vector_load %arg10[%get3A_540, %get3A_541] {strides = array<i32>} : memref<80x64xf32, #tpu.memory_space<vmem>>, vector<16xf32>,
        %add3A_543 = arith.addf %get3A_539, %get3A_542 : vector<16xf32>
        %max3A_544 = arith.constant 0.000000e+00 : f32
        %max3A_545 = vector.broadcast %max3A_544 : f32 to vector<16xf32>
        %max3A_546 = arith.maximumf %add3A_543, %max3A_545 : vector<16xf32>
        %swap3A_547 = arith.index_cast %add3A_510 : i32 to index
        %swap3A_548 = arith.constant 32 : index
        %swap3A_549 = tpu.vector_load %arg12[%swap3A_547, %swap3A_548] {strides = array<i32>} : memref<80x64xf32, #tpu.memory_space<vmem>>, vector<16xf32>,
        tpu.vector_store %arg12[%swap3A_547, %swap3A_548], %max3A_546 {strides = array<i32>} : memref<80x64xf32, #tpu.memory_space<vmem>>, vector<16xf32>,
        %get3A_550 = arith.index_cast %add3A_510 : i32 to index
        %get3A_551 = arith.constant 48 : index
        %get3A_552 = tpu.vector_load %arg12[%get3A_550, %get3A_551] {strides = array<i32>} : memref<80x64xf32, #tpu.memory_space<vmem>>, vector<16xf32>,
        %get3A_553 = arith.index_cast %add3A_510 : i32 to index
        %get3A_554 = arith.constant 48 : index
        %get3A_555 = tpu.vector_load %arg10[%get3A_553, %get3A_554] {strides = array<i32>} : memref<80x64xf32, #tpu.memory_space<vmem>>, vector<16xf32>,
        %add3A_556 = arith.addf %get3A_552, %get3A_555 : vector<16xf32>
        %max3A_557 = arith.constant 0.000000e+00 : f32
        %max3A_558 = vector.broadcast %max3A_557 : f32 to vector<16xf32>
        %max3A_559 = arith.maximumf %add3A_556, %max3A_558 : vector<16xf32>
        %swap3A_560 = arith.index_cast %add3A_510 : i32 to index
        %swap3A_561 = arith.constant 48 : index
        %swap3A_562 = tpu.vector_load %arg12[%swap3A_560, %swap3A_561] {strides = array<i32>} : memref<80x64xf32, #tpu.memory_space<vmem>>, vector<16xf32>,
        tpu.vector_store %arg12[%swap3A_560, %swap3A_561], %max3A_559 {strides = array<i32>} : memref<80x64xf32, #tpu.memory_space<vmem>>, vector<16xf32>,
        %scan3A_563 = arith.constant 4 : i32
        %scan3A_564 = arith.addi %scan3A_334, %scan3A_563 : i32
        %mul3A_565 = arith.constant 1 : i32
        %mul3A_566 = arith.muli %scan3A_564, %mul3A_565 : i32
        %add3A_567 = arith.constant 0 : i32
        %add3A_568 = arith.addi %add3A_567, %mul3A_566 : i32
        %get3A_569 = arith.index_cast %add3A_568 : i32 to index
        %get3A_570 = arith.constant 0 : index
        %get3A_571 = tpu.vector_load %arg12[%get3A_569, %get3A_570] {strides = array<i32>} : memref<80x64xf32, #tpu.memory_space<vmem>>, vector<16xf32>,
        %get3A_572 = arith.index_cast %add3A_568 : i32 to index
        %get3A_573 = arith.constant 0 : index
        %get3A_574 = tpu.vector_load %arg10[%get3A_572, %get3A_573] {strides = array<i32>} : memref<80x64xf32, #tpu.memory_space<vmem>>, vector<16xf32>,
        %add3A_575 = arith.addf %get3A_571, %get3A_574 : vector<16xf32>
        %max3A_576 = arith.constant 0.000000e+00 : f32
        %max3A_577 = vector.broadcast %max3A_576 : f32 to vector<16xf32>
        %max3A_578 = arith.maximumf %add3A_575, %max3A_577 : vector<16xf32>
        %swap3A_579 = arith.index_cast %add3A_568 : i32 to index
        %swap3A_580 = arith.constant 0 : index
        %swap3A_581 = tpu.vector_load %arg12[%swap3A_579, %swap3A_580] {strides = array<i32>} : memref<80x64xf32, #tpu.memory_space<vmem>>, vector<16xf32>,
        tpu.vector_store %arg12[%swap3A_579, %swap3A_580], %max3A_578 {strides = array<i32>} : memref<80x64xf32, #tpu.memory_space<vmem>>, vector<16xf32>,
        %get3A_582 = arith.index_cast %add3A_568 : i32 to index
        %get3A_583 = arith.constant 16 : index
        %get3A_584 = tpu.vector_load %arg12[%get3A_582, %get3A_583] {strides = array<i32>} : memref<80x64xf32, #tpu.memory_space<vmem>>, vector<16xf32>,
        %get3A_585 = arith.index_cast %add3A_568 : i32 to index
        %get3A_586 = arith.constant 16 : index
        %get3A_587 = tpu.vector_load %arg10[%get3A_585, %get3A_586] {strides = array<i32>} : memref<80x64xf32, #tpu.memory_space<vmem>>, vector<16xf32>,
        %add3A_588 = arith.addf %get3A_584, %get3A_587 : vector<16xf32>
        %max3A_589 = arith.constant 0.000000e+00 : f32
        %max3A_590 = vector.broadcast %max3A_589 : f32 to vector<16xf32>
        %max3A_591 = arith.maximumf %add3A_588, %max3A_590 : vector<16xf32>
        %swap3A_592 = arith.index_cast %add3A_568 : i32 to index
        %swap3A_593 = arith.constant 16 : index
        %swap3A_594 = tpu.vector_load %arg12[%swap3A_592, %swap3A_593] {strides = array<i32>} : memref<80x64xf32, #tpu.memory_space<vmem>>, vector<16xf32>,
        tpu.vector_store %arg12[%swap3A_592, %swap3A_593], %max3A_591 {strides = array<i32>} : memref<80x64xf32, #tpu.memory_space<vmem>>, vector<16xf32>,
        %get3A_595 = arith.index_cast %add3A_568 : i32 to index
        %get3A_596 = arith.constant 32 : index
        %get3A_597 = tpu.vector_load %arg12[%get3A_595, %get3A_596] {strides = array<i32>} : memref<80x64xf32, #tpu.memory_space<vmem>>, vector<16xf32>,
        %get3A_598 = arith.index_cast %add3A_568 : i32 to index
        %get3A_599 = arith.constant 32 : index
        %get3A_600 = tpu.vector_load %arg10[%get3A_598, %get3A_599] {strides = array<i32>} : memref<80x64xf32, #tpu.memory_space<vmem>>, vector<16xf32>,
        %add3A_601 = arith.addf %get3A_597, %get3A_600 : vector<16xf32>
        %max3A_602 = arith.constant 0.000000e+00 : f32
        %max3A_603 = vector.broadcast %max3A_602 : f32 to vector<16xf32>
        %max3A_604 = arith.maximumf %add3A_601, %max3A_603 : vector<16xf32>
        %swap3A_605 = arith.index_cast %add3A_568 : i32 to index
        %swap3A_606 = arith.constant 32 : index
        %swap3A_607 = tpu.vector_load %arg12[%swap3A_605, %swap3A_606] {strides = array<i32>} : memref<80x64xf32, #tpu.memory_space<vmem>>, vector<16xf32>,
        tpu.vector_store %arg12[%swap3A_605, %swap3A_606], %max3A_604 {strides = array<i32>} : memref<80x64xf32, #tpu.memory_space<vmem>>, vector<16xf32>,
        %get3A_608 = arith.index_cast %add3A_568 : i32 to index
        %get3A_609 = arith.constant 48 : index
        %get3A_610 = tpu.vector_load %arg12[%get3A_608, %get3A_609] {strides = array<i32>} : memref<80x64xf32, #tpu.memory_space<vmem>>, vector<16xf32>,
        %get3A_611 = arith.index_cast %add3A_568 : i32 to index
        %get3A_612 = arith.constant 48 : index
        %get3A_613 = tpu.vector_load %arg10[%get3A_611, %get3A_612] {strides = array<i32>} : memref<80x64xf32, #tpu.memory_space<vmem>>, vector<16xf32>,
        %add3A_614 = arith.addf %get3A_610, %get3A_613 : vector<16xf32>
        %max3A_615 = arith.constant 0.000000e+00 : f32
        %max3A_616 = vector.broadcast %max3A_615 : f32 to vector<16xf32>
        %max3A_617 = arith.maximumf %add3A_614, %max3A_616 : vector<16xf32>
        %swap3A_618 = arith.index_cast %add3A_568 : i32 to index
        %swap3A_619 = arith.constant 48 : index
        %swap3A_620 = tpu.vector_load %arg12[%swap3A_618, %swap3A_619] {strides = array<i32>} : memref<80x64xf32, #tpu.memory_space<vmem>>, vector<16xf32>,
        tpu.vector_store %arg12[%swap3A_618, %swap3A_619], %max3A_617 {strides = array<i32>} : memref<80x64xf32, #tpu.memory_space<vmem>>, vector<16xf32>,
        %scan3A_621 = arith.constant 5 : i32
        %scan3A_622 = arith.addi %scan3A_334, %scan3A_621 : i32
        %mul3A_623 = arith.constant 1 : i32
        %mul3A_624 = arith.muli %scan3A_622, %mul3A_623 : i32
        %add3A_625 = arith.constant 0 : i32
        %add3A_626 = arith.addi %add3A_625, %mul3A_624 : i32
        %get3A_627 = arith.index_cast %add3A_626 : i32 to index
        %get3A_628 = arith.constant 0 : index
        %get3A_629 = tpu.vector_load %arg12[%get3A_627, %get3A_628] {strides = array<i32>} : memref<80x64xf32, #tpu.memory_space<vmem>>, vector<16xf32>,
        %get3A_630 = arith.index_cast %add3A_626 : i32 to index
        %get3A_631 = arith.constant 0 : index
        %get3A_632 = tpu.vector_load %arg10[%get3A_630, %get3A_631] {strides = array<i32>} : memref<80x64xf32, #tpu.memory_space<vmem>>, vector<16xf32>,
        %add3A_633 = arith.addf %get3A_629, %get3A_632 : vector<16xf32>
        %max3A_634 = arith.constant 0.000000e+00 : f32
        %max3A_635 = vector.broadcast %max3A_634 : f32 to vector<16xf32>
        %max3A_636 = arith.maximumf %add3A_633, %max3A_635 : vector<16xf32>
        %swap3A_637 = arith.index_cast %add3A_626 : i32 to index
        %swap3A_638 = arith.constant 0 : index
        %swap3A_639 = tpu.vector_load %arg12[%swap3A_637, %swap3A_638] {strides = array<i32>} : memref<80x64xf32, #tpu.memory_space<vmem>>, vector<16xf32>,
        tpu.vector_store %arg12[%swap3A_637, %swap3A_638], %max3A_636 {strides = array<i32>} : memref<80x64xf32, #tpu.memory_space<vmem>>, vector<16xf32>,
        %get3A_640 = arith.index_cast %add3A_626 : i32 to index
        %get3A_641 = arith.constant 16 : index
        %get3A_642 = tpu.vector_load %arg12[%get3A_640, %get3A_641] {strides = array<i32>} : memref<80x64xf32, #tpu.memory_space<vmem>>, vector<16xf32>,
        %get3A_643 = arith.index_cast %add3A_626 : i32 to index
        %get3A_644 = arith.constant 16 : index
        %get3A_645 = tpu.vector_load %arg10[%get3A_643, %get3A_644] {strides = array<i32>} : memref<80x64xf32, #tpu.memory_space<vmem>>, vector<16xf32>,
        %add3A_646 = arith.addf %get3A_642, %get3A_645 : vector<16xf32>
        %max3A_647 = arith.constant 0.000000e+00 : f32
        %max3A_648 = vector.broadcast %max3A_647 : f32 to vector<16xf32>
        %max3A_649 = arith.maximumf %add3A_646, %max3A_648 : vector<16xf32>
        %swap3A_650 = arith.index_cast %add3A_626 : i32 to index
        %swap3A_651 = arith.constant 16 : index
        %swap3A_652 = tpu.vector_load %arg12[%swap3A_650, %swap3A_651] {strides = array<i32>} : memref<80x64xf32, #tpu.memory_space<vmem>>, vector<16xf32>,
        tpu.vector_store %arg12[%swap3A_650, %swap3A_651], %max3A_649 {strides = array<i32>} : memref<80x64xf32, #tpu.memory_space<vmem>>, vector<16xf32>,
        %get3A_653 = arith.index_cast %add3A_626 : i32 to index
        %get3A_654 = arith.constant 32 : index
        %get3A_655 = tpu.vector_load %arg12[%get3A_653, %get3A_654] {strides = array<i32>} : memref<80x64xf32, #tpu.memory_space<vmem>>, vector<16xf32>,
        %get3A_656 = arith.index_cast %add3A_626 : i32 to index
        %get3A_657 = arith.constant 32 : index
        %get3A_658 = tpu.vector_load %arg10[%get3A_656, %get3A_657] {strides = array<i32>} : memref<80x64xf32, #tpu.memory_space<vmem>>, vector<16xf32>,
        %add3A_659 = arith.addf %get3A_655, %get3A_658 : vector<16xf32>
        %max3A_660 = arith.constant 0.000000e+00 : f32
        %max3A_661 = vector.broadcast %max3A_660 : f32 to vector<16xf32>
        %max3A_662 = arith.maximumf %add3A_659, %max3A_661 : vector<16xf32>
        %swap3A_663 = arith.index_cast %add3A_626 : i32 to index
        %swap3A_664 = arith.constant 32 : index
        %swap3A_665 = tpu.vector_load %arg12[%swap3A_663, %swap3A_664] {strides = array<i32>} : memref<80x64xf32, #tpu.memory_space<vmem>>, vector<16xf32>,
        tpu.vector_store %arg12[%swap3A_663, %swap3A_664], %max3A_662 {strides = array<i32>} : memref<80x64xf32, #tpu.memory_space<vmem>>, vector<16xf32>,
        %get3A_666 = arith.index_cast %add3A_626 : i32 to index
        %get3A_667 = arith.constant 48 : index
        %get3A_668 = tpu.vector_load %arg12[%get3A_666, %get3A_667] {strides = array<i32>} : memref<80x64xf32, #tpu.memory_space<vmem>>, vector<16xf32>,
        %get3A_669 = arith.index_cast %add3A_626 : i32 to index
        %get3A_670 = arith.constant 48 : index
        %get3A_671 = tpu.vector_load %arg10[%get3A_669, %get3A_670] {strides = array<i32>} : memref<80x64xf32, #tpu.memory_space<vmem>>, vector<16xf32>,
        %add3A_672 = arith.addf %get3A_668, %get3A_671 : vector<16xf32>
        %max3A_673 = arith.constant 0.000000e+00 : f32
        %max3A_674 = vector.broadcast %max3A_673 : f32 to vector<16xf32>
        %max3A_675 = arith.maximumf %add3A_672, %max3A_674 : vector<16xf32>
        %swap3A_676 = arith.index_cast %add3A_626 : i32 to index
        %swap3A_677 = arith.constant 48 : index
        %swap3A_678 = tpu.vector_load %arg12[%swap3A_676, %swap3A_677] {strides = array<i32>} : memref<80x64xf32, #tpu.memory_space<vmem>>, vector<16xf32>,
        tpu.vector_store %arg12[%swap3A_676, %swap3A_677], %max3A_675 {strides = array<i32>} : memref<80x64xf32, #tpu.memory_space<vmem>>, vector<16xf32>,
        %scan3A_679 = arith.constant 6 : i32
        %scan3A_680 = arith.addi %scan3A_334, %scan3A_679 : i32
        %mul3A_681 = arith.constant 1 : i32
        %mul3A_682 = arith.muli %scan3A_680, %mul3A_681 : i32
        %add3A_683 = arith.constant 0 : i32
        %add3A_684 = arith.addi %add3A_683, %mul3A_682 : i32
        %get3A_685 = arith.index_cast %add3A_684 : i32 to index
        %get3A_686 = arith.constant 0 : index
        %get3A_687 = tpu.vector_load %arg12[%get3A_685, %get3A_686] {strides = array<i32>} : memref<80x64xf32, #tpu.memory_space<vmem>>, vector<16xf32>,
        %get3A_688 = arith.index_cast %add3A_684 : i32 to index
        %get3A_689 = arith.constant 0 : index
        %get3A_690 = tpu.vector_load %arg10[%get3A_688, %get3A_689] {strides = array<i32>} : memref<80x64xf32, #tpu.memory_space<vmem>>, vector<16xf32>,
        %add3A_691 = arith.addf %get3A_687, %get3A_690 : vector<16xf32>
        %max3A_692 = arith.constant 0.000000e+00 : f32
        %max3A_693 = vector.broadcast %max3A_692 : f32 to vector<16xf32>
        %max3A_694 = arith.maximumf %add3A_691, %max3A_693 : vector<16xf32>
        %swap3A_695 = arith.index_cast %add3A_684 : i32 to index
        %swap3A_696 = arith.constant 0 : index
        %swap3A_697 = tpu.vector_load %arg12[%swap3A_695, %swap3A_696] {strides = array<i32>} : memref<80x64xf32, #tpu.memory_space<vmem>>, vector<16xf32>,
        tpu.vector_store %arg12[%swap3A_695, %swap3A_696], %max3A_694 {strides = array<i32>} : memref<80x64xf32, #tpu.memory_space<vmem>>, vector<16xf32>,
        %get3A_698 = arith.index_cast %add3A_684 : i32 to index
        %get3A_699 = arith.constant 16 : index
        %get3A_700 = tpu.vector_load %arg12[%get3A_698, %get3A_699] {strides = array<i32>} : memref<80x64xf32, #tpu.memory_space<vmem>>, vector<16xf32>,
        %get3A_701 = arith.index_cast %add3A_684 : i32 to index
        %get3A_702 = arith.constant 16 : index
        %get3A_703 = tpu.vector_load %arg10[%get3A_701, %get3A_702] {strides = array<i32>} : memref<80x64xf32, #tpu.memory_space<vmem>>, vector<16xf32>,
        %add3A_704 = arith.addf %get3A_700, %get3A_703 : vector<16xf32>
        %max3A_705 = arith.constant 0.000000e+00 : f32
        %max3A_706 = vector.broadcast %max3A_705 : f32 to vector<16xf32>
        %max3A_707 = arith.maximumf %add3A_704, %max3A_706 : vector<16xf32>
        %swap3A_708 = arith.index_cast %add3A_684 : i32 to index
        %swap3A_709 = arith.constant 16 : index
        %swap3A_710 = tpu.vector_load %arg12[%swap3A_708, %swap3A_709] {strides = array<i32>} : memref<80x64xf32, #tpu.memory_space<vmem>>, vector<16xf32>,
        tpu.vector_store %arg12[%swap3A_708, %swap3A_709], %max3A_707 {strides = array<i32>} : memref<80x64xf32, #tpu.memory_space<vmem>>, vector<16xf32>,
        %get3A_711 = arith.index_cast %add3A_684 : i32 to index
        %get3A_712 = arith.constant 32 : index
        %get3A_713 = tpu.vector_load %arg12[%get3A_711, %get3A_712] {strides = array<i32>} : memref<80x64xf32, #tpu.memory_space<vmem>>, vector<16xf32>,
        %get3A_714 = arith.index_cast %add3A_684 : i32 to index
        %get3A_715 = arith.constant 32 : index
        %get3A_716 = tpu.vector_load %arg10[%get3A_714, %get3A_715] {strides = array<i32>} : memref<80x64xf32, #tpu.memory_space<vmem>>, vector<16xf32>,
        %add3A_717 = arith.addf %get3A_713, %get3A_716 : vector<16xf32>
        %max3A_718 = arith.constant 0.000000e+00 : f32
        %max3A_719 = vector.broadcast %max3A_718 : f32 to vector<16xf32>
        %max3A_720 = arith.maximumf %add3A_717, %max3A_719 : vector<16xf32>
        %swap3A_721 = arith.index_cast %add3A_684 : i32 to index
        %swap3A_722 = arith.constant 32 : index
        %swap3A_723 = tpu.vector_load %arg12[%swap3A_721, %swap3A_722] {strides = array<i32>} : memref<80x64xf32, #tpu.memory_space<vmem>>, vector<16xf32>,
        tpu.vector_store %arg12[%swap3A_721, %swap3A_722], %max3A_720 {strides = array<i32>} : memref<80x64xf32, #tpu.memory_space<vmem>>, vector<16xf32>,
        %get3A_724 = arith.index_cast %add3A_684 : i32 to index
        %get3A_725 = arith.constant 48 : index
        %get3A_726 = tpu.vector_load %arg12[%get3A_724, %get3A_725] {strides = array<i32>} : memref<80x64xf32, #tpu.memory_space<vmem>>, vector<16xf32>,
        %get3A_727 = arith.index_cast %add3A_684 : i32 to index
        %get3A_728 = arith.constant 48 : index
        %get3A_729 = tpu.vector_load %arg10[%get3A_727, %get3A_728] {strides = array<i32>} : memref<80x64xf32, #tpu.memory_space<vmem>>, vector<16xf32>,
        %add3A_730 = arith.addf %get3A_726, %get3A_729 : vector<16xf32>
        %max3A_731 = arith.constant 0.000000e+00 : f32
        %max3A_732 = vector.broadcast %max3A_731 : f32 to vector<16xf32>
        %max3A_733 = arith.maximumf %add3A_730, %max3A_732 : vector<16xf32>
        %swap3A_734 = arith.index_cast %add3A_684 : i32 to index
        %swap3A_735 = arith.constant 48 : index
        %swap3A_736 = tpu.vector_load %arg12[%swap3A_734, %swap3A_735] {strides = array<i32>} : memref<80x64xf32, #tpu.memory_space<vmem>>, vector<16xf32>,
        tpu.vector_store %arg12[%swap3A_734, %swap3A_735], %max3A_733 {strides = array<i32>} : memref<80x64xf32, #tpu.memory_space<vmem>>, vector<16xf32>,
        %scan3A_737 = arith.constant 7 : i32
        %scan3A_738 = arith.addi %scan3A_334, %scan3A_737 : i32
        %mul3A_739 = arith.constant 1 : i32
        %mul3A_740 = arith.muli %scan3A_738, %mul3A_739 : i32
        %add3A_741 = arith.constant 0 : i32
        %add3A_742 = arith.addi %add3A_741, %mul3A_740 : i32
        %get3A_743 = arith.index_cast %add3A_742 : i32 to index
        %get3A_744 = arith.constant 0 : index
        %get3A_745 = tpu.vector_load %arg12[%get3A_743, %get3A_744] {strides = array<i32>} : memref<80x64xf32, #tpu.memory_space<vmem>>, vector<16xf32>,
        %get3A_746 = arith.index_cast %add3A_742 : i32 to index
        %get3A_747 = arith.constant 0 : index
        %get3A_748 = tpu.vector_load %arg10[%get3A_746, %get3A_747] {strides = array<i32>} : memref<80x64xf32, #tpu.memory_space<vmem>>, vector<16xf32>,
        %add3A_749 = arith.addf %get3A_745, %get3A_748 : vector<16xf32>
        %max3A_750 = arith.constant 0.000000e+00 : f32
        %max3A_751 = vector.broadcast %max3A_750 : f32 to vector<16xf32>
        %max3A_752 = arith.maximumf %add3A_749, %max3A_751 : vector<16xf32>
        %swap3A_753 = arith.index_cast %add3A_742 : i32 to index
        %swap3A_754 = arith.constant 0 : index
        %swap3A_755 = tpu.vector_load %arg12[%swap3A_753, %swap3A_754] {strides = array<i32>} : memref<80x64xf32, #tpu.memory_space<vmem>>, vector<16xf32>,
        tpu.vector_store %arg12[%swap3A_753, %swap3A_754], %max3A_752 {strides = array<i32>} : memref<80x64xf32, #tpu.memory_space<vmem>>, vector<16xf32>,
        %get3A_756 = arith.index_cast %add3A_742 : i32 to index
        %get3A_757 = arith.constant 16 : index
        %get3A_758 = tpu.vector_load %arg12[%get3A_756, %get3A_757] {strides = array<i32>} : memref<80x64xf32, #tpu.memory_space<vmem>>, vector<16xf32>,
        %get3A_759 = arith.index_cast %add3A_742 : i32 to index
        %get3A_760 = arith.constant 16 : index
        %get3A_761 = tpu.vector_load %arg10[%get3A_759, %get3A_760] {strides = array<i32>} : memref<80x64xf32, #tpu.memory_space<vmem>>, vector<16xf32>,
        %add3A_762 = arith.addf %get3A_758, %get3A_761 : vector<16xf32>
        %max3A_763 = arith.constant 0.000000e+00 : f32
        %max3A_764 = vector.broadcast %max3A_763 : f32 to vector<16xf32>
        %max3A_765 = arith.maximumf %add3A_762, %max3A_764 : vector<16xf32>
        %swap3A_766 = arith.index_cast %add3A_742 : i32 to index
        %swap3A_767 = arith.constant 16 : index
        %swap3A_768 = tpu.vector_load %arg12[%swap3A_766, %swap3A_767] {strides = array<i32>} : memref<80x64xf32, #tpu.memory_space<vmem>>, vector<16xf32>,
        tpu.vector_store %arg12[%swap3A_766, %swap3A_767], %max3A_765 {strides = array<i32>} : memref<80x64xf32, #tpu.memory_space<vmem>>, vector<16xf32>,
        %get3A_769 = arith.index_cast %add3A_742 : i32 to index
        %get3A_770 = arith.constant 32 : index
        %get3A_771 = tpu.vector_load %arg12[%get3A_769, %get3A_770] {strides = array<i32>} : memref<80x64xf32, #tpu.memory_space<vmem>>, vector<16xf32>,
        %get3A_772 = arith.index_cast %add3A_742 : i32 to index
        %get3A_773 = arith.constant 32 : index
        %get3A_774 = tpu.vector_load %arg10[%get3A_772, %get3A_773] {strides = array<i32>} : memref<80x64xf32, #tpu.memory_space<vmem>>, vector<16xf32>,
        %add3A_775 = arith.addf %get3A_771, %get3A_774 : vector<16xf32>
        %max3A_776 = arith.constant 0.000000e+00 : f32
        %max3A_777 = vector.broadcast %max3A_776 : f32 to vector<16xf32>
        %max3A_778 = arith.maximumf %add3A_775, %max3A_777 : vector<16xf32>
        %swap3A_779 = arith.index_cast %add3A_742 : i32 to index
        %swap3A_780 = arith.constant 32 : index
        %swap3A_781 = tpu.vector_load %arg12[%swap3A_779, %swap3A_780] {strides = array<i32>} : memref<80x64xf32, #tpu.memory_space<vmem>>, vector<16xf32>,
        tpu.vector_store %arg12[%swap3A_779, %swap3A_780], %max3A_778 {strides = array<i32>} : memref<80x64xf32, #tpu.memory_space<vmem>>, vector<16xf32>,
        %get3A_782 = arith.index_cast %add3A_742 : i32 to index
        %get3A_783 = arith.constant 48 : index
        %get3A_784 = tpu.vector_load %arg12[%get3A_782, %get3A_783] {strides = array<i32>} : memref<80x64xf32, #tpu.memory_space<vmem>>, vector<16xf32>,
        %get3A_785 = arith.index_cast %add3A_742 : i32 to index
        %get3A_786 = arith.constant 48 : index
        %get3A_787 = tpu.vector_load %arg10[%get3A_785, %get3A_786] {strides = array<i32>} : memref<80x64xf32, #tpu.memory_space<vmem>>, vector<16xf32>,
        %add3A_788 = arith.addf %get3A_784, %get3A_787 : vector<16xf32>
        %max3A_789 = arith.constant 0.000000e+00 : f32
        %max3A_790 = vector.broadcast %max3A_789 : f32 to vector<16xf32>
        %max3A_791 = arith.maximumf %add3A_788, %max3A_790 : vector<16xf32>
        %swap3A_792 = arith.index_cast %add3A_742 : i32 to index
        %swap3A_793 = arith.constant 48 : index
        %swap3A_794 = tpu.vector_load %arg12[%swap3A_792, %swap3A_793] {strides = array<i32>} : memref<80x64xf32, #tpu.memory_space<vmem>>, vector<16xf32>,
        tpu.vector_store %arg12[%swap3A_792, %swap3A_793], %max3A_791 {strides = array<i32>} : memref<80x64xf32, #tpu.memory_space<vmem>>, vector<16xf32>,
      }
      %scan3A_178 = arith.constant 80 : i32
      %run_scoped3A = arith.constant 1 : i32
      "tpu.region"() ({
        %run_scoped3A_334 = tpu.sem_alloc : memref<!tpu.dma_semaphore, #tpu.memory_space<semaphore_mem>>
        %dma_start3A_335 = arith.constant 0 : i32
        %dma_start3A_336 = tpu.memref_slice %arg8[%run_scoped3A, %dma_start3A_335] : memref<2x80xi32, #tpu.memory_space<vmem>> -> memref<1x80xi32, #tpu.memory_space<vmem>>
        %dma_start3A_337 = tpu.memref_squeeze %dma_start3A_336 : memref<1x80xi32, #tpu.memory_space<vmem>> -> memref<80xi32, #tpu.memory_space<vmem>>
        %dma_start3A_338 = arith.constant 0 : i32
        %dma_start3A_339 = arith.constant 0 : i32
        %dma_start3A_340 = tpu.memref_slice %arg7[%dma_start3A_338, %dma_start3A_339] : memref<10240x64xf32, #tpu.memory_space<vmem_shared>> -> memref<10240x64xf32, #tpu.memory_space<vmem_shared>>
        tpu.enqueue_indirect_dma source(%arg12 : memref<80x64xf32, #tpu.memory_space<vmem>>) target(%dma_start3A_340 : memref<10240x64xf32, #tpu.memory_space<vmem_shared>>) offsets(%dma_start3A_337 : memref<80xi32, #tpu.memory_space<vmem>>) semaphore(%run_scoped3A_334 : memref<!tpu.dma_semaphore, #tpu.memory_space<semaphore_mem>>) {add = true}
        %dma_wait3A_341 = arith.constant 0 : i32
        %dma_wait3A_342 = tpu.memref_slice %arg8[%run_scoped3A, %dma_wait3A_341] : memref<2x80xi32, #tpu.memory_space<vmem>> -> memref<1x80xi32, #tpu.memory_space<vmem>>
        %dma_wait3A_343 = tpu.memref_squeeze %dma_wait3A_342 : memref<1x80xi32, #tpu.memory_space<vmem>> -> memref<80xi32, #tpu.memory_space<vmem>>
        %dma_wait3A_344 = arith.constant 0 : i32
        %dma_wait3A_345 = arith.constant 0 : i32
        %dma_wait3A_346 = tpu.memref_slice %arg7[%dma_wait3A_344, %dma_wait3A_345] : memref<10240x64xf32, #tpu.memory_space<vmem_shared>> -> memref<10240x64xf32, #tpu.memory_space<vmem_shared>>
        tpu.wait_indirect_dma semaphore(%run_scoped3A_334 : memref<!tpu.dma_semaphore, #tpu.memory_space<semaphore_mem>>) src(%arg12 : memref<80x64xf32, #tpu.memory_space<vmem>>) dst(%dma_wait3A_346 : memref<10240x64xf32, #tpu.memory_space<vmem_shared>>)
        tpu.yield
      }) : () -> ()
      %get3A = arith.constant 1 : i32
      %get3A_179 = arith.index_cast %get3A : i32 to index
      %get3A_180 = arith.constant 0 : index
      %get3A_181 = tpu.vector_load %arg8[%get3A_179, %get3A_180] {strides = array<i32>} : memref<2x80xi32, #tpu.memory_space<vmem>>, vector<16xi32>,
      tpu.vector_store_idx %arg17[%get3A_181], %broadcast_in_dim3A_5 {add = true} : memref<10240xf32, #tpu.memory_space<vmem>>[vector<16xi32>], vector<16xf32>,
      %get3A_182 = arith.constant 1 : i32
      %get3A_183 = arith.index_cast %get3A_182 : i32 to index
      %get3A_184 = arith.constant 16 : index
      %get3A_185 = tpu.vector_load %arg8[%get3A_183, %get3A_184] {strides = array<i32>} : memref<2x80xi32, #tpu.memory_space<vmem>>, vector<16xi32>,
      tpu.vector_store_idx %arg17[%get3A_185], %broadcast_in_dim3A_5 {add = true} : memref<10240xf32, #tpu.memory_space<vmem>>[vector<16xi32>], vector<16xf32>,
      %get3A_186 = arith.constant 1 : i32
      %get3A_187 = arith.index_cast %get3A_186 : i32 to index
      %get3A_188 = arith.constant 32 : index
      %get3A_189 = tpu.vector_load %arg8[%get3A_187, %get3A_188] {strides = array<i32>} : memref<2x80xi32, #tpu.memory_space<vmem>>, vector<16xi32>,
      tpu.vector_store_idx %arg17[%get3A_189], %broadcast_in_dim3A_5 {add = true} : memref<10240xf32, #tpu.memory_space<vmem>>[vector<16xi32>], vector<16xf32>,
      %get3A_190 = arith.constant 1 : i32
      %get3A_191 = arith.index_cast %get3A_190 : i32 to index
      %get3A_192 = arith.constant 48 : index
      %get3A_193 = tpu.vector_load %arg8[%get3A_191, %get3A_192] {strides = array<i32>} : memref<2x80xi32, #tpu.memory_space<vmem>>, vector<16xi32>,
      tpu.vector_store_idx %arg17[%get3A_193], %broadcast_in_dim3A_5 {add = true} : memref<10240xf32, #tpu.memory_space<vmem>>[vector<16xi32>], vector<16xf32>,
      %get3A_194 = arith.constant 1 : i32
      %get3A_195 = arith.index_cast %get3A_194 : i32 to index
      %get3A_196 = arith.constant 64 : index
      %get3A_197 = tpu.vector_load %arg8[%get3A_195, %get3A_196] {strides = array<i32>} : memref<2x80xi32, #tpu.memory_space<vmem>>, vector<16xi32>,
      tpu.vector_store_idx %arg17[%get3A_197], %broadcast_in_dim3A_5 {add = true} : memref<10240xf32, #tpu.memory_space<vmem>>[vector<16xi32>], vector<16xf32>,
      %dma_wait3A_198 = arith.constant 1 : i32
      %dma_wait3A_199 = arith.constant 0 : i32
      %dma_wait3A_200 = tpu.memref_slice %arg8[%dma_wait3A_198, %dma_wait3A_199] : memref<2x80xi32, #tpu.memory_space<vmem>> -> memref<1x80xi32, #tpu.memory_space<vmem>>
      %dma_wait3A_201 = tpu.memref_squeeze %dma_wait3A_200 : memref<1x80xi32, #tpu.memory_space<vmem>> -> memref<80xi32, #tpu.memory_space<vmem>>
      %dma_wait3A_202 = arith.constant 0 : i32
      %dma_wait3A_203 = arith.constant 0 : i32
      %dma_wait3A_204 = tpu.memref_slice %arg3[%dma_wait3A_202, %dma_wait3A_203] : memref<10240x64xf32, #tpu.memory_space<hbm>> -> memref<10240x64xf32, #tpu.memory_space<hbm>>
      tpu.wait_indirect_dma semaphore(%arg23 : memref<!tpu.dma_semaphore, #tpu.memory_space<semaphore_mem>>) src(%dma_wait3A_204 : memref<10240x64xf32, #tpu.memory_space<hbm>>) dst(%arg13 : memref<80x64xf32, #tpu.memory_space<vmem>>)
      %scan3A_205 = arith.constant 0 : i32
      %scan3A_206 = arith.constant 80 : i32
      %scan3A_207 = arith.addi %scan3A_205, %scan3A_206 : i32
      %scan3A_208 = arith.constant 8 : i32
      scf.for %scan3A_334 = %scan3A_205 to %scan3A_207 step %scan3A_208  : i32 {
        %mul3A_335 = arith.constant 1 : i32
        %mul3A_336 = arith.muli %scan3A_334, %mul3A_335 : i32
        %add3A_337 = arith.constant 0 : i32
        %add3A_338 = arith.addi %add3A_337, %mul3A_336 : i32
        %get3A_339 = arith.index_cast %add3A_338 : i32 to index
        %get3A_340 = arith.constant 0 : index
        %get3A_341 = tpu.vector_load %arg13[%get3A_339, %get3A_340] {strides = array<i32>} : memref<80x64xf32, #tpu.memory_space<vmem>>, vector<16xf32>,
        %get3A_342 = arith.index_cast %add3A_338 : i32 to index
        %get3A_343 = arith.constant 0 : index
        %get3A_344 = tpu.vector_load %arg10[%get3A_342, %get3A_343] {strides = array<i32>} : memref<80x64xf32, #tpu.memory_space<vmem>>, vector<16xf32>,
        %add3A_345 = arith.addf %get3A_341, %get3A_344 : vector<16xf32>
        %max3A = arith.constant 0.000000e+00 : f32
        %max3A_346 = vector.broadcast %max3A : f32 to vector<16xf32>
        %max3A_347 = arith.maximumf %add3A_345, %max3A_346 : vector<16xf32>
        %swap3A = arith.index_cast %add3A_338 : i32 to index
        %swap3A_348 = arith.constant 0 : index
        %swap3A_349 = tpu.vector_load %arg13[%swap3A, %swap3A_348] {strides = array<i32>} : memref<80x64xf32, #tpu.memory_space<vmem>>, vector<16xf32>,
        tpu.vector_store %arg13[%swap3A, %swap3A_348], %max3A_347 {strides = array<i32>} : memref<80x64xf32, #tpu.memory_space<vmem>>, vector<16xf32>,
        %get3A_350 = arith.index_cast %add3A_338 : i32 to index
        %get3A_351 = arith.constant 16 : index
        %get3A_352 = tpu.vector_load %arg13[%get3A_350, %get3A_351] {strides = array<i32>} : memref<80x64xf32, #tpu.memory_space<vmem>>, vector<16xf32>,
        %get3A_353 = arith.index_cast %add3A_338 : i32 to index
        %get3A_354 = arith.constant 16 : index
        %get3A_355 = tpu.vector_load %arg10[%get3A_353, %get3A_354] {strides = array<i32>} : memref<80x64xf32, #tpu.memory_space<vmem>>, vector<16xf32>,
        %add3A_356 = arith.addf %get3A_352, %get3A_355 : vector<16xf32>
        %max3A_357 = arith.constant 0.000000e+00 : f32
        %max3A_358 = vector.broadcast %max3A_357 : f32 to vector<16xf32>
        %max3A_359 = arith.maximumf %add3A_356, %max3A_358 : vector<16xf32>
        %swap3A_360 = arith.index_cast %add3A_338 : i32 to index
        %swap3A_361 = arith.constant 16 : index
        %swap3A_362 = tpu.vector_load %arg13[%swap3A_360, %swap3A_361] {strides = array<i32>} : memref<80x64xf32, #tpu.memory_space<vmem>>, vector<16xf32>,
        tpu.vector_store %arg13[%swap3A_360, %swap3A_361], %max3A_359 {strides = array<i32>} : memref<80x64xf32, #tpu.memory_space<vmem>>, vector<16xf32>,
        %get3A_363 = arith.index_cast %add3A_338 : i32 to index
        %get3A_364 = arith.constant 32 : index
        %get3A_365 = tpu.vector_load %arg13[%get3A_363, %get3A_364] {strides = array<i32>} : memref<80x64xf32, #tpu.memory_space<vmem>>, vector<16xf32>,
        %get3A_366 = arith.index_cast %add3A_338 : i32 to index
        %get3A_367 = arith.constant 32 : index
        %get3A_368 = tpu.vector_load %arg10[%get3A_366, %get3A_367] {strides = array<i32>} : memref<80x64xf32, #tpu.memory_space<vmem>>, vector<16xf32>,
        %add3A_369 = arith.addf %get3A_365, %get3A_368 : vector<16xf32>
        %max3A_370 = arith.constant 0.000000e+00 : f32
        %max3A_371 = vector.broadcast %max3A_370 : f32 to vector<16xf32>
        %max3A_372 = arith.maximumf %add3A_369, %max3A_371 : vector<16xf32>
        %swap3A_373 = arith.index_cast %add3A_338 : i32 to index
        %swap3A_374 = arith.constant 32 : index
        %swap3A_375 = tpu.vector_load %arg13[%swap3A_373, %swap3A_374] {strides = array<i32>} : memref<80x64xf32, #tpu.memory_space<vmem>>, vector<16xf32>,
        tpu.vector_store %arg13[%swap3A_373, %swap3A_374], %max3A_372 {strides = array<i32>} : memref<80x64xf32, #tpu.memory_space<vmem>>, vector<16xf32>,
        %get3A_376 = arith.index_cast %add3A_338 : i32 to index
        %get3A_377 = arith.constant 48 : index
        %get3A_378 = tpu.vector_load %arg13[%get3A_376, %get3A_377] {strides = array<i32>} : memref<80x64xf32, #tpu.memory_space<vmem>>, vector<16xf32>,
        %get3A_379 = arith.index_cast %add3A_338 : i32 to index
        %get3A_380 = arith.constant 48 : index
        %get3A_381 = tpu.vector_load %arg10[%get3A_379, %get3A_380] {strides = array<i32>} : memref<80x64xf32, #tpu.memory_space<vmem>>, vector<16xf32>,
        %add3A_382 = arith.addf %get3A_378, %get3A_381 : vector<16xf32>
        %max3A_383 = arith.constant 0.000000e+00 : f32
        %max3A_384 = vector.broadcast %max3A_383 : f32 to vector<16xf32>
        %max3A_385 = arith.maximumf %add3A_382, %max3A_384 : vector<16xf32>
        %swap3A_386 = arith.index_cast %add3A_338 : i32 to index
        %swap3A_387 = arith.constant 48 : index
        %swap3A_388 = tpu.vector_load %arg13[%swap3A_386, %swap3A_387] {strides = array<i32>} : memref<80x64xf32, #tpu.memory_space<vmem>>, vector<16xf32>,
        tpu.vector_store %arg13[%swap3A_386, %swap3A_387], %max3A_385 {strides = array<i32>} : memref<80x64xf32, #tpu.memory_space<vmem>>, vector<16xf32>,
        %scan3A_389 = arith.constant 1 : i32
        %scan3A_390 = arith.addi %scan3A_334, %scan3A_389 : i32
        %mul3A_391 = arith.constant 1 : i32
        %mul3A_392 = arith.muli %scan3A_390, %mul3A_391 : i32
        %add3A_393 = arith.constant 0 : i32
        %add3A_394 = arith.addi %add3A_393, %mul3A_392 : i32
        %get3A_395 = arith.index_cast %add3A_394 : i32 to index
        %get3A_396 = arith.constant 0 : index
        %get3A_397 = tpu.vector_load %arg13[%get3A_395, %get3A_396] {strides = array<i32>} : memref<80x64xf32, #tpu.memory_space<vmem>>, vector<16xf32>,
        %get3A_398 = arith.index_cast %add3A_394 : i32 to index
        %get3A_399 = arith.constant 0 : index
        %get3A_400 = tpu.vector_load %arg10[%get3A_398, %get3A_399] {strides = array<i32>} : memref<80x64xf32, #tpu.memory_space<vmem>>, vector<16xf32>,
        %add3A_401 = arith.addf %get3A_397, %get3A_400 : vector<16xf32>
        %max3A_402 = arith.constant 0.000000e+00 : f32
        %max3A_403 = vector.broadcast %max3A_402 : f32 to vector<16xf32>
        %max3A_404 = arith.maximumf %add3A_401, %max3A_403 : vector<16xf32>
        %swap3A_405 = arith.index_cast %add3A_394 : i32 to index
        %swap3A_406 = arith.constant 0 : index
        %swap3A_407 = tpu.vector_load %arg13[%swap3A_405, %swap3A_406] {strides = array<i32>} : memref<80x64xf32, #tpu.memory_space<vmem>>, vector<16xf32>,
        tpu.vector_store %arg13[%swap3A_405, %swap3A_406], %max3A_404 {strides = array<i32>} : memref<80x64xf32, #tpu.memory_space<vmem>>, vector<16xf32>,
        %get3A_408 = arith.index_cast %add3A_394 : i32 to index
        %get3A_409 = arith.constant 16 : index
        %get3A_410 = tpu.vector_load %arg13[%get3A_408, %get3A_409] {strides = array<i32>} : memref<80x64xf32, #tpu.memory_space<vmem>>, vector<16xf32>,
        %get3A_411 = arith.index_cast %add3A_394 : i32 to index
        %get3A_412 = arith.constant 16 : index
        %get3A_413 = tpu.vector_load %arg10[%get3A_411, %get3A_412] {strides = array<i32>} : memref<80x64xf32, #tpu.memory_space<vmem>>, vector<16xf32>,
        %add3A_414 = arith.addf %get3A_410, %get3A_413 : vector<16xf32>
        %max3A_415 = arith.constant 0.000000e+00 : f32
        %max3A_416 = vector.broadcast %max3A_415 : f32 to vector<16xf32>
        %max3A_417 = arith.maximumf %add3A_414, %max3A_416 : vector<16xf32>
        %swap3A_418 = arith.index_cast %add3A_394 : i32 to index
        %swap3A_419 = arith.constant 16 : index
        %swap3A_420 = tpu.vector_load %arg13[%swap3A_418, %swap3A_419] {strides = array<i32>} : memref<80x64xf32, #tpu.memory_space<vmem>>, vector<16xf32>,
        tpu.vector_store %arg13[%swap3A_418, %swap3A_419], %max3A_417 {strides = array<i32>} : memref<80x64xf32, #tpu.memory_space<vmem>>, vector<16xf32>,
        %get3A_421 = arith.index_cast %add3A_394 : i32 to index
        %get3A_422 = arith.constant 32 : index
        %get3A_423 = tpu.vector_load %arg13[%get3A_421, %get3A_422] {strides = array<i32>} : memref<80x64xf32, #tpu.memory_space<vmem>>, vector<16xf32>,
        %get3A_424 = arith.index_cast %add3A_394 : i32 to index
        %get3A_425 = arith.constant 32 : index
        %get3A_426 = tpu.vector_load %arg10[%get3A_424, %get3A_425] {strides = array<i32>} : memref<80x64xf32, #tpu.memory_space<vmem>>, vector<16xf32>,
        %add3A_427 = arith.addf %get3A_423, %get3A_426 : vector<16xf32>
        %max3A_428 = arith.constant 0.000000e+00 : f32
        %max3A_429 = vector.broadcast %max3A_428 : f32 to vector<16xf32>
        %max3A_430 = arith.maximumf %add3A_427, %max3A_429 : vector<16xf32>
        %swap3A_431 = arith.index_cast %add3A_394 : i32 to index
        %swap3A_432 = arith.constant 32 : index
        %swap3A_433 = tpu.vector_load %arg13[%swap3A_431, %swap3A_432] {strides = array<i32>} : memref<80x64xf32, #tpu.memory_space<vmem>>, vector<16xf32>,
        tpu.vector_store %arg13[%swap3A_431, %swap3A_432], %max3A_430 {strides = array<i32>} : memref<80x64xf32, #tpu.memory_space<vmem>>, vector<16xf32>,
        %get3A_434 = arith.index_cast %add3A_394 : i32 to index
        %get3A_435 = arith.constant 48 : index
        %get3A_436 = tpu.vector_load %arg13[%get3A_434, %get3A_435] {strides = array<i32>} : memref<80x64xf32, #tpu.memory_space<vmem>>, vector<16xf32>,
        %get3A_437 = arith.index_cast %add3A_394 : i32 to index
        %get3A_438 = arith.constant 48 : index
        %get3A_439 = tpu.vector_load %arg10[%get3A_437, %get3A_438] {strides = array<i32>} : memref<80x64xf32, #tpu.memory_space<vmem>>, vector<16xf32>,
        %add3A_440 = arith.addf %get3A_436, %get3A_439 : vector<16xf32>
        %max3A_441 = arith.constant 0.000000e+00 : f32
        %max3A_442 = vector.broadcast %max3A_441 : f32 to vector<16xf32>
        %max3A_443 = arith.maximumf %add3A_440, %max3A_442 : vector<16xf32>
        %swap3A_444 = arith.index_cast %add3A_394 : i32 to index
        %swap3A_445 = arith.constant 48 : index
        %swap3A_446 = tpu.vector_load %arg13[%swap3A_444, %swap3A_445] {strides = array<i32>} : memref<80x64xf32, #tpu.memory_space<vmem>>, vector<16xf32>,
        tpu.vector_store %arg13[%swap3A_444, %swap3A_445], %max3A_443 {strides = array<i32>} : memref<80x64xf32, #tpu.memory_space<vmem>>, vector<16xf32>,
        %scan3A_447 = arith.constant 2 : i32
        %scan3A_448 = arith.addi %scan3A_334, %scan3A_447 : i32
        %mul3A_449 = arith.constant 1 : i32
        %mul3A_450 = arith.muli %scan3A_448, %mul3A_449 : i32
        %add3A_451 = arith.constant 0 : i32
        %add3A_452 = arith.addi %add3A_451, %mul3A_450 : i32
        %get3A_453 = arith.index_cast %add3A_452 : i32 to index
        %get3A_454 = arith.constant 0 : index
        %get3A_455 = tpu.vector_load %arg13[%get3A_453, %get3A_454] {strides = array<i32>} : memref<80x64xf32, #tpu.memory_space<vmem>>, vector<16xf32>,
        %get3A_456 = arith.index_cast %add3A_452 : i32 to index
        %get3A_457 = arith.constant 0 : index
        %get3A_458 = tpu.vector_load %arg10[%get3A_456, %get3A_457] {strides = array<i32>} : memref<80x64xf32, #tpu.memory_space<vmem>>, vector<16xf32>,
        %add3A_459 = arith.addf %get3A_455, %get3A_458 : vector<16xf32>
        %max3A_460 = arith.constant 0.000000e+00 : f32
        %max3A_461 = vector.broadcast %max3A_460 : f32 to vector<16xf32>
        %max3A_462 = arith.maximumf %add3A_459, %max3A_461 : vector<16xf32>
        %swap3A_463 = arith.index_cast %add3A_452 : i32 to index
        %swap3A_464 = arith.constant 0 : index
        %swap3A_465 = tpu.vector_load %arg13[%swap3A_463, %swap3A_464] {strides = array<i32>} : memref<80x64xf32, #tpu.memory_space<vmem>>, vector<16xf32>,
        tpu.vector_store %arg13[%swap3A_463, %swap3A_464], %max3A_462 {strides = array<i32>} : memref<80x64xf32, #tpu.memory_space<vmem>>, vector<16xf32>,
        %get3A_466 = arith.index_cast %add3A_452 : i32 to index
        %get3A_467 = arith.constant 16 : index
        %get3A_468 = tpu.vector_load %arg13[%get3A_466, %get3A_467] {strides = array<i32>} : memref<80x64xf32, #tpu.memory_space<vmem>>, vector<16xf32>,
        %get3A_469 = arith.index_cast %add3A_452 : i32 to index
        %get3A_470 = arith.constant 16 : index
        %get3A_471 = tpu.vector_load %arg10[%get3A_469, %get3A_470] {strides = array<i32>} : memref<80x64xf32, #tpu.memory_space<vmem>>, vector<16xf32>,
        %add3A_472 = arith.addf %get3A_468, %get3A_471 : vector<16xf32>
        %max3A_473 = arith.constant 0.000000e+00 : f32
        %max3A_474 = vector.broadcast %max3A_473 : f32 to vector<16xf32>
        %max3A_475 = arith.maximumf %add3A_472, %max3A_474 : vector<16xf32>
        %swap3A_476 = arith.index_cast %add3A_452 : i32 to index
        %swap3A_477 = arith.constant 16 : index
        %swap3A_478 = tpu.vector_load %arg13[%swap3A_476, %swap3A_477] {strides = array<i32>} : memref<80x64xf32, #tpu.memory_space<vmem>>, vector<16xf32>,
        tpu.vector_store %arg13[%swap3A_476, %swap3A_477], %max3A_475 {strides = array<i32>} : memref<80x64xf32, #tpu.memory_space<vmem>>, vector<16xf32>,
        %get3A_479 = arith.index_cast %add3A_452 : i32 to index
        %get3A_480 = arith.constant 32 : index
        %get3A_481 = tpu.vector_load %arg13[%get3A_479, %get3A_480] {strides = array<i32>} : memref<80x64xf32, #tpu.memory_space<vmem>>, vector<16xf32>,
        %get3A_482 = arith.index_cast %add3A_452 : i32 to index
        %get3A_483 = arith.constant 32 : index
        %get3A_484 = tpu.vector_load %arg10[%get3A_482, %get3A_483] {strides = array<i32>} : memref<80x64xf32, #tpu.memory_space<vmem>>, vector<16xf32>,
        %add3A_485 = arith.addf %get3A_481, %get3A_484 : vector<16xf32>
        %max3A_486 = arith.constant 0.000000e+00 : f32
        %max3A_487 = vector.broadcast %max3A_486 : f32 to vector<16xf32>
        %max3A_488 = arith.maximumf %add3A_485, %max3A_487 : vector<16xf32>
        %swap3A_489 = arith.index_cast %add3A_452 : i32 to index
        %swap3A_490 = arith.constant 32 : index
        %swap3A_491 = tpu.vector_load %arg13[%swap3A_489, %swap3A_490] {strides = array<i32>} : memref<80x64xf32, #tpu.memory_space<vmem>>, vector<16xf32>,
        tpu.vector_store %arg13[%swap3A_489, %swap3A_490], %max3A_488 {strides = array<i32>} : memref<80x64xf32, #tpu.memory_space<vmem>>, vector<16xf32>,
        %get3A_492 = arith.index_cast %add3A_452 : i32 to index
        %get3A_493 = arith.constant 48 : index
        %get3A_494 = tpu.vector_load %arg13[%get3A_492, %get3A_493] {strides = array<i32>} : memref<80x64xf32, #tpu.memory_space<vmem>>, vector<16xf32>,
        %get3A_495 = arith.index_cast %add3A_452 : i32 to index
        %get3A_496 = arith.constant 48 : index
        %get3A_497 = tpu.vector_load %arg10[%get3A_495, %get3A_496] {strides = array<i32>} : memref<80x64xf32, #tpu.memory_space<vmem>>, vector<16xf32>,
        %add3A_498 = arith.addf %get3A_494, %get3A_497 : vector<16xf32>
        %max3A_499 = arith.constant 0.000000e+00 : f32
        %max3A_500 = vector.broadcast %max3A_499 : f32 to vector<16xf32>
        %max3A_501 = arith.maximumf %add3A_498, %max3A_500 : vector<16xf32>
        %swap3A_502 = arith.index_cast %add3A_452 : i32 to index
        %swap3A_503 = arith.constant 48 : index
        %swap3A_504 = tpu.vector_load %arg13[%swap3A_502, %swap3A_503] {strides = array<i32>} : memref<80x64xf32, #tpu.memory_space<vmem>>, vector<16xf32>,
        tpu.vector_store %arg13[%swap3A_502, %swap3A_503], %max3A_501 {strides = array<i32>} : memref<80x64xf32, #tpu.memory_space<vmem>>, vector<16xf32>,
        %scan3A_505 = arith.constant 3 : i32
        %scan3A_506 = arith.addi %scan3A_334, %scan3A_505 : i32
        %mul3A_507 = arith.constant 1 : i32
        %mul3A_508 = arith.muli %scan3A_506, %mul3A_507 : i32
        %add3A_509 = arith.constant 0 : i32
        %add3A_510 = arith.addi %add3A_509, %mul3A_508 : i32
        %get3A_511 = arith.index_cast %add3A_510 : i32 to index
        %get3A_512 = arith.constant 0 : index
        %get3A_513 = tpu.vector_load %arg13[%get3A_511, %get3A_512] {strides = array<i32>} : memref<80x64xf32, #tpu.memory_space<vmem>>, vector<16xf32>,
        %get3A_514 = arith.index_cast %add3A_510 : i32 to index
        %get3A_515 = arith.constant 0 : index
        %get3A_516 = tpu.vector_load %arg10[%get3A_514, %get3A_515] {strides = array<i32>} : memref<80x64xf32, #tpu.memory_space<vmem>>, vector<16xf32>,
        %add3A_517 = arith.addf %get3A_513, %get3A_516 : vector<16xf32>
        %max3A_518 = arith.constant 0.000000e+00 : f32
        %max3A_519 = vector.broadcast %max3A_518 : f32 to vector<16xf32>
        %max3A_520 = arith.maximumf %add3A_517, %max3A_519 : vector<16xf32>
        %swap3A_521 = arith.index_cast %add3A_510 : i32 to index
        %swap3A_522 = arith.constant 0 : index
        %swap3A_523 = tpu.vector_load %arg13[%swap3A_521, %swap3A_522] {strides = array<i32>} : memref<80x64xf32, #tpu.memory_space<vmem>>, vector<16xf32>,
        tpu.vector_store %arg13[%swap3A_521, %swap3A_522], %max3A_520 {strides = array<i32>} : memref<80x64xf32, #tpu.memory_space<vmem>>, vector<16xf32>,
        %get3A_524 = arith.index_cast %add3A_510 : i32 to index
        %get3A_525 = arith.constant 16 : index
        %get3A_526 = tpu.vector_load %arg13[%get3A_524, %get3A_525] {strides = array<i32>} : memref<80x64xf32, #tpu.memory_space<vmem>>, vector<16xf32>,
        %get3A_527 = arith.index_cast %add3A_510 : i32 to index
        %get3A_528 = arith.constant 16 : index
        %get3A_529 = tpu.vector_load %arg10[%get3A_527, %get3A_528] {strides = array<i32>} : memref<80x64xf32, #tpu.memory_space<vmem>>, vector<16xf32>,
        %add3A_530 = arith.addf %get3A_526, %get3A_529 : vector<16xf32>
        %max3A_531 = arith.constant 0.000000e+00 : f32
        %max3A_532 = vector.broadcast %max3A_531 : f32 to vector<16xf32>
        %max3A_533 = arith.maximumf %add3A_530, %max3A_532 : vector<16xf32>
        %swap3A_534 = arith.index_cast %add3A_510 : i32 to index
        %swap3A_535 = arith.constant 16 : index
        %swap3A_536 = tpu.vector_load %arg13[%swap3A_534, %swap3A_535] {strides = array<i32>} : memref<80x64xf32, #tpu.memory_space<vmem>>, vector<16xf32>,
        tpu.vector_store %arg13[%swap3A_534, %swap3A_535], %max3A_533 {strides = array<i32>} : memref<80x64xf32, #tpu.memory_space<vmem>>, vector<16xf32>,
        %get3A_537 = arith.index_cast %add3A_510 : i32 to index
        %get3A_538 = arith.constant 32 : index
        %get3A_539 = tpu.vector_load %arg13[%get3A_537, %get3A_538] {strides = array<i32>} : memref<80x64xf32, #tpu.memory_space<vmem>>, vector<16xf32>,
        %get3A_540 = arith.index_cast %add3A_510 : i32 to index
        %get3A_541 = arith.constant 32 : index
        %get3A_542 = tpu.vector_load %arg10[%get3A_540, %get3A_541] {strides = array<i32>} : memref<80x64xf32, #tpu.memory_space<vmem>>, vector<16xf32>,
        %add3A_543 = arith.addf %get3A_539, %get3A_542 : vector<16xf32>
        %max3A_544 = arith.constant 0.000000e+00 : f32
        %max3A_545 = vector.broadcast %max3A_544 : f32 to vector<16xf32>
        %max3A_546 = arith.maximumf %add3A_543, %max3A_545 : vector<16xf32>
        %swap3A_547 = arith.index_cast %add3A_510 : i32 to index
        %swap3A_548 = arith.constant 32 : index
        %swap3A_549 = tpu.vector_load %arg13[%swap3A_547, %swap3A_548] {strides = array<i32>} : memref<80x64xf32, #tpu.memory_space<vmem>>, vector<16xf32>,
        tpu.vector_store %arg13[%swap3A_547, %swap3A_548], %max3A_546 {strides = array<i32>} : memref<80x64xf32, #tpu.memory_space<vmem>>, vector<16xf32>,
        %get3A_550 = arith.index_cast %add3A_510 : i32 to index
        %get3A_551 = arith.constant 48 : index
        %get3A_552 = tpu.vector_load %arg13[%get3A_550, %get3A_551] {strides = array<i32>} : memref<80x64xf32, #tpu.memory_space<vmem>>, vector<16xf32>,
        %get3A_553 = arith.index_cast %add3A_510 : i32 to index
        %get3A_554 = arith.constant 48 : index
        %get3A_555 = tpu.vector_load %arg10[%get3A_553, %get3A_554] {strides = array<i32>} : memref<80x64xf32, #tpu.memory_space<vmem>>, vector<16xf32>,
        %add3A_556 = arith.addf %get3A_552, %get3A_555 : vector<16xf32>
        %max3A_557 = arith.constant 0.000000e+00 : f32
        %max3A_558 = vector.broadcast %max3A_557 : f32 to vector<16xf32>
        %max3A_559 = arith.maximumf %add3A_556, %max3A_558 : vector<16xf32>
        %swap3A_560 = arith.index_cast %add3A_510 : i32 to index
        %swap3A_561 = arith.constant 48 : index
        %swap3A_562 = tpu.vector_load %arg13[%swap3A_560, %swap3A_561] {strides = array<i32>} : memref<80x64xf32, #tpu.memory_space<vmem>>, vector<16xf32>,
        tpu.vector_store %arg13[%swap3A_560, %swap3A_561], %max3A_559 {strides = array<i32>} : memref<80x64xf32, #tpu.memory_space<vmem>>, vector<16xf32>,
        %scan3A_563 = arith.constant 4 : i32
        %scan3A_564 = arith.addi %scan3A_334, %scan3A_563 : i32
        %mul3A_565 = arith.constant 1 : i32
        %mul3A_566 = arith.muli %scan3A_564, %mul3A_565 : i32
        %add3A_567 = arith.constant 0 : i32
        %add3A_568 = arith.addi %add3A_567, %mul3A_566 : i32
        %get3A_569 = arith.index_cast %add3A_568 : i32 to index
        %get3A_570 = arith.constant 0 : index
        %get3A_571 = tpu.vector_load %arg13[%get3A_569, %get3A_570] {strides = array<i32>} : memref<80x64xf32, #tpu.memory_space<vmem>>, vector<16xf32>,
        %get3A_572 = arith.index_cast %add3A_568 : i32 to index
        %get3A_573 = arith.constant 0 : index
        %get3A_574 = tpu.vector_load %arg10[%get3A_572, %get3A_573] {strides = array<i32>} : memref<80x64xf32, #tpu.memory_space<vmem>>, vector<16xf32>,
        %add3A_575 = arith.addf %get3A_571, %get3A_574 : vector<16xf32>
        %max3A_576 = arith.constant 0.000000e+00 : f32
        %max3A_577 = vector.broadcast %max3A_576 : f32 to vector<16xf32>
        %max3A_578 = arith.maximumf %add3A_575, %max3A_577 : vector<16xf32>
        %swap3A_579 = arith.index_cast %add3A_568 : i32 to index
        %swap3A_580 = arith.constant 0 : index
        %swap3A_581 = tpu.vector_load %arg13[%swap3A_579, %swap3A_580] {strides = array<i32>} : memref<80x64xf32, #tpu.memory_space<vmem>>, vector<16xf32>,
        tpu.vector_store %arg13[%swap3A_579, %swap3A_580], %max3A_578 {strides = array<i32>} : memref<80x64xf32, #tpu.memory_space<vmem>>, vector<16xf32>,
        %get3A_582 = arith.index_cast %add3A_568 : i32 to index
        %get3A_583 = arith.constant 16 : index
        %get3A_584 = tpu.vector_load %arg13[%get3A_582, %get3A_583] {strides = array<i32>} : memref<80x64xf32, #tpu.memory_space<vmem>>, vector<16xf32>,
        %get3A_585 = arith.index_cast %add3A_568 : i32 to index
        %get3A_586 = arith.constant 16 : index
        %get3A_587 = tpu.vector_load %arg10[%get3A_585, %get3A_586] {strides = array<i32>} : memref<80x64xf32, #tpu.memory_space<vmem>>, vector<16xf32>,
        %add3A_588 = arith.addf %get3A_584, %get3A_587 : vector<16xf32>
        %max3A_589 = arith.constant 0.000000e+00 : f32
        %max3A_590 = vector.broadcast %max3A_589 : f32 to vector<16xf32>
        %max3A_591 = arith.maximumf %add3A_588, %max3A_590 : vector<16xf32>
        %swap3A_592 = arith.index_cast %add3A_568 : i32 to index
        %swap3A_593 = arith.constant 16 : index
        %swap3A_594 = tpu.vector_load %arg13[%swap3A_592, %swap3A_593] {strides = array<i32>} : memref<80x64xf32, #tpu.memory_space<vmem>>, vector<16xf32>,
        tpu.vector_store %arg13[%swap3A_592, %swap3A_593], %max3A_591 {strides = array<i32>} : memref<80x64xf32, #tpu.memory_space<vmem>>, vector<16xf32>,
        %get3A_595 = arith.index_cast %add3A_568 : i32 to index
        %get3A_596 = arith.constant 32 : index
        %get3A_597 = tpu.vector_load %arg13[%get3A_595, %get3A_596] {strides = array<i32>} : memref<80x64xf32, #tpu.memory_space<vmem>>, vector<16xf32>,
        %get3A_598 = arith.index_cast %add3A_568 : i32 to index
        %get3A_599 = arith.constant 32 : index
        %get3A_600 = tpu.vector_load %arg10[%get3A_598, %get3A_599] {strides = array<i32>} : memref<80x64xf32, #tpu.memory_space<vmem>>, vector<16xf32>,
        %add3A_601 = arith.addf %get3A_597, %get3A_600 : vector<16xf32>
        %max3A_602 = arith.constant 0.000000e+00 : f32
        %max3A_603 = vector.broadcast %max3A_602 : f32 to vector<16xf32>
        %max3A_604 = arith.maximumf %add3A_601, %max3A_603 : vector<16xf32>
        %swap3A_605 = arith.index_cast %add3A_568 : i32 to index
        %swap3A_606 = arith.constant 32 : index
        %swap3A_607 = tpu.vector_load %arg13[%swap3A_605, %swap3A_606] {strides = array<i32>} : memref<80x64xf32, #tpu.memory_space<vmem>>, vector<16xf32>,
        tpu.vector_store %arg13[%swap3A_605, %swap3A_606], %max3A_604 {strides = array<i32>} : memref<80x64xf32, #tpu.memory_space<vmem>>, vector<16xf32>,
        %get3A_608 = arith.index_cast %add3A_568 : i32 to index
        %get3A_609 = arith.constant 48 : index
        %get3A_610 = tpu.vector_load %arg13[%get3A_608, %get3A_609] {strides = array<i32>} : memref<80x64xf32, #tpu.memory_space<vmem>>, vector<16xf32>,
        %get3A_611 = arith.index_cast %add3A_568 : i32 to index
        %get3A_612 = arith.constant 48 : index
        %get3A_613 = tpu.vector_load %arg10[%get3A_611, %get3A_612] {strides = array<i32>} : memref<80x64xf32, #tpu.memory_space<vmem>>, vector<16xf32>,
        %add3A_614 = arith.addf %get3A_610, %get3A_613 : vector<16xf32>
        %max3A_615 = arith.constant 0.000000e+00 : f32
        %max3A_616 = vector.broadcast %max3A_615 : f32 to vector<16xf32>
        %max3A_617 = arith.maximumf %add3A_614, %max3A_616 : vector<16xf32>
        %swap3A_618 = arith.index_cast %add3A_568 : i32 to index
        %swap3A_619 = arith.constant 48 : index
        %swap3A_620 = tpu.vector_load %arg13[%swap3A_618, %swap3A_619] {strides = array<i32>} : memref<80x64xf32, #tpu.memory_space<vmem>>, vector<16xf32>,
        tpu.vector_store %arg13[%swap3A_618, %swap3A_619], %max3A_617 {strides = array<i32>} : memref<80x64xf32, #tpu.memory_space<vmem>>, vector<16xf32>,
        %scan3A_621 = arith.constant 5 : i32
        %scan3A_622 = arith.addi %scan3A_334, %scan3A_621 : i32
        %mul3A_623 = arith.constant 1 : i32
        %mul3A_624 = arith.muli %scan3A_622, %mul3A_623 : i32
        %add3A_625 = arith.constant 0 : i32
        %add3A_626 = arith.addi %add3A_625, %mul3A_624 : i32
        %get3A_627 = arith.index_cast %add3A_626 : i32 to index
        %get3A_628 = arith.constant 0 : index
        %get3A_629 = tpu.vector_load %arg13[%get3A_627, %get3A_628] {strides = array<i32>} : memref<80x64xf32, #tpu.memory_space<vmem>>, vector<16xf32>,
        %get3A_630 = arith.index_cast %add3A_626 : i32 to index
        %get3A_631 = arith.constant 0 : index
        %get3A_632 = tpu.vector_load %arg10[%get3A_630, %get3A_631] {strides = array<i32>} : memref<80x64xf32, #tpu.memory_space<vmem>>, vector<16xf32>,
        %add3A_633 = arith.addf %get3A_629, %get3A_632 : vector<16xf32>
        %max3A_634 = arith.constant 0.000000e+00 : f32
        %max3A_635 = vector.broadcast %max3A_634 : f32 to vector<16xf32>
        %max3A_636 = arith.maximumf %add3A_633, %max3A_635 : vector<16xf32>
        %swap3A_637 = arith.index_cast %add3A_626 : i32 to index
        %swap3A_638 = arith.constant 0 : index
        %swap3A_639 = tpu.vector_load %arg13[%swap3A_637, %swap3A_638] {strides = array<i32>} : memref<80x64xf32, #tpu.memory_space<vmem>>, vector<16xf32>,
        tpu.vector_store %arg13[%swap3A_637, %swap3A_638], %max3A_636 {strides = array<i32>} : memref<80x64xf32, #tpu.memory_space<vmem>>, vector<16xf32>,
        %get3A_640 = arith.index_cast %add3A_626 : i32 to index
        %get3A_641 = arith.constant 16 : index
        %get3A_642 = tpu.vector_load %arg13[%get3A_640, %get3A_641] {strides = array<i32>} : memref<80x64xf32, #tpu.memory_space<vmem>>, vector<16xf32>,
        %get3A_643 = arith.index_cast %add3A_626 : i32 to index
        %get3A_644 = arith.constant 16 : index
        %get3A_645 = tpu.vector_load %arg10[%get3A_643, %get3A_644] {strides = array<i32>} : memref<80x64xf32, #tpu.memory_space<vmem>>, vector<16xf32>,
        %add3A_646 = arith.addf %get3A_642, %get3A_645 : vector<16xf32>
        %max3A_647 = arith.constant 0.000000e+00 : f32
        %max3A_648 = vector.broadcast %max3A_647 : f32 to vector<16xf32>
        %max3A_649 = arith.maximumf %add3A_646, %max3A_648 : vector<16xf32>
        %swap3A_650 = arith.index_cast %add3A_626 : i32 to index
        %swap3A_651 = arith.constant 16 : index
        %swap3A_652 = tpu.vector_load %arg13[%swap3A_650, %swap3A_651] {strides = array<i32>} : memref<80x64xf32, #tpu.memory_space<vmem>>, vector<16xf32>,
        tpu.vector_store %arg13[%swap3A_650, %swap3A_651], %max3A_649 {strides = array<i32>} : memref<80x64xf32, #tpu.memory_space<vmem>>, vector<16xf32>,
        %get3A_653 = arith.index_cast %add3A_626 : i32 to index
        %get3A_654 = arith.constant 32 : index
        %get3A_655 = tpu.vector_load %arg13[%get3A_653, %get3A_654] {strides = array<i32>} : memref<80x64xf32, #tpu.memory_space<vmem>>, vector<16xf32>,
        %get3A_656 = arith.index_cast %add3A_626 : i32 to index
        %get3A_657 = arith.constant 32 : index
        %get3A_658 = tpu.vector_load %arg10[%get3A_656, %get3A_657] {strides = array<i32>} : memref<80x64xf32, #tpu.memory_space<vmem>>, vector<16xf32>,
        %add3A_659 = arith.addf %get3A_655, %get3A_658 : vector<16xf32>
        %max3A_660 = arith.constant 0.000000e+00 : f32
        %max3A_661 = vector.broadcast %max3A_660 : f32 to vector<16xf32>
        %max3A_662 = arith.maximumf %add3A_659, %max3A_661 : vector<16xf32>
        %swap3A_663 = arith.index_cast %add3A_626 : i32 to index
        %swap3A_664 = arith.constant 32 : index
        %swap3A_665 = tpu.vector_load %arg13[%swap3A_663, %swap3A_664] {strides = array<i32>} : memref<80x64xf32, #tpu.memory_space<vmem>>, vector<16xf32>,
        tpu.vector_store %arg13[%swap3A_663, %swap3A_664], %max3A_662 {strides = array<i32>} : memref<80x64xf32, #tpu.memory_space<vmem>>, vector<16xf32>,
        %get3A_666 = arith.index_cast %add3A_626 : i32 to index
        %get3A_667 = arith.constant 48 : index
        %get3A_668 = tpu.vector_load %arg13[%get3A_666, %get3A_667] {strides = array<i32>} : memref<80x64xf32, #tpu.memory_space<vmem>>, vector<16xf32>,
        %get3A_669 = arith.index_cast %add3A_626 : i32 to index
        %get3A_670 = arith.constant 48 : index
        %get3A_671 = tpu.vector_load %arg10[%get3A_669, %get3A_670] {strides = array<i32>} : memref<80x64xf32, #tpu.memory_space<vmem>>, vector<16xf32>,
        %add3A_672 = arith.addf %get3A_668, %get3A_671 : vector<16xf32>
        %max3A_673 = arith.constant 0.000000e+00 : f32
        %max3A_674 = vector.broadcast %max3A_673 : f32 to vector<16xf32>
        %max3A_675 = arith.maximumf %add3A_672, %max3A_674 : vector<16xf32>
        %swap3A_676 = arith.index_cast %add3A_626 : i32 to index
        %swap3A_677 = arith.constant 48 : index
        %swap3A_678 = tpu.vector_load %arg13[%swap3A_676, %swap3A_677] {strides = array<i32>} : memref<80x64xf32, #tpu.memory_space<vmem>>, vector<16xf32>,
        tpu.vector_store %arg13[%swap3A_676, %swap3A_677], %max3A_675 {strides = array<i32>} : memref<80x64xf32, #tpu.memory_space<vmem>>, vector<16xf32>,
        %scan3A_679 = arith.constant 6 : i32
        %scan3A_680 = arith.addi %scan3A_334, %scan3A_679 : i32
        %mul3A_681 = arith.constant 1 : i32
        %mul3A_682 = arith.muli %scan3A_680, %mul3A_681 : i32
        %add3A_683 = arith.constant 0 : i32
        %add3A_684 = arith.addi %add3A_683, %mul3A_682 : i32
        %get3A_685 = arith.index_cast %add3A_684 : i32 to index
        %get3A_686 = arith.constant 0 : index
        %get3A_687 = tpu.vector_load %arg13[%get3A_685, %get3A_686] {strides = array<i32>} : memref<80x64xf32, #tpu.memory_space<vmem>>, vector<16xf32>,
        %get3A_688 = arith.index_cast %add3A_684 : i32 to index
        %get3A_689 = arith.constant 0 : index
        %get3A_690 = tpu.vector_load %arg10[%get3A_688, %get3A_689] {strides = array<i32>} : memref<80x64xf32, #tpu.memory_space<vmem>>, vector<16xf32>,
        %add3A_691 = arith.addf %get3A_687, %get3A_690 : vector<16xf32>
        %max3A_692 = arith.constant 0.000000e+00 : f32
        %max3A_693 = vector.broadcast %max3A_692 : f32 to vector<16xf32>
        %max3A_694 = arith.maximumf %add3A_691, %max3A_693 : vector<16xf32>
        %swap3A_695 = arith.index_cast %add3A_684 : i32 to index
        %swap3A_696 = arith.constant 0 : index
        %swap3A_697 = tpu.vector_load %arg13[%swap3A_695, %swap3A_696] {strides = array<i32>} : memref<80x64xf32, #tpu.memory_space<vmem>>, vector<16xf32>,
        tpu.vector_store %arg13[%swap3A_695, %swap3A_696], %max3A_694 {strides = array<i32>} : memref<80x64xf32, #tpu.memory_space<vmem>>, vector<16xf32>,
        %get3A_698 = arith.index_cast %add3A_684 : i32 to index
        %get3A_699 = arith.constant 16 : index
        %get3A_700 = tpu.vector_load %arg13[%get3A_698, %get3A_699] {strides = array<i32>} : memref<80x64xf32, #tpu.memory_space<vmem>>, vector<16xf32>,
        %get3A_701 = arith.index_cast %add3A_684 : i32 to index
        %get3A_702 = arith.constant 16 : index
        %get3A_703 = tpu.vector_load %arg10[%get3A_701, %get3A_702] {strides = array<i32>} : memref<80x64xf32, #tpu.memory_space<vmem>>, vector<16xf32>,
        %add3A_704 = arith.addf %get3A_700, %get3A_703 : vector<16xf32>
        %max3A_705 = arith.constant 0.000000e+00 : f32
        %max3A_706 = vector.broadcast %max3A_705 : f32 to vector<16xf32>
        %max3A_707 = arith.maximumf %add3A_704, %max3A_706 : vector<16xf32>
        %swap3A_708 = arith.index_cast %add3A_684 : i32 to index
        %swap3A_709 = arith.constant 16 : index
        %swap3A_710 = tpu.vector_load %arg13[%swap3A_708, %swap3A_709] {strides = array<i32>} : memref<80x64xf32, #tpu.memory_space<vmem>>, vector<16xf32>,
        tpu.vector_store %arg13[%swap3A_708, %swap3A_709], %max3A_707 {strides = array<i32>} : memref<80x64xf32, #tpu.memory_space<vmem>>, vector<16xf32>,
        %get3A_711 = arith.index_cast %add3A_684 : i32 to index
        %get3A_712 = arith.constant 32 : index
        %get3A_713 = tpu.vector_load %arg13[%get3A_711, %get3A_712] {strides = array<i32>} : memref<80x64xf32, #tpu.memory_space<vmem>>, vector<16xf32>,
        %get3A_714 = arith.index_cast %add3A_684 : i32 to index
        %get3A_715 = arith.constant 32 : index
        %get3A_716 = tpu.vector_load %arg10[%get3A_714, %get3A_715] {strides = array<i32>} : memref<80x64xf32, #tpu.memory_space<vmem>>, vector<16xf32>,
        %add3A_717 = arith.addf %get3A_713, %get3A_716 : vector<16xf32>
        %max3A_718 = arith.constant 0.000000e+00 : f32
        %max3A_719 = vector.broadcast %max3A_718 : f32 to vector<16xf32>
        %max3A_720 = arith.maximumf %add3A_717, %max3A_719 : vector<16xf32>
        %swap3A_721 = arith.index_cast %add3A_684 : i32 to index
        %swap3A_722 = arith.constant 32 : index
        %swap3A_723 = tpu.vector_load %arg13[%swap3A_721, %swap3A_722] {strides = array<i32>} : memref<80x64xf32, #tpu.memory_space<vmem>>, vector<16xf32>,
        tpu.vector_store %arg13[%swap3A_721, %swap3A_722], %max3A_720 {strides = array<i32>} : memref<80x64xf32, #tpu.memory_space<vmem>>, vector<16xf32>,
        %get3A_724 = arith.index_cast %add3A_684 : i32 to index
        %get3A_725 = arith.constant 48 : index
        %get3A_726 = tpu.vector_load %arg13[%get3A_724, %get3A_725] {strides = array<i32>} : memref<80x64xf32, #tpu.memory_space<vmem>>, vector<16xf32>,
        %get3A_727 = arith.index_cast %add3A_684 : i32 to index
        %get3A_728 = arith.constant 48 : index
        %get3A_729 = tpu.vector_load %arg10[%get3A_727, %get3A_728] {strides = array<i32>} : memref<80x64xf32, #tpu.memory_space<vmem>>, vector<16xf32>,
        %add3A_730 = arith.addf %get3A_726, %get3A_729 : vector<16xf32>
        %max3A_731 = arith.constant 0.000000e+00 : f32
        %max3A_732 = vector.broadcast %max3A_731 : f32 to vector<16xf32>
        %max3A_733 = arith.maximumf %add3A_730, %max3A_732 : vector<16xf32>
        %swap3A_734 = arith.index_cast %add3A_684 : i32 to index
        %swap3A_735 = arith.constant 48 : index
        %swap3A_736 = tpu.vector_load %arg13[%swap3A_734, %swap3A_735] {strides = array<i32>} : memref<80x64xf32, #tpu.memory_space<vmem>>, vector<16xf32>,
        tpu.vector_store %arg13[%swap3A_734, %swap3A_735], %max3A_733 {strides = array<i32>} : memref<80x64xf32, #tpu.memory_space<vmem>>, vector<16xf32>,
        %scan3A_737 = arith.constant 7 : i32
        %scan3A_738 = arith.addi %scan3A_334, %scan3A_737 : i32
        %mul3A_739 = arith.constant 1 : i32
        %mul3A_740 = arith.muli %scan3A_738, %mul3A_739 : i32
        %add3A_741 = arith.constant 0 : i32
        %add3A_742 = arith.addi %add3A_741, %mul3A_740 : i32
        %get3A_743 = arith.index_cast %add3A_742 : i32 to index
        %get3A_744 = arith.constant 0 : index
        %get3A_745 = tpu.vector_load %arg13[%get3A_743, %get3A_744] {strides = array<i32>} : memref<80x64xf32, #tpu.memory_space<vmem>>, vector<16xf32>,
        %get3A_746 = arith.index_cast %add3A_742 : i32 to index
        %get3A_747 = arith.constant 0 : index
        %get3A_748 = tpu.vector_load %arg10[%get3A_746, %get3A_747] {strides = array<i32>} : memref<80x64xf32, #tpu.memory_space<vmem>>, vector<16xf32>,
        %add3A_749 = arith.addf %get3A_745, %get3A_748 : vector<16xf32>
        %max3A_750 = arith.constant 0.000000e+00 : f32
        %max3A_751 = vector.broadcast %max3A_750 : f32 to vector<16xf32>
        %max3A_752 = arith.maximumf %add3A_749, %max3A_751 : vector<16xf32>
        %swap3A_753 = arith.index_cast %add3A_742 : i32 to index
        %swap3A_754 = arith.constant 0 : index
        %swap3A_755 = tpu.vector_load %arg13[%swap3A_753, %swap3A_754] {strides = array<i32>} : memref<80x64xf32, #tpu.memory_space<vmem>>, vector<16xf32>,
        tpu.vector_store %arg13[%swap3A_753, %swap3A_754], %max3A_752 {strides = array<i32>} : memref<80x64xf32, #tpu.memory_space<vmem>>, vector<16xf32>,
        %get3A_756 = arith.index_cast %add3A_742 : i32 to index
        %get3A_757 = arith.constant 16 : index
        %get3A_758 = tpu.vector_load %arg13[%get3A_756, %get3A_757] {strides = array<i32>} : memref<80x64xf32, #tpu.memory_space<vmem>>, vector<16xf32>,
        %get3A_759 = arith.index_cast %add3A_742 : i32 to index
        %get3A_760 = arith.constant 16 : index
        %get3A_761 = tpu.vector_load %arg10[%get3A_759, %get3A_760] {strides = array<i32>} : memref<80x64xf32, #tpu.memory_space<vmem>>, vector<16xf32>,
        %add3A_762 = arith.addf %get3A_758, %get3A_761 : vector<16xf32>
        %max3A_763 = arith.constant 0.000000e+00 : f32
        %max3A_764 = vector.broadcast %max3A_763 : f32 to vector<16xf32>
        %max3A_765 = arith.maximumf %add3A_762, %max3A_764 : vector<16xf32>
        %swap3A_766 = arith.index_cast %add3A_742 : i32 to index
        %swap3A_767 = arith.constant 16 : index
        %swap3A_768 = tpu.vector_load %arg13[%swap3A_766, %swap3A_767] {strides = array<i32>} : memref<80x64xf32, #tpu.memory_space<vmem>>, vector<16xf32>,
        tpu.vector_store %arg13[%swap3A_766, %swap3A_767], %max3A_765 {strides = array<i32>} : memref<80x64xf32, #tpu.memory_space<vmem>>, vector<16xf32>,
        %get3A_769 = arith.index_cast %add3A_742 : i32 to index
        %get3A_770 = arith.constant 32 : index
        %get3A_771 = tpu.vector_load %arg13[%get3A_769, %get3A_770] {strides = array<i32>} : memref<80x64xf32, #tpu.memory_space<vmem>>, vector<16xf32>,
        %get3A_772 = arith.index_cast %add3A_742 : i32 to index
        %get3A_773 = arith.constant 32 : index
        %get3A_774 = tpu.vector_load %arg10[%get3A_772, %get3A_773] {strides = array<i32>} : memref<80x64xf32, #tpu.memory_space<vmem>>, vector<16xf32>,
        %add3A_775 = arith.addf %get3A_771, %get3A_774 : vector<16xf32>
        %max3A_776 = arith.constant 0.000000e+00 : f32
        %max3A_777 = vector.broadcast %max3A_776 : f32 to vector<16xf32>
        %max3A_778 = arith.maximumf %add3A_775, %max3A_777 : vector<16xf32>
        %swap3A_779 = arith.index_cast %add3A_742 : i32 to index
        %swap3A_780 = arith.constant 32 : index
        %swap3A_781 = tpu.vector_load %arg13[%swap3A_779, %swap3A_780] {strides = array<i32>} : memref<80x64xf32, #tpu.memory_space<vmem>>, vector<16xf32>,
        tpu.vector_store %arg13[%swap3A_779, %swap3A_780], %max3A_778 {strides = array<i32>} : memref<80x64xf32, #tpu.memory_space<vmem>>, vector<16xf32>,
        %get3A_782 = arith.index_cast %add3A_742 : i32 to index
        %get3A_783 = arith.constant 48 : index
        %get3A_784 = tpu.vector_load %arg13[%get3A_782, %get3A_783] {strides = array<i32>} : memref<80x64xf32, #tpu.memory_space<vmem>>, vector<16xf32>,
        %get3A_785 = arith.index_cast %add3A_742 : i32 to index
        %get3A_786 = arith.constant 48 : index
        %get3A_787 = tpu.vector_load %arg10[%get3A_785, %get3A_786] {strides = array<i32>} : memref<80x64xf32, #tpu.memory_space<vmem>>, vector<16xf32>,
        %add3A_788 = arith.addf %get3A_784, %get3A_787 : vector<16xf32>
        %max3A_789 = arith.constant 0.000000e+00 : f32
        %max3A_790 = vector.broadcast %max3A_789 : f32 to vector<16xf32>
        %max3A_791 = arith.maximumf %add3A_788, %max3A_790 : vector<16xf32>
        %swap3A_792 = arith.index_cast %add3A_742 : i32 to index
        %swap3A_793 = arith.constant 48 : index
        %swap3A_794 = tpu.vector_load %arg13[%swap3A_792, %swap3A_793] {strides = array<i32>} : memref<80x64xf32, #tpu.memory_space<vmem>>, vector<16xf32>,
        tpu.vector_store %arg13[%swap3A_792, %swap3A_793], %max3A_791 {strides = array<i32>} : memref<80x64xf32, #tpu.memory_space<vmem>>, vector<16xf32>,
      }
      %scan3A_209 = arith.constant 80 : i32
      %run_scoped3A_210 = arith.constant 0 : i32
      "tpu.region"() ({
        %run_scoped3A_334 = tpu.sem_alloc : memref<!tpu.dma_semaphore, #tpu.memory_space<semaphore_mem>>
        %dma_start3A_335 = arith.constant 0 : i32
        %dma_start3A_336 = tpu.memref_slice %arg8[%run_scoped3A_210, %dma_start3A_335] : memref<2x80xi32, #tpu.memory_space<vmem>> -> memref<1x80xi32, #tpu.memory_space<vmem>>
        %dma_start3A_337 = tpu.memref_squeeze %dma_start3A_336 : memref<1x80xi32, #tpu.memory_space<vmem>> -> memref<80xi32, #tpu.memory_space<vmem>>
        %dma_start3A_338 = arith.constant 0 : i32
        %dma_start3A_339 = arith.constant 0 : i32
        %dma_start3A_340 = tpu.memref_slice %arg7[%dma_start3A_338, %dma_start3A_339] : memref<10240x64xf32, #tpu.memory_space<vmem_shared>> -> memref<10240x64xf32, #tpu.memory_space<vmem_shared>>
        tpu.enqueue_indirect_dma source(%arg13 : memref<80x64xf32, #tpu.memory_space<vmem>>) target(%dma_start3A_340 : memref<10240x64xf32, #tpu.memory_space<vmem_shared>>) offsets(%dma_start3A_337 : memref<80xi32, #tpu.memory_space<vmem>>) semaphore(%run_scoped3A_334 : memref<!tpu.dma_semaphore, #tpu.memory_space<semaphore_mem>>) {add = true}
        %dma_wait3A_341 = arith.constant 0 : i32
        %dma_wait3A_342 = tpu.memref_slice %arg8[%run_scoped3A_210, %dma_wait3A_341] : memref<2x80xi32, #tpu.memory_space<vmem>> -> memref<1x80xi32, #tpu.memory_space<vmem>>
        %dma_wait3A_343 = tpu.memref_squeeze %dma_wait3A_342 : memref<1x80xi32, #tpu.memory_space<vmem>> -> memref<80xi32, #tpu.memory_space<vmem>>
        %dma_wait3A_344 = arith.constant 0 : i32
        %dma_wait3A_345 = arith.constant 0 : i32
        %dma_wait3A_346 = tpu.memref_slice %arg7[%dma_wait3A_344, %dma_wait3A_345] : memref<10240x64xf32, #tpu.memory_space<vmem_shared>> -> memref<10240x64xf32, #tpu.memory_space<vmem_shared>>
        tpu.wait_indirect_dma semaphore(%run_scoped3A_334 : memref<!tpu.dma_semaphore, #tpu.memory_space<semaphore_mem>>) src(%arg13 : memref<80x64xf32, #tpu.memory_space<vmem>>) dst(%dma_wait3A_346 : memref<10240x64xf32, #tpu.memory_space<vmem_shared>>)
        tpu.yield
      }) : () -> ()
      %get3A_211 = arith.constant 0 : i32
      %get3A_212 = arith.index_cast %get3A_211 : i32 to index
      %get3A_213 = arith.constant 0 : index
      %get3A_214 = tpu.vector_load %arg8[%get3A_212, %get3A_213] {strides = array<i32>} : memref<2x80xi32, #tpu.memory_space<vmem>>, vector<16xi32>,
      tpu.vector_store_idx %arg17[%get3A_214], %broadcast_in_dim3A_5 {add = true} : memref<10240xf32, #tpu.memory_space<vmem>>[vector<16xi32>], vector<16xf32>,
      %get3A_215 = arith.constant 0 : i32
      %get3A_216 = arith.index_cast %get3A_215 : i32 to index
      %get3A_217 = arith.constant 16 : index
      %get3A_218 = tpu.vector_load %arg8[%get3A_216, %get3A_217] {strides = array<i32>} : memref<2x80xi32, #tpu.memory_space<vmem>>, vector<16xi32>,
      tpu.vector_store_idx %arg17[%get3A_218], %broadcast_in_dim3A_5 {add = true} : memref<10240xf32, #tpu.memory_space<vmem>>[vector<16xi32>], vector<16xf32>,
      %get3A_219 = arith.constant 0 : i32
      %get3A_220 = arith.index_cast %get3A_219 : i32 to index
      %get3A_221 = arith.constant 32 : index
      %get3A_222 = tpu.vector_load %arg8[%get3A_220, %get3A_221] {strides = array<i32>} : memref<2x80xi32, #tpu.memory_space<vmem>>, vector<16xi32>,
      tpu.vector_store_idx %arg17[%get3A_222], %broadcast_in_dim3A_5 {add = true} : memref<10240xf32, #tpu.memory_space<vmem>>[vector<16xi32>], vector<16xf32>,
      %get3A_223 = arith.constant 0 : i32
      %get3A_224 = arith.index_cast %get3A_223 : i32 to index
      %get3A_225 = arith.constant 48 : index
      %get3A_226 = tpu.vector_load %arg8[%get3A_224, %get3A_225] {strides = array<i32>} : memref<2x80xi32, #tpu.memory_space<vmem>>, vector<16xi32>,
      tpu.vector_store_idx %arg17[%get3A_226], %broadcast_in_dim3A_5 {add = true} : memref<10240xf32, #tpu.memory_space<vmem>>[vector<16xi32>], vector<16xf32>,
      %get3A_227 = arith.constant 0 : i32
      %get3A_228 = arith.index_cast %get3A_227 : i32 to index
      %get3A_229 = arith.constant 64 : index
      %get3A_230 = tpu.vector_load %arg8[%get3A_228, %get3A_229] {strides = array<i32>} : memref<2x80xi32, #tpu.memory_space<vmem>>, vector<16xi32>,
      tpu.vector_store_idx %arg17[%get3A_230], %broadcast_in_dim3A_5 {add = true} : memref<10240xf32, #tpu.memory_space<vmem>>[vector<16xi32>], vector<16xf32>,
      %add3A_231 = arith.constant 2 : i32
      %add3A_232 = arith.addi %mul3A_106, %add3A_231 : i32
      %min3A = arith.constant 125 : i32
      %min3A_233 = arith.minsi %add3A_232, %min3A : i32
      %add3A_234 = arith.addi %mul3A_4, %min3A_233 : i32
      %dma_start3A_235 = arith.constant 0 : i32
      %dma_start3A_236 = arith.constant 0 : i32
      %dma_start3A_237 = tpu.memref_slice %arg4[%add3A_234, %dma_start3A_235, %dma_start3A_236] : memref<4032x2x80xi32, #tpu.memory_space<hbm>> -> memref<1x2x80xi32, #tpu.memory_space<hbm>>
      %dma_start3A_238 = tpu.memref_squeeze %dma_start3A_237 : memref<1x2x80xi32, #tpu.memory_space<hbm>> -> memref<2x80xi32, #tpu.memory_space<hbm>>
      %dma_start3A_239 = arith.constant 0 : i32
      %dma_start3A_240 = arith.constant 0 : i32
      %dma_start3A_241 = tpu.memref_slice %arg4[%add3A_234, %dma_start3A_239, %dma_start3A_240] : memref<4032x2x80xi32, #tpu.memory_space<hbm>> -> memref<1x2x80xi32, #tpu.memory_space<hbm>>
      %dma_start3A_242 = tpu.memref_squeeze %dma_start3A_241 : memref<1x2x80xi32, #tpu.memory_space<hbm>> -> memref<2x80xi32, #tpu.memory_space<hbm>>
      tpu.enqueue_dma source(%dma_start3A_242 : memref<2x80xi32, #tpu.memory_space<hbm>>) target(%arg8 : memref<2x80xi32, #tpu.memory_space<vmem>>) target_semaphore(%arg18 : memref<!tpu.dma_semaphore, #tpu.memory_space<semaphore_mem>>)
      %mul3A_243 = arith.constant 80 : i32
      %mul3A_244 = arith.muli %add3A_234, %mul3A_243 : i32
      %dma_start3A_245 = arith.constant 0 : i32
      %dma_start3A_246 = tpu.memref_slice %arg2[%mul3A_244, %dma_start3A_245] : memref<322560x64xf32, #tpu.memory_space<hbm>> -> memref<80x64xf32, #tpu.memory_space<hbm>>
      %dma_start3A_247 = arith.constant 0 : i32
      %dma_start3A_248 = tpu.memref_slice %arg2[%mul3A_244, %dma_start3A_247] : memref<322560x64xf32, #tpu.memory_space<hbm>> -> memref<80x64xf32, #tpu.memory_space<hbm>>
      tpu.enqueue_dma source(%dma_start3A_248 : memref<80x64xf32, #tpu.memory_space<hbm>>) target(%arg10 : memref<80x64xf32, #tpu.memory_space<vmem>>) target_semaphore(%arg19 : memref<!tpu.dma_semaphore, #tpu.memory_space<semaphore_mem>>)
      %dma_wait3A_249 = arith.constant 0 : i32
      %dma_wait3A_250 = arith.constant 0 : i32
      %dma_wait3A_251 = tpu.memref_slice %arg9[%dma_wait3A_249, %dma_wait3A_250] : memref<2x80xi32, #tpu.memory_space<vmem>> -> memref<1x80xi32, #tpu.memory_space<vmem>>
      %dma_wait3A_252 = tpu.memref_squeeze %dma_wait3A_251 : memref<1x80xi32, #tpu.memory_space<vmem>> -> memref<80xi32, #tpu.memory_space<vmem>>
      %dma_wait3A_253 = arith.constant 0 : i32
      %dma_wait3A_254 = arith.constant 0 : i32
      %dma_wait3A_255 = tpu.memref_slice %arg3[%dma_wait3A_253, %dma_wait3A_254] : memref<10240x64xf32, #tpu.memory_space<hbm>> -> memref<10240x64xf32, #tpu.memory_space<hbm>>
      tpu.wait_indirect_dma semaphore(%arg24 : memref<!tpu.dma_semaphore, #tpu.memory_space<semaphore_mem>>) src(%dma_wait3A_255 : memref<10240x64xf32, #tpu.memory_space<hbm>>) dst(%arg14 : memref<80x64xf32, #tpu.memory_space<vmem>>)
      %scan3A_256 = arith.constant 0 : i32
      %scan3A_257 = arith.constant 80 : i32
      %scan3A_258 = arith.addi %scan3A_256, %scan3A_257 : i32
      %scan3A_259 = arith.constant 8 : i32
      scf.for %scan3A_334 = %scan3A_256 to %scan3A_258 step %scan3A_259  : i32 {
        %mul3A_335 = arith.constant 1 : i32
        %mul3A_336 = arith.muli %scan3A_334, %mul3A_335 : i32
        %add3A_337 = arith.constant 0 : i32
        %add3A_338 = arith.addi %add3A_337, %mul3A_336 : i32
        %get3A_339 = arith.index_cast %add3A_338 : i32 to index
        %get3A_340 = arith.constant 0 : index
        %get3A_341 = tpu.vector_load %arg14[%get3A_339, %get3A_340] {strides = array<i32>} : memref<80x64xf32, #tpu.memory_space<vmem>>, vector<16xf32>,
        %get3A_342 = arith.index_cast %add3A_338 : i32 to index
        %get3A_343 = arith.constant 0 : index
        %get3A_344 = tpu.vector_load %arg11[%get3A_342, %get3A_343] {strides = array<i32>} : memref<80x64xf32, #tpu.memory_space<vmem>>, vector<16xf32>,
        %add3A_345 = arith.addf %get3A_341, %get3A_344 : vector<16xf32>
        %max3A = arith.constant 0.000000e+00 : f32
        %max3A_346 = vector.broadcast %max3A : f32 to vector<16xf32>
        %max3A_347 = arith.maximumf %add3A_345, %max3A_346 : vector<16xf32>
        %swap3A = arith.index_cast %add3A_338 : i32 to index
        %swap3A_348 = arith.constant 0 : index
        %swap3A_349 = tpu.vector_load %arg14[%swap3A, %swap3A_348] {strides = array<i32>} : memref<80x64xf32, #tpu.memory_space<vmem>>, vector<16xf32>,
        tpu.vector_store %arg14[%swap3A, %swap3A_348], %max3A_347 {strides = array<i32>} : memref<80x64xf32, #tpu.memory_space<vmem>>, vector<16xf32>,
        %get3A_350 = arith.index_cast %add3A_338 : i32 to index
        %get3A_351 = arith.constant 16 : index
        %get3A_352 = tpu.vector_load %arg14[%get3A_350, %get3A_351] {strides = array<i32>} : memref<80x64xf32, #tpu.memory_space<vmem>>, vector<16xf32>,
        %get3A_353 = arith.index_cast %add3A_338 : i32 to index
        %get3A_354 = arith.constant 16 : index
        %get3A_355 = tpu.vector_load %arg11[%get3A_353, %get3A_354] {strides = array<i32>} : memref<80x64xf32, #tpu.memory_space<vmem>>, vector<16xf32>,
        %add3A_356 = arith.addf %get3A_352, %get3A_355 : vector<16xf32>
        %max3A_357 = arith.constant 0.000000e+00 : f32
        %max3A_358 = vector.broadcast %max3A_357 : f32 to vector<16xf32>
        %max3A_359 = arith.maximumf %add3A_356, %max3A_358 : vector<16xf32>
        %swap3A_360 = arith.index_cast %add3A_338 : i32 to index
        %swap3A_361 = arith.constant 16 : index
        %swap3A_362 = tpu.vector_load %arg14[%swap3A_360, %swap3A_361] {strides = array<i32>} : memref<80x64xf32, #tpu.memory_space<vmem>>, vector<16xf32>,
        tpu.vector_store %arg14[%swap3A_360, %swap3A_361], %max3A_359 {strides = array<i32>} : memref<80x64xf32, #tpu.memory_space<vmem>>, vector<16xf32>,
        %get3A_363 = arith.index_cast %add3A_338 : i32 to index
        %get3A_364 = arith.constant 32 : index
        %get3A_365 = tpu.vector_load %arg14[%get3A_363, %get3A_364] {strides = array<i32>} : memref<80x64xf32, #tpu.memory_space<vmem>>, vector<16xf32>,
        %get3A_366 = arith.index_cast %add3A_338 : i32 to index
        %get3A_367 = arith.constant 32 : index
        %get3A_368 = tpu.vector_load %arg11[%get3A_366, %get3A_367] {strides = array<i32>} : memref<80x64xf32, #tpu.memory_space<vmem>>, vector<16xf32>,
        %add3A_369 = arith.addf %get3A_365, %get3A_368 : vector<16xf32>
        %max3A_370 = arith.constant 0.000000e+00 : f32
        %max3A_371 = vector.broadcast %max3A_370 : f32 to vector<16xf32>
        %max3A_372 = arith.maximumf %add3A_369, %max3A_371 : vector<16xf32>
        %swap3A_373 = arith.index_cast %add3A_338 : i32 to index
        %swap3A_374 = arith.constant 32 : index
        %swap3A_375 = tpu.vector_load %arg14[%swap3A_373, %swap3A_374] {strides = array<i32>} : memref<80x64xf32, #tpu.memory_space<vmem>>, vector<16xf32>,
        tpu.vector_store %arg14[%swap3A_373, %swap3A_374], %max3A_372 {strides = array<i32>} : memref<80x64xf32, #tpu.memory_space<vmem>>, vector<16xf32>,
        %get3A_376 = arith.index_cast %add3A_338 : i32 to index
        %get3A_377 = arith.constant 48 : index
        %get3A_378 = tpu.vector_load %arg14[%get3A_376, %get3A_377] {strides = array<i32>} : memref<80x64xf32, #tpu.memory_space<vmem>>, vector<16xf32>,
        %get3A_379 = arith.index_cast %add3A_338 : i32 to index
        %get3A_380 = arith.constant 48 : index
        %get3A_381 = tpu.vector_load %arg11[%get3A_379, %get3A_380] {strides = array<i32>} : memref<80x64xf32, #tpu.memory_space<vmem>>, vector<16xf32>,
        %add3A_382 = arith.addf %get3A_378, %get3A_381 : vector<16xf32>
        %max3A_383 = arith.constant 0.000000e+00 : f32
        %max3A_384 = vector.broadcast %max3A_383 : f32 to vector<16xf32>
        %max3A_385 = arith.maximumf %add3A_382, %max3A_384 : vector<16xf32>
        %swap3A_386 = arith.index_cast %add3A_338 : i32 to index
        %swap3A_387 = arith.constant 48 : index
        %swap3A_388 = tpu.vector_load %arg14[%swap3A_386, %swap3A_387] {strides = array<i32>} : memref<80x64xf32, #tpu.memory_space<vmem>>, vector<16xf32>,
        tpu.vector_store %arg14[%swap3A_386, %swap3A_387], %max3A_385 {strides = array<i32>} : memref<80x64xf32, #tpu.memory_space<vmem>>, vector<16xf32>,
        %scan3A_389 = arith.constant 1 : i32
        %scan3A_390 = arith.addi %scan3A_334, %scan3A_389 : i32
        %mul3A_391 = arith.constant 1 : i32
        %mul3A_392 = arith.muli %scan3A_390, %mul3A_391 : i32
        %add3A_393 = arith.constant 0 : i32
        %add3A_394 = arith.addi %add3A_393, %mul3A_392 : i32
        %get3A_395 = arith.index_cast %add3A_394 : i32 to index
        %get3A_396 = arith.constant 0 : index
        %get3A_397 = tpu.vector_load %arg14[%get3A_395, %get3A_396] {strides = array<i32>} : memref<80x64xf32, #tpu.memory_space<vmem>>, vector<16xf32>,
        %get3A_398 = arith.index_cast %add3A_394 : i32 to index
        %get3A_399 = arith.constant 0 : index
        %get3A_400 = tpu.vector_load %arg11[%get3A_398, %get3A_399] {strides = array<i32>} : memref<80x64xf32, #tpu.memory_space<vmem>>, vector<16xf32>,
        %add3A_401 = arith.addf %get3A_397, %get3A_400 : vector<16xf32>
        %max3A_402 = arith.constant 0.000000e+00 : f32
        %max3A_403 = vector.broadcast %max3A_402 : f32 to vector<16xf32>
        %max3A_404 = arith.maximumf %add3A_401, %max3A_403 : vector<16xf32>
        %swap3A_405 = arith.index_cast %add3A_394 : i32 to index
        %swap3A_406 = arith.constant 0 : index
        %swap3A_407 = tpu.vector_load %arg14[%swap3A_405, %swap3A_406] {strides = array<i32>} : memref<80x64xf32, #tpu.memory_space<vmem>>, vector<16xf32>,
        tpu.vector_store %arg14[%swap3A_405, %swap3A_406], %max3A_404 {strides = array<i32>} : memref<80x64xf32, #tpu.memory_space<vmem>>, vector<16xf32>,
        %get3A_408 = arith.index_cast %add3A_394 : i32 to index
        %get3A_409 = arith.constant 16 : index
        %get3A_410 = tpu.vector_load %arg14[%get3A_408, %get3A_409] {strides = array<i32>} : memref<80x64xf32, #tpu.memory_space<vmem>>, vector<16xf32>,
        %get3A_411 = arith.index_cast %add3A_394 : i32 to index
        %get3A_412 = arith.constant 16 : index
        %get3A_413 = tpu.vector_load %arg11[%get3A_411, %get3A_412] {strides = array<i32>} : memref<80x64xf32, #tpu.memory_space<vmem>>, vector<16xf32>,
        %add3A_414 = arith.addf %get3A_410, %get3A_413 : vector<16xf32>
        %max3A_415 = arith.constant 0.000000e+00 : f32
        %max3A_416 = vector.broadcast %max3A_415 : f32 to vector<16xf32>
        %max3A_417 = arith.maximumf %add3A_414, %max3A_416 : vector<16xf32>
        %swap3A_418 = arith.index_cast %add3A_394 : i32 to index
        %swap3A_419 = arith.constant 16 : index
        %swap3A_420 = tpu.vector_load %arg14[%swap3A_418, %swap3A_419] {strides = array<i32>} : memref<80x64xf32, #tpu.memory_space<vmem>>, vector<16xf32>,
        tpu.vector_store %arg14[%swap3A_418, %swap3A_419], %max3A_417 {strides = array<i32>} : memref<80x64xf32, #tpu.memory_space<vmem>>, vector<16xf32>,
        %get3A_421 = arith.index_cast %add3A_394 : i32 to index
        %get3A_422 = arith.constant 32 : index
        %get3A_423 = tpu.vector_load %arg14[%get3A_421, %get3A_422] {strides = array<i32>} : memref<80x64xf32, #tpu.memory_space<vmem>>, vector<16xf32>,
        %get3A_424 = arith.index_cast %add3A_394 : i32 to index
        %get3A_425 = arith.constant 32 : index
        %get3A_426 = tpu.vector_load %arg11[%get3A_424, %get3A_425] {strides = array<i32>} : memref<80x64xf32, #tpu.memory_space<vmem>>, vector<16xf32>,
        %add3A_427 = arith.addf %get3A_423, %get3A_426 : vector<16xf32>
        %max3A_428 = arith.constant 0.000000e+00 : f32
        %max3A_429 = vector.broadcast %max3A_428 : f32 to vector<16xf32>
        %max3A_430 = arith.maximumf %add3A_427, %max3A_429 : vector<16xf32>
        %swap3A_431 = arith.index_cast %add3A_394 : i32 to index
        %swap3A_432 = arith.constant 32 : index
        %swap3A_433 = tpu.vector_load %arg14[%swap3A_431, %swap3A_432] {strides = array<i32>} : memref<80x64xf32, #tpu.memory_space<vmem>>, vector<16xf32>,
        tpu.vector_store %arg14[%swap3A_431, %swap3A_432], %max3A_430 {strides = array<i32>} : memref<80x64xf32, #tpu.memory_space<vmem>>, vector<16xf32>,
        %get3A_434 = arith.index_cast %add3A_394 : i32 to index
        %get3A_435 = arith.constant 48 : index
        %get3A_436 = tpu.vector_load %arg14[%get3A_434, %get3A_435] {strides = array<i32>} : memref<80x64xf32, #tpu.memory_space<vmem>>, vector<16xf32>,
        %get3A_437 = arith.index_cast %add3A_394 : i32 to index
        %get3A_438 = arith.constant 48 : index
        %get3A_439 = tpu.vector_load %arg11[%get3A_437, %get3A_438] {strides = array<i32>} : memref<80x64xf32, #tpu.memory_space<vmem>>, vector<16xf32>,
        %add3A_440 = arith.addf %get3A_436, %get3A_439 : vector<16xf32>
        %max3A_441 = arith.constant 0.000000e+00 : f32
        %max3A_442 = vector.broadcast %max3A_441 : f32 to vector<16xf32>
        %max3A_443 = arith.maximumf %add3A_440, %max3A_442 : vector<16xf32>
        %swap3A_444 = arith.index_cast %add3A_394 : i32 to index
        %swap3A_445 = arith.constant 48 : index
        %swap3A_446 = tpu.vector_load %arg14[%swap3A_444, %swap3A_445] {strides = array<i32>} : memref<80x64xf32, #tpu.memory_space<vmem>>, vector<16xf32>,
        tpu.vector_store %arg14[%swap3A_444, %swap3A_445], %max3A_443 {strides = array<i32>} : memref<80x64xf32, #tpu.memory_space<vmem>>, vector<16xf32>,
        %scan3A_447 = arith.constant 2 : i32
        %scan3A_448 = arith.addi %scan3A_334, %scan3A_447 : i32
        %mul3A_449 = arith.constant 1 : i32
        %mul3A_450 = arith.muli %scan3A_448, %mul3A_449 : i32
        %add3A_451 = arith.constant 0 : i32
        %add3A_452 = arith.addi %add3A_451, %mul3A_450 : i32
        %get3A_453 = arith.index_cast %add3A_452 : i32 to index
        %get3A_454 = arith.constant 0 : index
        %get3A_455 = tpu.vector_load %arg14[%get3A_453, %get3A_454] {strides = array<i32>} : memref<80x64xf32, #tpu.memory_space<vmem>>, vector<16xf32>,
        %get3A_456 = arith.index_cast %add3A_452 : i32 to index
        %get3A_457 = arith.constant 0 : index
        %get3A_458 = tpu.vector_load %arg11[%get3A_456, %get3A_457] {strides = array<i32>} : memref<80x64xf32, #tpu.memory_space<vmem>>, vector<16xf32>,
        %add3A_459 = arith.addf %get3A_455, %get3A_458 : vector<16xf32>
        %max3A_460 = arith.constant 0.000000e+00 : f32
        %max3A_461 = vector.broadcast %max3A_460 : f32 to vector<16xf32>
        %max3A_462 = arith.maximumf %add3A_459, %max3A_461 : vector<16xf32>
        %swap3A_463 = arith.index_cast %add3A_452 : i32 to index
        %swap3A_464 = arith.constant 0 : index
        %swap3A_465 = tpu.vector_load %arg14[%swap3A_463, %swap3A_464] {strides = array<i32>} : memref<80x64xf32, #tpu.memory_space<vmem>>, vector<16xf32>,
        tpu.vector_store %arg14[%swap3A_463, %swap3A_464], %max3A_462 {strides = array<i32>} : memref<80x64xf32, #tpu.memory_space<vmem>>, vector<16xf32>,
        %get3A_466 = arith.index_cast %add3A_452 : i32 to index
        %get3A_467 = arith.constant 16 : index
        %get3A_468 = tpu.vector_load %arg14[%get3A_466, %get3A_467] {strides = array<i32>} : memref<80x64xf32, #tpu.memory_space<vmem>>, vector<16xf32>,
        %get3A_469 = arith.index_cast %add3A_452 : i32 to index
        %get3A_470 = arith.constant 16 : index
        %get3A_471 = tpu.vector_load %arg11[%get3A_469, %get3A_470] {strides = array<i32>} : memref<80x64xf32, #tpu.memory_space<vmem>>, vector<16xf32>,
        %add3A_472 = arith.addf %get3A_468, %get3A_471 : vector<16xf32>
        %max3A_473 = arith.constant 0.000000e+00 : f32
        %max3A_474 = vector.broadcast %max3A_473 : f32 to vector<16xf32>
        %max3A_475 = arith.maximumf %add3A_472, %max3A_474 : vector<16xf32>
        %swap3A_476 = arith.index_cast %add3A_452 : i32 to index
        %swap3A_477 = arith.constant 16 : index
        %swap3A_478 = tpu.vector_load %arg14[%swap3A_476, %swap3A_477] {strides = array<i32>} : memref<80x64xf32, #tpu.memory_space<vmem>>, vector<16xf32>,
        tpu.vector_store %arg14[%swap3A_476, %swap3A_477], %max3A_475 {strides = array<i32>} : memref<80x64xf32, #tpu.memory_space<vmem>>, vector<16xf32>,
        %get3A_479 = arith.index_cast %add3A_452 : i32 to index
        %get3A_480 = arith.constant 32 : index
        %get3A_481 = tpu.vector_load %arg14[%get3A_479, %get3A_480] {strides = array<i32>} : memref<80x64xf32, #tpu.memory_space<vmem>>, vector<16xf32>,
        %get3A_482 = arith.index_cast %add3A_452 : i32 to index
        %get3A_483 = arith.constant 32 : index
        %get3A_484 = tpu.vector_load %arg11[%get3A_482, %get3A_483] {strides = array<i32>} : memref<80x64xf32, #tpu.memory_space<vmem>>, vector<16xf32>,
        %add3A_485 = arith.addf %get3A_481, %get3A_484 : vector<16xf32>
        %max3A_486 = arith.constant 0.000000e+00 : f32
        %max3A_487 = vector.broadcast %max3A_486 : f32 to vector<16xf32>
        %max3A_488 = arith.maximumf %add3A_485, %max3A_487 : vector<16xf32>
        %swap3A_489 = arith.index_cast %add3A_452 : i32 to index
        %swap3A_490 = arith.constant 32 : index
        %swap3A_491 = tpu.vector_load %arg14[%swap3A_489, %swap3A_490] {strides = array<i32>} : memref<80x64xf32, #tpu.memory_space<vmem>>, vector<16xf32>,
        tpu.vector_store %arg14[%swap3A_489, %swap3A_490], %max3A_488 {strides = array<i32>} : memref<80x64xf32, #tpu.memory_space<vmem>>, vector<16xf32>,
        %get3A_492 = arith.index_cast %add3A_452 : i32 to index
        %get3A_493 = arith.constant 48 : index
        %get3A_494 = tpu.vector_load %arg14[%get3A_492, %get3A_493] {strides = array<i32>} : memref<80x64xf32, #tpu.memory_space<vmem>>, vector<16xf32>,
        %get3A_495 = arith.index_cast %add3A_452 : i32 to index
        %get3A_496 = arith.constant 48 : index
        %get3A_497 = tpu.vector_load %arg11[%get3A_495, %get3A_496] {strides = array<i32>} : memref<80x64xf32, #tpu.memory_space<vmem>>, vector<16xf32>,
        %add3A_498 = arith.addf %get3A_494, %get3A_497 : vector<16xf32>
        %max3A_499 = arith.constant 0.000000e+00 : f32
        %max3A_500 = vector.broadcast %max3A_499 : f32 to vector<16xf32>
        %max3A_501 = arith.maximumf %add3A_498, %max3A_500 : vector<16xf32>
        %swap3A_502 = arith.index_cast %add3A_452 : i32 to index
        %swap3A_503 = arith.constant 48 : index
        %swap3A_504 = tpu.vector_load %arg14[%swap3A_502, %swap3A_503] {strides = array<i32>} : memref<80x64xf32, #tpu.memory_space<vmem>>, vector<16xf32>,
        tpu.vector_store %arg14[%swap3A_502, %swap3A_503], %max3A_501 {strides = array<i32>} : memref<80x64xf32, #tpu.memory_space<vmem>>, vector<16xf32>,
        %scan3A_505 = arith.constant 3 : i32
        %scan3A_506 = arith.addi %scan3A_334, %scan3A_505 : i32
        %mul3A_507 = arith.constant 1 : i32
        %mul3A_508 = arith.muli %scan3A_506, %mul3A_507 : i32
        %add3A_509 = arith.constant 0 : i32
        %add3A_510 = arith.addi %add3A_509, %mul3A_508 : i32
        %get3A_511 = arith.index_cast %add3A_510 : i32 to index
        %get3A_512 = arith.constant 0 : index
        %get3A_513 = tpu.vector_load %arg14[%get3A_511, %get3A_512] {strides = array<i32>} : memref<80x64xf32, #tpu.memory_space<vmem>>, vector<16xf32>,
        %get3A_514 = arith.index_cast %add3A_510 : i32 to index
        %get3A_515 = arith.constant 0 : index
        %get3A_516 = tpu.vector_load %arg11[%get3A_514, %get3A_515] {strides = array<i32>} : memref<80x64xf32, #tpu.memory_space<vmem>>, vector<16xf32>,
        %add3A_517 = arith.addf %get3A_513, %get3A_516 : vector<16xf32>
        %max3A_518 = arith.constant 0.000000e+00 : f32
        %max3A_519 = vector.broadcast %max3A_518 : f32 to vector<16xf32>
        %max3A_520 = arith.maximumf %add3A_517, %max3A_519 : vector<16xf32>
        %swap3A_521 = arith.index_cast %add3A_510 : i32 to index
        %swap3A_522 = arith.constant 0 : index
        %swap3A_523 = tpu.vector_load %arg14[%swap3A_521, %swap3A_522] {strides = array<i32>} : memref<80x64xf32, #tpu.memory_space<vmem>>, vector<16xf32>,
        tpu.vector_store %arg14[%swap3A_521, %swap3A_522], %max3A_520 {strides = array<i32>} : memref<80x64xf32, #tpu.memory_space<vmem>>, vector<16xf32>,
        %get3A_524 = arith.index_cast %add3A_510 : i32 to index
        %get3A_525 = arith.constant 16 : index
        %get3A_526 = tpu.vector_load %arg14[%get3A_524, %get3A_525] {strides = array<i32>} : memref<80x64xf32, #tpu.memory_space<vmem>>, vector<16xf32>,
        %get3A_527 = arith.index_cast %add3A_510 : i32 to index
        %get3A_528 = arith.constant 16 : index
        %get3A_529 = tpu.vector_load %arg11[%get3A_527, %get3A_528] {strides = array<i32>} : memref<80x64xf32, #tpu.memory_space<vmem>>, vector<16xf32>,
        %add3A_530 = arith.addf %get3A_526, %get3A_529 : vector<16xf32>
        %max3A_531 = arith.constant 0.000000e+00 : f32
        %max3A_532 = vector.broadcast %max3A_531 : f32 to vector<16xf32>
        %max3A_533 = arith.maximumf %add3A_530, %max3A_532 : vector<16xf32>
        %swap3A_534 = arith.index_cast %add3A_510 : i32 to index
        %swap3A_535 = arith.constant 16 : index
        %swap3A_536 = tpu.vector_load %arg14[%swap3A_534, %swap3A_535] {strides = array<i32>} : memref<80x64xf32, #tpu.memory_space<vmem>>, vector<16xf32>,
        tpu.vector_store %arg14[%swap3A_534, %swap3A_535], %max3A_533 {strides = array<i32>} : memref<80x64xf32, #tpu.memory_space<vmem>>, vector<16xf32>,
        %get3A_537 = arith.index_cast %add3A_510 : i32 to index
        %get3A_538 = arith.constant 32 : index
        %get3A_539 = tpu.vector_load %arg14[%get3A_537, %get3A_538] {strides = array<i32>} : memref<80x64xf32, #tpu.memory_space<vmem>>, vector<16xf32>,
        %get3A_540 = arith.index_cast %add3A_510 : i32 to index
        %get3A_541 = arith.constant 32 : index
        %get3A_542 = tpu.vector_load %arg11[%get3A_540, %get3A_541] {strides = array<i32>} : memref<80x64xf32, #tpu.memory_space<vmem>>, vector<16xf32>,
        %add3A_543 = arith.addf %get3A_539, %get3A_542 : vector<16xf32>
        %max3A_544 = arith.constant 0.000000e+00 : f32
        %max3A_545 = vector.broadcast %max3A_544 : f32 to vector<16xf32>
        %max3A_546 = arith.maximumf %add3A_543, %max3A_545 : vector<16xf32>
        %swap3A_547 = arith.index_cast %add3A_510 : i32 to index
        %swap3A_548 = arith.constant 32 : index
        %swap3A_549 = tpu.vector_load %arg14[%swap3A_547, %swap3A_548] {strides = array<i32>} : memref<80x64xf32, #tpu.memory_space<vmem>>, vector<16xf32>,
        tpu.vector_store %arg14[%swap3A_547, %swap3A_548], %max3A_546 {strides = array<i32>} : memref<80x64xf32, #tpu.memory_space<vmem>>, vector<16xf32>,
        %get3A_550 = arith.index_cast %add3A_510 : i32 to index
        %get3A_551 = arith.constant 48 : index
        %get3A_552 = tpu.vector_load %arg14[%get3A_550, %get3A_551] {strides = array<i32>} : memref<80x64xf32, #tpu.memory_space<vmem>>, vector<16xf32>,
        %get3A_553 = arith.index_cast %add3A_510 : i32 to index
        %get3A_554 = arith.constant 48 : index
        %get3A_555 = tpu.vector_load %arg11[%get3A_553, %get3A_554] {strides = array<i32>} : memref<80x64xf32, #tpu.memory_space<vmem>>, vector<16xf32>,
        %add3A_556 = arith.addf %get3A_552, %get3A_555 : vector<16xf32>
        %max3A_557 = arith.constant 0.000000e+00 : f32
        %max3A_558 = vector.broadcast %max3A_557 : f32 to vector<16xf32>
        %max3A_559 = arith.maximumf %add3A_556, %max3A_558 : vector<16xf32>
        %swap3A_560 = arith.index_cast %add3A_510 : i32 to index
        %swap3A_561 = arith.constant 48 : index
        %swap3A_562 = tpu.vector_load %arg14[%swap3A_560, %swap3A_561] {strides = array<i32>} : memref<80x64xf32, #tpu.memory_space<vmem>>, vector<16xf32>,
        tpu.vector_store %arg14[%swap3A_560, %swap3A_561], %max3A_559 {strides = array<i32>} : memref<80x64xf32, #tpu.memory_space<vmem>>, vector<16xf32>,
        %scan3A_563 = arith.constant 4 : i32
        %scan3A_564 = arith.addi %scan3A_334, %scan3A_563 : i32
        %mul3A_565 = arith.constant 1 : i32
        %mul3A_566 = arith.muli %scan3A_564, %mul3A_565 : i32
        %add3A_567 = arith.constant 0 : i32
        %add3A_568 = arith.addi %add3A_567, %mul3A_566 : i32
        %get3A_569 = arith.index_cast %add3A_568 : i32 to index
        %get3A_570 = arith.constant 0 : index
        %get3A_571 = tpu.vector_load %arg14[%get3A_569, %get3A_570] {strides = array<i32>} : memref<80x64xf32, #tpu.memory_space<vmem>>, vector<16xf32>,
        %get3A_572 = arith.index_cast %add3A_568 : i32 to index
        %get3A_573 = arith.constant 0 : index
        %get3A_574 = tpu.vector_load %arg11[%get3A_572, %get3A_573] {strides = array<i32>} : memref<80x64xf32, #tpu.memory_space<vmem>>, vector<16xf32>,
        %add3A_575 = arith.addf %get3A_571, %get3A_574 : vector<16xf32>
        %max3A_576 = arith.constant 0.000000e+00 : f32
        %max3A_577 = vector.broadcast %max3A_576 : f32 to vector<16xf32>
        %max3A_578 = arith.maximumf %add3A_575, %max3A_577 : vector<16xf32>
        %swap3A_579 = arith.index_cast %add3A_568 : i32 to index
        %swap3A_580 = arith.constant 0 : index
        %swap3A_581 = tpu.vector_load %arg14[%swap3A_579, %swap3A_580] {strides = array<i32>} : memref<80x64xf32, #tpu.memory_space<vmem>>, vector<16xf32>,
        tpu.vector_store %arg14[%swap3A_579, %swap3A_580], %max3A_578 {strides = array<i32>} : memref<80x64xf32, #tpu.memory_space<vmem>>, vector<16xf32>,
        %get3A_582 = arith.index_cast %add3A_568 : i32 to index
        %get3A_583 = arith.constant 16 : index
        %get3A_584 = tpu.vector_load %arg14[%get3A_582, %get3A_583] {strides = array<i32>} : memref<80x64xf32, #tpu.memory_space<vmem>>, vector<16xf32>,
        %get3A_585 = arith.index_cast %add3A_568 : i32 to index
        %get3A_586 = arith.constant 16 : index
        %get3A_587 = tpu.vector_load %arg11[%get3A_585, %get3A_586] {strides = array<i32>} : memref<80x64xf32, #tpu.memory_space<vmem>>, vector<16xf32>,
        %add3A_588 = arith.addf %get3A_584, %get3A_587 : vector<16xf32>
        %max3A_589 = arith.constant 0.000000e+00 : f32
        %max3A_590 = vector.broadcast %max3A_589 : f32 to vector<16xf32>
        %max3A_591 = arith.maximumf %add3A_588, %max3A_590 : vector<16xf32>
        %swap3A_592 = arith.index_cast %add3A_568 : i32 to index
        %swap3A_593 = arith.constant 16 : index
        %swap3A_594 = tpu.vector_load %arg14[%swap3A_592, %swap3A_593] {strides = array<i32>} : memref<80x64xf32, #tpu.memory_space<vmem>>, vector<16xf32>,
        tpu.vector_store %arg14[%swap3A_592, %swap3A_593], %max3A_591 {strides = array<i32>} : memref<80x64xf32, #tpu.memory_space<vmem>>, vector<16xf32>,
        %get3A_595 = arith.index_cast %add3A_568 : i32 to index
        %get3A_596 = arith.constant 32 : index
        %get3A_597 = tpu.vector_load %arg14[%get3A_595, %get3A_596] {strides = array<i32>} : memref<80x64xf32, #tpu.memory_space<vmem>>, vector<16xf32>,
        %get3A_598 = arith.index_cast %add3A_568 : i32 to index
        %get3A_599 = arith.constant 32 : index
        %get3A_600 = tpu.vector_load %arg11[%get3A_598, %get3A_599] {strides = array<i32>} : memref<80x64xf32, #tpu.memory_space<vmem>>, vector<16xf32>,
        %add3A_601 = arith.addf %get3A_597, %get3A_600 : vector<16xf32>
        %max3A_602 = arith.constant 0.000000e+00 : f32
        %max3A_603 = vector.broadcast %max3A_602 : f32 to vector<16xf32>
        %max3A_604 = arith.maximumf %add3A_601, %max3A_603 : vector<16xf32>
        %swap3A_605 = arith.index_cast %add3A_568 : i32 to index
        %swap3A_606 = arith.constant 32 : index
        %swap3A_607 = tpu.vector_load %arg14[%swap3A_605, %swap3A_606] {strides = array<i32>} : memref<80x64xf32, #tpu.memory_space<vmem>>, vector<16xf32>,
        tpu.vector_store %arg14[%swap3A_605, %swap3A_606], %max3A_604 {strides = array<i32>} : memref<80x64xf32, #tpu.memory_space<vmem>>, vector<16xf32>,
        %get3A_608 = arith.index_cast %add3A_568 : i32 to index
        %get3A_609 = arith.constant 48 : index
        %get3A_610 = tpu.vector_load %arg14[%get3A_608, %get3A_609] {strides = array<i32>} : memref<80x64xf32, #tpu.memory_space<vmem>>, vector<16xf32>,
        %get3A_611 = arith.index_cast %add3A_568 : i32 to index
        %get3A_612 = arith.constant 48 : index
        %get3A_613 = tpu.vector_load %arg11[%get3A_611, %get3A_612] {strides = array<i32>} : memref<80x64xf32, #tpu.memory_space<vmem>>, vector<16xf32>,
        %add3A_614 = arith.addf %get3A_610, %get3A_613 : vector<16xf32>
        %max3A_615 = arith.constant 0.000000e+00 : f32
        %max3A_616 = vector.broadcast %max3A_615 : f32 to vector<16xf32>
        %max3A_617 = arith.maximumf %add3A_614, %max3A_616 : vector<16xf32>
        %swap3A_618 = arith.index_cast %add3A_568 : i32 to index
        %swap3A_619 = arith.constant 48 : index
        %swap3A_620 = tpu.vector_load %arg14[%swap3A_618, %swap3A_619] {strides = array<i32>} : memref<80x64xf32, #tpu.memory_space<vmem>>, vector<16xf32>,
        tpu.vector_store %arg14[%swap3A_618, %swap3A_619], %max3A_617 {strides = array<i32>} : memref<80x64xf32, #tpu.memory_space<vmem>>, vector<16xf32>,
        %scan3A_621 = arith.constant 5 : i32
        %scan3A_622 = arith.addi %scan3A_334, %scan3A_621 : i32
        %mul3A_623 = arith.constant 1 : i32
        %mul3A_624 = arith.muli %scan3A_622, %mul3A_623 : i32
        %add3A_625 = arith.constant 0 : i32
        %add3A_626 = arith.addi %add3A_625, %mul3A_624 : i32
        %get3A_627 = arith.index_cast %add3A_626 : i32 to index
        %get3A_628 = arith.constant 0 : index
        %get3A_629 = tpu.vector_load %arg14[%get3A_627, %get3A_628] {strides = array<i32>} : memref<80x64xf32, #tpu.memory_space<vmem>>, vector<16xf32>,
        %get3A_630 = arith.index_cast %add3A_626 : i32 to index
        %get3A_631 = arith.constant 0 : index
        %get3A_632 = tpu.vector_load %arg11[%get3A_630, %get3A_631] {strides = array<i32>} : memref<80x64xf32, #tpu.memory_space<vmem>>, vector<16xf32>,
        %add3A_633 = arith.addf %get3A_629, %get3A_632 : vector<16xf32>
        %max3A_634 = arith.constant 0.000000e+00 : f32
        %max3A_635 = vector.broadcast %max3A_634 : f32 to vector<16xf32>
        %max3A_636 = arith.maximumf %add3A_633, %max3A_635 : vector<16xf32>
        %swap3A_637 = arith.index_cast %add3A_626 : i32 to index
        %swap3A_638 = arith.constant 0 : index
        %swap3A_639 = tpu.vector_load %arg14[%swap3A_637, %swap3A_638] {strides = array<i32>} : memref<80x64xf32, #tpu.memory_space<vmem>>, vector<16xf32>,
        tpu.vector_store %arg14[%swap3A_637, %swap3A_638], %max3A_636 {strides = array<i32>} : memref<80x64xf32, #tpu.memory_space<vmem>>, vector<16xf32>,
        %get3A_640 = arith.index_cast %add3A_626 : i32 to index
        %get3A_641 = arith.constant 16 : index
        %get3A_642 = tpu.vector_load %arg14[%get3A_640, %get3A_641] {strides = array<i32>} : memref<80x64xf32, #tpu.memory_space<vmem>>, vector<16xf32>,
        %get3A_643 = arith.index_cast %add3A_626 : i32 to index
        %get3A_644 = arith.constant 16 : index
        %get3A_645 = tpu.vector_load %arg11[%get3A_643, %get3A_644] {strides = array<i32>} : memref<80x64xf32, #tpu.memory_space<vmem>>, vector<16xf32>,
        %add3A_646 = arith.addf %get3A_642, %get3A_645 : vector<16xf32>
        %max3A_647 = arith.constant 0.000000e+00 : f32
        %max3A_648 = vector.broadcast %max3A_647 : f32 to vector<16xf32>
        %max3A_649 = arith.maximumf %add3A_646, %max3A_648 : vector<16xf32>
        %swap3A_650 = arith.index_cast %add3A_626 : i32 to index
        %swap3A_651 = arith.constant 16 : index
        %swap3A_652 = tpu.vector_load %arg14[%swap3A_650, %swap3A_651] {strides = array<i32>} : memref<80x64xf32, #tpu.memory_space<vmem>>, vector<16xf32>,
        tpu.vector_store %arg14[%swap3A_650, %swap3A_651], %max3A_649 {strides = array<i32>} : memref<80x64xf32, #tpu.memory_space<vmem>>, vector<16xf32>,
        %get3A_653 = arith.index_cast %add3A_626 : i32 to index
        %get3A_654 = arith.constant 32 : index
        %get3A_655 = tpu.vector_load %arg14[%get3A_653, %get3A_654] {strides = array<i32>} : memref<80x64xf32, #tpu.memory_space<vmem>>, vector<16xf32>,
        %get3A_656 = arith.index_cast %add3A_626 : i32 to index
        %get3A_657 = arith.constant 32 : index
        %get3A_658 = tpu.vector_load %arg11[%get3A_656, %get3A_657] {strides = array<i32>} : memref<80x64xf32, #tpu.memory_space<vmem>>, vector<16xf32>,
        %add3A_659 = arith.addf %get3A_655, %get3A_658 : vector<16xf32>
        %max3A_660 = arith.constant 0.000000e+00 : f32
        %max3A_661 = vector.broadcast %max3A_660 : f32 to vector<16xf32>
        %max3A_662 = arith.maximumf %add3A_659, %max3A_661 : vector<16xf32>
        %swap3A_663 = arith.index_cast %add3A_626 : i32 to index
        %swap3A_664 = arith.constant 32 : index
        %swap3A_665 = tpu.vector_load %arg14[%swap3A_663, %swap3A_664] {strides = array<i32>} : memref<80x64xf32, #tpu.memory_space<vmem>>, vector<16xf32>,
        tpu.vector_store %arg14[%swap3A_663, %swap3A_664], %max3A_662 {strides = array<i32>} : memref<80x64xf32, #tpu.memory_space<vmem>>, vector<16xf32>,
        %get3A_666 = arith.index_cast %add3A_626 : i32 to index
        %get3A_667 = arith.constant 48 : index
        %get3A_668 = tpu.vector_load %arg14[%get3A_666, %get3A_667] {strides = array<i32>} : memref<80x64xf32, #tpu.memory_space<vmem>>, vector<16xf32>,
        %get3A_669 = arith.index_cast %add3A_626 : i32 to index
        %get3A_670 = arith.constant 48 : index
        %get3A_671 = tpu.vector_load %arg11[%get3A_669, %get3A_670] {strides = array<i32>} : memref<80x64xf32, #tpu.memory_space<vmem>>, vector<16xf32>,
        %add3A_672 = arith.addf %get3A_668, %get3A_671 : vector<16xf32>
        %max3A_673 = arith.constant 0.000000e+00 : f32
        %max3A_674 = vector.broadcast %max3A_673 : f32 to vector<16xf32>
        %max3A_675 = arith.maximumf %add3A_672, %max3A_674 : vector<16xf32>
        %swap3A_676 = arith.index_cast %add3A_626 : i32 to index
        %swap3A_677 = arith.constant 48 : index
        %swap3A_678 = tpu.vector_load %arg14[%swap3A_676, %swap3A_677] {strides = array<i32>} : memref<80x64xf32, #tpu.memory_space<vmem>>, vector<16xf32>,
        tpu.vector_store %arg14[%swap3A_676, %swap3A_677], %max3A_675 {strides = array<i32>} : memref<80x64xf32, #tpu.memory_space<vmem>>, vector<16xf32>,
        %scan3A_679 = arith.constant 6 : i32
        %scan3A_680 = arith.addi %scan3A_334, %scan3A_679 : i32
        %mul3A_681 = arith.constant 1 : i32
        %mul3A_682 = arith.muli %scan3A_680, %mul3A_681 : i32
        %add3A_683 = arith.constant 0 : i32
        %add3A_684 = arith.addi %add3A_683, %mul3A_682 : i32
        %get3A_685 = arith.index_cast %add3A_684 : i32 to index
        %get3A_686 = arith.constant 0 : index
        %get3A_687 = tpu.vector_load %arg14[%get3A_685, %get3A_686] {strides = array<i32>} : memref<80x64xf32, #tpu.memory_space<vmem>>, vector<16xf32>,
        %get3A_688 = arith.index_cast %add3A_684 : i32 to index
        %get3A_689 = arith.constant 0 : index
        %get3A_690 = tpu.vector_load %arg11[%get3A_688, %get3A_689] {strides = array<i32>} : memref<80x64xf32, #tpu.memory_space<vmem>>, vector<16xf32>,
        %add3A_691 = arith.addf %get3A_687, %get3A_690 : vector<16xf32>
        %max3A_692 = arith.constant 0.000000e+00 : f32
        %max3A_693 = vector.broadcast %max3A_692 : f32 to vector<16xf32>
        %max3A_694 = arith.maximumf %add3A_691, %max3A_693 : vector<16xf32>
        %swap3A_695 = arith.index_cast %add3A_684 : i32 to index
        %swap3A_696 = arith.constant 0 : index
        %swap3A_697 = tpu.vector_load %arg14[%swap3A_695, %swap3A_696] {strides = array<i32>} : memref<80x64xf32, #tpu.memory_space<vmem>>, vector<16xf32>,
        tpu.vector_store %arg14[%swap3A_695, %swap3A_696], %max3A_694 {strides = array<i32>} : memref<80x64xf32, #tpu.memory_space<vmem>>, vector<16xf32>,
        %get3A_698 = arith.index_cast %add3A_684 : i32 to index
        %get3A_699 = arith.constant 16 : index
        %get3A_700 = tpu.vector_load %arg14[%get3A_698, %get3A_699] {strides = array<i32>} : memref<80x64xf32, #tpu.memory_space<vmem>>, vector<16xf32>,
        %get3A_701 = arith.index_cast %add3A_684 : i32 to index
        %get3A_702 = arith.constant 16 : index
        %get3A_703 = tpu.vector_load %arg11[%get3A_701, %get3A_702] {strides = array<i32>} : memref<80x64xf32, #tpu.memory_space<vmem>>, vector<16xf32>,
        %add3A_704 = arith.addf %get3A_700, %get3A_703 : vector<16xf32>
        %max3A_705 = arith.constant 0.000000e+00 : f32
        %max3A_706 = vector.broadcast %max3A_705 : f32 to vector<16xf32>
        %max3A_707 = arith.maximumf %add3A_704, %max3A_706 : vector<16xf32>
        %swap3A_708 = arith.index_cast %add3A_684 : i32 to index
        %swap3A_709 = arith.constant 16 : index
        %swap3A_710 = tpu.vector_load %arg14[%swap3A_708, %swap3A_709] {strides = array<i32>} : memref<80x64xf32, #tpu.memory_space<vmem>>, vector<16xf32>,
        tpu.vector_store %arg14[%swap3A_708, %swap3A_709], %max3A_707 {strides = array<i32>} : memref<80x64xf32, #tpu.memory_space<vmem>>, vector<16xf32>,
        %get3A_711 = arith.index_cast %add3A_684 : i32 to index
        %get3A_712 = arith.constant 32 : index
        %get3A_713 = tpu.vector_load %arg14[%get3A_711, %get3A_712] {strides = array<i32>} : memref<80x64xf32, #tpu.memory_space<vmem>>, vector<16xf32>,
        %get3A_714 = arith.index_cast %add3A_684 : i32 to index
        %get3A_715 = arith.constant 32 : index
        %get3A_716 = tpu.vector_load %arg11[%get3A_714, %get3A_715] {strides = array<i32>} : memref<80x64xf32, #tpu.memory_space<vmem>>, vector<16xf32>,
        %add3A_717 = arith.addf %get3A_713, %get3A_716 : vector<16xf32>
        %max3A_718 = arith.constant 0.000000e+00 : f32
        %max3A_719 = vector.broadcast %max3A_718 : f32 to vector<16xf32>
        %max3A_720 = arith.maximumf %add3A_717, %max3A_719 : vector<16xf32>
        %swap3A_721 = arith.index_cast %add3A_684 : i32 to index
        %swap3A_722 = arith.constant 32 : index
        %swap3A_723 = tpu.vector_load %arg14[%swap3A_721, %swap3A_722] {strides = array<i32>} : memref<80x64xf32, #tpu.memory_space<vmem>>, vector<16xf32>,
        tpu.vector_store %arg14[%swap3A_721, %swap3A_722], %max3A_720 {strides = array<i32>} : memref<80x64xf32, #tpu.memory_space<vmem>>, vector<16xf32>,
        %get3A_724 = arith.index_cast %add3A_684 : i32 to index
        %get3A_725 = arith.constant 48 : index
        %get3A_726 = tpu.vector_load %arg14[%get3A_724, %get3A_725] {strides = array<i32>} : memref<80x64xf32, #tpu.memory_space<vmem>>, vector<16xf32>,
        %get3A_727 = arith.index_cast %add3A_684 : i32 to index
        %get3A_728 = arith.constant 48 : index
        %get3A_729 = tpu.vector_load %arg11[%get3A_727, %get3A_728] {strides = array<i32>} : memref<80x64xf32, #tpu.memory_space<vmem>>, vector<16xf32>,
        %add3A_730 = arith.addf %get3A_726, %get3A_729 : vector<16xf32>
        %max3A_731 = arith.constant 0.000000e+00 : f32
        %max3A_732 = vector.broadcast %max3A_731 : f32 to vector<16xf32>
        %max3A_733 = arith.maximumf %add3A_730, %max3A_732 : vector<16xf32>
        %swap3A_734 = arith.index_cast %add3A_684 : i32 to index
        %swap3A_735 = arith.constant 48 : index
        %swap3A_736 = tpu.vector_load %arg14[%swap3A_734, %swap3A_735] {strides = array<i32>} : memref<80x64xf32, #tpu.memory_space<vmem>>, vector<16xf32>,
        tpu.vector_store %arg14[%swap3A_734, %swap3A_735], %max3A_733 {strides = array<i32>} : memref<80x64xf32, #tpu.memory_space<vmem>>, vector<16xf32>,
        %scan3A_737 = arith.constant 7 : i32
        %scan3A_738 = arith.addi %scan3A_334, %scan3A_737 : i32
        %mul3A_739 = arith.constant 1 : i32
        %mul3A_740 = arith.muli %scan3A_738, %mul3A_739 : i32
        %add3A_741 = arith.constant 0 : i32
        %add3A_742 = arith.addi %add3A_741, %mul3A_740 : i32
        %get3A_743 = arith.index_cast %add3A_742 : i32 to index
        %get3A_744 = arith.constant 0 : index
        %get3A_745 = tpu.vector_load %arg14[%get3A_743, %get3A_744] {strides = array<i32>} : memref<80x64xf32, #tpu.memory_space<vmem>>, vector<16xf32>,
        %get3A_746 = arith.index_cast %add3A_742 : i32 to index
        %get3A_747 = arith.constant 0 : index
        %get3A_748 = tpu.vector_load %arg11[%get3A_746, %get3A_747] {strides = array<i32>} : memref<80x64xf32, #tpu.memory_space<vmem>>, vector<16xf32>,
        %add3A_749 = arith.addf %get3A_745, %get3A_748 : vector<16xf32>
        %max3A_750 = arith.constant 0.000000e+00 : f32
        %max3A_751 = vector.broadcast %max3A_750 : f32 to vector<16xf32>
        %max3A_752 = arith.maximumf %add3A_749, %max3A_751 : vector<16xf32>
        %swap3A_753 = arith.index_cast %add3A_742 : i32 to index
        %swap3A_754 = arith.constant 0 : index
        %swap3A_755 = tpu.vector_load %arg14[%swap3A_753, %swap3A_754] {strides = array<i32>} : memref<80x64xf32, #tpu.memory_space<vmem>>, vector<16xf32>,
        tpu.vector_store %arg14[%swap3A_753, %swap3A_754], %max3A_752 {strides = array<i32>} : memref<80x64xf32, #tpu.memory_space<vmem>>, vector<16xf32>,
        %get3A_756 = arith.index_cast %add3A_742 : i32 to index
        %get3A_757 = arith.constant 16 : index
        %get3A_758 = tpu.vector_load %arg14[%get3A_756, %get3A_757] {strides = array<i32>} : memref<80x64xf32, #tpu.memory_space<vmem>>, vector<16xf32>,
        %get3A_759 = arith.index_cast %add3A_742 : i32 to index
        %get3A_760 = arith.constant 16 : index
        %get3A_761 = tpu.vector_load %arg11[%get3A_759, %get3A_760] {strides = array<i32>} : memref<80x64xf32, #tpu.memory_space<vmem>>, vector<16xf32>,
        %add3A_762 = arith.addf %get3A_758, %get3A_761 : vector<16xf32>
        %max3A_763 = arith.constant 0.000000e+00 : f32
        %max3A_764 = vector.broadcast %max3A_763 : f32 to vector<16xf32>
        %max3A_765 = arith.maximumf %add3A_762, %max3A_764 : vector<16xf32>
        %swap3A_766 = arith.index_cast %add3A_742 : i32 to index
        %swap3A_767 = arith.constant 16 : index
        %swap3A_768 = tpu.vector_load %arg14[%swap3A_766, %swap3A_767] {strides = array<i32>} : memref<80x64xf32, #tpu.memory_space<vmem>>, vector<16xf32>,
        tpu.vector_store %arg14[%swap3A_766, %swap3A_767], %max3A_765 {strides = array<i32>} : memref<80x64xf32, #tpu.memory_space<vmem>>, vector<16xf32>,
        %get3A_769 = arith.index_cast %add3A_742 : i32 to index
        %get3A_770 = arith.constant 32 : index
        %get3A_771 = tpu.vector_load %arg14[%get3A_769, %get3A_770] {strides = array<i32>} : memref<80x64xf32, #tpu.memory_space<vmem>>, vector<16xf32>,
        %get3A_772 = arith.index_cast %add3A_742 : i32 to index
        %get3A_773 = arith.constant 32 : index
        %get3A_774 = tpu.vector_load %arg11[%get3A_772, %get3A_773] {strides = array<i32>} : memref<80x64xf32, #tpu.memory_space<vmem>>, vector<16xf32>,
        %add3A_775 = arith.addf %get3A_771, %get3A_774 : vector<16xf32>
        %max3A_776 = arith.constant 0.000000e+00 : f32
        %max3A_777 = vector.broadcast %max3A_776 : f32 to vector<16xf32>
        %max3A_778 = arith.maximumf %add3A_775, %max3A_777 : vector<16xf32>
        %swap3A_779 = arith.index_cast %add3A_742 : i32 to index
        %swap3A_780 = arith.constant 32 : index
        %swap3A_781 = tpu.vector_load %arg14[%swap3A_779, %swap3A_780] {strides = array<i32>} : memref<80x64xf32, #tpu.memory_space<vmem>>, vector<16xf32>,
        tpu.vector_store %arg14[%swap3A_779, %swap3A_780], %max3A_778 {strides = array<i32>} : memref<80x64xf32, #tpu.memory_space<vmem>>, vector<16xf32>,
        %get3A_782 = arith.index_cast %add3A_742 : i32 to index
        %get3A_783 = arith.constant 48 : index
        %get3A_784 = tpu.vector_load %arg14[%get3A_782, %get3A_783] {strides = array<i32>} : memref<80x64xf32, #tpu.memory_space<vmem>>, vector<16xf32>,
        %get3A_785 = arith.index_cast %add3A_742 : i32 to index
        %get3A_786 = arith.constant 48 : index
        %get3A_787 = tpu.vector_load %arg11[%get3A_785, %get3A_786] {strides = array<i32>} : memref<80x64xf32, #tpu.memory_space<vmem>>, vector<16xf32>,
        %add3A_788 = arith.addf %get3A_784, %get3A_787 : vector<16xf32>
        %max3A_789 = arith.constant 0.000000e+00 : f32
        %max3A_790 = vector.broadcast %max3A_789 : f32 to vector<16xf32>
        %max3A_791 = arith.maximumf %add3A_788, %max3A_790 : vector<16xf32>
        %swap3A_792 = arith.index_cast %add3A_742 : i32 to index
        %swap3A_793 = arith.constant 48 : index
        %swap3A_794 = tpu.vector_load %arg14[%swap3A_792, %swap3A_793] {strides = array<i32>} : memref<80x64xf32, #tpu.memory_space<vmem>>, vector<16xf32>,
        tpu.vector_store %arg14[%swap3A_792, %swap3A_793], %max3A_791 {strides = array<i32>} : memref<80x64xf32, #tpu.memory_space<vmem>>, vector<16xf32>,
      }
      %scan3A_260 = arith.constant 80 : i32
      %run_scoped3A_261 = arith.constant 1 : i32
      "tpu.region"() ({
        %run_scoped3A_334 = tpu.sem_alloc : memref<!tpu.dma_semaphore, #tpu.memory_space<semaphore_mem>>
        %dma_start3A_335 = arith.constant 0 : i32
        %dma_start3A_336 = tpu.memref_slice %arg9[%run_scoped3A_261, %dma_start3A_335] : memref<2x80xi32, #tpu.memory_space<vmem>> -> memref<1x80xi32, #tpu.memory_space<vmem>>
        %dma_start3A_337 = tpu.memref_squeeze %dma_start3A_336 : memref<1x80xi32, #tpu.memory_space<vmem>> -> memref<80xi32, #tpu.memory_space<vmem>>
        %dma_start3A_338 = arith.constant 0 : i32
        %dma_start3A_339 = arith.constant 0 : i32
        %dma_start3A_340 = tpu.memref_slice %arg7[%dma_start3A_338, %dma_start3A_339] : memref<10240x64xf32, #tpu.memory_space<vmem_shared>> -> memref<10240x64xf32, #tpu.memory_space<vmem_shared>>
        tpu.enqueue_indirect_dma source(%arg14 : memref<80x64xf32, #tpu.memory_space<vmem>>) target(%dma_start3A_340 : memref<10240x64xf32, #tpu.memory_space<vmem_shared>>) offsets(%dma_start3A_337 : memref<80xi32, #tpu.memory_space<vmem>>) semaphore(%run_scoped3A_334 : memref<!tpu.dma_semaphore, #tpu.memory_space<semaphore_mem>>) {add = true}
        %dma_wait3A_341 = arith.constant 0 : i32
        %dma_wait3A_342 = tpu.memref_slice %arg9[%run_scoped3A_261, %dma_wait3A_341] : memref<2x80xi32, #tpu.memory_space<vmem>> -> memref<1x80xi32, #tpu.memory_space<vmem>>
        %dma_wait3A_343 = tpu.memref_squeeze %dma_wait3A_342 : memref<1x80xi32, #tpu.memory_space<vmem>> -> memref<80xi32, #tpu.memory_space<vmem>>
        %dma_wait3A_344 = arith.constant 0 : i32
        %dma_wait3A_345 = arith.constant 0 : i32
        %dma_wait3A_346 = tpu.memref_slice %arg7[%dma_wait3A_344, %dma_wait3A_345] : memref<10240x64xf32, #tpu.memory_space<vmem_shared>> -> memref<10240x64xf32, #tpu.memory_space<vmem_shared>>
        tpu.wait_indirect_dma semaphore(%run_scoped3A_334 : memref<!tpu.dma_semaphore, #tpu.memory_space<semaphore_mem>>) src(%arg14 : memref<80x64xf32, #tpu.memory_space<vmem>>) dst(%dma_wait3A_346 : memref<10240x64xf32, #tpu.memory_space<vmem_shared>>)
        tpu.yield
      }) : () -> ()
      %get3A_262 = arith.constant 1 : i32
      %get3A_263 = arith.index_cast %get3A_262 : i32 to index
      %get3A_264 = arith.constant 0 : index
      %get3A_265 = tpu.vector_load %arg9[%get3A_263, %get3A_264] {strides = array<i32>} : memref<2x80xi32, #tpu.memory_space<vmem>>, vector<16xi32>,
      tpu.vector_store_idx %arg17[%get3A_265], %broadcast_in_dim3A_5 {add = true} : memref<10240xf32, #tpu.memory_space<vmem>>[vector<16xi32>], vector<16xf32>,
      %get3A_266 = arith.constant 1 : i32
      %get3A_267 = arith.index_cast %get3A_266 : i32 to index
      %get3A_268 = arith.constant 16 : index
      %get3A_269 = tpu.vector_load %arg9[%get3A_267, %get3A_268] {strides = array<i32>} : memref<2x80xi32, #tpu.memory_space<vmem>>, vector<16xi32>,
      tpu.vector_store_idx %arg17[%get3A_269], %broadcast_in_dim3A_5 {add = true} : memref<10240xf32, #tpu.memory_space<vmem>>[vector<16xi32>], vector<16xf32>,
      %get3A_270 = arith.constant 1 : i32
      %get3A_271 = arith.index_cast %get3A_270 : i32 to index
      %get3A_272 = arith.constant 32 : index
      %get3A_273 = tpu.vector_load %arg9[%get3A_271, %get3A_272] {strides = array<i32>} : memref<2x80xi32, #tpu.memory_space<vmem>>, vector<16xi32>,
      tpu.vector_store_idx %arg17[%get3A_273], %broadcast_in_dim3A_5 {add = true} : memref<10240xf32, #tpu.memory_space<vmem>>[vector<16xi32>], vector<16xf32>,
      %get3A_274 = arith.constant 1 : i32
      %get3A_275 = arith.index_cast %get3A_274 : i32 to index
      %get3A_276 = arith.constant 48 : index
      %get3A_277 = tpu.vector_load %arg9[%get3A_275, %get3A_276] {strides = array<i32>} : memref<2x80xi32, #tpu.memory_space<vmem>>, vector<16xi32>,
      tpu.vector_store_idx %arg17[%get3A_277], %broadcast_in_dim3A_5 {add = true} : memref<10240xf32, #tpu.memory_space<vmem>>[vector<16xi32>], vector<16xf32>,
      %get3A_278 = arith.constant 1 : i32
      %get3A_279 = arith.index_cast %get3A_278 : i32 to index
      %get3A_280 = arith.constant 64 : index
      %get3A_281 = tpu.vector_load %arg9[%get3A_279, %get3A_280] {strides = array<i32>} : memref<2x80xi32, #tpu.memory_space<vmem>>, vector<16xi32>,
      tpu.vector_store_idx %arg17[%get3A_281], %broadcast_in_dim3A_5 {add = true} : memref<10240xf32, #tpu.memory_space<vmem>>[vector<16xi32>], vector<16xf32>,
      %dma_wait3A_282 = arith.constant 1 : i32
      %dma_wait3A_283 = arith.constant 0 : i32
      %dma_wait3A_284 = tpu.memref_slice %arg9[%dma_wait3A_282, %dma_wait3A_283] : memref<2x80xi32, #tpu.memory_space<vmem>> -> memref<1x80xi32, #tpu.memory_space<vmem>>
      %dma_wait3A_285 = tpu.memref_squeeze %dma_wait3A_284 : memref<1x80xi32, #tpu.memory_space<vmem>> -> memref<80xi32, #tpu.memory_space<vmem>>
      %dma_wait3A_286 = arith.constant 0 : i32
      %dma_wait3A_287 = arith.constant 0 : i32
      %dma_wait3A_288 = tpu.memref_slice %arg3[%dma_wait3A_286, %dma_wait3A_287] : memref<10240x64xf32, #tpu.memory_space<hbm>> -> memref<10240x64xf32, #tpu.memory_space<hbm>>
      tpu.wait_indirect_dma semaphore(%arg25 : memref<!tpu.dma_semaphore, #tpu.memory_space<semaphore_mem>>) src(%dma_wait3A_288 : memref<10240x64xf32, #tpu.memory_space<hbm>>) dst(%arg15 : memref<80x64xf32, #tpu.memory_space<vmem>>)
      %scan3A_289 = arith.constant 0 : i32
      %scan3A_290 = arith.constant 80 : i32
      %scan3A_291 = arith.addi %scan3A_289, %scan3A_290 : i32
      %scan3A_292 = arith.constant 8 : i32
      scf.for %scan3A_334 = %scan3A_289 to %scan3A_291 step %scan3A_292  : i32 {
        %mul3A_335 = arith.constant 1 : i32
        %mul3A_336 = arith.muli %scan3A_334, %mul3A_335 : i32
        %add3A_337 = arith.constant 0 : i32
        %add3A_338 = arith.addi %add3A_337, %mul3A_336 : i32
        %get3A_339 = arith.index_cast %add3A_338 : i32 to index
        %get3A_340 = arith.constant 0 : index
        %get3A_341 = tpu.vector_load %arg15[%get3A_339, %get3A_340] {strides = array<i32>} : memref<80x64xf32, #tpu.memory_space<vmem>>, vector<16xf32>,
        %get3A_342 = arith.index_cast %add3A_338 : i32 to index
        %get3A_343 = arith.constant 0 : index
        %get3A_344 = tpu.vector_load %arg11[%get3A_342, %get3A_343] {strides = array<i32>} : memref<80x64xf32, #tpu.memory_space<vmem>>, vector<16xf32>,
        %add3A_345 = arith.addf %get3A_341, %get3A_344 : vector<16xf32>
        %max3A = arith.constant 0.000000e+00 : f32
        %max3A_346 = vector.broadcast %max3A : f32 to vector<16xf32>
        %max3A_347 = arith.maximumf %add3A_345, %max3A_346 : vector<16xf32>
        %swap3A = arith.index_cast %add3A_338 : i32 to index
        %swap3A_348 = arith.constant 0 : index
        %swap3A_349 = tpu.vector_load %arg15[%swap3A, %swap3A_348] {strides = array<i32>} : memref<80x64xf32, #tpu.memory_space<vmem>>, vector<16xf32>,
        tpu.vector_store %arg15[%swap3A, %swap3A_348], %max3A_347 {strides = array<i32>} : memref<80x64xf32, #tpu.memory_space<vmem>>, vector<16xf32>,
        %get3A_350 = arith.index_cast %add3A_338 : i32 to index
        %get3A_351 = arith.constant 16 : index
        %get3A_352 = tpu.vector_load %arg15[%get3A_350, %get3A_351] {strides = array<i32>} : memref<80x64xf32, #tpu.memory_space<vmem>>, vector<16xf32>,
        %get3A_353 = arith.index_cast %add3A_338 : i32 to index
        %get3A_354 = arith.constant 16 : index
        %get3A_355 = tpu.vector_load %arg11[%get3A_353, %get3A_354] {strides = array<i32>} : memref<80x64xf32, #tpu.memory_space<vmem>>, vector<16xf32>,
        %add3A_356 = arith.addf %get3A_352, %get3A_355 : vector<16xf32>
        %max3A_357 = arith.constant 0.000000e+00 : f32
        %max3A_358 = vector.broadcast %max3A_357 : f32 to vector<16xf32>
        %max3A_359 = arith.maximumf %add3A_356, %max3A_358 : vector<16xf32>
        %swap3A_360 = arith.index_cast %add3A_338 : i32 to index
        %swap3A_361 = arith.constant 16 : index
        %swap3A_362 = tpu.vector_load %arg15[%swap3A_360, %swap3A_361] {strides = array<i32>} : memref<80x64xf32, #tpu.memory_space<vmem>>, vector<16xf32>,
        tpu.vector_store %arg15[%swap3A_360, %swap3A_361], %max3A_359 {strides = array<i32>} : memref<80x64xf32, #tpu.memory_space<vmem>>, vector<16xf32>,
        %get3A_363 = arith.index_cast %add3A_338 : i32 to index
        %get3A_364 = arith.constant 32 : index
        %get3A_365 = tpu.vector_load %arg15[%get3A_363, %get3A_364] {strides = array<i32>} : memref<80x64xf32, #tpu.memory_space<vmem>>, vector<16xf32>,
        %get3A_366 = arith.index_cast %add3A_338 : i32 to index
        %get3A_367 = arith.constant 32 : index
        %get3A_368 = tpu.vector_load %arg11[%get3A_366, %get3A_367] {strides = array<i32>} : memref<80x64xf32, #tpu.memory_space<vmem>>, vector<16xf32>,
        %add3A_369 = arith.addf %get3A_365, %get3A_368 : vector<16xf32>
        %max3A_370 = arith.constant 0.000000e+00 : f32
        %max3A_371 = vector.broadcast %max3A_370 : f32 to vector<16xf32>
        %max3A_372 = arith.maximumf %add3A_369, %max3A_371 : vector<16xf32>
        %swap3A_373 = arith.index_cast %add3A_338 : i32 to index
        %swap3A_374 = arith.constant 32 : index
        %swap3A_375 = tpu.vector_load %arg15[%swap3A_373, %swap3A_374] {strides = array<i32>} : memref<80x64xf32, #tpu.memory_space<vmem>>, vector<16xf32>,
        tpu.vector_store %arg15[%swap3A_373, %swap3A_374], %max3A_372 {strides = array<i32>} : memref<80x64xf32, #tpu.memory_space<vmem>>, vector<16xf32>,
        %get3A_376 = arith.index_cast %add3A_338 : i32 to index
        %get3A_377 = arith.constant 48 : index
        %get3A_378 = tpu.vector_load %arg15[%get3A_376, %get3A_377] {strides = array<i32>} : memref<80x64xf32, #tpu.memory_space<vmem>>, vector<16xf32>,
        %get3A_379 = arith.index_cast %add3A_338 : i32 to index
        %get3A_380 = arith.constant 48 : index
        %get3A_381 = tpu.vector_load %arg11[%get3A_379, %get3A_380] {strides = array<i32>} : memref<80x64xf32, #tpu.memory_space<vmem>>, vector<16xf32>,
        %add3A_382 = arith.addf %get3A_378, %get3A_381 : vector<16xf32>
        %max3A_383 = arith.constant 0.000000e+00 : f32
        %max3A_384 = vector.broadcast %max3A_383 : f32 to vector<16xf32>
        %max3A_385 = arith.maximumf %add3A_382, %max3A_384 : vector<16xf32>
        %swap3A_386 = arith.index_cast %add3A_338 : i32 to index
        %swap3A_387 = arith.constant 48 : index
        %swap3A_388 = tpu.vector_load %arg15[%swap3A_386, %swap3A_387] {strides = array<i32>} : memref<80x64xf32, #tpu.memory_space<vmem>>, vector<16xf32>,
        tpu.vector_store %arg15[%swap3A_386, %swap3A_387], %max3A_385 {strides = array<i32>} : memref<80x64xf32, #tpu.memory_space<vmem>>, vector<16xf32>,
        %scan3A_389 = arith.constant 1 : i32
        %scan3A_390 = arith.addi %scan3A_334, %scan3A_389 : i32
        %mul3A_391 = arith.constant 1 : i32
        %mul3A_392 = arith.muli %scan3A_390, %mul3A_391 : i32
        %add3A_393 = arith.constant 0 : i32
        %add3A_394 = arith.addi %add3A_393, %mul3A_392 : i32
        %get3A_395 = arith.index_cast %add3A_394 : i32 to index
        %get3A_396 = arith.constant 0 : index
        %get3A_397 = tpu.vector_load %arg15[%get3A_395, %get3A_396] {strides = array<i32>} : memref<80x64xf32, #tpu.memory_space<vmem>>, vector<16xf32>,
        %get3A_398 = arith.index_cast %add3A_394 : i32 to index
        %get3A_399 = arith.constant 0 : index
        %get3A_400 = tpu.vector_load %arg11[%get3A_398, %get3A_399] {strides = array<i32>} : memref<80x64xf32, #tpu.memory_space<vmem>>, vector<16xf32>,
        %add3A_401 = arith.addf %get3A_397, %get3A_400 : vector<16xf32>
        %max3A_402 = arith.constant 0.000000e+00 : f32
        %max3A_403 = vector.broadcast %max3A_402 : f32 to vector<16xf32>
        %max3A_404 = arith.maximumf %add3A_401, %max3A_403 : vector<16xf32>
        %swap3A_405 = arith.index_cast %add3A_394 : i32 to index
        %swap3A_406 = arith.constant 0 : index
        %swap3A_407 = tpu.vector_load %arg15[%swap3A_405, %swap3A_406] {strides = array<i32>} : memref<80x64xf32, #tpu.memory_space<vmem>>, vector<16xf32>,
        tpu.vector_store %arg15[%swap3A_405, %swap3A_406], %max3A_404 {strides = array<i32>} : memref<80x64xf32, #tpu.memory_space<vmem>>, vector<16xf32>,
        %get3A_408 = arith.index_cast %add3A_394 : i32 to index
        %get3A_409 = arith.constant 16 : index
        %get3A_410 = tpu.vector_load %arg15[%get3A_408, %get3A_409] {strides = array<i32>} : memref<80x64xf32, #tpu.memory_space<vmem>>, vector<16xf32>,
        %get3A_411 = arith.index_cast %add3A_394 : i32 to index
        %get3A_412 = arith.constant 16 : index
        %get3A_413 = tpu.vector_load %arg11[%get3A_411, %get3A_412] {strides = array<i32>} : memref<80x64xf32, #tpu.memory_space<vmem>>, vector<16xf32>,
        %add3A_414 = arith.addf %get3A_410, %get3A_413 : vector<16xf32>
        %max3A_415 = arith.constant 0.000000e+00 : f32
        %max3A_416 = vector.broadcast %max3A_415 : f32 to vector<16xf32>
        %max3A_417 = arith.maximumf %add3A_414, %max3A_416 : vector<16xf32>
        %swap3A_418 = arith.index_cast %add3A_394 : i32 to index
        %swap3A_419 = arith.constant 16 : index
        %swap3A_420 = tpu.vector_load %arg15[%swap3A_418, %swap3A_419] {strides = array<i32>} : memref<80x64xf32, #tpu.memory_space<vmem>>, vector<16xf32>,
        tpu.vector_store %arg15[%swap3A_418, %swap3A_419], %max3A_417 {strides = array<i32>} : memref<80x64xf32, #tpu.memory_space<vmem>>, vector<16xf32>,
        %get3A_421 = arith.index_cast %add3A_394 : i32 to index
        %get3A_422 = arith.constant 32 : index
        %get3A_423 = tpu.vector_load %arg15[%get3A_421, %get3A_422] {strides = array<i32>} : memref<80x64xf32, #tpu.memory_space<vmem>>, vector<16xf32>,
        %get3A_424 = arith.index_cast %add3A_394 : i32 to index
        %get3A_425 = arith.constant 32 : index
        %get3A_426 = tpu.vector_load %arg11[%get3A_424, %get3A_425] {strides = array<i32>} : memref<80x64xf32, #tpu.memory_space<vmem>>, vector<16xf32>,
        %add3A_427 = arith.addf %get3A_423, %get3A_426 : vector<16xf32>
        %max3A_428 = arith.constant 0.000000e+00 : f32
        %max3A_429 = vector.broadcast %max3A_428 : f32 to vector<16xf32>
        %max3A_430 = arith.maximumf %add3A_427, %max3A_429 : vector<16xf32>
        %swap3A_431 = arith.index_cast %add3A_394 : i32 to index
        %swap3A_432 = arith.constant 32 : index
        %swap3A_433 = tpu.vector_load %arg15[%swap3A_431, %swap3A_432] {strides = array<i32>} : memref<80x64xf32, #tpu.memory_space<vmem>>, vector<16xf32>,
        tpu.vector_store %arg15[%swap3A_431, %swap3A_432], %max3A_430 {strides = array<i32>} : memref<80x64xf32, #tpu.memory_space<vmem>>, vector<16xf32>,
        %get3A_434 = arith.index_cast %add3A_394 : i32 to index
        %get3A_435 = arith.constant 48 : index
        %get3A_436 = tpu.vector_load %arg15[%get3A_434, %get3A_435] {strides = array<i32>} : memref<80x64xf32, #tpu.memory_space<vmem>>, vector<16xf32>,
        %get3A_437 = arith.index_cast %add3A_394 : i32 to index
        %get3A_438 = arith.constant 48 : index
        %get3A_439 = tpu.vector_load %arg11[%get3A_437, %get3A_438] {strides = array<i32>} : memref<80x64xf32, #tpu.memory_space<vmem>>, vector<16xf32>,
        %add3A_440 = arith.addf %get3A_436, %get3A_439 : vector<16xf32>
        %max3A_441 = arith.constant 0.000000e+00 : f32
        %max3A_442 = vector.broadcast %max3A_441 : f32 to vector<16xf32>
        %max3A_443 = arith.maximumf %add3A_440, %max3A_442 : vector<16xf32>
        %swap3A_444 = arith.index_cast %add3A_394 : i32 to index
        %swap3A_445 = arith.constant 48 : index
        %swap3A_446 = tpu.vector_load %arg15[%swap3A_444, %swap3A_445] {strides = array<i32>} : memref<80x64xf32, #tpu.memory_space<vmem>>, vector<16xf32>,
        tpu.vector_store %arg15[%swap3A_444, %swap3A_445], %max3A_443 {strides = array<i32>} : memref<80x64xf32, #tpu.memory_space<vmem>>, vector<16xf32>,
        %scan3A_447 = arith.constant 2 : i32
        %scan3A_448 = arith.addi %scan3A_334, %scan3A_447 : i32
        %mul3A_449 = arith.constant 1 : i32
        %mul3A_450 = arith.muli %scan3A_448, %mul3A_449 : i32
        %add3A_451 = arith.constant 0 : i32
        %add3A_452 = arith.addi %add3A_451, %mul3A_450 : i32
        %get3A_453 = arith.index_cast %add3A_452 : i32 to index
        %get3A_454 = arith.constant 0 : index
        %get3A_455 = tpu.vector_load %arg15[%get3A_453, %get3A_454] {strides = array<i32>} : memref<80x64xf32, #tpu.memory_space<vmem>>, vector<16xf32>,
        %get3A_456 = arith.index_cast %add3A_452 : i32 to index
        %get3A_457 = arith.constant 0 : index
        %get3A_458 = tpu.vector_load %arg11[%get3A_456, %get3A_457] {strides = array<i32>} : memref<80x64xf32, #tpu.memory_space<vmem>>, vector<16xf32>,
        %add3A_459 = arith.addf %get3A_455, %get3A_458 : vector<16xf32>
        %max3A_460 = arith.constant 0.000000e+00 : f32
        %max3A_461 = vector.broadcast %max3A_460 : f32 to vector<16xf32>
        %max3A_462 = arith.maximumf %add3A_459, %max3A_461 : vector<16xf32>
        %swap3A_463 = arith.index_cast %add3A_452 : i32 to index
        %swap3A_464 = arith.constant 0 : index
        %swap3A_465 = tpu.vector_load %arg15[%swap3A_463, %swap3A_464] {strides = array<i32>} : memref<80x64xf32, #tpu.memory_space<vmem>>, vector<16xf32>,
        tpu.vector_store %arg15[%swap3A_463, %swap3A_464], %max3A_462 {strides = array<i32>} : memref<80x64xf32, #tpu.memory_space<vmem>>, vector<16xf32>,
        %get3A_466 = arith.index_cast %add3A_452 : i32 to index
        %get3A_467 = arith.constant 16 : index
        %get3A_468 = tpu.vector_load %arg15[%get3A_466, %get3A_467] {strides = array<i32>} : memref<80x64xf32, #tpu.memory_space<vmem>>, vector<16xf32>,
        %get3A_469 = arith.index_cast %add3A_452 : i32 to index
        %get3A_470 = arith.constant 16 : index
        %get3A_471 = tpu.vector_load %arg11[%get3A_469, %get3A_470] {strides = array<i32>} : memref<80x64xf32, #tpu.memory_space<vmem>>, vector<16xf32>,
        %add3A_472 = arith.addf %get3A_468, %get3A_471 : vector<16xf32>
        %max3A_473 = arith.constant 0.000000e+00 : f32
        %max3A_474 = vector.broadcast %max3A_473 : f32 to vector<16xf32>
        %max3A_475 = arith.maximumf %add3A_472, %max3A_474 : vector<16xf32>
        %swap3A_476 = arith.index_cast %add3A_452 : i32 to index
        %swap3A_477 = arith.constant 16 : index
        %swap3A_478 = tpu.vector_load %arg15[%swap3A_476, %swap3A_477] {strides = array<i32>} : memref<80x64xf32, #tpu.memory_space<vmem>>, vector<16xf32>,
        tpu.vector_store %arg15[%swap3A_476, %swap3A_477], %max3A_475 {strides = array<i32>} : memref<80x64xf32, #tpu.memory_space<vmem>>, vector<16xf32>,
        %get3A_479 = arith.index_cast %add3A_452 : i32 to index
        %get3A_480 = arith.constant 32 : index
        %get3A_481 = tpu.vector_load %arg15[%get3A_479, %get3A_480] {strides = array<i32>} : memref<80x64xf32, #tpu.memory_space<vmem>>, vector<16xf32>,
        %get3A_482 = arith.index_cast %add3A_452 : i32 to index
        %get3A_483 = arith.constant 32 : index
        %get3A_484 = tpu.vector_load %arg11[%get3A_482, %get3A_483] {strides = array<i32>} : memref<80x64xf32, #tpu.memory_space<vmem>>, vector<16xf32>,
        %add3A_485 = arith.addf %get3A_481, %get3A_484 : vector<16xf32>
        %max3A_486 = arith.constant 0.000000e+00 : f32
        %max3A_487 = vector.broadcast %max3A_486 : f32 to vector<16xf32>
        %max3A_488 = arith.maximumf %add3A_485, %max3A_487 : vector<16xf32>
        %swap3A_489 = arith.index_cast %add3A_452 : i32 to index
        %swap3A_490 = arith.constant 32 : index
        %swap3A_491 = tpu.vector_load %arg15[%swap3A_489, %swap3A_490] {strides = array<i32>} : memref<80x64xf32, #tpu.memory_space<vmem>>, vector<16xf32>,
        tpu.vector_store %arg15[%swap3A_489, %swap3A_490], %max3A_488 {strides = array<i32>} : memref<80x64xf32, #tpu.memory_space<vmem>>, vector<16xf32>,
        %get3A_492 = arith.index_cast %add3A_452 : i32 to index
        %get3A_493 = arith.constant 48 : index
        %get3A_494 = tpu.vector_load %arg15[%get3A_492, %get3A_493] {strides = array<i32>} : memref<80x64xf32, #tpu.memory_space<vmem>>, vector<16xf32>,
        %get3A_495 = arith.index_cast %add3A_452 : i32 to index
        %get3A_496 = arith.constant 48 : index
        %get3A_497 = tpu.vector_load %arg11[%get3A_495, %get3A_496] {strides = array<i32>} : memref<80x64xf32, #tpu.memory_space<vmem>>, vector<16xf32>,
        %add3A_498 = arith.addf %get3A_494, %get3A_497 : vector<16xf32>
        %max3A_499 = arith.constant 0.000000e+00 : f32
        %max3A_500 = vector.broadcast %max3A_499 : f32 to vector<16xf32>
        %max3A_501 = arith.maximumf %add3A_498, %max3A_500 : vector<16xf32>
        %swap3A_502 = arith.index_cast %add3A_452 : i32 to index
        %swap3A_503 = arith.constant 48 : index
        %swap3A_504 = tpu.vector_load %arg15[%swap3A_502, %swap3A_503] {strides = array<i32>} : memref<80x64xf32, #tpu.memory_space<vmem>>, vector<16xf32>,
        tpu.vector_store %arg15[%swap3A_502, %swap3A_503], %max3A_501 {strides = array<i32>} : memref<80x64xf32, #tpu.memory_space<vmem>>, vector<16xf32>,
        %scan3A_505 = arith.constant 3 : i32
        %scan3A_506 = arith.addi %scan3A_334, %scan3A_505 : i32
        %mul3A_507 = arith.constant 1 : i32
        %mul3A_508 = arith.muli %scan3A_506, %mul3A_507 : i32
        %add3A_509 = arith.constant 0 : i32
        %add3A_510 = arith.addi %add3A_509, %mul3A_508 : i32
        %get3A_511 = arith.index_cast %add3A_510 : i32 to index
        %get3A_512 = arith.constant 0 : index
        %get3A_513 = tpu.vector_load %arg15[%get3A_511, %get3A_512] {strides = array<i32>} : memref<80x64xf32, #tpu.memory_space<vmem>>, vector<16xf32>,
        %get3A_514 = arith.index_cast %add3A_510 : i32 to index
        %get3A_515 = arith.constant 0 : index
        %get3A_516 = tpu.vector_load %arg11[%get3A_514, %get3A_515] {strides = array<i32>} : memref<80x64xf32, #tpu.memory_space<vmem>>, vector<16xf32>,
        %add3A_517 = arith.addf %get3A_513, %get3A_516 : vector<16xf32>
        %max3A_518 = arith.constant 0.000000e+00 : f32
        %max3A_519 = vector.broadcast %max3A_518 : f32 to vector<16xf32>
        %max3A_520 = arith.maximumf %add3A_517, %max3A_519 : vector<16xf32>
        %swap3A_521 = arith.index_cast %add3A_510 : i32 to index
        %swap3A_522 = arith.constant 0 : index
        %swap3A_523 = tpu.vector_load %arg15[%swap3A_521, %swap3A_522] {strides = array<i32>} : memref<80x64xf32, #tpu.memory_space<vmem>>, vector<16xf32>,
        tpu.vector_store %arg15[%swap3A_521, %swap3A_522], %max3A_520 {strides = array<i32>} : memref<80x64xf32, #tpu.memory_space<vmem>>, vector<16xf32>,
        %get3A_524 = arith.index_cast %add3A_510 : i32 to index
        %get3A_525 = arith.constant 16 : index
        %get3A_526 = tpu.vector_load %arg15[%get3A_524, %get3A_525] {strides = array<i32>} : memref<80x64xf32, #tpu.memory_space<vmem>>, vector<16xf32>,
        %get3A_527 = arith.index_cast %add3A_510 : i32 to index
        %get3A_528 = arith.constant 16 : index
        %get3A_529 = tpu.vector_load %arg11[%get3A_527, %get3A_528] {strides = array<i32>} : memref<80x64xf32, #tpu.memory_space<vmem>>, vector<16xf32>,
        %add3A_530 = arith.addf %get3A_526, %get3A_529 : vector<16xf32>
        %max3A_531 = arith.constant 0.000000e+00 : f32
        %max3A_532 = vector.broadcast %max3A_531 : f32 to vector<16xf32>
        %max3A_533 = arith.maximumf %add3A_530, %max3A_532 : vector<16xf32>
        %swap3A_534 = arith.index_cast %add3A_510 : i32 to index
        %swap3A_535 = arith.constant 16 : index
        %swap3A_536 = tpu.vector_load %arg15[%swap3A_534, %swap3A_535] {strides = array<i32>} : memref<80x64xf32, #tpu.memory_space<vmem>>, vector<16xf32>,
        tpu.vector_store %arg15[%swap3A_534, %swap3A_535], %max3A_533 {strides = array<i32>} : memref<80x64xf32, #tpu.memory_space<vmem>>, vector<16xf32>,
        %get3A_537 = arith.index_cast %add3A_510 : i32 to index
        %get3A_538 = arith.constant 32 : index
        %get3A_539 = tpu.vector_load %arg15[%get3A_537, %get3A_538] {strides = array<i32>} : memref<80x64xf32, #tpu.memory_space<vmem>>, vector<16xf32>,
        %get3A_540 = arith.index_cast %add3A_510 : i32 to index
        %get3A_541 = arith.constant 32 : index
        %get3A_542 = tpu.vector_load %arg11[%get3A_540, %get3A_541] {strides = array<i32>} : memref<80x64xf32, #tpu.memory_space<vmem>>, vector<16xf32>,
        %add3A_543 = arith.addf %get3A_539, %get3A_542 : vector<16xf32>
        %max3A_544 = arith.constant 0.000000e+00 : f32
        %max3A_545 = vector.broadcast %max3A_544 : f32 to vector<16xf32>
        %max3A_546 = arith.maximumf %add3A_543, %max3A_545 : vector<16xf32>
        %swap3A_547 = arith.index_cast %add3A_510 : i32 to index
        %swap3A_548 = arith.constant 32 : index
        %swap3A_549 = tpu.vector_load %arg15[%swap3A_547, %swap3A_548] {strides = array<i32>} : memref<80x64xf32, #tpu.memory_space<vmem>>, vector<16xf32>,
        tpu.vector_store %arg15[%swap3A_547, %swap3A_548], %max3A_546 {strides = array<i32>} : memref<80x64xf32, #tpu.memory_space<vmem>>, vector<16xf32>,
        %get3A_550 = arith.index_cast %add3A_510 : i32 to index
        %get3A_551 = arith.constant 48 : index
        %get3A_552 = tpu.vector_load %arg15[%get3A_550, %get3A_551] {strides = array<i32>} : memref<80x64xf32, #tpu.memory_space<vmem>>, vector<16xf32>,
        %get3A_553 = arith.index_cast %add3A_510 : i32 to index
        %get3A_554 = arith.constant 48 : index
        %get3A_555 = tpu.vector_load %arg11[%get3A_553, %get3A_554] {strides = array<i32>} : memref<80x64xf32, #tpu.memory_space<vmem>>, vector<16xf32>,
        %add3A_556 = arith.addf %get3A_552, %get3A_555 : vector<16xf32>
        %max3A_557 = arith.constant 0.000000e+00 : f32
        %max3A_558 = vector.broadcast %max3A_557 : f32 to vector<16xf32>
        %max3A_559 = arith.maximumf %add3A_556, %max3A_558 : vector<16xf32>
        %swap3A_560 = arith.index_cast %add3A_510 : i32 to index
        %swap3A_561 = arith.constant 48 : index
        %swap3A_562 = tpu.vector_load %arg15[%swap3A_560, %swap3A_561] {strides = array<i32>} : memref<80x64xf32, #tpu.memory_space<vmem>>, vector<16xf32>,
        tpu.vector_store %arg15[%swap3A_560, %swap3A_561], %max3A_559 {strides = array<i32>} : memref<80x64xf32, #tpu.memory_space<vmem>>, vector<16xf32>,
        %scan3A_563 = arith.constant 4 : i32
        %scan3A_564 = arith.addi %scan3A_334, %scan3A_563 : i32
        %mul3A_565 = arith.constant 1 : i32
        %mul3A_566 = arith.muli %scan3A_564, %mul3A_565 : i32
        %add3A_567 = arith.constant 0 : i32
        %add3A_568 = arith.addi %add3A_567, %mul3A_566 : i32
        %get3A_569 = arith.index_cast %add3A_568 : i32 to index
        %get3A_570 = arith.constant 0 : index
        %get3A_571 = tpu.vector_load %arg15[%get3A_569, %get3A_570] {strides = array<i32>} : memref<80x64xf32, #tpu.memory_space<vmem>>, vector<16xf32>,
        %get3A_572 = arith.index_cast %add3A_568 : i32 to index
        %get3A_573 = arith.constant 0 : index
        %get3A_574 = tpu.vector_load %arg11[%get3A_572, %get3A_573] {strides = array<i32>} : memref<80x64xf32, #tpu.memory_space<vmem>>, vector<16xf32>,
        %add3A_575 = arith.addf %get3A_571, %get3A_574 : vector<16xf32>
        %max3A_576 = arith.constant 0.000000e+00 : f32
        %max3A_577 = vector.broadcast %max3A_576 : f32 to vector<16xf32>
        %max3A_578 = arith.maximumf %add3A_575, %max3A_577 : vector<16xf32>
        %swap3A_579 = arith.index_cast %add3A_568 : i32 to index
        %swap3A_580 = arith.constant 0 : index
        %swap3A_581 = tpu.vector_load %arg15[%swap3A_579, %swap3A_580] {strides = array<i32>} : memref<80x64xf32, #tpu.memory_space<vmem>>, vector<16xf32>,
        tpu.vector_store %arg15[%swap3A_579, %swap3A_580], %max3A_578 {strides = array<i32>} : memref<80x64xf32, #tpu.memory_space<vmem>>, vector<16xf32>,
        %get3A_582 = arith.index_cast %add3A_568 : i32 to index
        %get3A_583 = arith.constant 16 : index
        %get3A_584 = tpu.vector_load %arg15[%get3A_582, %get3A_583] {strides = array<i32>} : memref<80x64xf32, #tpu.memory_space<vmem>>, vector<16xf32>,
        %get3A_585 = arith.index_cast %add3A_568 : i32 to index
        %get3A_586 = arith.constant 16 : index
        %get3A_587 = tpu.vector_load %arg11[%get3A_585, %get3A_586] {strides = array<i32>} : memref<80x64xf32, #tpu.memory_space<vmem>>, vector<16xf32>,
        %add3A_588 = arith.addf %get3A_584, %get3A_587 : vector<16xf32>
        %max3A_589 = arith.constant 0.000000e+00 : f32
        %max3A_590 = vector.broadcast %max3A_589 : f32 to vector<16xf32>
        %max3A_591 = arith.maximumf %add3A_588, %max3A_590 : vector<16xf32>
        %swap3A_592 = arith.index_cast %add3A_568 : i32 to index
        %swap3A_593 = arith.constant 16 : index
        %swap3A_594 = tpu.vector_load %arg15[%swap3A_592, %swap3A_593] {strides = array<i32>} : memref<80x64xf32, #tpu.memory_space<vmem>>, vector<16xf32>,
        tpu.vector_store %arg15[%swap3A_592, %swap3A_593], %max3A_591 {strides = array<i32>} : memref<80x64xf32, #tpu.memory_space<vmem>>, vector<16xf32>,
        %get3A_595 = arith.index_cast %add3A_568 : i32 to index
        %get3A_596 = arith.constant 32 : index
        %get3A_597 = tpu.vector_load %arg15[%get3A_595, %get3A_596] {strides = array<i32>} : memref<80x64xf32, #tpu.memory_space<vmem>>, vector<16xf32>,
        %get3A_598 = arith.index_cast %add3A_568 : i32 to index
        %get3A_599 = arith.constant 32 : index
        %get3A_600 = tpu.vector_load %arg11[%get3A_598, %get3A_599] {strides = array<i32>} : memref<80x64xf32, #tpu.memory_space<vmem>>, vector<16xf32>,
        %add3A_601 = arith.addf %get3A_597, %get3A_600 : vector<16xf32>
        %max3A_602 = arith.constant 0.000000e+00 : f32
        %max3A_603 = vector.broadcast %max3A_602 : f32 to vector<16xf32>
        %max3A_604 = arith.maximumf %add3A_601, %max3A_603 : vector<16xf32>
        %swap3A_605 = arith.index_cast %add3A_568 : i32 to index
        %swap3A_606 = arith.constant 32 : index
        %swap3A_607 = tpu.vector_load %arg15[%swap3A_605, %swap3A_606] {strides = array<i32>} : memref<80x64xf32, #tpu.memory_space<vmem>>, vector<16xf32>,
        tpu.vector_store %arg15[%swap3A_605, %swap3A_606], %max3A_604 {strides = array<i32>} : memref<80x64xf32, #tpu.memory_space<vmem>>, vector<16xf32>,
        %get3A_608 = arith.index_cast %add3A_568 : i32 to index
        %get3A_609 = arith.constant 48 : index
        %get3A_610 = tpu.vector_load %arg15[%get3A_608, %get3A_609] {strides = array<i32>} : memref<80x64xf32, #tpu.memory_space<vmem>>, vector<16xf32>,
        %get3A_611 = arith.index_cast %add3A_568 : i32 to index
        %get3A_612 = arith.constant 48 : index
        %get3A_613 = tpu.vector_load %arg11[%get3A_611, %get3A_612] {strides = array<i32>} : memref<80x64xf32, #tpu.memory_space<vmem>>, vector<16xf32>,
        %add3A_614 = arith.addf %get3A_610, %get3A_613 : vector<16xf32>
        %max3A_615 = arith.constant 0.000000e+00 : f32
        %max3A_616 = vector.broadcast %max3A_615 : f32 to vector<16xf32>
        %max3A_617 = arith.maximumf %add3A_614, %max3A_616 : vector<16xf32>
        %swap3A_618 = arith.index_cast %add3A_568 : i32 to index
        %swap3A_619 = arith.constant 48 : index
        %swap3A_620 = tpu.vector_load %arg15[%swap3A_618, %swap3A_619] {strides = array<i32>} : memref<80x64xf32, #tpu.memory_space<vmem>>, vector<16xf32>,
        tpu.vector_store %arg15[%swap3A_618, %swap3A_619], %max3A_617 {strides = array<i32>} : memref<80x64xf32, #tpu.memory_space<vmem>>, vector<16xf32>,
        %scan3A_621 = arith.constant 5 : i32
        %scan3A_622 = arith.addi %scan3A_334, %scan3A_621 : i32
        %mul3A_623 = arith.constant 1 : i32
        %mul3A_624 = arith.muli %scan3A_622, %mul3A_623 : i32
        %add3A_625 = arith.constant 0 : i32
        %add3A_626 = arith.addi %add3A_625, %mul3A_624 : i32
        %get3A_627 = arith.index_cast %add3A_626 : i32 to index
        %get3A_628 = arith.constant 0 : index
        %get3A_629 = tpu.vector_load %arg15[%get3A_627, %get3A_628] {strides = array<i32>} : memref<80x64xf32, #tpu.memory_space<vmem>>, vector<16xf32>,
        %get3A_630 = arith.index_cast %add3A_626 : i32 to index
        %get3A_631 = arith.constant 0 : index
        %get3A_632 = tpu.vector_load %arg11[%get3A_630, %get3A_631] {strides = array<i32>} : memref<80x64xf32, #tpu.memory_space<vmem>>, vector<16xf32>,
        %add3A_633 = arith.addf %get3A_629, %get3A_632 : vector<16xf32>
        %max3A_634 = arith.constant 0.000000e+00 : f32
        %max3A_635 = vector.broadcast %max3A_634 : f32 to vector<16xf32>
        %max3A_636 = arith.maximumf %add3A_633, %max3A_635 : vector<16xf32>
        %swap3A_637 = arith.index_cast %add3A_626 : i32 to index
        %swap3A_638 = arith.constant 0 : index
        %swap3A_639 = tpu.vector_load %arg15[%swap3A_637, %swap3A_638] {strides = array<i32>} : memref<80x64xf32, #tpu.memory_space<vmem>>, vector<16xf32>,
        tpu.vector_store %arg15[%swap3A_637, %swap3A_638], %max3A_636 {strides = array<i32>} : memref<80x64xf32, #tpu.memory_space<vmem>>, vector<16xf32>,
        %get3A_640 = arith.index_cast %add3A_626 : i32 to index
        %get3A_641 = arith.constant 16 : index
        %get3A_642 = tpu.vector_load %arg15[%get3A_640, %get3A_641] {strides = array<i32>} : memref<80x64xf32, #tpu.memory_space<vmem>>, vector<16xf32>,
        %get3A_643 = arith.index_cast %add3A_626 : i32 to index
        %get3A_644 = arith.constant 16 : index
        %get3A_645 = tpu.vector_load %arg11[%get3A_643, %get3A_644] {strides = array<i32>} : memref<80x64xf32, #tpu.memory_space<vmem>>, vector<16xf32>,
        %add3A_646 = arith.addf %get3A_642, %get3A_645 : vector<16xf32>
        %max3A_647 = arith.constant 0.000000e+00 : f32
        %max3A_648 = vector.broadcast %max3A_647 : f32 to vector<16xf32>
        %max3A_649 = arith.maximumf %add3A_646, %max3A_648 : vector<16xf32>
        %swap3A_650 = arith.index_cast %add3A_626 : i32 to index
        %swap3A_651 = arith.constant 16 : index
        %swap3A_652 = tpu.vector_load %arg15[%swap3A_650, %swap3A_651] {strides = array<i32>} : memref<80x64xf32, #tpu.memory_space<vmem>>, vector<16xf32>,
        tpu.vector_store %arg15[%swap3A_650, %swap3A_651], %max3A_649 {strides = array<i32>} : memref<80x64xf32, #tpu.memory_space<vmem>>, vector<16xf32>,
        %get3A_653 = arith.index_cast %add3A_626 : i32 to index
        %get3A_654 = arith.constant 32 : index
        %get3A_655 = tpu.vector_load %arg15[%get3A_653, %get3A_654] {strides = array<i32>} : memref<80x64xf32, #tpu.memory_space<vmem>>, vector<16xf32>,
        %get3A_656 = arith.index_cast %add3A_626 : i32 to index
        %get3A_657 = arith.constant 32 : index
        %get3A_658 = tpu.vector_load %arg11[%get3A_656, %get3A_657] {strides = array<i32>} : memref<80x64xf32, #tpu.memory_space<vmem>>, vector<16xf32>,
        %add3A_659 = arith.addf %get3A_655, %get3A_658 : vector<16xf32>
        %max3A_660 = arith.constant 0.000000e+00 : f32
        %max3A_661 = vector.broadcast %max3A_660 : f32 to vector<16xf32>
        %max3A_662 = arith.maximumf %add3A_659, %max3A_661 : vector<16xf32>
        %swap3A_663 = arith.index_cast %add3A_626 : i32 to index
        %swap3A_664 = arith.constant 32 : index
        %swap3A_665 = tpu.vector_load %arg15[%swap3A_663, %swap3A_664] {strides = array<i32>} : memref<80x64xf32, #tpu.memory_space<vmem>>, vector<16xf32>,
        tpu.vector_store %arg15[%swap3A_663, %swap3A_664], %max3A_662 {strides = array<i32>} : memref<80x64xf32, #tpu.memory_space<vmem>>, vector<16xf32>,
        %get3A_666 = arith.index_cast %add3A_626 : i32 to index
        %get3A_667 = arith.constant 48 : index
        %get3A_668 = tpu.vector_load %arg15[%get3A_666, %get3A_667] {strides = array<i32>} : memref<80x64xf32, #tpu.memory_space<vmem>>, vector<16xf32>,
        %get3A_669 = arith.index_cast %add3A_626 : i32 to index
        %get3A_670 = arith.constant 48 : index
        %get3A_671 = tpu.vector_load %arg11[%get3A_669, %get3A_670] {strides = array<i32>} : memref<80x64xf32, #tpu.memory_space<vmem>>, vector<16xf32>,
        %add3A_672 = arith.addf %get3A_668, %get3A_671 : vector<16xf32>
        %max3A_673 = arith.constant 0.000000e+00 : f32
        %max3A_674 = vector.broadcast %max3A_673 : f32 to vector<16xf32>
        %max3A_675 = arith.maximumf %add3A_672, %max3A_674 : vector<16xf32>
        %swap3A_676 = arith.index_cast %add3A_626 : i32 to index
        %swap3A_677 = arith.constant 48 : index
        %swap3A_678 = tpu.vector_load %arg15[%swap3A_676, %swap3A_677] {strides = array<i32>} : memref<80x64xf32, #tpu.memory_space<vmem>>, vector<16xf32>,
        tpu.vector_store %arg15[%swap3A_676, %swap3A_677], %max3A_675 {strides = array<i32>} : memref<80x64xf32, #tpu.memory_space<vmem>>, vector<16xf32>,
        %scan3A_679 = arith.constant 6 : i32
        %scan3A_680 = arith.addi %scan3A_334, %scan3A_679 : i32
        %mul3A_681 = arith.constant 1 : i32
        %mul3A_682 = arith.muli %scan3A_680, %mul3A_681 : i32
        %add3A_683 = arith.constant 0 : i32
        %add3A_684 = arith.addi %add3A_683, %mul3A_682 : i32
        %get3A_685 = arith.index_cast %add3A_684 : i32 to index
        %get3A_686 = arith.constant 0 : index
        %get3A_687 = tpu.vector_load %arg15[%get3A_685, %get3A_686] {strides = array<i32>} : memref<80x64xf32, #tpu.memory_space<vmem>>, vector<16xf32>,
        %get3A_688 = arith.index_cast %add3A_684 : i32 to index
        %get3A_689 = arith.constant 0 : index
        %get3A_690 = tpu.vector_load %arg11[%get3A_688, %get3A_689] {strides = array<i32>} : memref<80x64xf32, #tpu.memory_space<vmem>>, vector<16xf32>,
        %add3A_691 = arith.addf %get3A_687, %get3A_690 : vector<16xf32>
        %max3A_692 = arith.constant 0.000000e+00 : f32
        %max3A_693 = vector.broadcast %max3A_692 : f32 to vector<16xf32>
        %max3A_694 = arith.maximumf %add3A_691, %max3A_693 : vector<16xf32>
        %swap3A_695 = arith.index_cast %add3A_684 : i32 to index
        %swap3A_696 = arith.constant 0 : index
        %swap3A_697 = tpu.vector_load %arg15[%swap3A_695, %swap3A_696] {strides = array<i32>} : memref<80x64xf32, #tpu.memory_space<vmem>>, vector<16xf32>,
        tpu.vector_store %arg15[%swap3A_695, %swap3A_696], %max3A_694 {strides = array<i32>} : memref<80x64xf32, #tpu.memory_space<vmem>>, vector<16xf32>,
        %get3A_698 = arith.index_cast %add3A_684 : i32 to index
        %get3A_699 = arith.constant 16 : index
        %get3A_700 = tpu.vector_load %arg15[%get3A_698, %get3A_699] {strides = array<i32>} : memref<80x64xf32, #tpu.memory_space<vmem>>, vector<16xf32>,
        %get3A_701 = arith.index_cast %add3A_684 : i32 to index
        %get3A_702 = arith.constant 16 : index
        %get3A_703 = tpu.vector_load %arg11[%get3A_701, %get3A_702] {strides = array<i32>} : memref<80x64xf32, #tpu.memory_space<vmem>>, vector<16xf32>,
        %add3A_704 = arith.addf %get3A_700, %get3A_703 : vector<16xf32>
        %max3A_705 = arith.constant 0.000000e+00 : f32
        %max3A_706 = vector.broadcast %max3A_705 : f32 to vector<16xf32>
        %max3A_707 = arith.maximumf %add3A_704, %max3A_706 : vector<16xf32>
        %swap3A_708 = arith.index_cast %add3A_684 : i32 to index
        %swap3A_709 = arith.constant 16 : index
        %swap3A_710 = tpu.vector_load %arg15[%swap3A_708, %swap3A_709] {strides = array<i32>} : memref<80x64xf32, #tpu.memory_space<vmem>>, vector<16xf32>,
        tpu.vector_store %arg15[%swap3A_708, %swap3A_709], %max3A_707 {strides = array<i32>} : memref<80x64xf32, #tpu.memory_space<vmem>>, vector<16xf32>,
        %get3A_711 = arith.index_cast %add3A_684 : i32 to index
        %get3A_712 = arith.constant 32 : index
        %get3A_713 = tpu.vector_load %arg15[%get3A_711, %get3A_712] {strides = array<i32>} : memref<80x64xf32, #tpu.memory_space<vmem>>, vector<16xf32>,
        %get3A_714 = arith.index_cast %add3A_684 : i32 to index
        %get3A_715 = arith.constant 32 : index
        %get3A_716 = tpu.vector_load %arg11[%get3A_714, %get3A_715] {strides = array<i32>} : memref<80x64xf32, #tpu.memory_space<vmem>>, vector<16xf32>,
        %add3A_717 = arith.addf %get3A_713, %get3A_716 : vector<16xf32>
        %max3A_718 = arith.constant 0.000000e+00 : f32
        %max3A_719 = vector.broadcast %max3A_718 : f32 to vector<16xf32>
        %max3A_720 = arith.maximumf %add3A_717, %max3A_719 : vector<16xf32>
        %swap3A_721 = arith.index_cast %add3A_684 : i32 to index
        %swap3A_722 = arith.constant 32 : index
        %swap3A_723 = tpu.vector_load %arg15[%swap3A_721, %swap3A_722] {strides = array<i32>} : memref<80x64xf32, #tpu.memory_space<vmem>>, vector<16xf32>,
        tpu.vector_store %arg15[%swap3A_721, %swap3A_722], %max3A_720 {strides = array<i32>} : memref<80x64xf32, #tpu.memory_space<vmem>>, vector<16xf32>,
        %get3A_724 = arith.index_cast %add3A_684 : i32 to index
        %get3A_725 = arith.constant 48 : index
        %get3A_726 = tpu.vector_load %arg15[%get3A_724, %get3A_725] {strides = array<i32>} : memref<80x64xf32, #tpu.memory_space<vmem>>, vector<16xf32>,
        %get3A_727 = arith.index_cast %add3A_684 : i32 to index
        %get3A_728 = arith.constant 48 : index
        %get3A_729 = tpu.vector_load %arg11[%get3A_727, %get3A_728] {strides = array<i32>} : memref<80x64xf32, #tpu.memory_space<vmem>>, vector<16xf32>,
        %add3A_730 = arith.addf %get3A_726, %get3A_729 : vector<16xf32>
        %max3A_731 = arith.constant 0.000000e+00 : f32
        %max3A_732 = vector.broadcast %max3A_731 : f32 to vector<16xf32>
        %max3A_733 = arith.maximumf %add3A_730, %max3A_732 : vector<16xf32>
        %swap3A_734 = arith.index_cast %add3A_684 : i32 to index
        %swap3A_735 = arith.constant 48 : index
        %swap3A_736 = tpu.vector_load %arg15[%swap3A_734, %swap3A_735] {strides = array<i32>} : memref<80x64xf32, #tpu.memory_space<vmem>>, vector<16xf32>,
        tpu.vector_store %arg15[%swap3A_734, %swap3A_735], %max3A_733 {strides = array<i32>} : memref<80x64xf32, #tpu.memory_space<vmem>>, vector<16xf32>,
        %scan3A_737 = arith.constant 7 : i32
        %scan3A_738 = arith.addi %scan3A_334, %scan3A_737 : i32
        %mul3A_739 = arith.constant 1 : i32
        %mul3A_740 = arith.muli %scan3A_738, %mul3A_739 : i32
        %add3A_741 = arith.constant 0 : i32
        %add3A_742 = arith.addi %add3A_741, %mul3A_740 : i32
        %get3A_743 = arith.index_cast %add3A_742 : i32 to index
        %get3A_744 = arith.constant 0 : index
        %get3A_745 = tpu.vector_load %arg15[%get3A_743, %get3A_744] {strides = array<i32>} : memref<80x64xf32, #tpu.memory_space<vmem>>, vector<16xf32>,
        %get3A_746 = arith.index_cast %add3A_742 : i32 to index
        %get3A_747 = arith.constant 0 : index
        %get3A_748 = tpu.vector_load %arg11[%get3A_746, %get3A_747] {strides = array<i32>} : memref<80x64xf32, #tpu.memory_space<vmem>>, vector<16xf32>,
        %add3A_749 = arith.addf %get3A_745, %get3A_748 : vector<16xf32>
        %max3A_750 = arith.constant 0.000000e+00 : f32
        %max3A_751 = vector.broadcast %max3A_750 : f32 to vector<16xf32>
        %max3A_752 = arith.maximumf %add3A_749, %max3A_751 : vector<16xf32>
        %swap3A_753 = arith.index_cast %add3A_742 : i32 to index
        %swap3A_754 = arith.constant 0 : index
        %swap3A_755 = tpu.vector_load %arg15[%swap3A_753, %swap3A_754] {strides = array<i32>} : memref<80x64xf32, #tpu.memory_space<vmem>>, vector<16xf32>,
        tpu.vector_store %arg15[%swap3A_753, %swap3A_754], %max3A_752 {strides = array<i32>} : memref<80x64xf32, #tpu.memory_space<vmem>>, vector<16xf32>,
        %get3A_756 = arith.index_cast %add3A_742 : i32 to index
        %get3A_757 = arith.constant 16 : index
        %get3A_758 = tpu.vector_load %arg15[%get3A_756, %get3A_757] {strides = array<i32>} : memref<80x64xf32, #tpu.memory_space<vmem>>, vector<16xf32>,
        %get3A_759 = arith.index_cast %add3A_742 : i32 to index
        %get3A_760 = arith.constant 16 : index
        %get3A_761 = tpu.vector_load %arg11[%get3A_759, %get3A_760] {strides = array<i32>} : memref<80x64xf32, #tpu.memory_space<vmem>>, vector<16xf32>,
        %add3A_762 = arith.addf %get3A_758, %get3A_761 : vector<16xf32>
        %max3A_763 = arith.constant 0.000000e+00 : f32
        %max3A_764 = vector.broadcast %max3A_763 : f32 to vector<16xf32>
        %max3A_765 = arith.maximumf %add3A_762, %max3A_764 : vector<16xf32>
        %swap3A_766 = arith.index_cast %add3A_742 : i32 to index
        %swap3A_767 = arith.constant 16 : index
        %swap3A_768 = tpu.vector_load %arg15[%swap3A_766, %swap3A_767] {strides = array<i32>} : memref<80x64xf32, #tpu.memory_space<vmem>>, vector<16xf32>,
        tpu.vector_store %arg15[%swap3A_766, %swap3A_767], %max3A_765 {strides = array<i32>} : memref<80x64xf32, #tpu.memory_space<vmem>>, vector<16xf32>,
        %get3A_769 = arith.index_cast %add3A_742 : i32 to index
        %get3A_770 = arith.constant 32 : index
        %get3A_771 = tpu.vector_load %arg15[%get3A_769, %get3A_770] {strides = array<i32>} : memref<80x64xf32, #tpu.memory_space<vmem>>, vector<16xf32>,
        %get3A_772 = arith.index_cast %add3A_742 : i32 to index
        %get3A_773 = arith.constant 32 : index
        %get3A_774 = tpu.vector_load %arg11[%get3A_772, %get3A_773] {strides = array<i32>} : memref<80x64xf32, #tpu.memory_space<vmem>>, vector<16xf32>,
        %add3A_775 = arith.addf %get3A_771, %get3A_774 : vector<16xf32>
        %max3A_776 = arith.constant 0.000000e+00 : f32
        %max3A_777 = vector.broadcast %max3A_776 : f32 to vector<16xf32>
        %max3A_778 = arith.maximumf %add3A_775, %max3A_777 : vector<16xf32>
        %swap3A_779 = arith.index_cast %add3A_742 : i32 to index
        %swap3A_780 = arith.constant 32 : index
        %swap3A_781 = tpu.vector_load %arg15[%swap3A_779, %swap3A_780] {strides = array<i32>} : memref<80x64xf32, #tpu.memory_space<vmem>>, vector<16xf32>,
        tpu.vector_store %arg15[%swap3A_779, %swap3A_780], %max3A_778 {strides = array<i32>} : memref<80x64xf32, #tpu.memory_space<vmem>>, vector<16xf32>,
        %get3A_782 = arith.index_cast %add3A_742 : i32 to index
        %get3A_783 = arith.constant 48 : index
        %get3A_784 = tpu.vector_load %arg15[%get3A_782, %get3A_783] {strides = array<i32>} : memref<80x64xf32, #tpu.memory_space<vmem>>, vector<16xf32>,
        %get3A_785 = arith.index_cast %add3A_742 : i32 to index
        %get3A_786 = arith.constant 48 : index
        %get3A_787 = tpu.vector_load %arg11[%get3A_785, %get3A_786] {strides = array<i32>} : memref<80x64xf32, #tpu.memory_space<vmem>>, vector<16xf32>,
        %add3A_788 = arith.addf %get3A_784, %get3A_787 : vector<16xf32>
        %max3A_789 = arith.constant 0.000000e+00 : f32
        %max3A_790 = vector.broadcast %max3A_789 : f32 to vector<16xf32>
        %max3A_791 = arith.maximumf %add3A_788, %max3A_790 : vector<16xf32>
        %swap3A_792 = arith.index_cast %add3A_742 : i32 to index
        %swap3A_793 = arith.constant 48 : index
        %swap3A_794 = tpu.vector_load %arg15[%swap3A_792, %swap3A_793] {strides = array<i32>} : memref<80x64xf32, #tpu.memory_space<vmem>>, vector<16xf32>,
        tpu.vector_store %arg15[%swap3A_792, %swap3A_793], %max3A_791 {strides = array<i32>} : memref<80x64xf32, #tpu.memory_space<vmem>>, vector<16xf32>,
      }
      %scan3A_293 = arith.constant 80 : i32
      %run_scoped3A_294 = arith.constant 0 : i32
      "tpu.region"() ({
        %run_scoped3A_334 = tpu.sem_alloc : memref<!tpu.dma_semaphore, #tpu.memory_space<semaphore_mem>>
        %dma_start3A_335 = arith.constant 0 : i32
        %dma_start3A_336 = tpu.memref_slice %arg9[%run_scoped3A_294, %dma_start3A_335] : memref<2x80xi32, #tpu.memory_space<vmem>> -> memref<1x80xi32, #tpu.memory_space<vmem>>
        %dma_start3A_337 = tpu.memref_squeeze %dma_start3A_336 : memref<1x80xi32, #tpu.memory_space<vmem>> -> memref<80xi32, #tpu.memory_space<vmem>>
        %dma_start3A_338 = arith.constant 0 : i32
        %dma_start3A_339 = arith.constant 0 : i32
        %dma_start3A_340 = tpu.memref_slice %arg7[%dma_start3A_338, %dma_start3A_339] : memref<10240x64xf32, #tpu.memory_space<vmem_shared>> -> memref<10240x64xf32, #tpu.memory_space<vmem_shared>>
        tpu.enqueue_indirect_dma source(%arg15 : memref<80x64xf32, #tpu.memory_space<vmem>>) target(%dma_start3A_340 : memref<10240x64xf32, #tpu.memory_space<vmem_shared>>) offsets(%dma_start3A_337 : memref<80xi32, #tpu.memory_space<vmem>>) semaphore(%run_scoped3A_334 : memref<!tpu.dma_semaphore, #tpu.memory_space<semaphore_mem>>) {add = true}
        %dma_wait3A_341 = arith.constant 0 : i32
        %dma_wait3A_342 = tpu.memref_slice %arg9[%run_scoped3A_294, %dma_wait3A_341] : memref<2x80xi32, #tpu.memory_space<vmem>> -> memref<1x80xi32, #tpu.memory_space<vmem>>
        %dma_wait3A_343 = tpu.memref_squeeze %dma_wait3A_342 : memref<1x80xi32, #tpu.memory_space<vmem>> -> memref<80xi32, #tpu.memory_space<vmem>>
        %dma_wait3A_344 = arith.constant 0 : i32
        %dma_wait3A_345 = arith.constant 0 : i32
        %dma_wait3A_346 = tpu.memref_slice %arg7[%dma_wait3A_344, %dma_wait3A_345] : memref<10240x64xf32, #tpu.memory_space<vmem_shared>> -> memref<10240x64xf32, #tpu.memory_space<vmem_shared>>
        tpu.wait_indirect_dma semaphore(%run_scoped3A_334 : memref<!tpu.dma_semaphore, #tpu.memory_space<semaphore_mem>>) src(%arg15 : memref<80x64xf32, #tpu.memory_space<vmem>>) dst(%dma_wait3A_346 : memref<10240x64xf32, #tpu.memory_space<vmem_shared>>)
        tpu.yield
      }) : () -> ()
      %get3A_295 = arith.constant 0 : i32
      %get3A_296 = arith.index_cast %get3A_295 : i32 to index
      %get3A_297 = arith.constant 0 : index
      %get3A_298 = tpu.vector_load %arg9[%get3A_296, %get3A_297] {strides = array<i32>} : memref<2x80xi32, #tpu.memory_space<vmem>>, vector<16xi32>,
      tpu.vector_store_idx %arg17[%get3A_298], %broadcast_in_dim3A_5 {add = true} : memref<10240xf32, #tpu.memory_space<vmem>>[vector<16xi32>], vector<16xf32>,
      %get3A_299 = arith.constant 0 : i32
      %get3A_300 = arith.index_cast %get3A_299 : i32 to index
      %get3A_301 = arith.constant 16 : index
      %get3A_302 = tpu.vector_load %arg9[%get3A_300, %get3A_301] {strides = array<i32>} : memref<2x80xi32, #tpu.memory_space<vmem>>, vector<16xi32>,
      tpu.vector_store_idx %arg17[%get3A_302], %broadcast_in_dim3A_5 {add = true} : memref<10240xf32, #tpu.memory_space<vmem>>[vector<16xi32>], vector<16xf32>,
      %get3A_303 = arith.constant 0 : i32
      %get3A_304 = arith.index_cast %get3A_303 : i32 to index
      %get3A_305 = arith.constant 32 : index
      %get3A_306 = tpu.vector_load %arg9[%get3A_304, %get3A_305] {strides = array<i32>} : memref<2x80xi32, #tpu.memory_space<vmem>>, vector<16xi32>,
      tpu.vector_store_idx %arg17[%get3A_306], %broadcast_in_dim3A_5 {add = true} : memref<10240xf32, #tpu.memory_space<vmem>>[vector<16xi32>], vector<16xf32>,
      %get3A_307 = arith.constant 0 : i32
      %get3A_308 = arith.index_cast %get3A_307 : i32 to index
      %get3A_309 = arith.constant 48 : index
      %get3A_310 = tpu.vector_load %arg9[%get3A_308, %get3A_309] {strides = array<i32>} : memref<2x80xi32, #tpu.memory_space<vmem>>, vector<16xi32>,
      tpu.vector_store_idx %arg17[%get3A_310], %broadcast_in_dim3A_5 {add = true} : memref<10240xf32, #tpu.memory_space<vmem>>[vector<16xi32>], vector<16xf32>,
      %get3A_311 = arith.constant 0 : i32
      %get3A_312 = arith.index_cast %get3A_311 : i32 to index
      %get3A_313 = arith.constant 64 : index
      %get3A_314 = tpu.vector_load %arg9[%get3A_312, %get3A_313] {strides = array<i32>} : memref<2x80xi32, #tpu.memory_space<vmem>>, vector<16xi32>,
      tpu.vector_store_idx %arg17[%get3A_314], %broadcast_in_dim3A_5 {add = true} : memref<10240xf32, #tpu.memory_space<vmem>>[vector<16xi32>], vector<16xf32>,
      %add3A_315 = arith.constant 2 : i32
      %add3A_316 = arith.addi %add3A_108, %add3A_315 : i32
      %min3A_317 = arith.constant 125 : i32
      %min3A_318 = arith.minsi %add3A_316, %min3A_317 : i32
      %add3A_319 = arith.addi %mul3A_4, %min3A_318 : i32
      %dma_start3A_320 = arith.constant 0 : i32
      %dma_start3A_321 = arith.constant 0 : i32
      %dma_start3A_322 = tpu.memref_slice %arg4[%add3A_319, %dma_start3A_320, %dma_start3A_321] : memref<4032x2x80xi32, #tpu.memory_space<hbm>> -> memref<1x2x80xi32, #tpu.memory_space<hbm>>
      %dma_start3A_323 = tpu.memref_squeeze %dma_start3A_322 : memref<1x2x80xi32, #tpu.memory_space<hbm>> -> memref<2x80xi32, #tpu.memory_space<hbm>>
      %dma_start3A_324 = arith.constant 0 : i32
      %dma_start3A_325 = arith.constant 0 : i32
      %dma_start3A_326 = tpu.memref_slice %arg4[%add3A_319, %dma_start3A_324, %dma_start3A_325] : memref<4032x2x80xi32, #tpu.memory_space<hbm>> -> memref<1x2x80xi32, #tpu.memory_space<hbm>>
      %dma_start3A_327 = tpu.memref_squeeze %dma_start3A_326 : memref<1x2x80xi32, #tpu.memory_space<hbm>> -> memref<2x80xi32, #tpu.memory_space<hbm>>
      tpu.enqueue_dma source(%dma_start3A_327 : memref<2x80xi32, #tpu.memory_space<hbm>>) target(%arg9 : memref<2x80xi32, #tpu.memory_space<vmem>>) target_semaphore(%arg20 : memref<!tpu.dma_semaphore, #tpu.memory_space<semaphore_mem>>)
      %mul3A_328 = arith.constant 80 : i32
      %mul3A_329 = arith.muli %add3A_319, %mul3A_328 : i32
      %dma_start3A_330 = arith.constant 0 : i32
      %dma_start3A_331 = tpu.memref_slice %arg2[%mul3A_329, %dma_start3A_330] : memref<322560x64xf32, #tpu.memory_space<hbm>> -> memref<80x64xf32, #tpu.memory_space<hbm>>
      %dma_start3A_332 = arith.constant 0 : i32
      %dma_start3A_333 = tpu.memref_slice %arg2[%mul3A_329, %dma_start3A_332] : memref<322560x64xf32, #tpu.memory_space<hbm>> -> memref<80x64xf32, #tpu.memory_space<hbm>>
      tpu.enqueue_dma source(%dma_start3A_333 : memref<80x64xf32, #tpu.memory_space<hbm>>) target(%arg11 : memref<80x64xf32, #tpu.memory_space<vmem>>) target_semaphore(%arg21 : memref<!tpu.dma_semaphore, #tpu.memory_space<semaphore_mem>>)
    }
    %scan3A_64 = arith.constant 63 : i32
    %add3A_65 = arith.constant 126 : i32
    %add3A_66 = arith.addi %mul3A_4, %add3A_65 : i32
    %sub3A = arith.constant 1 : i32
    %sub3A_67 = arith.subi %add3A_66, %sub3A : i32
    %dma_wait3A = arith.constant 0 : i32
    %dma_wait3A_68 = arith.constant 0 : i32
    %dma_wait3A_69 = tpu.memref_slice %arg4[%sub3A_67, %dma_wait3A, %dma_wait3A_68] : memref<4032x2x80xi32, #tpu.memory_space<hbm>> -> memref<1x2x80xi32, #tpu.memory_space<hbm>>
    %dma_wait3A_70 = tpu.memref_squeeze %dma_wait3A_69 : memref<1x2x80xi32, #tpu.memory_space<hbm>> -> memref<2x80xi32, #tpu.memory_space<hbm>>
    %dma_wait3A_71 = arith.constant 0 : i32
    %dma_wait3A_72 = arith.constant 0 : i32
    %dma_wait3A_73 = tpu.memref_slice %arg4[%sub3A_67, %dma_wait3A_71, %dma_wait3A_72] : memref<4032x2x80xi32, #tpu.memory_space<hbm>> -> memref<1x2x80xi32, #tpu.memory_space<hbm>>
    %dma_wait3A_74 = tpu.memref_squeeze %dma_wait3A_73 : memref<1x2x80xi32, #tpu.memory_space<hbm>> -> memref<2x80xi32, #tpu.memory_space<hbm>>
    tpu.wait_dma2 semaphore(%arg18 : memref<!tpu.dma_semaphore, #tpu.memory_space<semaphore_mem>>) src(%dma_wait3A_74 : memref<2x80xi32, #tpu.memory_space<hbm>>) dst(%arg8 : memref<2x80xi32, #tpu.memory_space<vmem>>)
    %mul3A_75 = arith.constant 80 : i32
    %mul3A_76 = arith.muli %sub3A_67, %mul3A_75 : i32
    %dma_wait3A_77 = arith.constant 0 : i32
    %dma_wait3A_78 = tpu.memref_slice %arg2[%mul3A_76, %dma_wait3A_77] : memref<322560x64xf32, #tpu.memory_space<hbm>> -> memref<80x64xf32, #tpu.memory_space<hbm>>
    %dma_wait3A_79 = arith.constant 0 : i32
    %dma_wait3A_80 = tpu.memref_slice %arg2[%mul3A_76, %dma_wait3A_79] : memref<322560x64xf32, #tpu.memory_space<hbm>> -> memref<80x64xf32, #tpu.memory_space<hbm>>
    tpu.wait_dma2 semaphore(%arg19 : memref<!tpu.dma_semaphore, #tpu.memory_space<semaphore_mem>>) src(%dma_wait3A_80 : memref<80x64xf32, #tpu.memory_space<hbm>>) dst(%arg10 : memref<80x64xf32, #tpu.memory_space<vmem>>)
    %add3A_81 = arith.constant 126 : i32
    %add3A_82 = arith.addi %mul3A_4, %add3A_81 : i32
    %sub3A_83 = arith.constant 1 : i32
    %sub3A_84 = arith.subi %add3A_82, %sub3A_83 : i32
    %dma_wait3A_85 = arith.constant 0 : i32
    %dma_wait3A_86 = arith.constant 0 : i32
    %dma_wait3A_87 = tpu.memref_slice %arg4[%sub3A_84, %dma_wait3A_85, %dma_wait3A_86] : memref<4032x2x80xi32, #tpu.memory_space<hbm>> -> memref<1x2x80xi32, #tpu.memory_space<hbm>>
    %dma_wait3A_88 = tpu.memref_squeeze %dma_wait3A_87 : memref<1x2x80xi32, #tpu.memory_space<hbm>> -> memref<2x80xi32, #tpu.memory_space<hbm>>
    %dma_wait3A_89 = arith.constant 0 : i32
    %dma_wait3A_90 = arith.constant 0 : i32
    %dma_wait3A_91 = tpu.memref_slice %arg4[%sub3A_84, %dma_wait3A_89, %dma_wait3A_90] : memref<4032x2x80xi32, #tpu.memory_space<hbm>> -> memref<1x2x80xi32, #tpu.memory_space<hbm>>
    %dma_wait3A_92 = tpu.memref_squeeze %dma_wait3A_91 : memref<1x2x80xi32, #tpu.memory_space<hbm>> -> memref<2x80xi32, #tpu.memory_space<hbm>>
    tpu.wait_dma2 semaphore(%arg20 : memref<!tpu.dma_semaphore, #tpu.memory_space<semaphore_mem>>) src(%dma_wait3A_92 : memref<2x80xi32, #tpu.memory_space<hbm>>) dst(%arg9 : memref<2x80xi32, #tpu.memory_space<vmem>>)
    %mul3A_93 = arith.constant 80 : i32
    %mul3A_94 = arith.muli %sub3A_84, %mul3A_93 : i32
    %dma_wait3A_95 = arith.constant 0 : i32
    %dma_wait3A_96 = tpu.memref_slice %arg2[%mul3A_94, %dma_wait3A_95] : memref<322560x64xf32, #tpu.memory_space<hbm>> -> memref<80x64xf32, #tpu.memory_space<hbm>>
    %dma_wait3A_97 = arith.constant 0 : i32
    %dma_wait3A_98 = tpu.memref_slice %arg2[%mul3A_94, %dma_wait3A_97] : memref<322560x64xf32, #tpu.memory_space<hbm>> -> memref<80x64xf32, #tpu.memory_space<hbm>>
    tpu.wait_dma2 semaphore(%arg21 : memref<!tpu.dma_semaphore, #tpu.memory_space<semaphore_mem>>) src(%dma_wait3A_98 : memref<80x64xf32, #tpu.memory_space<hbm>>) dst(%arg11 : memref<80x64xf32, #tpu.memory_space<vmem>>)
    %barrier3A_99 = arith.constant 0 : index
    tpu.barrier barrier_id(%barrier3A_99)
    "tpu.region"() ({
      %run_scoped3A = tpu.sem_alloc : memref<!tpu.dma_semaphore, #tpu.memory_space<semaphore_mem>>
      %dma_start3A_100 = arith.constant 0 : i32
      %dma_start3A_101 = tpu.memref_slice %arg5[%arg0, %mul3A_2, %dma_start3A_100] : memref<2x10240x64xf32, #tpu.memory_space<hbm>> -> memref<1x640x64xf32, #tpu.memory_space<hbm>>
      %dma_start3A_102 = tpu.memref_squeeze %dma_start3A_101 : memref<1x640x64xf32, #tpu.memory_space<hbm>> -> memref<640x64xf32, #tpu.memory_space<hbm>>
      %dma_start3A_103 = arith.constant 0 : i32
      %dma_start3A_104 = tpu.memref_slice %arg7[%mul3A_2, %dma_start3A_103] : memref<10240x64xf32, #tpu.memory_space<vmem_shared>> -> memref<640x64xf32, #tpu.memory_space<vmem_shared>>
      tpu.enqueue_dma source(%dma_start3A_104 : memref<640x64xf32, #tpu.memory_space<vmem_shared>>) target(%dma_start3A_102 : memref<640x64xf32, #tpu.memory_space<hbm>>) target_semaphore(%run_scoped3A : memref<!tpu.dma_semaphore, #tpu.memory_space<semaphore_mem>>)
      %dma_wait3A_105 = arith.constant 0 : i32
      %dma_wait3A_106 = tpu.memref_slice %arg5[%arg0, %mul3A_2, %dma_wait3A_105] : memref<2x10240x64xf32, #tpu.memory_space<hbm>> -> memref<1x640x64xf32, #tpu.memory_space<hbm>>
      %dma_wait3A_107 = tpu.memref_squeeze %dma_wait3A_106 : memref<1x640x64xf32, #tpu.memory_space<hbm>> -> memref<640x64xf32, #tpu.memory_space<hbm>>
      %dma_wait3A_108 = arith.constant 0 : i32
      %dma_wait3A_109 = tpu.memref_slice %arg7[%mul3A_2, %dma_wait3A_108] : memref<10240x64xf32, #tpu.memory_space<vmem_shared>> -> memref<640x64xf32, #tpu.memory_space<vmem_shared>>
      tpu.wait_dma2 semaphore(%run_scoped3A : memref<!tpu.dma_semaphore, #tpu.memory_space<semaphore_mem>>) src(%dma_wait3A_109 : memref<640x64xf32, #tpu.memory_space<vmem_shared>>) dst(%dma_wait3A_107 : memref<640x64xf32, #tpu.memory_space<hbm>>)
      tpu.yield
    }) : () -> ()
    "tpu.region"() ({
      %run_scoped3A = tpu.sem_alloc : memref<!tpu.dma_semaphore, #tpu.memory_space<semaphore_mem>>
      %dma_start3A_100 = arith.constant 0 : i32
      %dma_start3A_101 = tpu.memref_slice %arg6[%add3A, %dma_start3A_100] : memref<32x10240xf32, #tpu.memory_space<hbm>> -> memref<1x10240xf32, #tpu.memory_space<hbm>>
      %dma_start3A_102 = tpu.memref_squeeze %dma_start3A_101 : memref<1x10240xf32, #tpu.memory_space<hbm>> -> memref<10240xf32, #tpu.memory_space<hbm>>
      %dma_start3A_103 = arith.constant 0 : i32
      %dma_start3A_104 = tpu.memref_slice %arg6[%add3A, %dma_start3A_103] : memref<32x10240xf32, #tpu.memory_space<hbm>> -> memref<1x10240xf32, #tpu.memory_space<hbm>>
      %dma_start3A_105 = tpu.memref_squeeze %dma_start3A_104 : memref<1x10240xf32, #tpu.memory_space<hbm>> -> memref<10240xf32, #tpu.memory_space<hbm>>
      tpu.enqueue_dma source(%arg17 : memref<10240xf32, #tpu.memory_space<vmem>>) target(%dma_start3A_105 : memref<10240xf32, #tpu.memory_space<hbm>>) target_semaphore(%run_scoped3A : memref<!tpu.dma_semaphore, #tpu.memory_space<semaphore_mem>>)
      %dma_wait3A_106 = arith.constant 0 : i32
      %dma_wait3A_107 = tpu.memref_slice %arg6[%add3A, %dma_wait3A_106] : memref<32x10240xf32, #tpu.memory_space<hbm>> -> memref<1x10240xf32, #tpu.memory_space<hbm>>
      %dma_wait3A_108 = tpu.memref_squeeze %dma_wait3A_107 : memref<1x10240xf32, #tpu.memory_space<hbm>> -> memref<10240xf32, #tpu.memory_space<hbm>>
      %dma_wait3A_109 = arith.constant 0 : i32
      %dma_wait3A_110 = tpu.memref_slice %arg6[%add3A, %dma_wait3A_109] : memref<32x10240xf32, #tpu.memory_space<hbm>> -> memref<1x10240xf32, #tpu.memory_space<hbm>>
      %dma_wait3A_111 = tpu.memref_squeeze %dma_wait3A_110 : memref<1x10240xf32, #tpu.memory_space<hbm>> -> memref<10240xf32, #tpu.memory_space<hbm>>
      tpu.wait_dma2 semaphore(%run_scoped3A : memref<!tpu.dma_semaphore, #tpu.memory_space<semaphore_mem>>) src(%arg17 : memref<10240xf32, #tpu.memory_space<vmem>>) dst(%dma_wait3A_111 : memref<10240xf32, #tpu.memory_space<hbm>>)
      tpu.yield
    }) : () -> ()
    return
  }
}

module attributes {stable_mosaic.version = 14 : i64} {
  func.func @_node_body(%arg0: i32, %arg1: memref<2000x1xi32, #tpu.memory_space<vmem>>, %arg2: memref<2000x96xf32, #tpu.memory_space<vmem>>, %arg3: memref<22x32xf32, #tpu.memory_space<vmem>>, %arg4: memref<128x8xf32, #tpu.memory_space<vmem>>, %arg5: memref<1x8xf32, #tpu.memory_space<vmem>>, %arg6: memref<8x16xf32, #tpu.memory_space<vmem>>, %arg7: memref<1x16xf32, #tpu.memory_space<vmem>>, %arg8: memref<16x64xf32, #tpu.memory_space<vmem>>, %arg9: memref<2000x16xf32, #tpu.memory_space<vmem>>, %arg10: memref<2000x64xf32, #tpu.memory_space<vmem>>) attributes {dimension_semantics = [#tpu.dimension_semantics<arbitrary>], iteration_bounds = array<i64: 5>, scalar_prefetch = 0 : i64, scratch_operands = 0 : i64, tpu.core_type = #tpu.core_type<tc>, window_params = [{transform_indices = @transform_0, window_bounds = array<i64: 2000, 1>}, {transform_indices = @transform_1, window_bounds = array<i64: 2000, 96>}, {pipeline_mode = #tpu.pipeline_mode<synchronous>, transform_indices = @transform_2, window_bounds = array<i64: 22, 32>}, {pipeline_mode = #tpu.pipeline_mode<synchronous>, transform_indices = @transform_3, window_bounds = array<i64: 128, 8>}, {pipeline_mode = #tpu.pipeline_mode<synchronous>, transform_indices = @transform_4, window_bounds = array<i64: 1, 8>}, {pipeline_mode = #tpu.pipeline_mode<synchronous>, transform_indices = @transform_5, window_bounds = array<i64: 8, 16>}, {pipeline_mode = #tpu.pipeline_mode<synchronous>, transform_indices = @transform_6, window_bounds = array<i64: 1, 16>}, {pipeline_mode = #tpu.pipeline_mode<synchronous>, transform_indices = @transform_7, window_bounds = array<i64: 16, 64>}, {transform_indices = @transform_8, window_bounds = array<i64: 2000, 16>}, {transform_indices = @transform_9, window_bounds = array<i64: 2000, 64>}]} {
    %get3A = arith.constant 0 : index
    %get3A_0 = arith.constant 0 : index
    %get3A_1 = vector.load %arg1[%get3A, %get3A_0] : memref<2000x1xi32, #tpu.memory_space<vmem>>, vector<2000x1xi32>
    %iota3A = tpu.iota {dimensions = array<i32: 1>} : vector<1x22xi32>
    %eq3A = vector.broadcast %get3A_1 : vector<2000x1xi32> to vector<2000x22xi32>
    %eq3A_2 = vector.broadcast %iota3A : vector<1x22xi32> to vector<2000x22xi32>
    %eq3A_3 = arith.cmpi eq, %eq3A, %eq3A_2 : vector<2000x22xi32>
    %convert_element_type3A = arith.extui %eq3A_3 : vector<2000x22xi1> to vector<2000x22xi32>
    %convert_element_type3A_4 = arith.sitofp %convert_element_type3A : vector<2000x22xi32> to vector<2000x22xf32>
    %get3A_5 = arith.constant 0 : index
    %get3A_6 = arith.constant 0 : index
    %get3A_7 = vector.load %arg3[%get3A_5, %get3A_6] : memref<22x32xf32, #tpu.memory_space<vmem>>, vector<22x32xf32>
    %dot_general3A = arith.constant dense<0.000000e+00> : vector<2000x32xf32>
    %dot_general3A_8 = tpu.matmul %convert_element_type3A_4, %get3A_7, %dot_general3A {dimension_numbers = #tpu.dot_dimension_numbers<[1], [0], [0], [1], [0, 0, 1, 1], [], []>, transpose_lhs_hint = false} : vector<2000x22xf32>, vector<22x32xf32>, vector<2000x32xf32> -> vector<2000x32xf32>
    %get3A_9 = arith.constant 0 : index
    %get3A_10 = arith.constant 0 : index
    %get3A_11 = vector.load %arg2[%get3A_9, %get3A_10] : memref<2000x96xf32, #tpu.memory_space<vmem>>, vector<2000x96xf32>
    %concatenate3A = tpu.concatenate %dot_general3A_8, %get3A_11 in 1 : vector<2000x32xf32>, vector<2000x96xf32> -> vector<2000x128xf32>
    %get3A_12 = arith.constant 0 : index
    %get3A_13 = arith.constant 0 : index
    %get3A_14 = vector.load %arg4[%get3A_12, %get3A_13] : memref<128x8xf32, #tpu.memory_space<vmem>>, vector<128x8xf32>
    %dot_general3A_15 = arith.constant dense<0.000000e+00> : vector<2000x8xf32>
    %dot_general3A_16 = tpu.matmul %concatenate3A, %get3A_14, %dot_general3A_15 {dimension_numbers = #tpu.dot_dimension_numbers<[1], [0], [0], [1], [0, 0, 1, 1], [], []>, transpose_lhs_hint = false} : vector<2000x128xf32>, vector<128x8xf32>, vector<2000x8xf32> -> vector<2000x8xf32>
    %get3A_17 = arith.constant 0 : index
    %get3A_18 = arith.constant 0 : index
    %get3A_19 = vector.load %arg5[%get3A_17, %get3A_18] : memref<1x8xf32, #tpu.memory_space<vmem>>, vector<1x8xf32>
    %add3A = vector.broadcast %get3A_19 : vector<1x8xf32> to vector<2000x8xf32>
    %add3A_20 = arith.addf %dot_general3A_16, %add3A : vector<2000x8xf32>
    %max3A = arith.constant 0.000000e+00 : f32
    %max3A_21 = vector.broadcast %max3A : f32 to vector<2000x8xf32>
    %max3A_22 = arith.maximumf %add3A_20, %max3A_21 : vector<2000x8xf32>
    %get3A_23 = arith.constant 0 : index
    %get3A_24 = arith.constant 0 : index
    %get3A_25 = vector.load %arg6[%get3A_23, %get3A_24] : memref<8x16xf32, #tpu.memory_space<vmem>>, vector<8x16xf32>
    %dot_general3A_26 = arith.constant dense<0.000000e+00> : vector<2000x16xf32>
    %dot_general3A_27 = tpu.matmul %max3A_22, %get3A_25, %dot_general3A_26 {dimension_numbers = #tpu.dot_dimension_numbers<[1], [0], [0], [1], [0, 0, 1, 1], [], []>, transpose_lhs_hint = false} : vector<2000x8xf32>, vector<8x16xf32>, vector<2000x16xf32> -> vector<2000x16xf32>
    %get3A_28 = arith.constant 0 : index
    %get3A_29 = arith.constant 0 : index
    %get3A_30 = vector.load %arg7[%get3A_28, %get3A_29] : memref<1x16xf32, #tpu.memory_space<vmem>>, vector<1x16xf32>
    %add3A_31 = vector.broadcast %get3A_30 : vector<1x16xf32> to vector<2000x16xf32>
    %add3A_32 = arith.addf %dot_general3A_27, %add3A_31 : vector<2000x16xf32>
    %max3A_33 = arith.constant 0.000000e+00 : f32
    %max3A_34 = vector.broadcast %max3A_33 : f32 to vector<2000x16xf32>
    %max3A_35 = arith.maximumf %add3A_32, %max3A_34 : vector<2000x16xf32>
    %swap3A = arith.constant 0 : index
    %swap3A_36 = arith.constant 0 : index
    %swap3A_37 = vector.load %arg9[%swap3A, %swap3A_36] : memref<2000x16xf32, #tpu.memory_space<vmem>>, vector<2000x16xf32>
    tpu.vector_store %arg9[%swap3A, %swap3A_36], %max3A_35 {strides = array<i32>} : memref<2000x16xf32, #tpu.memory_space<vmem>>, vector<2000x16xf32>,
    %get3A_38 = arith.constant 0 : index
    %get3A_39 = arith.constant 0 : index
    %get3A_40 = vector.load %arg8[%get3A_38, %get3A_39] : memref<16x64xf32, #tpu.memory_space<vmem>>, vector<16x64xf32>
    %dot_general3A_41 = arith.constant dense<0.000000e+00> : vector<2000x64xf32>
    %dot_general3A_42 = tpu.matmul %max3A_35, %get3A_40, %dot_general3A_41 {dimension_numbers = #tpu.dot_dimension_numbers<[1], [0], [0], [1], [0, 0, 1, 1], [], []>, transpose_lhs_hint = false} : vector<2000x16xf32>, vector<16x64xf32>, vector<2000x64xf32> -> vector<2000x64xf32>
    %swap3A_43 = arith.constant 0 : index
    %swap3A_44 = arith.constant 0 : index
    %swap3A_45 = vector.load %arg10[%swap3A_43, %swap3A_44] : memref<2000x64xf32, #tpu.memory_space<vmem>>, vector<2000x64xf32>
    tpu.vector_store %arg10[%swap3A_43, %swap3A_44], %dot_general3A_42 {strides = array<i32>} : memref<2000x64xf32, #tpu.memory_space<vmem>>, vector<2000x64xf32>,
    return
  }
  func.func @transform_0(%arg0: i32) -> (i32, i32) {
    %c0_i32 = arith.constant 0 : i32
    %c0_i32_0 = arith.constant 0 : i32
    return %arg0, %c0_i32 : i32, i32
  }
  func.func @transform_1(%arg0: i32) -> (i32, i32) {
    %c0_i32 = arith.constant 0 : i32
    %c0_i32_0 = arith.constant 0 : i32
    return %arg0, %c0_i32 : i32, i32
  }
  func.func @transform_2(%arg0: i32) -> (i32, i32) {
    %c0_i32 = arith.constant 0 : i32
    %c0_i32_0 = arith.constant 0 : i32
    %c0_i32_1 = arith.constant 0 : i32
    return %c0_i32, %c0_i32_0 : i32, i32
  }
  func.func @transform_3(%arg0: i32) -> (i32, i32) {
    %c0_i32 = arith.constant 0 : i32
    %c0_i32_0 = arith.constant 0 : i32
    %c0_i32_1 = arith.constant 0 : i32
    return %c0_i32, %c0_i32_0 : i32, i32
  }
  func.func @transform_4(%arg0: i32) -> (i32, i32) {
    %c0_i32 = arith.constant 0 : i32
    %c0_i32_0 = arith.constant 0 : i32
    %c0_i32_1 = arith.constant 0 : i32
    return %c0_i32, %c0_i32_0 : i32, i32
  }
  func.func @transform_5(%arg0: i32) -> (i32, i32) {
    %c0_i32 = arith.constant 0 : i32
    %c0_i32_0 = arith.constant 0 : i32
    %c0_i32_1 = arith.constant 0 : i32
    return %c0_i32, %c0_i32_0 : i32, i32
  }
  func.func @transform_6(%arg0: i32) -> (i32, i32) {
    %c0_i32 = arith.constant 0 : i32
    %c0_i32_0 = arith.constant 0 : i32
    %c0_i32_1 = arith.constant 0 : i32
    return %c0_i32, %c0_i32_0 : i32, i32
  }
  func.func @transform_7(%arg0: i32) -> (i32, i32) {
    %c0_i32 = arith.constant 0 : i32
    %c0_i32_0 = arith.constant 0 : i32
    %c0_i32_1 = arith.constant 0 : i32
    return %c0_i32, %c0_i32_0 : i32, i32
  }
  func.func @transform_8(%arg0: i32) -> (i32, i32) {
    %c0_i32 = arith.constant 0 : i32
    %c0_i32_0 = arith.constant 0 : i32
    return %arg0, %c0_i32 : i32, i32
  }
  func.func @transform_9(%arg0: i32) -> (i32, i32) {
    %c0_i32 = arith.constant 0 : i32
    %c0_i32_0 = arith.constant 0 : i32
    return %arg0, %c0_i32 : i32, i32
  }
}

module attributes {stable_mosaic.version = 14 : i64} {
  func.func @_edge_body(%arg0: i32, %arg1: memref<8000x1xf32, #tpu.memory_space<vmem>>, %arg2: memref<8000x16xf32, #tpu.memory_space<vmem>>, %arg3: memref<32x4xf32, #tpu.memory_space<vmem>>, %arg4: memref<1x4xf32, #tpu.memory_space<vmem>>, %arg5: memref<4x8xf32, #tpu.memory_space<vmem>>, %arg6: memref<1x8xf32, #tpu.memory_space<vmem>>, %arg7: memref<8x64xf32, #tpu.memory_space<vmem>>, %arg8: memref<1x64xf32, #tpu.memory_space<vmem>>, %arg9: memref<8000x64xf32, #tpu.memory_space<vmem>>) attributes {dimension_semantics = [#tpu.dimension_semantics<arbitrary>], iteration_bounds = array<i64: 40>, scalar_prefetch = 0 : i64, scratch_operands = 0 : i64, tpu.core_type = #tpu.core_type<tc>, window_params = [{transform_indices = @transform_0, window_bounds = array<i64: 8000, 1>}, {transform_indices = @transform_1, window_bounds = array<i64: 8000, 16>}, {pipeline_mode = #tpu.pipeline_mode<synchronous>, transform_indices = @transform_2, window_bounds = array<i64: 32, 4>}, {pipeline_mode = #tpu.pipeline_mode<synchronous>, transform_indices = @transform_3, window_bounds = array<i64: 1, 4>}, {pipeline_mode = #tpu.pipeline_mode<synchronous>, transform_indices = @transform_4, window_bounds = array<i64: 4, 8>}, {pipeline_mode = #tpu.pipeline_mode<synchronous>, transform_indices = @transform_5, window_bounds = array<i64: 1, 8>}, {pipeline_mode = #tpu.pipeline_mode<synchronous>, transform_indices = @transform_6, window_bounds = array<i64: 8, 64>}, {pipeline_mode = #tpu.pipeline_mode<synchronous>, transform_indices = @transform_7, window_bounds = array<i64: 1, 64>}, {transform_indices = @transform_8, window_bounds = array<i64: 8000, 64>}]} {
    %get3A = arith.constant 0 : index
    %get3A_0 = arith.constant 0 : index
    %get3A_1 = vector.load %arg1[%get3A, %get3A_0] : memref<8000x1xf32, #tpu.memory_space<vmem>>, vector<8000x1xf32>
    %iota3A = tpu.iota {dimensions = array<i32: 1>} : vector<1x16xi32>
    %convert_element_type3A = arith.sitofp %iota3A : vector<1x16xi32> to vector<1x16xf32>
    %mul3A = arith.constant 1.33333337 : f32
    %mul3A_2 = vector.broadcast %mul3A : f32 to vector<1x16xf32>
    %mul3A_3 = arith.mulf %convert_element_type3A, %mul3A_2 : vector<1x16xf32>
    %sub3A = vector.broadcast %get3A_1 : vector<8000x1xf32> to vector<8000x16xf32>
    %sub3A_4 = vector.broadcast %mul3A_3 : vector<1x16xf32> to vector<8000x16xf32>
    %sub3A_5 = arith.subf %sub3A, %sub3A_4 : vector<8000x16xf32>
    %integer_pow3A = arith.mulf %sub3A_5, %sub3A_5 : vector<8000x16xf32>
    %neg3A = arith.constant 0.000000e+00 : f32
    %neg3A_6 = vector.broadcast %neg3A : f32 to vector<8000x16xf32>
    %neg3A_7 = arith.subf %neg3A_6, %integer_pow3A : vector<8000x16xf32>
    %exp3A = math.exp %neg3A_7 : vector<8000x16xf32>
    %get3A_8 = arith.constant 0 : index
    %get3A_9 = arith.constant 0 : index
    %get3A_10 = vector.load %arg2[%get3A_8, %get3A_9] : memref<8000x16xf32, #tpu.memory_space<vmem>>, vector<8000x16xf32>
    %concatenate3A = tpu.concatenate %exp3A, %get3A_10 in 1 : vector<8000x16xf32>, vector<8000x16xf32> -> vector<8000x32xf32>
    %get3A_11 = arith.constant 0 : index
    %get3A_12 = arith.constant 0 : index
    %get3A_13 = vector.load %arg3[%get3A_11, %get3A_12] : memref<32x4xf32, #tpu.memory_space<vmem>>, vector<32x4xf32>
    %dot_general3A = arith.constant dense<0.000000e+00> : vector<8000x4xf32>
    %dot_general3A_14 = tpu.matmul %concatenate3A, %get3A_13, %dot_general3A {dimension_numbers = #tpu.dot_dimension_numbers<[1], [0], [0], [1], [0, 0, 1, 1], [], []>, transpose_lhs_hint = false} : vector<8000x32xf32>, vector<32x4xf32>, vector<8000x4xf32> -> vector<8000x4xf32>
    %get3A_15 = arith.constant 0 : index
    %get3A_16 = arith.constant 0 : index
    %get3A_17 = vector.load %arg4[%get3A_15, %get3A_16] : memref<1x4xf32, #tpu.memory_space<vmem>>, vector<1x4xf32>
    %add3A = vector.broadcast %get3A_17 : vector<1x4xf32> to vector<8000x4xf32>
    %add3A_18 = arith.addf %dot_general3A_14, %add3A : vector<8000x4xf32>
    %max3A = arith.constant 0.000000e+00 : f32
    %max3A_19 = vector.broadcast %max3A : f32 to vector<8000x4xf32>
    %max3A_20 = arith.maximumf %add3A_18, %max3A_19 : vector<8000x4xf32>
    %get3A_21 = arith.constant 0 : index
    %get3A_22 = arith.constant 0 : index
    %get3A_23 = vector.load %arg5[%get3A_21, %get3A_22] : memref<4x8xf32, #tpu.memory_space<vmem>>, vector<4x8xf32>
    %dot_general3A_24 = arith.constant dense<0.000000e+00> : vector<8000x8xf32>
    %dot_general3A_25 = tpu.matmul %max3A_20, %get3A_23, %dot_general3A_24 {dimension_numbers = #tpu.dot_dimension_numbers<[1], [0], [0], [1], [0, 0, 1, 1], [], []>, transpose_lhs_hint = false} : vector<8000x4xf32>, vector<4x8xf32>, vector<8000x8xf32> -> vector<8000x8xf32>
    %get3A_26 = arith.constant 0 : index
    %get3A_27 = arith.constant 0 : index
    %get3A_28 = vector.load %arg6[%get3A_26, %get3A_27] : memref<1x8xf32, #tpu.memory_space<vmem>>, vector<1x8xf32>
    %add3A_29 = vector.broadcast %get3A_28 : vector<1x8xf32> to vector<8000x8xf32>
    %add3A_30 = arith.addf %dot_general3A_25, %add3A_29 : vector<8000x8xf32>
    %max3A_31 = arith.constant 0.000000e+00 : f32
    %max3A_32 = vector.broadcast %max3A_31 : f32 to vector<8000x8xf32>
    %max3A_33 = arith.maximumf %add3A_30, %max3A_32 : vector<8000x8xf32>
    %get3A_34 = arith.constant 0 : index
    %get3A_35 = arith.constant 0 : index
    %get3A_36 = vector.load %arg7[%get3A_34, %get3A_35] : memref<8x64xf32, #tpu.memory_space<vmem>>, vector<8x64xf32>
    %dot_general3A_37 = arith.constant dense<0.000000e+00> : vector<8000x64xf32>
    %dot_general3A_38 = tpu.matmul %max3A_33, %get3A_36, %dot_general3A_37 {dimension_numbers = #tpu.dot_dimension_numbers<[1], [0], [0], [1], [0, 0, 1, 1], [], []>, transpose_lhs_hint = false} : vector<8000x8xf32>, vector<8x64xf32>, vector<8000x64xf32> -> vector<8000x64xf32>
    %get3A_39 = arith.constant 0 : index
    %get3A_40 = arith.constant 0 : index
    %get3A_41 = vector.load %arg8[%get3A_39, %get3A_40] : memref<1x64xf32, #tpu.memory_space<vmem>>, vector<1x64xf32>
    %add3A_42 = vector.broadcast %get3A_41 : vector<1x64xf32> to vector<8000x64xf32>
    %add3A_43 = arith.addf %dot_general3A_38, %add3A_42 : vector<8000x64xf32>
    %swap3A = arith.constant 0 : index
    %swap3A_44 = arith.constant 0 : index
    %swap3A_45 = vector.load %arg9[%swap3A, %swap3A_44] : memref<8000x64xf32, #tpu.memory_space<vmem>>, vector<8000x64xf32>
    tpu.vector_store %arg9[%swap3A, %swap3A_44], %add3A_43 {strides = array<i32>} : memref<8000x64xf32, #tpu.memory_space<vmem>>, vector<8000x64xf32>,
    return
  }
  func.func @transform_0(%arg0: i32) -> (i32, i32) {
    %c0_i32 = arith.constant 0 : i32
    %c0_i32_0 = arith.constant 0 : i32
    return %arg0, %c0_i32 : i32, i32
  }
  func.func @transform_1(%arg0: i32) -> (i32, i32) {
    %c0_i32 = arith.constant 0 : i32
    %c0_i32_0 = arith.constant 0 : i32
    return %arg0, %c0_i32 : i32, i32
  }
  func.func @transform_2(%arg0: i32) -> (i32, i32) {
    %c0_i32 = arith.constant 0 : i32
    %c0_i32_0 = arith.constant 0 : i32
    %c0_i32_1 = arith.constant 0 : i32
    return %c0_i32, %c0_i32_0 : i32, i32
  }
  func.func @transform_3(%arg0: i32) -> (i32, i32) {
    %c0_i32 = arith.constant 0 : i32
    %c0_i32_0 = arith.constant 0 : i32
    %c0_i32_1 = arith.constant 0 : i32
    return %c0_i32, %c0_i32_0 : i32, i32
  }
  func.func @transform_4(%arg0: i32) -> (i32, i32) {
    %c0_i32 = arith.constant 0 : i32
    %c0_i32_0 = arith.constant 0 : i32
    %c0_i32_1 = arith.constant 0 : i32
    return %c0_i32, %c0_i32_0 : i32, i32
  }
  func.func @transform_5(%arg0: i32) -> (i32, i32) {
    %c0_i32 = arith.constant 0 : i32
    %c0_i32_0 = arith.constant 0 : i32
    %c0_i32_1 = arith.constant 0 : i32
    return %c0_i32, %c0_i32_0 : i32, i32
  }
  func.func @transform_6(%arg0: i32) -> (i32, i32) {
    %c0_i32 = arith.constant 0 : i32
    %c0_i32_0 = arith.constant 0 : i32
    %c0_i32_1 = arith.constant 0 : i32
    return %c0_i32, %c0_i32_0 : i32, i32
  }
  func.func @transform_7(%arg0: i32) -> (i32, i32) {
    %c0_i32 = arith.constant 0 : i32
    %c0_i32_0 = arith.constant 0 : i32
    %c0_i32_1 = arith.constant 0 : i32
    return %c0_i32, %c0_i32_0 : i32, i32
  }
  func.func @transform_8(%arg0: i32) -> (i32, i32) {
    %c0_i32 = arith.constant 0 : i32
    %c0_i32_0 = arith.constant 0 : i32
    return %arg0, %c0_i32 : i32, i32
  }
}

module attributes {stable_mosaic.version = 14 : i64} {
  func.func @_epi_body(%arg0: i32, %arg1: memref<10000x16xf32, #tpu.memory_space<vmem>>, %arg2: memref<2x10000x64xf32, #tpu.memory_space<vmem>>, %arg3: memref<32x10240xf32, #tpu.memory_space<vmem>>, %arg4: memref<1x10000xi32, #tpu.memory_space<vmem>>, %arg5: memref<16x128xf32, #tpu.memory_space<vmem>>, %arg6: memref<64x128xf32, #tpu.memory_space<vmem>>, %arg7: memref<1x128xf32, #tpu.memory_space<vmem>>, %arg8: memref<128x2xf32, #tpu.memory_space<vmem>>, %arg9: memref<1x2xf32, #tpu.memory_space<vmem>>, %arg10: memref<128x2xf32, #tpu.memory_space<vmem>>, %arg11: memref<1x2xf32, #tpu.memory_space<vmem>>, %arg12: memref<10000x2xf32, #tpu.memory_space<vmem>>, %arg13: memref<32x2xf32, #tpu.memory_space<vmem>>) attributes {dimension_semantics = [#tpu.dimension_semantics<arbitrary>], iteration_bounds = array<i64: 1>, scalar_prefetch = 0 : i64, scratch_operands = 0 : i64, tpu.core_type = #tpu.core_type<tc>, window_params = [{pipeline_mode = #tpu.pipeline_mode<synchronous>, transform_indices = @transform_0, window_bounds = array<i64: 10000, 16>}, {transform_indices = @transform_1, window_bounds = array<i64: 2, 10000, 64>}, {pipeline_mode = #tpu.pipeline_mode<synchronous>, transform_indices = @transform_2, window_bounds = array<i64: 32, 10240>}, {pipeline_mode = #tpu.pipeline_mode<synchronous>, transform_indices = @transform_3, window_bounds = array<i64: 1, 10000>}, {pipeline_mode = #tpu.pipeline_mode<synchronous>, transform_indices = @transform_4, window_bounds = array<i64: 16, 128>}, {pipeline_mode = #tpu.pipeline_mode<synchronous>, transform_indices = @transform_5, window_bounds = array<i64: 64, 128>}, {pipeline_mode = #tpu.pipeline_mode<synchronous>, transform_indices = @transform_6, window_bounds = array<i64: 1, 128>}, {pipeline_mode = #tpu.pipeline_mode<synchronous>, transform_indices = @transform_7, window_bounds = array<i64: 128, 2>}, {pipeline_mode = #tpu.pipeline_mode<synchronous>, transform_indices = @transform_8, window_bounds = array<i64: 1, 2>}, {pipeline_mode = #tpu.pipeline_mode<synchronous>, transform_indices = @transform_9, window_bounds = array<i64: 128, 2>}, {pipeline_mode = #tpu.pipeline_mode<synchronous>, transform_indices = @transform_10, window_bounds = array<i64: 1, 2>}, {pipeline_mode = #tpu.pipeline_mode<synchronous>, transform_indices = @transform_11, window_bounds = array<i64: 10000, 2>}, {pipeline_mode = #tpu.pipeline_mode<synchronous>, transform_indices = @transform_12, window_bounds = array<i64: 32, 2>}]} {
    %get3A = arith.constant 0 : index
    %get3A_0 = arith.constant 0 : index
    %get3A_1 = arith.constant 0 : index
    %get3A_2 = vector.load %arg2[%get3A, %get3A_0, %get3A_1] : memref<2x10000x64xf32, #tpu.memory_space<vmem>>, vector<1x10000x64xf32>
    %get3A_3 = vector.shape_cast %get3A_2 : vector<1x10000x64xf32> to vector<10000x64xf32>
    %get3A_4 = arith.constant 1 : index
    %get3A_5 = arith.constant 0 : index
    %get3A_6 = arith.constant 0 : index
    %get3A_7 = vector.load %arg2[%get3A_4, %get3A_5, %get3A_6] : memref<2x10000x64xf32, #tpu.memory_space<vmem>>, vector<1x10000x64xf32>
    %get3A_8 = vector.shape_cast %get3A_7 : vector<1x10000x64xf32> to vector<10000x64xf32>
    %add3A = arith.addf %get3A_3, %get3A_8 : vector<10000x64xf32>
    %get3A_9 = arith.constant 0 : index
    %get3A_10 = arith.constant 0 : index
    %get3A_11 = vector.load %arg3[%get3A_9, %get3A_10] : memref<32x10240xf32, #tpu.memory_space<vmem>>, vector<32x10240xf32>
    %broadcast_in_dim3A = arith.constant 1.000000e+00 : f32
    %broadcast_in_dim3A_12 = vector.broadcast %broadcast_in_dim3A : f32 to vector<32x1xf32>
    %dot_general3A = arith.constant dense<0.000000e+00> : vector<10240x1xf32>
    %dot_general3A_13 = tpu.matmul %get3A_11, %broadcast_in_dim3A_12, %dot_general3A {dimension_numbers = #tpu.dot_dimension_numbers<[0], [0], [1], [1], [0, 1, 1, 1], [], []>, transpose_lhs_hint = false} : vector<32x10240xf32>, vector<32x1xf32>, vector<10240x1xf32> -> vector<10240x1xf32>
    %slice3A = vector.extract_strided_slice %dot_general3A_13 {offsets = [0, 0], sizes = [10000, 1], strides = [1, 1]} : vector<10240x1xf32> to vector<10000x1xf32>
    %max3A = arith.constant 1.000000e+00 : f32
    %max3A_14 = vector.broadcast %max3A : f32 to vector<10000x1xf32>
    %max3A_15 = arith.maximumf %slice3A, %max3A_14 : vector<10000x1xf32>
    %div3A = vector.broadcast %max3A_15 : vector<10000x1xf32> to vector<10000x64xf32>
    %div3A_16 = arith.divf %add3A, %div3A : vector<10000x64xf32>
    %get3A_17 = arith.constant 0 : index
    %get3A_18 = arith.constant 0 : index
    %get3A_19 = vector.load %arg1[%get3A_17, %get3A_18] : memref<10000x16xf32, #tpu.memory_space<vmem>>, vector<10000x16xf32>
    %get3A_20 = arith.constant 0 : index
    %get3A_21 = arith.constant 0 : index
    %get3A_22 = vector.load %arg5[%get3A_20, %get3A_21] : memref<16x128xf32, #tpu.memory_space<vmem>>, vector<16x128xf32>
    %dot_general3A_23 = arith.constant dense<0.000000e+00> : vector<10000x128xf32>
    %dot_general3A_24 = tpu.matmul %get3A_19, %get3A_22, %dot_general3A_23 {dimension_numbers = #tpu.dot_dimension_numbers<[1], [0], [0], [1], [0, 0, 1, 1], [], []>, transpose_lhs_hint = false} : vector<10000x16xf32>, vector<16x128xf32>, vector<10000x128xf32> -> vector<10000x128xf32>
    %get3A_25 = arith.constant 0 : index
    %get3A_26 = arith.constant 0 : index
    %get3A_27 = vector.load %arg6[%get3A_25, %get3A_26] : memref<64x128xf32, #tpu.memory_space<vmem>>, vector<64x128xf32>
    %dot_general3A_28 = arith.constant dense<0.000000e+00> : vector<10000x128xf32>
    %dot_general3A_29 = tpu.matmul %div3A_16, %get3A_27, %dot_general3A_28 {dimension_numbers = #tpu.dot_dimension_numbers<[1], [0], [0], [1], [0, 0, 1, 1], [], []>, transpose_lhs_hint = false} : vector<10000x64xf32>, vector<64x128xf32>, vector<10000x128xf32> -> vector<10000x128xf32>
    %add3A_30 = arith.addf %dot_general3A_24, %dot_general3A_29 : vector<10000x128xf32>
    %get3A_31 = arith.constant 0 : index
    %get3A_32 = arith.constant 0 : index
    %get3A_33 = vector.load %arg7[%get3A_31, %get3A_32] : memref<1x128xf32, #tpu.memory_space<vmem>>, vector<1x128xf32>
    %add3A_34 = vector.broadcast %get3A_33 : vector<1x128xf32> to vector<10000x128xf32>
    %add3A_35 = arith.addf %add3A_30, %add3A_34 : vector<10000x128xf32>
    %max3A_36 = arith.constant 0.000000e+00 : f32
    %max3A_37 = vector.broadcast %max3A_36 : f32 to vector<10000x128xf32>
    %max3A_38 = arith.maximumf %add3A_35, %max3A_37 : vector<10000x128xf32>
    %get3A_39 = arith.constant 0 : index
    %get3A_40 = arith.constant 0 : index
    %get3A_41 = vector.load %arg10[%get3A_39, %get3A_40] : memref<128x2xf32, #tpu.memory_space<vmem>>, vector<128x2xf32>
    %dot_general3A_42 = arith.constant dense<0.000000e+00> : vector<10000x2xf32>
    %dot_general3A_43 = tpu.matmul %max3A_38, %get3A_41, %dot_general3A_42 {dimension_numbers = #tpu.dot_dimension_numbers<[1], [0], [0], [1], [0, 0, 1, 1], [], []>, transpose_lhs_hint = false} : vector<10000x128xf32>, vector<128x2xf32>, vector<10000x2xf32> -> vector<10000x2xf32>
    %get3A_44 = arith.constant 0 : index
    %get3A_45 = arith.constant 0 : index
    %get3A_46 = vector.load %arg11[%get3A_44, %get3A_45] : memref<1x2xf32, #tpu.memory_space<vmem>>, vector<1x2xf32>
    %add3A_47 = vector.broadcast %get3A_46 : vector<1x2xf32> to vector<10000x2xf32>
    %add3A_48 = arith.addf %dot_general3A_43, %add3A_47 : vector<10000x2xf32>
    %neg3A = arith.constant 0.000000e+00 : f32
    %neg3A_49 = vector.broadcast %neg3A : f32 to vector<10000x2xf32>
    %neg3A_50 = arith.subf %neg3A_49, %add3A_48 : vector<10000x2xf32>
    %exp3A = math.exp %neg3A_50 : vector<10000x2xf32>
    %add3A_51 = arith.constant 1.000000e+00 : f32
    %add3A_52 = vector.broadcast %add3A_51 : f32 to vector<10000x2xf32>
    %add3A_53 = arith.addf %add3A_52, %exp3A : vector<10000x2xf32>
    %div3A_54 = arith.constant 1.000000e+00 : f32
    %div3A_55 = vector.broadcast %div3A_54 : f32 to vector<10000x2xf32>
    %div3A_56 = arith.divf %div3A_55, %add3A_53 : vector<10000x2xf32>
    %swap3A = arith.constant 0 : index
    %swap3A_57 = arith.constant 0 : index
    %swap3A_58 = vector.load %arg12[%swap3A, %swap3A_57] : memref<10000x2xf32, #tpu.memory_space<vmem>>, vector<10000x2xf32>
    tpu.vector_store %arg12[%swap3A, %swap3A_57], %div3A_56 {strides = array<i32>} : memref<10000x2xf32, #tpu.memory_space<vmem>>, vector<10000x2xf32>,
    %get3A_59 = arith.constant 0 : index
    %get3A_60 = arith.constant 0 : index
    %get3A_61 = vector.load %arg4[%get3A_59, %get3A_60] : memref<1x10000xi32, #tpu.memory_space<vmem>>, vector<1x10000xi32>
    %iota3A = tpu.iota {dimensions = array<i32: 0>} : vector<32x10000xi32>
    %eq3A = vector.broadcast %get3A_61 : vector<1x10000xi32> to vector<32x10000xi32>
    %eq3A_62 = arith.cmpi eq, %eq3A, %iota3A : vector<32x10000xi32>
    %convert_element_type3A = arith.extui %eq3A_62 : vector<32x10000xi1> to vector<32x10000xi32>
    %convert_element_type3A_63 = arith.sitofp %convert_element_type3A : vector<32x10000xi32> to vector<32x10000xf32>
    %dot_general3A_64 = arith.constant dense<0.000000e+00> : vector<32x128xf32>
    %dot_general3A_65 = tpu.matmul %convert_element_type3A_63, %max3A_38, %dot_general3A_64 {dimension_numbers = #tpu.dot_dimension_numbers<[1], [0], [0], [1], [0, 0, 1, 1], [], []>, transpose_lhs_hint = false} : vector<32x10000xf32>, vector<10000x128xf32>, vector<32x128xf32> -> vector<32x128xf32>
    %reduce_sum3A = arith.constant dense<0.000000e+00> : vector<32xf32>
    %reduce_sum3A_66 = vector.multi_reduction <add>, %convert_element_type3A_63, %reduce_sum3A [1] : vector<32x10000xf32> to vector<32xf32>
    %broadcast_in_dim3A_67 = vector.shape_cast %reduce_sum3A_66 : vector<32xf32> to vector<32x1xf32>
    %max3A_68 = arith.constant 1.000000e+00 : f32
    %max3A_69 = vector.broadcast %max3A_68 : f32 to vector<32x1xf32>
    %max3A_70 = arith.maximumf %broadcast_in_dim3A_67, %max3A_69 : vector<32x1xf32>
    %div3A_71 = vector.broadcast %max3A_70 : vector<32x1xf32> to vector<32x128xf32>
    %div3A_72 = arith.divf %dot_general3A_65, %div3A_71 : vector<32x128xf32>
    %get3A_73 = arith.constant 0 : index
    %get3A_74 = arith.constant 0 : index
    %get3A_75 = vector.load %arg8[%get3A_73, %get3A_74] : memref<128x2xf32, #tpu.memory_space<vmem>>, vector<128x2xf32>
    %dot_general3A_76 = arith.constant dense<0.000000e+00> : vector<32x2xf32>
    %dot_general3A_77 = tpu.matmul %div3A_72, %get3A_75, %dot_general3A_76 {dimension_numbers = #tpu.dot_dimension_numbers<[1], [0], [0], [1], [0, 0, 1, 1], [], []>, transpose_lhs_hint = false} : vector<32x128xf32>, vector<128x2xf32>, vector<32x2xf32> -> vector<32x2xf32>
    %get3A_78 = arith.constant 0 : index
    %get3A_79 = arith.constant 0 : index
    %get3A_80 = vector.load %arg9[%get3A_78, %get3A_79] : memref<1x2xf32, #tpu.memory_space<vmem>>, vector<1x2xf32>
    %add3A_81 = vector.broadcast %get3A_80 : vector<1x2xf32> to vector<32x2xf32>
    %add3A_82 = arith.addf %dot_general3A_77, %add3A_81 : vector<32x2xf32>
    %neg3A_83 = arith.constant 0.000000e+00 : f32
    %neg3A_84 = vector.broadcast %neg3A_83 : f32 to vector<32x2xf32>
    %neg3A_85 = arith.subf %neg3A_84, %add3A_82 : vector<32x2xf32>
    %exp3A_86 = math.exp %neg3A_85 : vector<32x2xf32>
    %add3A_87 = arith.constant 1.000000e+00 : f32
    %add3A_88 = vector.broadcast %add3A_87 : f32 to vector<32x2xf32>
    %add3A_89 = arith.addf %add3A_88, %exp3A_86 : vector<32x2xf32>
    %div3A_90 = arith.constant 1.000000e+00 : f32
    %div3A_91 = vector.broadcast %div3A_90 : f32 to vector<32x2xf32>
    %div3A_92 = arith.divf %div3A_91, %add3A_89 : vector<32x2xf32>
    %swap3A_93 = arith.constant 0 : index
    %swap3A_94 = arith.constant 0 : index
    %swap3A_95 = vector.load %arg13[%swap3A_93, %swap3A_94] : memref<32x2xf32, #tpu.memory_space<vmem>>, vector<32x2xf32>
    tpu.vector_store %arg13[%swap3A_93, %swap3A_94], %div3A_92 {strides = array<i32>} : memref<32x2xf32, #tpu.memory_space<vmem>>, vector<32x2xf32>,
    return
  }
  func.func @transform_0(%arg0: i32) -> (i32, i32) {
    %c0_i32 = arith.constant 0 : i32
    %c0_i32_0 = arith.constant 0 : i32
    %c0_i32_1 = arith.constant 0 : i32
    return %c0_i32, %c0_i32_0 : i32, i32
  }
  func.func @transform_1(%arg0: i32) -> (i32, i32, i32) {
    %c0_i32 = arith.constant 0 : i32
    %c0_i32_0 = arith.constant 0 : i32
    %c0_i32_1 = arith.constant 0 : i32
    %c0_i32_2 = arith.constant 0 : i32
    return %c0_i32, %c0_i32_0, %c0_i32_1 : i32, i32, i32
  }
  func.func @transform_2(%arg0: i32) -> (i32, i32) {
    %c0_i32 = arith.constant 0 : i32
    %c0_i32_0 = arith.constant 0 : i32
    %c0_i32_1 = arith.constant 0 : i32
    return %c0_i32, %c0_i32_0 : i32, i32
  }
  func.func @transform_3(%arg0: i32) -> (i32, i32) {
    %c0_i32 = arith.constant 0 : i32
    %c0_i32_0 = arith.constant 0 : i32
    %c0_i32_1 = arith.constant 0 : i32
    return %c0_i32, %c0_i32_0 : i32, i32
  }
  func.func @transform_4(%arg0: i32) -> (i32, i32) {
    %c0_i32 = arith.constant 0 : i32
    %c0_i32_0 = arith.constant 0 : i32
    %c0_i32_1 = arith.constant 0 : i32
    return %c0_i32, %c0_i32_0 : i32, i32
  }
  func.func @transform_5(%arg0: i32) -> (i32, i32) {
    %c0_i32 = arith.constant 0 : i32
    %c0_i32_0 = arith.constant 0 : i32
    %c0_i32_1 = arith.constant 0 : i32
    return %c0_i32, %c0_i32_0 : i32, i32
  }
  func.func @transform_6(%arg0: i32) -> (i32, i32) {
    %c0_i32 = arith.constant 0 : i32
    %c0_i32_0 = arith.constant 0 : i32
    %c0_i32_1 = arith.constant 0 : i32
    return %c0_i32, %c0_i32_0 : i32, i32
  }
  func.func @transform_7(%arg0: i32) -> (i32, i32) {
    %c0_i32 = arith.constant 0 : i32
    %c0_i32_0 = arith.constant 0 : i32
    %c0_i32_1 = arith.constant 0 : i32
    return %c0_i32, %c0_i32_0 : i32, i32
  }
  func.func @transform_8(%arg0: i32) -> (i32, i32) {
    %c0_i32 = arith.constant 0 : i32
    %c0_i32_0 = arith.constant 0 : i32
    %c0_i32_1 = arith.constant 0 : i32
    return %c0_i32, %c0_i32_0 : i32, i32
  }
  func.func @transform_9(%arg0: i32) -> (i32, i32) {
    %c0_i32 = arith.constant 0 : i32
    %c0_i32_0 = arith.constant 0 : i32
    %c0_i32_1 = arith.constant 0 : i32
    return %c0_i32, %c0_i32_0 : i32, i32
  }
  func.func @transform_10(%arg0: i32) -> (i32, i32) {
    %c0_i32 = arith.constant 0 : i32
    %c0_i32_0 = arith.constant 0 : i32
    %c0_i32_1 = arith.constant 0 : i32
    return %c0_i32, %c0_i32_0 : i32, i32
  }
  func.func @transform_11(%arg0: i32) -> (i32, i32) {
    %c0_i32 = arith.constant 0 : i32
    %c0_i32_0 = arith.constant 0 : i32
    %c0_i32_1 = arith.constant 0 : i32
    return %c0_i32, %c0_i32_0 : i32, i32
  }
  func.func @transform_12(%arg0: i32) -> (i32, i32) {
    %c0_i32 = arith.constant 0 : i32
    %c0_i32_0 = arith.constant 0 : i32
    %c0_i32_1 = arith.constant 0 : i32
    return %c0_i32, %c0_i32_0 : i32, i32
  }
}

</mosaic_0001>

<sc_bundles>
// kernel: kernel.6.cloned.1.call-start
scs
__scs_entry_jumppad:
0x0: {  	(pc) =	sbr.rel $0x88, $3  }
0x1: {  	(tag) =	ssettag $0x0;
	lr =	simm.s32 $0x1  }
0x2: {  	[smem:$0x3F87] =	sst lr;
	_ =	strace $0xD0000000  }
0x3: {  	_ = 	snop  }
0x4: {  	_ = 	snop  }
0x5: {  	_ = 	snop  }
0x6: {  	_ = 	snop  }
0x7: {  	_ = 	snop  }
__scs_overlays_trampoline_lowered:
0x8: {  	[smem:$0x3F96] =	sst s0  }
0x9: {  	[smem:$0x3F97] =	sst s1  }
0xa: {  	[smem:$0x3F98] =	sst s2  }
0xb: {  	[smem:$0x3F99] =	sst s3  }
0xc: {  	[smem:$0x3F9A] =	sst s4  }
0xd: {  	[smem:$0x3F9B] =	sst s5  }
0xe: {  	[smem:$0x3F9C] =	sst s6  }
0xf: {  	[smem:$0x3F9D] =	sst s7  }
0x10: {  	[smem:$0x3F9E] =	sst s8  }
0x11: {  	[smem:$0x3F9F] =	sst s9;
	s0 =	simm.s32 @!p0 $0x0  }
0x12: {  	s1 =	sld [smem:$0x3F85];
	s0 =	simm.s32 @p0 $0x1  }
0x13: {  	[smem:$0x3FA0] =	sst s0;
	s0 =	simm.s32 @!p1 $0x0  }
0x14: {  	s2 =	sld [smem:$0x3F84];
	s0 =	simm.s32 @p1 $0x1  }
0x15: {  	[smem:$0x3FA1] =	sst s0;
	s0 =	simm.s32 @!p2 $0x0  }
0x16: {  	s3 =	sld [smem:$0x3FDB];
	s0 =	simm.s32 @p2 $0x1  }
0x17: {  	s4 =	simm.s32 $0x1BF5;
	[smem:$0x3FA3] =	sst s0  }
0x18: {  	s0 =	sld [smem:$0x3F86];
	_ =	swait.ge [sflag:s4], $0x0  }
0x19: {  	s7 =	sld [smem:$0x3F87]  }
0x1a: {  	s8 =	sadd.s32 $0xFFFFE003, lr  }
0x1b: {  	s9 =	sadd.s32 $0xFFFFFEF7, lr;
	s5 =	simm.s32 $0xFFFFFFFF;
	p2 =	slt.u32 s8, $0xFFFFF086  }
0x1c: {  	p1 =	slt.u32 s9, $0xF7A;
	s5 =	simm.s32 @!p2 $0x0  }
0x1d: {  	s5 =	simm.s32 @p1 $0x1;
	p0 =	seq.s32 s7, s2  }
0x1e: {  	s7 =	smul.u32 @!p0 $0xF7A, s2;
	p2 =	seq.s32 @!p0 s5, $0x0  }
0x1f: {  	s9 =	smul.u32 $0xF7A, s1;
	s8 =	simm.s32 @!p0 $0x1BF5;
	p2 =	por !p2, p0  }
0x20: {  	[sflag:s8] =	ssyncset.s32 @!p0 $0xFFFFF086;
	s6 =	sadd.s32 @!p0 s3, s7;
	s7 =	simm.s32 @!p0 $0x108  }
0x21: {  	s3 =	sadd.s32 s3, s9;
	s6 =	sadd.s32 @!p0 $0x88, s6;
	s7 =	simm.s32 @p2 $0x1082  }
0x22: {  	[simem:s7], [sflag:s8] =	dma.local @!p0 [hbm:s6], $0xF7A  }
0x23: {  	s9 =	sor.u32 $0xD0000000, s2;
	s6 =	simm.s32 $0x108;
	_ =	swait.ge @!p0 [sflag:s8], $0x0  }
0x24: {  	s3 =	sadd.s32 $0x88, s3;
	s6 =	simm.s32 @!p1 $0x1082;
	[sflag:s4] =	ssyncset.s32 $0xFFFFF086  }
0x25: {  	[simem:s6], [sflag:s4] =	dma.local [hbm:s3], $0xF7A  }
0x26: {  	[smem:$0x3F87] =	sst s1;
	(tag) =	ssettag s2;
	_ =	strace s9  }
0x27: {  	s1 =	sld [smem:$0x3F97]  }
0x28: {  	s2 =	sld [smem:$0x3F98]  }
0x29: {  	s4 =	sld [smem:$0x3F9A]  }
0x2a: {  	p0 =	seq.s32 s5, $0x0;
	s5 =	sld [smem:$0x3F9B]  }
0x2b: {  	s6 =	sld [smem:$0x3F9C]  }
0x2c: {  	s7 =	sld [smem:$0x3F9D]  }
0x2d: {  	s3 =	simm.s32 $0x108;
	s8 =	sld [smem:$0x3F9E]  }
0x2e: {  	s3 =	simm.s32 @!p0 $0x1082;
	s9 =	sld [smem:$0x3F9F]  }
0x2f: {  	lr =	sadd.s32 s0, s3;
	s0 =	sld [smem:$0x3F96]  }
0x30: {  	s3 =	sld [smem:$0x3F99]  }
0x31: {  	[smem:$0x3FA2] =	sst s10  }
0x32: {  	s10 =	sld [smem:$0x3FA0];
	_ =	sdelay $0x3  }
0x33: {  	p0 =	seq.s32 s10, $0x1;
	s10 =	sld [smem:$0x3FA2];
	_ =	sdelay $0x3  }
0x34: {  	[smem:$0x3FA2] =	sst s10  }
0x35: {  	s10 =	sld [smem:$0x3FA1];
	_ =	sdelay $0x3  }
0x36: {  	p1 =	seq.s32 s10, $0x1;
	s10 =	sld [smem:$0x3FA2];
	_ =	sdelay $0x3  }
0x37: {  	[smem:$0x3FA2] =	sst s10  }
0x38: {  	s10 =	sld [smem:$0x3FA3]  }
0x39: {  	_ = 	snop;
	(pc) =	sbr.ind lr, $3  }
0x3a: {  	_ = 	snop  }
0x3b: {  	_ = 	snop  }
0x3c: {  	p2 =	seq.s32 s10, $0x1;
	s10 =	sld [smem:$0x3FA2]  }
0x3d: {  	_ =	shalt  }
0x3e: {  	_ =	shalt  }
0x3f: {  	_ =	shalt  }
0x40: {  	_ =	shalt  }
0x41: {  	_ =	shalt  }
0x42: {  	_ =	shalt  }
0x43: {  	_ =	shalt  }
0x44: {  	_ =	shalt  }
0x45: {  	_ =	shalt  }
0x46: {  	_ =	shalt  }
0x47: {  	_ =	shalt  }
0x48: {  	_ =	shalt  }
0x49: {  	_ =	shalt  }
0x4a: {  	_ =	shalt  }
0x4b: {  	_ =	shalt  }
0x4c: {  	_ =	shalt  }
0x4d: {  	_ =	shalt  }
0x4e: {  	_ =	shalt  }
0x4f: {  	_ =	shalt  }
0x50: {  	_ =	shalt  }
0x51: {  	_ =	shalt  }
0x52: {  	_ =	shalt  }
0x53: {  	_ =	shalt  }
0x54: {  	_ =	shalt  }
0x55: {  	_ =	shalt  }
0x56: {  	_ =	shalt  }
0x57: {  	_ =	shalt  }
0x58: {  	_ =	shalt  }
0x59: {  	_ =	shalt  }
0x5a: {  	_ =	shalt  }
0x5b: {  	_ =	shalt  }
0x5c: {  	_ =	shalt  }
0x5d: {  	_ =	shalt  }
0x5e: {  	_ =	shalt  }
0x5f: {  	_ =	shalt  }
0x60: {  	_ =	shalt  }
0x61: {  	_ =	shalt  }
0x62: {  	_ =	shalt  }
0x63: {  	_ =	shalt  }
0x64: {  	_ =	shalt  }
0x65: {  	_ =	shalt  }
0x66: {  	_ =	shalt  }
0x67: {  	_ =	shalt  }
0x68: {  	_ =	shalt  }
0x69: {  	_ =	shalt  }
0x6a: {  	_ =	shalt  }
0x6b: {  	_ =	shalt  }
0x6c: {  	_ =	shalt  }
0x6d: {  	_ =	shalt  }
0x6e: {  	_ =	shalt  }
0x6f: {  	_ =	shalt  }
0x70: {  	_ =	shalt  }
0x71: {  	_ =	shalt  }
0x72: {  	_ =	shalt  }
0x73: {  	_ =	shalt  }
0x74: {  	_ =	shalt  }
0x75: {  	_ =	shalt  }
0x76: {  	_ =	shalt  }
0x77: {  	_ =	shalt  }
0x78: {  	_ =	shalt  }
0x79: {  	_ =	shalt  }
0x7a: {  	_ =	shalt  }
0x7b: {  	_ =	shalt  }
0x7c: {  	_ =	shalt  }
0x7d: {  	_ =	shalt  }
0x7e: {  	_ =	shalt  }
0x7f: {  	_ =	shalt  }
0x80: {  	_ =	shalt  }
0x81: {  	_ =	shalt  }
0x82: {  	_ =	shalt  }
0x83: {  	_ =	shalt  }
0x84: {  	_ =	shalt  }
0x85: {  	_ =	shalt  }
0x86: {  	_ =	shalt  }
0x87: {  	_ =	shalt  }
.Lfunc_end0:
.L_simem_size_0:
called_computation_lowered:
.L_overlay_start_0:
0x88: {  	s2 =	sld [smem:$0x3FD9]  }
0x89: {  	s3 =	sld [smem:$0x3FFE];
	_ =	sdelay $0x1  }
0x8a: {  	s1 =	srdreg.scid  }
0x8b: {  	s0 =	sand.u32 $0x1, s1  }
0x8c: {  	s16 =	sshll.u32 s0, $0xA;
	s2 =	sadd.s32 s3, s2  }
0x8d: {  	s2 =	sadd.s32 s2, s16  }
0x8e: {  	[smem:$0x3FAE] =	sst s2  }
0x8f: {  	_ = 	snop  }
0x90: {  	(tm) =	ssettm $0x1  }
0x91: {  	s17 =	sld [smem:$0x3FFB];
	_ =	sdelay $0x3  }
0x92: {  	_ =	strace s17  }
0x93: {  	s2 =	sld [smem:$0x3FFC];
	_ =	sdelay $0x3  }
0x94: {  	_ =	strace s2  }
0x95: {  	s2 =	sld [smem:$0x3FFD];
	_ =	sdelay $0x3  }
0x96: {  	_ =	strace s2  }
0x97: {  	_ =	strace $0x8FFFFFFF  }
0x98: {  	s18 =	sld [smem:$0x3FDB];
	_ =	sdelay $0x1  }
0x99: {  	s19 =	simm.s32 $_scs_section_size  }
0x9a: {  	s4 =	simm.s32 $_size__tile_overlayer_lowered;
	s5 =	simm.s32 $_tile_overlayer_lowered  }
0x9b: {  	s22 =	simm.s32 $0x1BFF;
	s21 =	sshll.u32 s5, $0x1;
	s2 =	sadd.s32 s19, s18  }
0x9c: {  	s6 =	simm.s32 $0x0;
	s20 =	sshll.u32 s4, $0x1;
	s4 =	sadd.s32 s21, s2  }
0x9d: {  	[timem:s6], [sflag:s22] =	dma.local [hbm:s4], s20  }
0x9e: {  	_ =	swait.ge [sflag:s22], s20  }
0x9f: {  	s3 =	ssub.s32 $0x0, s20;
	[sflag:s22] =	ssyncset.done $0x0  }
0xa0: {  	[sflag:s22] =	ssyncadd.s32 s3;
	_ =	sdelay $0x1  }
0xa1: {  	s23 =	simm.s32 $0x1B8B  }
0xa2: {  	_ =	swait.ge [sflag:s23], $0x1  }
0xa3: {  	[sflag:s23] =	ssyncset.done $0x0  }
0xa4: {  	s25 =	simm.s32 $0x1B8E;
	s24 =	sld [smem:$0x3FFE];
	[sflag:s23] =	ssyncadd.s32 $0xFFFFFFFF  }
0xa5: {  	s26 =	simm.s32 $execute0_lowered;
	[smem:$0x3FD2] =	sst s25  }
0xa6: {  	s4 =	sshll.u32 s26, $0x1;
	_ =	strace $0x80000046;
	[dreg:$0x1] =	wrdreg $0xFFFFFFFF  }
0xa7: {  	s28 =	simm.s32 $_size_execute0_lowered;
	s2 =	sadd.s32 s2, s4;
	[dreg:$0x0] =	wrdreg $0x0  }
0xa8: {  	s4 =	sshll.u32 s28, $0x1;
	[dreg:$0x2] =	wrdreg s2  }
0xa9: {  	[dreg:$0x3] =	wrdreg s4  }
0xaa: {  	[dreg:$0x4] =	wrdreg $0xC0  }
0xab: {  	_ =	task [dreg:s6], $0x5FFFF  }
0xac: {  	[dreg:$0x1] =	wrdreg $0xFFFFFFFF  }
0xad: {  	[dreg:$0x0] =	wrdreg $0x60  }
0xae: {  	[dreg:$0x2] =	wrdreg s24  }
0xaf: {  	[dreg:$0x3] =	wrdreg $0x0  }
0xb0: {  	[dreg:$0x4] =	wrdreg $0x9  }
0xb1: {  	_ =	task.clear_ibuf [dreg:s6], $0x5FFFF;
	_ =	strace $0x90000046  }
0xb2: {  	s29 =	simm.s32 $0x9;
	_ =	strace $0x80000048  }
0xb3: {  	_ =	swait.ge [sflag:s29], $0x1  }
0xb4: {  	[sflag:s29] =	ssyncadd.s32 $0xFFFFFFFF  }
0xb5: {  	_ =	strace $0x90000048  }
0xb6: {  	_ =	sfence  }
0xb7: {  	s30 =	sld [smem:$0x0];
	_ =	sdelay $0x2  }
0xb8: {  	s31 =	sshll.u32 s1, $0xD;
	s1 =	sshrl.u32 s1, $0x2  }
0xb9: {  	s3 =	sand.u32 $0x4000, s31;
	s1 =	sadd.s32 s1, s30  }
0xba: {  	s0 =	sor.u32 s3, s0;
	s1 =	sshll.u32 s1, $0x11  }
0xbb: {  	s0 =	sor.u32 s1, s0  }
0xbc: {  	s0 =	sadd.s32 $0x8F2B, s0  }
0xbd: {  	[sflag:s0] =	ssyncadd.remote.s32 $0x1  }
0xbe: {  	_ =	sfence.sel $0xFFFF  }
0xbf: {  	[dreg:$0x0] =	wrdreg $0xFFFFFFFF;
	(pc) =	sbr.abs _section_cstart, $3  }
0xc0: {  	[dreg:$0x1] =	wrdreg $0xFFFFFFFF  }
0xc1: {  	_ =	task.clear_ibuf [dreg:s6], $0x2FFFF;
	_ =	strace $0x9FFFFFFF  }
0xc2: {  	(tm) =	ssettm $0x7FFFFFFF  }
0xc3: {  	_ =	shalt  }
tec
execute0_lowered:
.L_overlay_start_1:
0x0: {  	(tag) =	ssettag $0x1  }
0x1: {  	s0 =	rddreg [dreg:$0x0]  }
0x2: {  	s2 =	rddreg [dreg:$0x1]  }
0x3: {  	s1 =	srdreg.scid;
	s11 =	stileid.u32  }
0x4: {  	s3 =	simm.s32 $0x0;
	s29 =	simm.s32 $0xA0A0;
	s31 =	simm.s32 $0x1  }
0x5: {  	s1 =	sand.u32 $0x1, s1;
	s7 =	smul.u32 $0xA000, s11;
	[smem:$0x7FF] =	sst s3  }
0x6: {  	s5 =	smul.u32 $0xA0000, s1;
	s4 =	sshll.u32 s1, $0x4;
	_ =	strace $0x80000047  }
0x7: {  	s1 =	ssub.s32 $0x2, s1;
	s8 =	sor.u32 s11, s4;
	s11 =	smul.u32 $0x28000, s11  }
0x8: {  	s4 =	sadd.s32 $0x52BA00, s0;
	s14 =	sshrl.u32 s1, $0x1;
	s9 =	smul.u32 $0x500, s8  }
0x9: {  	s24 =	sadd.s32 s7, s2;
	s6 =	sadd.s32 s7, s5;
	s15 =	smul.u32 $0x7E, s8  }
0xa: {  	s5 =	sadd.s32 $0x2BA00, s0;
	s1 =	ssub.s32 s1, s14;
	s17 =	smul.u32 $0x9D8, s8  }
0xb: {  	s8 =	smul.u32 $0x13B00, s8;
	[dreg:$0x3] =	wrdreg s24;
	s10 =	sshrl.u32 s6, $0x3  }
0xc: {  	s6 =	sadd.s32 $0x3FA00, s0;
	s11 =	sshrl.u32 s11, $0x2;
	s30 =	smax.u32 s1, $0x1  }
0xd: {  	s1 =	simm.s32 $0x50;
	s7 =	sadd.s32 s6, s17;
	[dreg:$0x12] =	wrdreg s30  }
0xe: {  	s10 =	sadd.s32 s10, s0;
	s22 =	sadd.s32 s4, s8;
	[dreg:$0xb] =	wrdreg s7  }
0xf: {  	s11 =	sadd.s32 s11, s2;
	s26 =	sadd.s32 $0x2, s15;
	[dreg:$0xc] =	wrdreg s22  }
0x10: {  	s0 =	sadd.s32 s9, s0;
	s16 =	sadd.s32 $0x1400, s11;
	[dreg:$0xf] =	wrdreg s26  }
0x11: {  	s18 =	sor.u32 $0x1, s15;
	s12 =	sadd.s32 $0x2800, s11;
	[dreg:$0x4] =	wrdreg s16  }
0x12: {  	s8 =	simm.s32 $0xC940;
	s13 =	sadd.s32 $0x3C00, s11;
	[dreg:$0x5] =	wrdreg s12  }
0x13: {  	s9 =	simm.s32 $0xA050;
	s19 =	sadd.s32 $0x5000, s11;
	[dreg:$0x6] =	wrdreg s13  }
0x14: {  	s17 =	simm.s32 $0x12D40;
	s14 =	sadd.s32 $0x6400, s11;
	[dreg:$0x7] =	wrdreg s19  }
0x15: {  	s20 =	smul.u32 $0x14, s18;
	s21 =	sadd.s32 $0x7800, s11;
	[dreg:$0x8] =	wrdreg s14  }
0x16: {  	s11 =	sadd.s32 $0x8C00, s11;
	s28 =	sadd.s32 $0x53600, s10;
	[dreg:$0x9] =	wrdreg s21  }
0x17: {  	s0 =	sadd.s32 $0x7B600, s0;
	s26 =	simm.s32 $0xA000;
	[dreg:$0xa] =	wrdreg s11  }
0x18: {  	s10 =	simm.s32 $0xDD40;
	s22 =	simm.s32 $0x8;
	[dreg:$0x10] =	wrdreg s28  }
0x19: {  	s12 =	smul.u32 $0x280, s18;
	[dreg:$0x11] =	wrdreg s0;
	s0 =	simm.s32 $0x2  }
0x1a: {  	s11 =	simm.s32 $0x3;
	s13 =	simm.s32 $0xF140;
	s14 =	simm.s32 $0xA0F0  }
0x1b: {  	s16 =	simm.s32 $0x5;
	s18 =	simm.s32 $0x6;
	s21 =	simm.s32 $0x7  }
0x1c: {  	s19 =	simm.s32 $0x0;
	s23 =	sadd.s32 s6, s20;
	s20 =	sadd.s32 $0x3, s15  }
0x1d: {  	s15 =	simm.s32 $0x10540;
	[dreg:$0xd] =	wrdreg s23;
	s25 =	sadd.s32 s4, s12  }
0x1e: {  	v0 =	vimm.f32 $0.0e+00;
	v1 =	vimm.f32 $1.000000000e+00;
	s12 =	simm.s32 $0x4;
	[dreg:$0xe] =	wrdreg s25;
	s25 =	simm.s32 $0x9  }
.LBB2_1:
0x1f: {  	[dreg:$0x13] =	wrdreg s19;
	s19 =	simm.s32 $0x100;
	s7 =	simm.s32 $0x0  }
.LBB2_2:
0x20: {  	p0 =	sne.s32 s19, $0x4F00;
	[tilespmem:s7+$0x11970] =	vst v0;
	s23 =	smov.u32 s19;
	s19 =	sadd.s32 $0x100, s19  }
.Ltmp0:
0x21: {  	[tilespmem:s7+$0x11960] =	vst v0;
	(pc) =	sbr.rel @p0 .LBB2_2-.Ltmp0, $3  }
0x22: {  	[tilespmem:s7+$0x11940] =	vst v0  }
0x23: {  	[tilespmem:s7+$0x11950] =	vst v0;
	_ =	sdelay $0x1  }
0x24: {  	s7 =	sshra.s32 s23, $0x2  }
0x25: {  	[tilespmem:s7+$0x11970] =	vst v0  }
0x26: {  	[tilespmem:s7+$0x11960] =	vst v0  }
0x27: {  	[tilespmem:s7+$0x11940] =	vst v0  }
0x28: {  	[tilespmem:s7+$0x11950] =	vst v0;
	s19 =	simm.s32 $0x11940  }
0x29: {  	[spmem:s24] =	stream.linear.scatter [tilespmem:s19], [sflag:$0x9], $0x1400, $0x38;
	[tilespmem:$0x15540] =	vst v63  }
0x2a: {  	_ =	swait.ge [sflag:s25], $0x1400  }
0x2b: {  	[sflag:s25] =	ssyncset.done $0x0  }
0x2c: {  	s24 =	rddreg [dreg:$0x4];
	[sflag:s25] =	ssyncadd.s32 $0xFFFFEC00  }
0x2d: {  	[spmem:s24] =	stream.linear.scatter [tilespmem:s19], [sflag:$0x9], $0x1400, $0x38;
	[tilespmem:$0x15540] =	vst v63  }
0x2e: {  	_ =	swait.ge [sflag:s25], $0x1400  }
0x2f: {  	[sflag:s25] =	ssyncset.done $0x0  }
0x30: {  	s28 =	rddreg [dreg:$0x5];
	[sflag:s25] =	ssyncadd.s32 $0xFFFFEC00  }
0x31: {  	[spmem:s28] =	stream.linear.scatter [tilespmem:s19], [sflag:$0x9], $0x1400, $0x38;
	[tilespmem:$0x15540] =	vst v63  }
0x32: {  	_ =	swait.ge [sflag:s25], $0x1400  }
0x33: {  	[sflag:s25] =	ssyncset.done $0x0  }
0x34: {  	s30 =	rddreg [dreg:$0x6];
	[sflag:s25] =	ssyncadd.s32 $0xFFFFEC00  }
0x35: {  	[spmem:s30] =	stream.linear.scatter [tilespmem:s19], [sflag:$0x9], $0x1400, $0x38;
	[tilespmem:$0x15540] =	vst v63  }
0x36: {  	_ =	swait.ge [sflag:s25], $0x1400  }
0x37: {  	[sflag:s25] =	ssyncset.done $0x0  }
0x38: {  	s23 =	rddreg [dreg:$0x7];
	[sflag:s25] =	ssyncadd.s32 $0xFFFFEC00  }
0x39: {  	[spmem:s23] =	stream.linear.scatter [tilespmem:s19], [sflag:$0x9], $0x1400, $0x38;
	[tilespmem:$0x15540] =	vst v63  }
0x3a: {  	_ =	swait.ge [sflag:s25], $0x1400  }
0x3b: {  	[sflag:s25] =	ssyncset.done $0x0  }
0x3c: {  	s24 =	rddreg [dreg:$0x8];
	[sflag:s25] =	ssyncadd.s32 $0xFFFFEC00  }
0x3d: {  	[spmem:s24] =	stream.linear.scatter [tilespmem:s19], [sflag:$0x9], $0x1400, $0x38;
	[tilespmem:$0x15540] =	vst v63  }
0x3e: {  	_ =	swait.ge [sflag:s25], $0x1400  }
0x3f: {  	[sflag:s25] =	ssyncset.done $0x0  }
0x40: {  	s28 =	rddreg [dreg:$0x9];
	[sflag:s25] =	ssyncadd.s32 $0xFFFFEC00  }
0x41: {  	[spmem:s28] =	stream.linear.scatter [tilespmem:s19], [sflag:$0x9], $0x1400, $0x38;
	[tilespmem:$0x15540] =	vst v63  }
0x42: {  	_ =	swait.ge [sflag:s25], $0x1400  }
0x43: {  	[sflag:s25] =	ssyncset.done $0x0  }
0x44: {  	s30 =	rddreg [dreg:$0xa];
	[sflag:s25] =	ssyncadd.s32 $0xFFFFEC00  }
0x45: {  	[spmem:s30] =	stream.linear.scatter [tilespmem:s19], [sflag:$0x9], $0x1400, $0x38;
	[tilespmem:$0x15540] =	vst v63  }
0x46: {  	_ =	swait.ge [sflag:s25], $0x1400  }
0x47: {  	[sflag:s25] =	ssyncset.done $0x0  }
0x48: {  	s7 =	simm.s32 $0x40;
	s19 =	simm.s32 $0x0;
	[sflag:s25] =	ssyncadd.s32 $0xFFFFEC00  }
.LBB2_4:
0x49: {  	p0 =	sne.s32 s7, $0x9FC0;
	[tilespmem:s19+$0x12D40] =	vst v0;
	s19 =	smov.u32 s7;
	s7 =	sadd.s32 $0x40, s7  }
.Ltmp1:
0x4a: {  	(pc) =	sbr.rel @p0 .LBB2_4-.Ltmp1, $2  }
0x4b: {  	_ =	sdelay $0x2  }
0x4c: {  	s19 =	sshra.s32 s19, $0x2  }
0x4d: {  	[tilespmem:s19+$0x12D40] =	vst v0  }
0x4e: {  	[bflag:$0x0] =	sbarrier.arrive $0xFFFF  }
0x4f: {  	s7 =	simm.s32 $0x0;
	s28 =	rddreg [dreg:$0xb]  }
0x50: {  	[tilespmem:s26], [sflag:$0x1] =	stream.linear.gather [hbm4b:s28+s7], $0xA0, $0x38;
	[tilespmem:$0x15540] =	vst v63  }
0x51: {  	s23 =	simm.s32 $0xA140;
	s30 =	rddreg [dreg:$0xc]  }
0x52: {  	[tilespmem:s23], [sflag:$0x2] =	stream.linear.gather [hbm4b:s30+s7], $0x1400, $0x38;
	[tilespmem:$0x15540] =	vst v63  }
0x53: {  	s24 =	rddreg [dreg:$0xd]  }
0x54: {  	[tilespmem:s29], [sflag:$0x3] =	stream.linear.gather [hbm4b:s24+s7], $0xA0, $0x38;
	[tilespmem:$0x15540] =	vst v63  }
0x55: {  	s28 =	rddreg [dreg:$0xe];
	s30 =	simm.s32 $0xB540  }
0x56: {  	[tilespmem:s30], [sflag:$0x4] =	stream.linear.gather [hbm4b:s28+s7], $0x1400, $0x38;
	[tilespmem:$0x15540] =	vst v63  }
.LBB2_6:
0x57: {  	_ =	swait.ge [sflag:s31], $0xA0  }
0x58: {  	[sflag:s31] =	ssyncset.done $0x0  }
0x59: {  	[sflag:s31] =	ssyncadd.s32 $0xFFFFFF60  }
0x5a: {  	_ =	swait.ge [sflag:s0], $0x1400  }
0x5b: {  	[sflag:s0] =	ssyncset.done $0x0  }
0x5c: {  	[sflag:s0] =	ssyncadd.s32 $0xFFFFEC00  }
0x5d: {  	[tilespmem:s8], [sflag:$0x5] =	stream.indirect.gather [hbm4b:s5+s1], $0x40, s26, s1, $0xb8;
	[tilespmem:$0x15540] =	vst v63  }
0x5e: {  	_ = 	snop  }
0x5f: {  	[tilespmem:s10], [sflag:$0x6] =	stream.indirect.gather [hbm4b:s5+s1], $0x40, s9, s1, $0xb8;
	[tilespmem:$0x15540] =	vst v63  }
0x60: {  	_ =	swait.ge [sflag:s11], $0xA0  }
0x61: {  	[sflag:s11] =	ssyncset.done $0x0  }
0x62: {  	[sflag:s11] =	ssyncadd.s32 $0xFFFFFF60  }
0x63: {  	_ =	swait.ge [sflag:s12], $0x1400  }
0x64: {  	[sflag:s12] =	ssyncset.done $0x0  }
0x65: {  	[sflag:s12] =	ssyncadd.s32 $0xFFFFEC00  }
0x66: {  	[tilespmem:s13], [sflag:$0x7] =	stream.indirect.gather [hbm4b:s5+s1], $0x40, s29, s1, $0xb8;
	[tilespmem:$0x15540] =	vst v63  }
0x67: {  	_ = 	snop  }
0x68: {  	[tilespmem:s15], [sflag:$0x8] =	stream.indirect.gather [hbm4b:s5+s1], $0x40, s14, s1, $0xb8;
	[tilespmem:$0x15540] =	vst v63  }
0x69: {  	_ =	swait.ge [sflag:s16], $0x1400  }
0x6a: {  	[sflag:s16] =	ssyncset.done $0x0  }
0x6b: {  	s24 =	simm.s32 $0xCA40;
	[sflag:s16] =	ssyncadd.s32 $0xFFFFEC00  }
0x6c: {  	s23 =	simm.s32 $0xA240;
	v2 =	vld [tilespmem:s24+$0xFFFFFF00]  }
0x6d: {  	v3 =	vld [tilespmem:s23+$0xFFFFFF00];
	_ =	sdelay $0x4  }
0x6e: {  	v2 =	vadd.f32 v3, v2;
	_ =	sdelay $0x1  }
0x6f: {  	v2 =	vmax.f32 v2, $0.0e+00  }
0x70: {  	[tilespmem:s24+$0xFFFFFF00] =	vst v2;
	v2 =	vld [tilespmem:s24+$0xFFFFFF10]  }
0x71: {  	v3 =	vld [tilespmem:s23+$0xFFFFFF10];
	_ =	sdelay $0x4  }
0x72: {  	v2 =	vadd.f32 v3, v2;
	_ =	sdelay $0x1  }
0x73: {  	v2 =	vmax.f32 v2, $0.0e+00  }
0x74: {  	[tilespmem:s24+$0xFFFFFF10] =	vst v2;
	v2 =	vld [tilespmem:s24+$0xFFFFFF20]  }
0x75: {  	v3 =	vld [tilespmem:s23+$0xFFFFFF20];
	_ =	sdelay $0x4  }
0x76: {  	v2 =	vadd.f32 v3, v2;
	_ =	sdelay $0x1  }
0x77: {  	v2 =	vmax.f32 v2, $0.0e+00  }
0x78: {  	[tilespmem:s24+$0xFFFFFF20] =	vst v2;
	v2 =	vld [tilespmem:s24+$0xFFFFFF30]  }
0x79: {  	v3 =	vld [tilespmem:s23+$0xFFFFFF30];
	_ =	sdelay $0x4  }
0x7a: {  	v2 =	vadd.f32 v3, v2;
	_ =	sdelay $0x1  }
0x7b: {  	v2 =	vmax.f32 v2, $0.0e+00  }
0x7c: {  	[tilespmem:s24+$0xFFFFFF30] =	vst v2;
	v2 =	vld [tilespmem:s24+$0xFFFFFF40]  }
0x7d: {  	v3 =	vld [tilespmem:s23+$0xFFFFFF40];
	_ =	sdelay $0x4  }
0x7e: {  	v2 =	vadd.f32 v3, v2;
	_ =	sdelay $0x1  }
0x7f: {  	v2 =	vmax.f32 v2, $0.0e+00  }
0x80: {  	[tilespmem:s24+$0xFFFFFF40] =	vst v2;
	v2 =	vld [tilespmem:s24+$0xFFFFFF50]  }
0x81: {  	v3 =	vld [tilespmem:s23+$0xFFFFFF50];
	_ =	sdelay $0x4  }
0x82: {  	v2 =	vadd.f32 v3, v2;
	_ =	sdelay $0x1  }
0x83: {  	v2 =	vmax.f32 v2, $0.0e+00  }
0x84: {  	[tilespmem:s24+$0xFFFFFF50] =	vst v2;
	v2 =	vld [tilespmem:s24+$0xFFFFFF60]  }
0x85: {  	v3 =	vld [tilespmem:s23+$0xFFFFFF60];
	_ =	sdelay $0x4  }
0x86: {  	v2 =	vadd.f32 v3, v2;
	_ =	sdelay $0x1  }
0x87: {  	v2 =	vmax.f32 v2, $0.0e+00  }
0x88: {  	[tilespmem:s24+$0xFFFFFF60] =	vst v2;
	v2 =	vld [tilespmem:s24+$0xFFFFFF70]  }
0x89: {  	v3 =	vld [tilespmem:s23+$0xFFFFFF70];
	_ =	sdelay $0x4  }
0x8a: {  	v2 =	vadd.f32 v3, v2;
	_ =	sdelay $0x1  }
0x8b: {  	v2 =	vmax.f32 v2, $0.0e+00  }
0x8c: {  	[tilespmem:s24+$0xFFFFFF70] =	vst v2;
	v2 =	vld [tilespmem:s24+$0xFFFFFF80]  }
0x8d: {  	v3 =	vld [tilespmem:s23+$0xFFFFFF80];
	_ =	sdelay $0x4  }
0x8e: {  	v2 =	vadd.f32 v3, v2;
	_ =	sdelay $0x1  }
0x8f: {  	v2 =	vmax.f32 v2, $0.0e+00  }
0x90: {  	[tilespmem:s24+$0xFFFFFF80] =	vst v2;
	v2 =	vld [tilespmem:s24+$0xFFFFFF90]  }
0x91: {  	v3 =	vld [tilespmem:s23+$0xFFFFFF90];
	_ =	sdelay $0x4  }
0x92: {  	v2 =	vadd.f32 v3, v2;
	_ =	sdelay $0x1  }
0x93: {  	v2 =	vmax.f32 v2, $0.0e+00  }
0x94: {  	[tilespmem:s24+$0xFFFFFF90] =	vst v2;
	v2 =	vld [tilespmem:s24+$0xFFFFFFA0]  }
0x95: {  	v3 =	vld [tilespmem:s23+$0xFFFFFFA0];
	_ =	sdelay $0x4  }
0x96: {  	v2 =	vadd.f32 v3, v2;
	_ =	sdelay $0x1  }
0x97: {  	v2 =	vmax.f32 v2, $0.0e+00  }
0x98: {  	[tilespmem:s24+$0xFFFFFFA0] =	vst v2;
	v2 =	vld [tilespmem:s24+$0xFFFFFFB0]  }
0x99: {  	v3 =	vld [tilespmem:s23+$0xFFFFFFB0];
	_ =	sdelay $0x4  }
0x9a: {  	v2 =	vadd.f32 v3, v2;
	_ =	sdelay $0x1  }
0x9b: {  	v2 =	vmax.f32 v2, $0.0e+00  }
0x9c: {  	[tilespmem:s24+$0xFFFFFFB0] =	vst v2;
	v2 =	vld [tilespmem:s24+$0xFFFFFFC0]  }
0x9d: {  	v3 =	vld [tilespmem:s23+$0xFFFFFFC0];
	_ =	sdelay $0x4  }
0x9e: {  	v2 =	vadd.f32 v3, v2;
	_ =	sdelay $0x1  }
0x9f: {  	v2 =	vmax.f32 v2, $0.0e+00  }
0xa0: {  	[tilespmem:s24+$0xFFFFFFC0] =	vst v2;
	v2 =	vld [tilespmem:s24+$0xFFFFFFD0]  }
0xa1: {  	v3 =	vld [tilespmem:s23+$0xFFFFFFD0];
	_ =	sdelay $0x4  }
0xa2: {  	v2 =	vadd.f32 v3, v2;
	_ =	sdelay $0x1  }
0xa3: {  	v2 =	vmax.f32 v2, $0.0e+00  }
0xa4: {  	[tilespmem:s24+$0xFFFFFFD0] =	vst v2;
	v2 =	vld [tilespmem:s24+$0xFFFFFFE0]  }
0xa5: {  	v3 =	vld [tilespmem:s23+$0xFFFFFFE0];
	_ =	sdelay $0x4  }
0xa6: {  	v2 =	vadd.f32 v3, v2;
	_ =	sdelay $0x1  }
0xa7: {  	v2 =	vmax.f32 v2, $0.0e+00  }
0xa8: {  	[tilespmem:s24+$0xFFFFFFE0] =	vst v2;
	v2 =	vld [tilespmem:s24+$0xFFFFFFF0]  }
0xa9: {  	v3 =	vld [tilespmem:s23+$0xFFFFFFF0];
	_ =	sdelay $0x4  }
0xaa: {  	v2 =	vadd.f32 v3, v2;
	_ =	sdelay $0x1  }
0xab: {  	v2 =	vmax.f32 v2, $0.0e+00  }
0xac: {  	[tilespmem:s24+$0xFFFFFFF0] =	vst v2;
	v2 =	vld [tilespmem:s24+$0x0]  }
0xad: {  	v3 =	vld [tilespmem:s23+$0x0];
	_ =	sdelay $0x4  }
0xae: {  	v2 =	vadd.f32 v3, v2;
	_ =	sdelay $0x1  }
0xaf: {  	v2 =	vmax.f32 v2, $0.0e+00  }
0xb0: {  	[tilespmem:s24+$0x0] =	vst v2;
	v2 =	vld [tilespmem:s24+$0x10]  }
0xb1: {  	v3 =	vld [tilespmem:s23+$0x10];
	_ =	sdelay $0x4  }
0xb2: {  	v2 =	vadd.f32 v3, v2;
	_ =	sdelay $0x1  }
0xb3: {  	v2 =	vmax.f32 v2, $0.0e+00  }
0xb4: {  	[tilespmem:s24+$0x10] =	vst v2;
	v2 =	vld [tilespmem:s24+$0x20]  }
0xb5: {  	v3 =	vld [tilespmem:s23+$0x20];
	_ =	sdelay $0x4  }
0xb6: {  	v2 =	vadd.f32 v3, v2;
	_ =	sdelay $0x1  }
0xb7: {  	v2 =	vmax.f32 v2, $0.0e+00  }
0xb8: {  	[tilespmem:s24+$0x20] =	vst v2;
	v2 =	vld [tilespmem:s24+$0x30]  }
0xb9: {  	v3 =	vld [tilespmem:s23+$0x30];
	_ =	sdelay $0x4  }
0xba: {  	v2 =	vadd.f32 v3, v2;
	_ =	sdelay $0x1  }
0xbb: {  	v2 =	vmax.f32 v2, $0.0e+00  }
0xbc: {  	[tilespmem:s24+$0x30] =	vst v2;
	v2 =	vld [tilespmem:s24+$0x40]  }
0xbd: {  	v3 =	vld [tilespmem:s23+$0x40];
	_ =	sdelay $0x4  }
0xbe: {  	v2 =	vadd.f32 v3, v2;
	_ =	sdelay $0x1  }
0xbf: {  	v2 =	vmax.f32 v2, $0.0e+00  }
0xc0: {  	[tilespmem:s24+$0x40] =	vst v2;
	v2 =	vld [tilespmem:s24+$0x50]  }
0xc1: {  	v3 =	vld [tilespmem:s23+$0x50];
	_ =	sdelay $0x4  }
0xc2: {  	v2 =	vadd.f32 v3, v2;
	_ =	sdelay $0x1  }
0xc3: {  	v2 =	vmax.f32 v2, $0.0e+00  }
0xc4: {  	[tilespmem:s24+$0x50] =	vst v2;
	v2 =	vld [tilespmem:s24+$0x60]  }
0xc5: {  	v3 =	vld [tilespmem:s23+$0x60];
	_ =	sdelay $0x4  }
0xc6: {  	v2 =	vadd.f32 v3, v2;
	_ =	sdelay $0x1  }
0xc7: {  	v2 =	vmax.f32 v2, $0.0e+00  }
0xc8: {  	[tilespmem:s24+$0x60] =	vst v2;
	v2 =	vld [tilespmem:s24+$0x70]  }
0xc9: {  	v3 =	vld [tilespmem:s23+$0x70];
	_ =	sdelay $0x4  }
0xca: {  	v2 =	vadd.f32 v3, v2;
	_ =	sdelay $0x1  }
0xcb: {  	v2 =	vmax.f32 v2, $0.0e+00  }
0xcc: {  	[tilespmem:s24+$0x70] =	vst v2;
	v2 =	vld [tilespmem:s24+$0x80]  }
0xcd: {  	v3 =	vld [tilespmem:s23+$0x80];
	_ =	sdelay $0x4  }
0xce: {  	v2 =	vadd.f32 v3, v2;
	_ =	sdelay $0x1  }
0xcf: {  	v2 =	vmax.f32 v2, $0.0e+00  }
0xd0: {  	[tilespmem:s24+$0x80] =	vst v2;
	v2 =	vld [tilespmem:s24+$0x90]  }
0xd1: {  	v3 =	vld [tilespmem:s23+$0x90];
	_ =	sdelay $0x4  }
0xd2: {  	v2 =	vadd.f32 v3, v2;
	_ =	sdelay $0x1  }
0xd3: {  	v2 =	vmax.f32 v2, $0.0e+00  }
0xd4: {  	[tilespmem:s24+$0x90] =	vst v2;
	v2 =	vld [tilespmem:s24+$0xA0]  }
0xd5: {  	v3 =	vld [tilespmem:s23+$0xA0];
	_ =	sdelay $0x4  }
0xd6: {  	v2 =	vadd.f32 v3, v2;
	_ =	sdelay $0x1  }
0xd7: {  	v2 =	vmax.f32 v2, $0.0e+00  }
0xd8: {  	[tilespmem:s24+$0xA0] =	vst v2;
	v2 =	vld [tilespmem:s24+$0xB0]  }
0xd9: {  	v3 =	vld [tilespmem:s23+$0xB0];
	_ =	sdelay $0x4  }
0xda: {  	v2 =	vadd.f32 v3, v2;
	_ =	sdelay $0x1  }
0xdb: {  	v2 =	vmax.f32 v2, $0.0e+00  }
0xdc: {  	[tilespmem:s24+$0xB0] =	vst v2;
	v2 =	vld [tilespmem:s24+$0xC0]  }
0xdd: {  	v3 =	vld [tilespmem:s23+$0xC0];
	_ =	sdelay $0x4  }
0xde: {  	v2 =	vadd.f32 v3, v2;
	_ =	sdelay $0x1  }
0xdf: {  	v2 =	vmax.f32 v2, $0.0e+00  }
0xe0: {  	[tilespmem:s24+$0xC0] =	vst v2;
	v2 =	vld [tilespmem:s24+$0xD0]  }
0xe1: {  	v3 =	vld [tilespmem:s23+$0xD0];
	_ =	sdelay $0x4  }
0xe2: {  	v2 =	vadd.f32 v3, v2;
	_ =	sdelay $0x1  }
0xe3: {  	v2 =	vmax.f32 v2, $0.0e+00  }
0xe4: {  	[tilespmem:s24+$0xD0] =	vst v2;
	v2 =	vld [tilespmem:s24+$0xE0]  }
0xe5: {  	v3 =	vld [tilespmem:s23+$0xE0];
	_ =	sdelay $0x4  }
0xe6: {  	v2 =	vadd.f32 v3, v2;
	_ =	sdelay $0x1  }
0xe7: {  	v2 =	vmax.f32 v2, $0.0e+00  }
0xe8: {  	[tilespmem:s24+$0xE0] =	vst v2;
	v2 =	vld [tilespmem:s24+$0xF0]  }
0xe9: {  	v3 =	vld [tilespmem:s23+$0xF0];
	_ =	sdelay $0x4  }
0xea: {  	v2 =	vadd.f32 v3, v2;
	_ =	sdelay $0x1  }
0xeb: {  	s28 =	simm.s32 $0x0;
	s30 =	simm.s32 $0xCC40;
	v2 =	vmax.f32 v2, $0.0e+00  }
.LBB2_7:
0xec: {  	v3 =	vld [tilespmem:s30+$0xFFFFFF00];
	[tilespmem:s24+$0xF0] =	vst v2;
	s23 =	sadd.s32 $0x200, s23;
	s24 =	smov.u32 s30  }
0xed: {  	s28 =	sadd.s32 $0x8, s28;
	v2 =	vld [tilespmem:s23+$0xFFFFFF00]  }
0xee: {  	p0 =	slt.u32 s28, $0x48;
	_ =	sdelay $0x3  }
0xef: {  	v2 =	vadd.f32 v2, v3;
	_ =	sdelay $0x1  }
0xf0: {  	v2 =	vmax.f32 v2, $0.0e+00  }
0xf1: {  	[tilespmem:s30+$0xFFFFFF00] =	vst v2;
	v2 =	vld [tilespmem:s30+$0xFFFFFF10]  }
0xf2: {  	v3 =	vld [tilespmem:s23+$0xFFFFFF10];
	_ =	sdelay $0x4  }
0xf3: {  	v2 =	vadd.f32 v3, v2;
	_ =	sdelay $0x1  }
0xf4: {  	v2 =	vmax.f32 v2, $0.0e+00  }
0xf5: {  	[tilespmem:s30+$0xFFFFFF10] =	vst v2;
	v2 =	vld [tilespmem:s30+$0xFFFFFF20]  }
0xf6: {  	v3 =	vld [tilespmem:s23+$0xFFFFFF20];
	_ =	sdelay $0x4  }
0xf7: {  	v2 =	vadd.f32 v3, v2;
	_ =	sdelay $0x1  }
0xf8: {  	v2 =	vmax.f32 v2, $0.0e+00  }
0xf9: {  	[tilespmem:s30+$0xFFFFFF20] =	vst v2;
	v2 =	vld [tilespmem:s30+$0xFFFFFF30]  }
0xfa: {  	v3 =	vld [tilespmem:s23+$0xFFFFFF30];
	_ =	sdelay $0x4  }
0xfb: {  	v2 =	vadd.f32 v3, v2;
	_ =	sdelay $0x1  }
0xfc: {  	v2 =	vmax.f32 v2, $0.0e+00  }
0xfd: {  	[tilespmem:s30+$0xFFFFFF30] =	vst v2;
	v2 =	vld [tilespmem:s30+$0xFFFFFF40]  }
0xfe: {  	v3 =	vld [tilespmem:s23+$0xFFFFFF40];
	_ =	sdelay $0x4  }
0xff: {  	v2 =	vadd.f32 v3, v2;
	_ =	sdelay $0x1  }
0x100: {  	v2 =	vmax.f32 v2, $0.0e+00  }
0x101: {  	[tilespmem:s30+$0xFFFFFF40] =	vst v2;
	v2 =	vld [tilespmem:s30+$0xFFFFFF50]  }
0x102: {  	v3 =	vld [tilespmem:s23+$0xFFFFFF50];
	_ =	sdelay $0x4  }
0x103: {  	v2 =	vadd.f32 v3, v2;
	_ =	sdelay $0x1  }
0x104: {  	v2 =	vmax.f32 v2, $0.0e+00  }
0x105: {  	[tilespmem:s30+$0xFFFFFF50] =	vst v2;
	v2 =	vld [tilespmem:s30+$0xFFFFFF60]  }
0x106: {  	v3 =	vld [tilespmem:s23+$0xFFFFFF60];
	_ =	sdelay $0x4  }
0x107: {  	v2 =	vadd.f32 v3, v2;
	_ =	sdelay $0x1  }
0x108: {  	v2 =	vmax.f32 v2, $0.0e+00  }
0x109: {  	[tilespmem:s30+$0xFFFFFF60] =	vst v2;
	v2 =	vld [tilespmem:s30+$0xFFFFFF70]  }
0x10a: {  	v3 =	vld [tilespmem:s23+$0xFFFFFF70];
	_ =	sdelay $0x4  }
0x10b: {  	v2 =	vadd.f32 v3, v2;
	_ =	sdelay $0x1  }
0x10c: {  	v2 =	vmax.f32 v2, $0.0e+00  }
0x10d: {  	[tilespmem:s30+$0xFFFFFF70] =	vst v2;
	v2 =	vld [tilespmem:s30+$0xFFFFFF80]  }
0x10e: {  	v3 =	vld [tilespmem:s23+$0xFFFFFF80];
	_ =	sdelay $0x4  }
0x10f: {  	v2 =	vadd.f32 v3, v2;
	_ =	sdelay $0x1  }
0x110: {  	v2 =	vmax.f32 v2, $0.0e+00  }
0x111: {  	[tilespmem:s30+$0xFFFFFF80] =	vst v2;
	v2 =	vld [tilespmem:s30+$0xFFFFFF90]  }
0x112: {  	v3 =	vld [tilespmem:s23+$0xFFFFFF90];
	_ =	sdelay $0x4  }
0x113: {  	v2 =	vadd.f32 v3, v2;
	_ =	sdelay $0x1  }
0x114: {  	v2 =	vmax.f32 v2, $0.0e+00  }
0x115: {  	[tilespmem:s30+$0xFFFFFF90] =	vst v2;
	v2 =	vld [tilespmem:s30+$0xFFFFFFA0]  }
0x116: {  	v3 =	vld [tilespmem:s23+$0xFFFFFFA0];
	_ =	sdelay $0x4  }
0x117: {  	v2 =	vadd.f32 v3, v2;
	_ =	sdelay $0x1  }
0x118: {  	v2 =	vmax.f32 v2, $0.0e+00  }
0x119: {  	[tilespmem:s30+$0xFFFFFFA0] =	vst v2;
	v2 =	vld [tilespmem:s30+$0xFFFFFFB0]  }
0x11a: {  	v3 =	vld [tilespmem:s23+$0xFFFFFFB0];
	_ =	sdelay $0x4  }
0x11b: {  	v2 =	vadd.f32 v3, v2;
	_ =	sdelay $0x1  }
0x11c: {  	v2 =	vmax.f32 v2, $0.0e+00  }
0x11d: {  	[tilespmem:s30+$0xFFFFFFB0] =	vst v2;
	v2 =	vld [tilespmem:s30+$0xFFFFFFC0]  }
0x11e: {  	v3 =	vld [tilespmem:s23+$0xFFFFFFC0];
	_ =	sdelay $0x4  }
0x11f: {  	v2 =	vadd.f32 v3, v2;
	_ =	sdelay $0x1  }
0x120: {  	v2 =	vmax.f32 v2, $0.0e+00  }
0x121: {  	[tilespmem:s30+$0xFFFFFFC0] =	vst v2;
	v2 =	vld [tilespmem:s30+$0xFFFFFFD0]  }
0x122: {  	v3 =	vld [tilespmem:s23+$0xFFFFFFD0];
	_ =	sdelay $0x4  }
0x123: {  	v2 =	vadd.f32 v3, v2;
	_ =	sdelay $0x1  }
0x124: {  	v2 =	vmax.f32 v2, $0.0e+00  }
0x125: {  	[tilespmem:s30+$0xFFFFFFD0] =	vst v2;
	v2 =	vld [tilespmem:s30+$0xFFFFFFE0]  }
0x126: {  	v3 =	vld [tilespmem:s23+$0xFFFFFFE0];
	_ =	sdelay $0x4  }
0x127: {  	v2 =	vadd.f32 v3, v2;
	_ =	sdelay $0x1  }
0x128: {  	v2 =	vmax.f32 v2, $0.0e+00  }
0x129: {  	[tilespmem:s30+$0xFFFFFFE0] =	vst v2;
	v2 =	vld [tilespmem:s30+$0xFFFFFFF0]  }
0x12a: {  	v3 =	vld [tilespmem:s23+$0xFFFFFFF0];
	_ =	sdelay $0x4  }
0x12b: {  	v2 =	vadd.f32 v3, v2;
	_ =	sdelay $0x1  }
0x12c: {  	v2 =	vmax.f32 v2, $0.0e+00  }
0x12d: {  	[tilespmem:s30+$0xFFFFFFF0] =	vst v2;
	v2 =	vld [tilespmem:s30+$0x0]  }
0x12e: {  	v3 =	vld [tilespmem:s23+$0x0];
	_ =	sdelay $0x4  }
0x12f: {  	v2 =	vadd.f32 v3, v2;
	_ =	sdelay $0x1  }
0x130: {  	v2 =	vmax.f32 v2, $0.0e+00  }
0x131: {  	[tilespmem:s30+$0x0] =	vst v2;
	v2 =	vld [tilespmem:s30+$0x10]  }
0x132: {  	v3 =	vld [tilespmem:s23+$0x10];
	_ =	sdelay $0x4  }
0x133: {  	v2 =	vadd.f32 v3, v2;
	_ =	sdelay $0x1  }
0x134: {  	v2 =	vmax.f32 v2, $0.0e+00  }
0x135: {  	[tilespmem:s30+$0x10] =	vst v2;
	v2 =	vld [tilespmem:s30+$0x20]  }
0x136: {  	v3 =	vld [tilespmem:s23+$0x20];
	_ =	sdelay $0x4  }
0x137: {  	v2 =	vadd.f32 v3, v2;
	_ =	sdelay $0x1  }
0x138: {  	v2 =	vmax.f32 v2, $0.0e+00  }
0x139: {  	[tilespmem:s30+$0x20] =	vst v2;
	v2 =	vld [tilespmem:s30+$0x30]  }
0x13a: {  	v3 =	vld [tilespmem:s23+$0x30];
	_ =	sdelay $0x4  }
0x13b: {  	v2 =	vadd.f32 v3, v2;
	_ =	sdelay $0x1  }
0x13c: {  	v2 =	vmax.f32 v2, $0.0e+00  }
0x13d: {  	[tilespmem:s30+$0x30] =	vst v2;
	v2 =	vld [tilespmem:s30+$0x40]  }
0x13e: {  	v3 =	vld [tilespmem:s23+$0x40];
	_ =	sdelay $0x4  }
0x13f: {  	v2 =	vadd.f32 v3, v2;
	_ =	sdelay $0x1  }
0x140: {  	v2 =	vmax.f32 v2, $0.0e+00  }
0x141: {  	[tilespmem:s30+$0x40] =	vst v2;
	v2 =	vld [tilespmem:s30+$0x50]  }
0x142: {  	v3 =	vld [tilespmem:s23+$0x50];
	_ =	sdelay $0x4  }
0x143: {  	v2 =	vadd.f32 v3, v2;
	_ =	sdelay $0x1  }
0x144: {  	v2 =	vmax.f32 v2, $0.0e+00  }
0x145: {  	[tilespmem:s30+$0x50] =	vst v2;
	v2 =	vld [tilespmem:s30+$0x60]  }
0x146: {  	v3 =	vld [tilespmem:s23+$0x60];
	_ =	sdelay $0x4  }
0x147: {  	v2 =	vadd.f32 v3, v2;
	_ =	sdelay $0x1  }
0x148: {  	v2 =	vmax.f32 v2, $0.0e+00  }
0x149: {  	[tilespmem:s30+$0x60] =	vst v2;
	v2 =	vld [tilespmem:s30+$0x70]  }
0x14a: {  	v3 =	vld [tilespmem:s23+$0x70];
	_ =	sdelay $0x4  }
0x14b: {  	v2 =	vadd.f32 v3, v2;
	_ =	sdelay $0x1  }
0x14c: {  	v2 =	vmax.f32 v2, $0.0e+00  }
0x14d: {  	[tilespmem:s30+$0x70] =	vst v2;
	v2 =	vld [tilespmem:s30+$0x80]  }
0x14e: {  	v3 =	vld [tilespmem:s23+$0x80];
	_ =	sdelay $0x4  }
0x14f: {  	v2 =	vadd.f32 v3, v2;
	_ =	sdelay $0x1  }
0x150: {  	v2 =	vmax.f32 v2, $0.0e+00  }
0x151: {  	[tilespmem:s30+$0x80] =	vst v2;
	v2 =	vld [tilespmem:s30+$0x90]  }
0x152: {  	v3 =	vld [tilespmem:s23+$0x90];
	_ =	sdelay $0x4  }
0x153: {  	v2 =	vadd.f32 v3, v2;
	_ =	sdelay $0x1  }
0x154: {  	v2 =	vmax.f32 v2, $0.0e+00  }
0x155: {  	[tilespmem:s30+$0x90] =	vst v2;
	v2 =	vld [tilespmem:s30+$0xA0]  }
0x156: {  	v3 =	vld [tilespmem:s23+$0xA0];
	_ =	sdelay $0x4  }
0x157: {  	v2 =	vadd.f32 v3, v2;
	_ =	sdelay $0x1  }
0x158: {  	v2 =	vmax.f32 v2, $0.0e+00  }
0x159: {  	[tilespmem:s30+$0xA0] =	vst v2;
	v2 =	vld [tilespmem:s30+$0xB0]  }
0x15a: {  	v3 =	vld [tilespmem:s23+$0xB0];
	_ =	sdelay $0x4  }
0x15b: {  	v2 =	vadd.f32 v3, v2;
	_ =	sdelay $0x1  }
0x15c: {  	v2 =	vmax.f32 v2, $0.0e+00  }
0x15d: {  	[tilespmem:s30+$0xB0] =	vst v2;
	v2 =	vld [tilespmem:s30+$0xC0]  }
0x15e: {  	v3 =	vld [tilespmem:s23+$0xC0];
	_ =	sdelay $0x4  }
0x15f: {  	v2 =	vadd.f32 v3, v2;
	_ =	sdelay $0x1  }
0x160: {  	v2 =	vmax.f32 v2, $0.0e+00  }
0x161: {  	[tilespmem:s30+$0xC0] =	vst v2;
	v2 =	vld [tilespmem:s30+$0xD0]  }
0x162: {  	v3 =	vld [tilespmem:s23+$0xD0];
	_ =	sdelay $0x4  }
0x163: {  	v2 =	vadd.f32 v3, v2;
	_ =	sdelay $0x1  }
0x164: {  	v2 =	vmax.f32 v2, $0.0e+00  }
0x165: {  	[tilespmem:s30+$0xD0] =	vst v2;
	v2 =	vld [tilespmem:s30+$0xE0]  }
0x166: {  	v3 =	vld [tilespmem:s23+$0xE0];
	_ =	sdelay $0x4  }
0x167: {  	v2 =	vadd.f32 v3, v2;
	_ =	sdelay $0x1  }
0x168: {  	v2 =	vmax.f32 v2, $0.0e+00  }
0x169: {  	[tilespmem:s30+$0xE0] =	vst v2;
	v2 =	vld [tilespmem:s30+$0xF0]  }
0x16a: {  	v3 =	vld [tilespmem:s23+$0xF0];
	_ =	sdelay $0x2  }
.Ltmp2:
0x16b: {  	(pc) =	sbr.rel @p0 .LBB2_7-.Ltmp2, $3  }
0x16c: {  	_ = 	snop  }
0x16d: {  	v2 =	vadd.f32 v3, v2;
	_ =	sdelay $0x1  }
0x16e: {  	s30 =	sadd.s32 $0x200, s30;
	v2 =	vmax.f32 v2, $0.0e+00  }
0x16f: {  	[tilespmem:s24+$0xF0] =	vst v2  }
0x170: {  	[spmem:s2] =	stream.indirect.scatter.add.f32 [tilespmem:s8], [sflag:$0x9], $0x40, s9, s1, $0xb8;
	[tilespmem:$0x15540] =	vst v63  }
0x171: {  	_ =	swait.ge [sflag:s25], $0x1400  }
0x172: {  	[sflag:s25] =	ssyncset.done $0x0  }
0x173: {  	[sflag:s25] =	ssyncadd.s32 $0xFFFFEC00  }
0x174: {  	v2 =	vld [tilespmem:$0xA050];
	_ =	sdelay $0x7  }
0x175: {  	[tilespmem:v2+s17+$0x0] =	vst.idx.add.f32.msk $0xffff, v1  }
0x176: {  	v2 =	vld [tilespmem:$0xA060];
	_ =	sdelay $0x7  }
0x177: {  	[tilespmem:v2+s17+$0x0] =	vst.idx.add.f32.msk $0xffff, v1  }
0x178: {  	v2 =	vld [tilespmem:$0xA070];
	_ =	sdelay $0x7  }
0x179: {  	[tilespmem:v2+s17+$0x0] =	vst.idx.add.f32.msk $0xffff, v1  }
0x17a: {  	v2 =	vld [tilespmem:$0xA080];
	_ =	sdelay $0x7  }
0x17b: {  	[tilespmem:v2+s17+$0x0] =	vst.idx.add.f32.msk $0xffff, v1  }
0x17c: {  	v2 =	vld [tilespmem:$0xA090];
	_ =	sdelay $0x7  }
0x17d: {  	[tilespmem:v2+s17+$0x0] =	vst.idx.add.f32.msk $0xffff, v1  }
0x17e: {  	_ =	swait.ge [sflag:s18], $0x1400  }
0x17f: {  	[sflag:s18] =	ssyncset.done $0x0  }
0x180: {  	s24 =	simm.s32 $0xDE40;
	[sflag:s18] =	ssyncadd.s32 $0xFFFFEC00  }
0x181: {  	s23 =	simm.s32 $0xA240;
	v2 =	vld [tilespmem:s24+$0xFFFFFF00]  }
0x182: {  	v3 =	vld [tilespmem:s23+$0xFFFFFF00];
	_ =	sdelay $0x4  }
0x183: {  	v2 =	vadd.f32 v3, v2;
	_ =	sdelay $0x1  }
0x184: {  	v2 =	vmax.f32 v2, $0.0e+00  }
0x185: {  	[tilespmem:s24+$0xFFFFFF00] =	vst v2;
	v2 =	vld [tilespmem:s24+$0xFFFFFF10]  }
0x186: {  	v3 =	vld [tilespmem:s23+$0xFFFFFF10];
	_ =	sdelay $0x4  }
0x187: {  	v2 =	vadd.f32 v3, v2;
	_ =	sdelay $0x1  }
0x188: {  	v2 =	vmax.f32 v2, $0.0e+00  }
0x189: {  	[tilespmem:s24+$0xFFFFFF10] =	vst v2;
	v2 =	vld [tilespmem:s24+$0xFFFFFF20]  }
0x18a: {  	v3 =	vld [tilespmem:s23+$0xFFFFFF20];
	_ =	sdelay $0x4  }
0x18b: {  	v2 =	vadd.f32 v3, v2;
	_ =	sdelay $0x1  }
0x18c: {  	v2 =	vmax.f32 v2, $0.0e+00  }
0x18d: {  	[tilespmem:s24+$0xFFFFFF20] =	vst v2;
	v2 =	vld [tilespmem:s24+$0xFFFFFF30]  }
0x18e: {  	v3 =	vld [tilespmem:s23+$0xFFFFFF30];
	_ =	sdelay $0x4  }
0x18f: {  	v2 =	vadd.f32 v3, v2;
	_ =	sdelay $0x1  }
0x190: {  	v2 =	vmax.f32 v2, $0.0e+00  }
0x191: {  	[tilespmem:s24+$0xFFFFFF30] =	vst v2;
	v2 =	vld [tilespmem:s24+$0xFFFFFF40]  }
0x192: {  	v3 =	vld [tilespmem:s23+$0xFFFFFF40];
	_ =	sdelay $0x4  }
0x193: {  	v2 =	vadd.f32 v3, v2;
	_ =	sdelay $0x1  }
0x194: {  	v2 =	vmax.f32 v2, $0.0e+00  }
0x195: {  	[tilespmem:s24+$0xFFFFFF40] =	vst v2;
	v2 =	vld [tilespmem:s24+$0xFFFFFF50]  }
0x196: {  	v3 =	vld [tilespmem:s23+$0xFFFFFF50];
	_ =	sdelay $0x4  }
0x197: {  	v2 =	vadd.f32 v3, v2;
	_ =	sdelay $0x1  }
0x198: {  	v2 =	vmax.f32 v2, $0.0e+00  }
0x199: {  	[tilespmem:s24+$0xFFFFFF50] =	vst v2;
	v2 =	vld [tilespmem:s24+$0xFFFFFF60]  }
0x19a: {  	v3 =	vld [tilespmem:s23+$0xFFFFFF60];
	_ =	sdelay $0x4  }
0x19b: {  	v2 =	vadd.f32 v3, v2;
	_ =	sdelay $0x1  }
0x19c: {  	v2 =	vmax.f32 v2, $0.0e+00  }
0x19d: {  	[tilespmem:s24+$0xFFFFFF60] =	vst v2;
	v2 =	vld [tilespmem:s24+$0xFFFFFF70]  }
0x19e: {  	v3 =	vld [tilespmem:s23+$0xFFFFFF70];
	_ =	sdelay $0x4  }
0x19f: {  	v2 =	vadd.f32 v3, v2;
	_ =	sdelay $0x1  }
0x1a0: {  	v2 =	vmax.f32 v2, $0.0e+00  }
0x1a1: {  	[tilespmem:s24+$0xFFFFFF70] =	vst v2;
	v2 =	vld [tilespmem:s24+$0xFFFFFF80]  }
0x1a2: {  	v3 =	vld [tilespmem:s23+$0xFFFFFF80];
	_ =	sdelay $0x4  }
0x1a3: {  	v2 =	vadd.f32 v3, v2;
	_ =	sdelay $0x1  }
0x1a4: {  	v2 =	vmax.f32 v2, $0.0e+00  }
0x1a5: {  	[tilespmem:s24+$0xFFFFFF80] =	vst v2;
	v2 =	vld [tilespmem:s24+$0xFFFFFF90]  }
0x1a6: {  	v3 =	vld [tilespmem:s23+$0xFFFFFF90];
	_ =	sdelay $0x4  }
0x1a7: {  	v2 =	vadd.f32 v3, v2;
	_ =	sdelay $0x1  }
0x1a8: {  	v2 =	vmax.f32 v2, $0.0e+00  }
0x1a9: {  	[tilespmem:s24+$0xFFFFFF90] =	vst v2;
	v2 =	vld [tilespmem:s24+$0xFFFFFFA0]  }
0x1aa: {  	v3 =	vld [tilespmem:s23+$0xFFFFFFA0];
	_ =	sdelay $0x4  }
0x1ab: {  	v2 =	vadd.f32 v3, v2;
	_ =	sdelay $0x1  }
0x1ac: {  	v2 =	vmax.f32 v2, $0.0e+00  }
0x1ad: {  	[tilespmem:s24+$0xFFFFFFA0] =	vst v2;
	v2 =	vld [tilespmem:s24+$0xFFFFFFB0]  }
0x1ae: {  	v3 =	vld [tilespmem:s23+$0xFFFFFFB0];
	_ =	sdelay $0x4  }
0x1af: {  	v2 =	vadd.f32 v3, v2;
	_ =	sdelay $0x1  }
0x1b0: {  	v2 =	vmax.f32 v2, $0.0e+00  }
0x1b1: {  	[tilespmem:s24+$0xFFFFFFB0] =	vst v2;
	v2 =	vld [tilespmem:s24+$0xFFFFFFC0]  }
0x1b2: {  	v3 =	vld [tilespmem:s23+$0xFFFFFFC0];
	_ =	sdelay $0x4  }
0x1b3: {  	v2 =	vadd.f32 v3, v2;
	_ =	sdelay $0x1  }
0x1b4: {  	v2 =	vmax.f32 v2, $0.0e+00  }
0x1b5: {  	[tilespmem:s24+$0xFFFFFFC0] =	vst v2;
	v2 =	vld [tilespmem:s24+$0xFFFFFFD0]  }
0x1b6: {  	v3 =	vld [tilespmem:s23+$0xFFFFFFD0];
	_ =	sdelay $0x4  }
0x1b7: {  	v2 =	vadd.f32 v3, v2;
	_ =	sdelay $0x1  }
0x1b8: {  	v2 =	vmax.f32 v2, $0.0e+00  }
0x1b9: {  	[tilespmem:s24+$0xFFFFFFD0] =	vst v2;
	v2 =	vld [tilespmem:s24+$0xFFFFFFE0]  }
0x1ba: {  	v3 =	vld [tilespmem:s23+$0xFFFFFFE0];
	_ =	sdelay $0x4  }
0x1bb: {  	v2 =	vadd.f32 v3, v2;
	_ =	sdelay $0x1  }
0x1bc: {  	v2 =	vmax.f32 v2, $0.0e+00  }
0x1bd: {  	[tilespmem:s24+$0xFFFFFFE0] =	vst v2;
	v2 =	vld [tilespmem:s24+$0xFFFFFFF0]  }
0x1be: {  	v3 =	vld [tilespmem:s23+$0xFFFFFFF0];
	_ =	sdelay $0x4  }
0x1bf: {  	v2 =	vadd.f32 v3, v2;
	_ =	sdelay $0x1  }
0x1c0: {  	v2 =	vmax.f32 v2, $0.0e+00  }
0x1c1: {  	[tilespmem:s24+$0xFFFFFFF0] =	vst v2;
	v2 =	vld [tilespmem:s24+$0x0]  }
0x1c2: {  	v3 =	vld [tilespmem:s23+$0x0];
	_ =	sdelay $0x4  }
0x1c3: {  	v2 =	vadd.f32 v3, v2;
	_ =	sdelay $0x1  }
0x1c4: {  	v2 =	vmax.f32 v2, $0.0e+00  }
0x1c5: {  	[tilespmem:s24+$0x0] =	vst v2;
	v2 =	vld [tilespmem:s24+$0x10]  }
0x1c6: {  	v3 =	vld [tilespmem:s23+$0x10];
	_ =	sdelay $0x4  }
0x1c7: {  	v2 =	vadd.f32 v3, v2;
	_ =	sdelay $0x1  }
0x1c8: {  	v2 =	vmax.f32 v2, $0.0e+00  }
0x1c9: {  	[tilespmem:s24+$0x10] =	vst v2;
	v2 =	vld [tilespmem:s24+$0x20]  }
0x1ca: {  	v3 =	vld [tilespmem:s23+$0x20];
	_ =	sdelay $0x4  }
0x1cb: {  	v2 =	vadd.f32 v3, v2;
	_ =	sdelay $0x1  }
0x1cc: {  	v2 =	vmax.f32 v2, $0.0e+00  }
0x1cd: {  	[tilespmem:s24+$0x20] =	vst v2;
	v2 =	vld [tilespmem:s24+$0x30]  }
0x1ce: {  	v3 =	vld [tilespmem:s23+$0x30];
	_ =	sdelay $0x4  }
0x1cf: {  	v2 =	vadd.f32 v3, v2;
	_ =	sdelay $0x1  }
0x1d0: {  	v2 =	vmax.f32 v2, $0.0e+00  }
0x1d1: {  	[tilespmem:s24+$0x30] =	vst v2;
	v2 =	vld [tilespmem:s24+$0x40]  }
0x1d2: {  	v3 =	vld [tilespmem:s23+$0x40];
	_ =	sdelay $0x4  }
0x1d3: {  	v2 =	vadd.f32 v3, v2;
	_ =	sdelay $0x1  }
0x1d4: {  	v2 =	vmax.f32 v2, $0.0e+00  }
0x1d5: {  	[tilespmem:s24+$0x40] =	vst v2;
	v2 =	vld [tilespmem:s24+$0x50]  }
0x1d6: {  	v3 =	vld [tilespmem:s23+$0x50];
	_ =	sdelay $0x4  }
0x1d7: {  	v2 =	vadd.f32 v3, v2;
	_ =	sdelay $0x1  }
0x1d8: {  	v2 =	vmax.f32 v2, $0.0e+00  }
0x1d9: {  	[tilespmem:s24+$0x50] =	vst v2;
	v2 =	vld [tilespmem:s24+$0x60]  }
0x1da: {  	v3 =	vld [tilespmem:s23+$0x60];
	_ =	sdelay $0x4  }
0x1db: {  	v2 =	vadd.f32 v3, v2;
	_ =	sdelay $0x1  }
0x1dc: {  	v2 =	vmax.f32 v2, $0.0e+00  }
0x1dd: {  	[tilespmem:s24+$0x60] =	vst v2;
	v2 =	vld [tilespmem:s24+$0x70]  }
0x1de: {  	v3 =	vld [tilespmem:s23+$0x70];
	_ =	sdelay $0x4  }
0x1df: {  	v2 =	vadd.f32 v3, v2;
	_ =	sdelay $0x1  }
0x1e0: {  	v2 =	vmax.f32 v2, $0.0e+00  }
0x1e1: {  	[tilespmem:s24+$0x70] =	vst v2;
	v2 =	vld [tilespmem:s24+$0x80]  }
0x1e2: {  	v3 =	vld [tilespmem:s23+$0x80];
	_ =	sdelay $0x4  }
0x1e3: {  	v2 =	vadd.f32 v3, v2;
	_ =	sdelay $0x1  }
0x1e4: {  	v2 =	vmax.f32 v2, $0.0e+00  }
0x1e5: {  	[tilespmem:s24+$0x80] =	vst v2;
	v2 =	vld [tilespmem:s24+$0x90]  }
0x1e6: {  	v3 =	vld [tilespmem:s23+$0x90];
	_ =	sdelay $0x4  }
0x1e7: {  	v2 =	vadd.f32 v3, v2;
	_ =	sdelay $0x1  }
0x1e8: {  	v2 =	vmax.f32 v2, $0.0e+00  }
0x1e9: {  	[tilespmem:s24+$0x90] =	vst v2;
	v2 =	vld [tilespmem:s24+$0xA0]  }
0x1ea: {  	v3 =	vld [tilespmem:s23+$0xA0];
	_ =	sdelay $0x4  }
0x1eb: {  	v2 =	vadd.f32 v3, v2;
	_ =	sdelay $0x1  }
0x1ec: {  	v2 =	vmax.f32 v2, $0.0e+00  }
0x1ed: {  	[tilespmem:s24+$0xA0] =	vst v2;
	v2 =	vld [tilespmem:s24+$0xB0]  }
0x1ee: {  	v3 =	vld [tilespmem:s23+$0xB0];
	_ =	sdelay $0x4  }
0x1ef: {  	v2 =	vadd.f32 v3, v2;
	_ =	sdelay $0x1  }
0x1f0: {  	v2 =	vmax.f32 v2, $0.0e+00  }
0x1f1: {  	[tilespmem:s24+$0xB0] =	vst v2;
	v2 =	vld [tilespmem:s24+$0xC0]  }
0x1f2: {  	v3 =	vld [tilespmem:s23+$0xC0];
	_ =	sdelay $0x4  }
0x1f3: {  	v2 =	vadd.f32 v3, v2;
	_ =	sdelay $0x1  }
0x1f4: {  	v2 =	vmax.f32 v2, $0.0e+00  }
0x1f5: {  	[tilespmem:s24+$0xC0] =	vst v2;
	v2 =	vld [tilespmem:s24+$0xD0]  }
0x1f6: {  	v3 =	vld [tilespmem:s23+$0xD0];
	_ =	sdelay $0x4  }
0x1f7: {  	v2 =	vadd.f32 v3, v2;
	_ =	sdelay $0x1  }
0x1f8: {  	v2 =	vmax.f32 v2, $0.0e+00  }
0x1f9: {  	[tilespmem:s24+$0xD0] =	vst v2;
	v2 =	vld [tilespmem:s24+$0xE0]  }
0x1fa: {  	v3 =	vld [tilespmem:s23+$0xE0];
	_ =	sdelay $0x4  }
0x1fb: {  	v2 =	vadd.f32 v3, v2;
	_ =	sdelay $0x1  }
0x1fc: {  	v2 =	vmax.f32 v2, $0.0e+00  }
0x1fd: {  	[tilespmem:s24+$0xE0] =	vst v2;
	v2 =	vld [tilespmem:s24+$0xF0]  }
0x1fe: {  	v3 =	vld [tilespmem:s23+$0xF0];
	_ =	sdelay $0x4  }
0x1ff: {  	v2 =	vadd.f32 v3, v2;
	_ =	sdelay $0x1  }
0x200: {  	s28 =	simm.s32 $0x0;
	s30 =	simm.s32 $0xE040;
	v2 =	vmax.f32 v2, $0.0e+00  }
.LBB2_9:
0x201: {  	v3 =	vld [tilespmem:s30+$0xFFFFFF00];
	[tilespmem:s24+$0xF0] =	vst v2;
	s23 =	sadd.s32 $0x200, s23;
	s24 =	smov.u32 s30  }
0x202: {  	s28 =	sadd.s32 $0x8, s28;
	v2 =	vld [tilespmem:s23+$0xFFFFFF00]  }
0x203: {  	p0 =	slt.u32 s28, $0x48;
	_ =	sdelay $0x3  }
0x204: {  	v2 =	vadd.f32 v2, v3;
	_ =	sdelay $0x1  }
0x205: {  	v2 =	vmax.f32 v2, $0.0e+00  }
0x206: {  	[tilespmem:s30+$0xFFFFFF00] =	vst v2;
	v2 =	vld [tilespmem:s30+$0xFFFFFF10]  }
0x207: {  	v3 =	vld [tilespmem:s23+$0xFFFFFF10];
	_ =	sdelay $0x4  }
0x208: {  	v2 =	vadd.f32 v3, v2;
	_ =	sdelay $0x1  }
0x209: {  	v2 =	vmax.f32 v2, $0.0e+00  }
0x20a: {  	[tilespmem:s30+$0xFFFFFF10] =	vst v2;
	v2 =	vld [tilespmem:s30+$0xFFFFFF20]  }
0x20b: {  	v3 =	vld [tilespmem:s23+$0xFFFFFF20];
	_ =	sdelay $0x4  }
0x20c: {  	v2 =	vadd.f32 v3, v2;
	_ =	sdelay $0x1  }
0x20d: {  	v2 =	vmax.f32 v2, $0.0e+00  }
0x20e: {  	[tilespmem:s30+$0xFFFFFF20] =	vst v2;
	v2 =	vld [tilespmem:s30+$0xFFFFFF30]  }
0x20f: {  	v3 =	vld [tilespmem:s23+$0xFFFFFF30];
	_ =	sdelay $0x4  }
0x210: {  	v2 =	vadd.f32 v3, v2;
	_ =	sdelay $0x1  }
0x211: {  	v2 =	vmax.f32 v2, $0.0e+00  }
0x212: {  	[tilespmem:s30+$0xFFFFFF30] =	vst v2;
	v2 =	vld [tilespmem:s30+$0xFFFFFF40]  }
0x213: {  	v3 =	vld [tilespmem:s23+$0xFFFFFF40];
	_ =	sdelay $0x4  }
0x214: {  	v2 =	vadd.f32 v3, v2;
	_ =	sdelay $0x1  }
0x215: {  	v2 =	vmax.f32 v2, $0.0e+00  }
0x216: {  	[tilespmem:s30+$0xFFFFFF40] =	vst v2;
	v2 =	vld [tilespmem:s30+$0xFFFFFF50]  }
0x217: {  	v3 =	vld [tilespmem:s23+$0xFFFFFF50];
	_ =	sdelay $0x4  }
0x218: {  	v2 =	vadd.f32 v3, v2;
	_ =	sdelay $0x1  }
0x219: {  	v2 =	vmax.f32 v2, $0.0e+00  }
0x21a: {  	[tilespmem:s30+$0xFFFFFF50] =	vst v2;
	v2 =	vld [tilespmem:s30+$0xFFFFFF60]  }
0x21b: {  	v3 =	vld [tilespmem:s23+$0xFFFFFF60];
	_ =	sdelay $0x4  }
0x21c: {  	v2 =	vadd.f32 v3, v2;
	_ =	sdelay $0x1  }
0x21d: {  	v2 =	vmax.f32 v2, $0.0e+00  }
0x21e: {  	[tilespmem:s30+$0xFFFFFF60] =	vst v2;
	v2 =	vld [tilespmem:s30+$0xFFFFFF70]  }
0x21f: {  	v3 =	vld [tilespmem:s23+$0xFFFFFF70];
	_ =	sdelay $0x4  }
0x220: {  	v2 =	vadd.f32 v3, v2;
	_ =	sdelay $0x1  }
0x221: {  	v2 =	vmax.f32 v2, $0.0e+00  }
0x222: {  	[tilespmem:s30+$0xFFFFFF70] =	vst v2;
	v2 =	vld [tilespmem:s30+$0xFFFFFF80]  }
0x223: {  	v3 =	vld [tilespmem:s23+$0xFFFFFF80];
	_ =	sdelay $0x4  }
0x224: {  	v2 =	vadd.f32 v3, v2;
	_ =	sdelay $0x1  }
0x225: {  	v2 =	vmax.f32 v2, $0.0e+00  }
0x226: {  	[tilespmem:s30+$0xFFFFFF80] =	vst v2;
	v2 =	vld [tilespmem:s30+$0xFFFFFF90]  }
0x227: {  	v3 =	vld [tilespmem:s23+$0xFFFFFF90];
	_ =	sdelay $0x4  }
0x228: {  	v2 =	vadd.f32 v3, v2;
	_ =	sdelay $0x1  }
0x229: {  	v2 =	vmax.f32 v2, $0.0e+00  }
0x22a: {  	[tilespmem:s30+$0xFFFFFF90] =	vst v2;
	v2 =	vld [tilespmem:s30+$0xFFFFFFA0]  }
0x22b: {  	v3 =	vld [tilespmem:s23+$0xFFFFFFA0];
	_ =	sdelay $0x4  }
0x22c: {  	v2 =	vadd.f32 v3, v2;
	_ =	sdelay $0x1  }
0x22d: {  	v2 =	vmax.f32 v2, $0.0e+00  }
0x22e: {  	[tilespmem:s30+$0xFFFFFFA0] =	vst v2;
	v2 =	vld [tilespmem:s30+$0xFFFFFFB0]  }
0x22f: {  	v3 =	vld [tilespmem:s23+$0xFFFFFFB0];
	_ =	sdelay $0x4  }
0x230: {  	v2 =	vadd.f32 v3, v2;
	_ =	sdelay $0x1  }
0x231: {  	v2 =	vmax.f32 v2, $0.0e+00  }
0x232: {  	[tilespmem:s30+$0xFFFFFFB0] =	vst v2;
	v2 =	vld [tilespmem:s30+$0xFFFFFFC0]  }
0x233: {  	v3 =	vld [tilespmem:s23+$0xFFFFFFC0];
	_ =	sdelay $0x4  }
0x234: {  	v2 =	vadd.f32 v3, v2;
	_ =	sdelay $0x1  }
0x235: {  	v2 =	vmax.f32 v2, $0.0e+00  }
0x236: {  	[tilespmem:s30+$0xFFFFFFC0] =	vst v2;
	v2 =	vld [tilespmem:s30+$0xFFFFFFD0]  }
0x237: {  	v3 =	vld [tilespmem:s23+$0xFFFFFFD0];
	_ =	sdelay $0x4  }
0x238: {  	v2 =	vadd.f32 v3, v2;
	_ =	sdelay $0x1  }
0x239: {  	v2 =	vmax.f32 v2, $0.0e+00  }
0x23a: {  	[tilespmem:s30+$0xFFFFFFD0] =	vst v2;
	v2 =	vld [tilespmem:s30+$0xFFFFFFE0]  }
0x23b: {  	v3 =	vld [tilespmem:s23+$0xFFFFFFE0];
	_ =	sdelay $0x4  }
0x23c: {  	v2 =	vadd.f32 v3, v2;
	_ =	sdelay $0x1  }
0x23d: {  	v2 =	vmax.f32 v2, $0.0e+00  }
0x23e: {  	[tilespmem:s30+$0xFFFFFFE0] =	vst v2;
	v2 =	vld [tilespmem:s30+$0xFFFFFFF0]  }
0x23f: {  	v3 =	vld [tilespmem:s23+$0xFFFFFFF0];
	_ =	sdelay $0x4  }
0x240: {  	v2 =	vadd.f32 v3, v2;
	_ =	sdelay $0x1  }
0x241: {  	v2 =	vmax.f32 v2, $0.0e+00  }
0x242: {  	[tilespmem:s30+$0xFFFFFFF0] =	vst v2;
	v2 =	vld [tilespmem:s30+$0x0]  }
0x243: {  	v3 =	vld [tilespmem:s23+$0x0];
	_ =	sdelay $0x4  }
0x244: {  	v2 =	vadd.f32 v3, v2;
	_ =	sdelay $0x1  }
0x245: {  	v2 =	vmax.f32 v2, $0.0e+00  }
0x246: {  	[tilespmem:s30+$0x0] =	vst v2;
	v2 =	vld [tilespmem:s30+$0x10]  }
0x247: {  	v3 =	vld [tilespmem:s23+$0x10];
	_ =	sdelay $0x4  }
0x248: {  	v2 =	vadd.f32 v3, v2;
	_ =	sdelay $0x1  }
0x249: {  	v2 =	vmax.f32 v2, $0.0e+00  }
0x24a: {  	[tilespmem:s30+$0x10] =	vst v2;
	v2 =	vld [tilespmem:s30+$0x20]  }
0x24b: {  	v3 =	vld [tilespmem:s23+$0x20];
	_ =	sdelay $0x4  }
0x24c: {  	v2 =	vadd.f32 v3, v2;
	_ =	sdelay $0x1  }
0x24d: {  	v2 =	vmax.f32 v2, $0.0e+00  }
0x24e: {  	[tilespmem:s30+$0x20] =	vst v2;
	v2 =	vld [tilespmem:s30+$0x30]  }
0x24f: {  	v3 =	vld [tilespmem:s23+$0x30];
	_ =	sdelay $0x4  }
0x250: {  	v2 =	vadd.f32 v3, v2;
	_ =	sdelay $0x1  }
0x251: {  	v2 =	vmax.f32 v2, $0.0e+00  }
0x252: {  	[tilespmem:s30+$0x30] =	vst v2;
	v2 =	vld [tilespmem:s30+$0x40]  }
0x253: {  	v3 =	vld [tilespmem:s23+$0x40];
	_ =	sdelay $0x4  }
0x254: {  	v2 =	vadd.f32 v3, v2;
	_ =	sdelay $0x1  }
0x255: {  	v2 =	vmax.f32 v2, $0.0e+00  }
0x256: {  	[tilespmem:s30+$0x40] =	vst v2;
	v2 =	vld [tilespmem:s30+$0x50]  }
0x257: {  	v3 =	vld [tilespmem:s23+$0x50];
	_ =	sdelay $0x4  }
0x258: {  	v2 =	vadd.f32 v3, v2;
	_ =	sdelay $0x1  }
0x259: {  	v2 =	vmax.f32 v2, $0.0e+00  }
0x25a: {  	[tilespmem:s30+$0x50] =	vst v2;
	v2 =	vld [tilespmem:s30+$0x60]  }
0x25b: {  	v3 =	vld [tilespmem:s23+$0x60];
	_ =	sdelay $0x4  }
0x25c: {  	v2 =	vadd.f32 v3, v2;
	_ =	sdelay $0x1  }
0x25d: {  	v2 =	vmax.f32 v2, $0.0e+00  }
0x25e: {  	[tilespmem:s30+$0x60] =	vst v2;
	v2 =	vld [tilespmem:s30+$0x70]  }
0x25f: {  	v3 =	vld [tilespmem:s23+$0x70];
	_ =	sdelay $0x4  }
0x260: {  	v2 =	vadd.f32 v3, v2;
	_ =	sdelay $0x1  }
0x261: {  	v2 =	vmax.f32 v2, $0.0e+00  }
0x262: {  	[tilespmem:s30+$0x70] =	vst v2;
	v2 =	vld [tilespmem:s30+$0x80]  }
0x263: {  	v3 =	vld [tilespmem:s23+$0x80];
	_ =	sdelay $0x4  }
0x264: {  	v2 =	vadd.f32 v3, v2;
	_ =	sdelay $0x1  }
0x265: {  	v2 =	vmax.f32 v2, $0.0e+00  }
0x266: {  	[tilespmem:s30+$0x80] =	vst v2;
	v2 =	vld [tilespmem:s30+$0x90]  }
0x267: {  	v3 =	vld [tilespmem:s23+$0x90];
	_ =	sdelay $0x4  }
0x268: {  	v2 =	vadd.f32 v3, v2;
	_ =	sdelay $0x1  }
0x269: {  	v2 =	vmax.f32 v2, $0.0e+00  }
0x26a: {  	[tilespmem:s30+$0x90] =	vst v2;
	v2 =	vld [tilespmem:s30+$0xA0]  }
0x26b: {  	v3 =	vld [tilespmem:s23+$0xA0];
	_ =	sdelay $0x4  }
0x26c: {  	v2 =	vadd.f32 v3, v2;
	_ =	sdelay $0x1  }
0x26d: {  	v2 =	vmax.f32 v2, $0.0e+00  }
0x26e: {  	[tilespmem:s30+$0xA0] =	vst v2;
	v2 =	vld [tilespmem:s30+$0xB0]  }
0x26f: {  	v3 =	vld [tilespmem:s23+$0xB0];
	_ =	sdelay $0x4  }
0x270: {  	v2 =	vadd.f32 v3, v2;
	_ =	sdelay $0x1  }
0x271: {  	v2 =	vmax.f32 v2, $0.0e+00  }
0x272: {  	[tilespmem:s30+$0xB0] =	vst v2;
	v2 =	vld [tilespmem:s30+$0xC0]  }
0x273: {  	v3 =	vld [tilespmem:s23+$0xC0];
	_ =	sdelay $0x4  }
0x274: {  	v2 =	vadd.f32 v3, v2;
	_ =	sdelay $0x1  }
0x275: {  	v2 =	vmax.f32 v2, $0.0e+00  }
0x276: {  	[tilespmem:s30+$0xC0] =	vst v2;
	v2 =	vld [tilespmem:s30+$0xD0]  }
0x277: {  	v3 =	vld [tilespmem:s23+$0xD0];
	_ =	sdelay $0x4  }
0x278: {  	v2 =	vadd.f32 v3, v2;
	_ =	sdelay $0x1  }
0x279: {  	v2 =	vmax.f32 v2, $0.0e+00  }
0x27a: {  	[tilespmem:s30+$0xD0] =	vst v2;
	v2 =	vld [tilespmem:s30+$0xE0]  }
0x27b: {  	v3 =	vld [tilespmem:s23+$0xE0];
	_ =	sdelay $0x4  }
0x27c: {  	v2 =	vadd.f32 v3, v2;
	_ =	sdelay $0x1  }
0x27d: {  	v2 =	vmax.f32 v2, $0.0e+00  }
0x27e: {  	[tilespmem:s30+$0xE0] =	vst v2;
	v2 =	vld [tilespmem:s30+$0xF0]  }
0x27f: {  	v3 =	vld [tilespmem:s23+$0xF0];
	_ =	sdelay $0x2  }
.Ltmp3:
0x280: {  	(pc) =	sbr.rel @p0 .LBB2_9-.Ltmp3, $3  }
0x281: {  	_ = 	snop  }
0x282: {  	v2 =	vadd.f32 v3, v2;
	_ =	sdelay $0x1  }
0x283: {  	s30 =	sadd.s32 $0x200, s30;
	v2 =	vmax.f32 v2, $0.0e+00  }
0x284: {  	[tilespmem:s24+$0xF0] =	vst v2  }
0x285: {  	[spmem:s2] =	stream.indirect.scatter.add.f32 [tilespmem:s10], [sflag:$0x9], $0x40, s26, s1, $0xb8;
	[tilespmem:$0x15540] =	vst v63  }
0x286: {  	_ =	swait.ge [sflag:s25], $0x1400  }
0x287: {  	[sflag:s25] =	ssyncset.done $0x0  }
0x288: {  	[sflag:s25] =	ssyncadd.s32 $0xFFFFEC00  }
0x289: {  	v2 =	vld [tilespmem:$0xA000];
	_ =	sdelay $0x7  }
0x28a: {  	[tilespmem:v2+s17+$0x0] =	vst.idx.add.f32.msk $0xffff, v1  }
0x28b: {  	v2 =	vld [tilespmem:$0xA010];
	_ =	sdelay $0x7  }
0x28c: {  	[tilespmem:v2+s17+$0x0] =	vst.idx.add.f32.msk $0xffff, v1  }
0x28d: {  	v2 =	vld [tilespmem:$0xA020];
	_ =	sdelay $0x7  }
0x28e: {  	[tilespmem:v2+s17+$0x0] =	vst.idx.add.f32.msk $0xffff, v1  }
0x28f: {  	v2 =	vld [tilespmem:$0xA030];
	_ =	sdelay $0x7  }
0x290: {  	[tilespmem:v2+s17+$0x0] =	vst.idx.add.f32.msk $0xffff, v1  }
0x291: {  	v2 =	vld [tilespmem:$0xA040];
	_ =	sdelay $0x2  }
0x292: {  	s24 =	sshll.u32 s7, $0x1  }
0x293: {  	s19 =	smin.u32 s24, $0x7B;
	s23 =	rddreg [dreg:$0xf]  }
0x294: {  	s19 =	sadd.s32 s19, s23  }
0x295: {  	s23 =	smul.u32 $0x14, s19;
	_ =	sdelay $0x1  }
0x296: {  	s19 =	smul.u32 $0x280, s19;
	s23 =	sadd.s32 s6, s23;
	[tilespmem:v2+s17+$0x0] =	vst.idx.add.f32.msk $0xffff, v1  }
0x297: {  	[tilespmem:s26], [sflag:$0x1] =	stream.linear.gather [hbm4b:s23+s3], $0xA0, $0x38;
	[tilespmem:$0x15540] =	vst v63  }
0x298: {  	s19 =	sadd.s32 s4, s19;
	s23 =	simm.s32 $0xA140  }
0x299: {  	[tilespmem:s23], [sflag:$0x2] =	stream.linear.gather [hbm4b:s19+s3], $0x1400, $0x38;
	[tilespmem:$0x15540] =	vst v63  }
0x29a: {  	_ =	swait.ge [sflag:s21], $0x1400  }
0x29b: {  	[sflag:s21] =	ssyncset.done $0x0  }
0x29c: {  	s23 =	simm.s32 $0xF240;
	[sflag:s21] =	ssyncadd.s32 $0xFFFFEC00  }
0x29d: {  	s28 =	simm.s32 $0xB640;
	v2 =	vld [tilespmem:s23+$0xFFFFFF00]  }
0x29e: {  	v3 =	vld [tilespmem:s28+$0xFFFFFF00];
	_ =	sdelay $0x4  }
0x29f: {  	v2 =	vadd.f32 v3, v2;
	_ =	sdelay $0x1  }
0x2a0: {  	v2 =	vmax.f32 v2, $0.0e+00  }
0x2a1: {  	[tilespmem:s23+$0xFFFFFF00] =	vst v2;
	v2 =	vld [tilespmem:s23+$0xFFFFFF10]  }
0x2a2: {  	v3 =	vld [tilespmem:s28+$0xFFFFFF10];
	_ =	sdelay $0x4  }
0x2a3: {  	v2 =	vadd.f32 v3, v2;
	_ =	sdelay $0x1  }
0x2a4: {  	v2 =	vmax.f32 v2, $0.0e+00  }
0x2a5: {  	[tilespmem:s23+$0xFFFFFF10] =	vst v2;
	v2 =	vld [tilespmem:s23+$0xFFFFFF20]  }
0x2a6: {  	v3 =	vld [tilespmem:s28+$0xFFFFFF20];
	_ =	sdelay $0x4  }
0x2a7: {  	v2 =	vadd.f32 v3, v2;
	_ =	sdelay $0x1  }
0x2a8: {  	v2 =	vmax.f32 v2, $0.0e+00  }
0x2a9: {  	[tilespmem:s23+$0xFFFFFF20] =	vst v2;
	v2 =	vld [tilespmem:s23+$0xFFFFFF30]  }
0x2aa: {  	v3 =	vld [tilespmem:s28+$0xFFFFFF30];
	_ =	sdelay $0x4  }
0x2ab: {  	v2 =	vadd.f32 v3, v2;
	_ =	sdelay $0x1  }
0x2ac: {  	v2 =	vmax.f32 v2, $0.0e+00  }
0x2ad: {  	[tilespmem:s23+$0xFFFFFF30] =	vst v2;
	v2 =	vld [tilespmem:s23+$0xFFFFFF40]  }
0x2ae: {  	v3 =	vld [tilespmem:s28+$0xFFFFFF40];
	_ =	sdelay $0x4  }
0x2af: {  	v2 =	vadd.f32 v3, v2;
	_ =	sdelay $0x1  }
0x2b0: {  	v2 =	vmax.f32 v2, $0.0e+00  }
0x2b1: {  	[tilespmem:s23+$0xFFFFFF40] =	vst v2;
	v2 =	vld [tilespmem:s23+$0xFFFFFF50]  }
0x2b2: {  	v3 =	vld [tilespmem:s28+$0xFFFFFF50];
	_ =	sdelay $0x4  }
0x2b3: {  	v2 =	vadd.f32 v3, v2;
	_ =	sdelay $0x1  }
0x2b4: {  	v2 =	vmax.f32 v2, $0.0e+00  }
0x2b5: {  	[tilespmem:s23+$0xFFFFFF50] =	vst v2;
	v2 =	vld [tilespmem:s23+$0xFFFFFF60]  }
0x2b6: {  	v3 =	vld [tilespmem:s28+$0xFFFFFF60];
	_ =	sdelay $0x4  }
0x2b7: {  	v2 =	vadd.f32 v3, v2;
	_ =	sdelay $0x1  }
0x2b8: {  	v2 =	vmax.f32 v2, $0.0e+00  }
0x2b9: {  	[tilespmem:s23+$0xFFFFFF60] =	vst v2;
	v2 =	vld [tilespmem:s23+$0xFFFFFF70]  }
0x2ba: {  	v3 =	vld [tilespmem:s28+$0xFFFFFF70];
	_ =	sdelay $0x4  }
0x2bb: {  	v2 =	vadd.f32 v3, v2;
	_ =	sdelay $0x1  }
0x2bc: {  	v2 =	vmax.f32 v2, $0.0e+00  }
0x2bd: {  	[tilespmem:s23+$0xFFFFFF70] =	vst v2;
	v2 =	vld [tilespmem:s23+$0xFFFFFF80]  }
0x2be: {  	v3 =	vld [tilespmem:s28+$0xFFFFFF80];
	_ =	sdelay $0x4  }
0x2bf: {  	v2 =	vadd.f32 v3, v2;
	_ =	sdelay $0x1  }
0x2c0: {  	v2 =	vmax.f32 v2, $0.0e+00  }
0x2c1: {  	[tilespmem:s23+$0xFFFFFF80] =	vst v2;
	v2 =	vld [tilespmem:s23+$0xFFFFFF90]  }
0x2c2: {  	v3 =	vld [tilespmem:s28+$0xFFFFFF90];
	_ =	sdelay $0x4  }
0x2c3: {  	v2 =	vadd.f32 v3, v2;
	_ =	sdelay $0x1  }
0x2c4: {  	v2 =	vmax.f32 v2, $0.0e+00  }
0x2c5: {  	[tilespmem:s23+$0xFFFFFF90] =	vst v2;
	v2 =	vld [tilespmem:s23+$0xFFFFFFA0]  }
0x2c6: {  	v3 =	vld [tilespmem:s28+$0xFFFFFFA0];
	_ =	sdelay $0x4  }
0x2c7: {  	v2 =	vadd.f32 v3, v2;
	_ =	sdelay $0x1  }
0x2c8: {  	v2 =	vmax.f32 v2, $0.0e+00  }
0x2c9: {  	[tilespmem:s23+$0xFFFFFFA0] =	vst v2;
	v2 =	vld [tilespmem:s23+$0xFFFFFFB0]  }
0x2ca: {  	v3 =	vld [tilespmem:s28+$0xFFFFFFB0];
	_ =	sdelay $0x4  }
0x2cb: {  	v2 =	vadd.f32 v3, v2;
	_ =	sdelay $0x1  }
0x2cc: {  	v2 =	vmax.f32 v2, $0.0e+00  }
0x2cd: {  	[tilespmem:s23+$0xFFFFFFB0] =	vst v2;
	v2 =	vld [tilespmem:s23+$0xFFFFFFC0]  }
0x2ce: {  	v3 =	vld [tilespmem:s28+$0xFFFFFFC0];
	_ =	sdelay $0x4  }
0x2cf: {  	v2 =	vadd.f32 v3, v2;
	_ =	sdelay $0x1  }
0x2d0: {  	v2 =	vmax.f32 v2, $0.0e+00  }
0x2d1: {  	[tilespmem:s23+$0xFFFFFFC0] =	vst v2;
	v2 =	vld [tilespmem:s23+$0xFFFFFFD0]  }
0x2d2: {  	v3 =	vld [tilespmem:s28+$0xFFFFFFD0];
	_ =	sdelay $0x4  }
0x2d3: {  	v2 =	vadd.f32 v3, v2;
	_ =	sdelay $0x1  }
0x2d4: {  	v2 =	vmax.f32 v2, $0.0e+00  }
0x2d5: {  	[tilespmem:s23+$0xFFFFFFD0] =	vst v2;
	v2 =	vld [tilespmem:s23+$0xFFFFFFE0]  }
0x2d6: {  	v3 =	vld [tilespmem:s28+$0xFFFFFFE0];
	_ =	sdelay $0x4  }
0x2d7: {  	v2 =	vadd.f32 v3, v2;
	_ =	sdelay $0x1  }
0x2d8: {  	v2 =	vmax.f32 v2, $0.0e+00  }
0x2d9: {  	[tilespmem:s23+$0xFFFFFFE0] =	vst v2;
	v2 =	vld [tilespmem:s23+$0xFFFFFFF0]  }
0x2da: {  	v3 =	vld [tilespmem:s28+$0xFFFFFFF0];
	_ =	sdelay $0x4  }
0x2db: {  	v2 =	vadd.f32 v3, v2;
	_ =	sdelay $0x1  }
0x2dc: {  	v2 =	vmax.f32 v2, $0.0e+00  }
0x2dd: {  	[tilespmem:s23+$0xFFFFFFF0] =	vst v2;
	v2 =	vld [tilespmem:s23+$0x0]  }
0x2de: {  	v3 =	vld [tilespmem:s28+$0x0];
	_ =	sdelay $0x4  }
0x2df: {  	v2 =	vadd.f32 v3, v2;
	_ =	sdelay $0x1  }
0x2e0: {  	v2 =	vmax.f32 v2, $0.0e+00  }
0x2e1: {  	[tilespmem:s23+$0x0] =	vst v2;
	v2 =	vld [tilespmem:s23+$0x10]  }
0x2e2: {  	v3 =	vld [tilespmem:s28+$0x10];
	_ =	sdelay $0x4  }
0x2e3: {  	v2 =	vadd.f32 v3, v2;
	_ =	sdelay $0x1  }
0x2e4: {  	v2 =	vmax.f32 v2, $0.0e+00  }
0x2e5: {  	[tilespmem:s23+$0x10] =	vst v2;
	v2 =	vld [tilespmem:s23+$0x20]  }
0x2e6: {  	v3 =	vld [tilespmem:s28+$0x20];
	_ =	sdelay $0x4  }
0x2e7: {  	v2 =	vadd.f32 v3, v2;
	_ =	sdelay $0x1  }
0x2e8: {  	v2 =	vmax.f32 v2, $0.0e+00  }
0x2e9: {  	[tilespmem:s23+$0x20] =	vst v2;
	v2 =	vld [tilespmem:s23+$0x30]  }
0x2ea: {  	v3 =	vld [tilespmem:s28+$0x30];
	_ =	sdelay $0x4  }
0x2eb: {  	v2 =	vadd.f32 v3, v2;
	_ =	sdelay $0x1  }
0x2ec: {  	v2 =	vmax.f32 v2, $0.0e+00  }
0x2ed: {  	[tilespmem:s23+$0x30] =	vst v2;
	v2 =	vld [tilespmem:s23+$0x40]  }
0x2ee: {  	v3 =	vld [tilespmem:s28+$0x40];
	_ =	sdelay $0x4  }
0x2ef: {  	v2 =	vadd.f32 v3, v2;
	_ =	sdelay $0x1  }
0x2f0: {  	v2 =	vmax.f32 v2, $0.0e+00  }
0x2f1: {  	[tilespmem:s23+$0x40] =	vst v2;
	v2 =	vld [tilespmem:s23+$0x50]  }
0x2f2: {  	v3 =	vld [tilespmem:s28+$0x50];
	_ =	sdelay $0x4  }
0x2f3: {  	v2 =	vadd.f32 v3, v2;
	_ =	sdelay $0x1  }
0x2f4: {  	v2 =	vmax.f32 v2, $0.0e+00  }
0x2f5: {  	[tilespmem:s23+$0x50] =	vst v2;
	v2 =	vld [tilespmem:s23+$0x60]  }
0x2f6: {  	v3 =	vld [tilespmem:s28+$0x60];
	_ =	sdelay $0x4  }
0x2f7: {  	v2 =	vadd.f32 v3, v2;
	_ =	sdelay $0x1  }
0x2f8: {  	v2 =	vmax.f32 v2, $0.0e+00  }
0x2f9: {  	[tilespmem:s23+$0x60] =	vst v2;
	v2 =	vld [tilespmem:s23+$0x70]  }
0x2fa: {  	v3 =	vld [tilespmem:s28+$0x70];
	_ =	sdelay $0x4  }
0x2fb: {  	v2 =	vadd.f32 v3, v2;
	_ =	sdelay $0x1  }
0x2fc: {  	v2 =	vmax.f32 v2, $0.0e+00  }
0x2fd: {  	[tilespmem:s23+$0x70] =	vst v2;
	v2 =	vld [tilespmem:s23+$0x80]  }
0x2fe: {  	v3 =	vld [tilespmem:s28+$0x80];
	_ =	sdelay $0x4  }
0x2ff: {  	v2 =	vadd.f32 v3, v2;
	_ =	sdelay $0x1  }
0x300: {  	v2 =	vmax.f32 v2, $0.0e+00  }
0x301: {  	[tilespmem:s23+$0x80] =	vst v2;
	v2 =	vld [tilespmem:s23+$0x90]  }
0x302: {  	v3 =	vld [tilespmem:s28+$0x90];
	_ =	sdelay $0x4  }
0x303: {  	v2 =	vadd.f32 v3, v2;
	_ =	sdelay $0x1  }
0x304: {  	v2 =	vmax.f32 v2, $0.0e+00  }
0x305: {  	[tilespmem:s23+$0x90] =	vst v2;
	v2 =	vld [tilespmem:s23+$0xA0]  }
0x306: {  	v3 =	vld [tilespmem:s28+$0xA0];
	_ =	sdelay $0x4  }
0x307: {  	v2 =	vadd.f32 v3, v2;
	_ =	sdelay $0x1  }
0x308: {  	v2 =	vmax.f32 v2, $0.0e+00  }
0x309: {  	[tilespmem:s23+$0xA0] =	vst v2;
	v2 =	vld [tilespmem:s23+$0xB0]  }
0x30a: {  	v3 =	vld [tilespmem:s28+$0xB0];
	_ =	sdelay $0x4  }
0x30b: {  	v2 =	vadd.f32 v3, v2;
	_ =	sdelay $0x1  }
0x30c: {  	v2 =	vmax.f32 v2, $0.0e+00  }
0x30d: {  	[tilespmem:s23+$0xB0] =	vst v2;
	v2 =	vld [tilespmem:s23+$0xC0]  }
0x30e: {  	v3 =	vld [tilespmem:s28+$0xC0];
	_ =	sdelay $0x4  }
0x30f: {  	v2 =	vadd.f32 v3, v2;
	_ =	sdelay $0x1  }
0x310: {  	v2 =	vmax.f32 v2, $0.0e+00  }
0x311: {  	[tilespmem:s23+$0xC0] =	vst v2;
	v2 =	vld [tilespmem:s23+$0xD0]  }
0x312: {  	v3 =	vld [tilespmem:s28+$0xD0];
	_ =	sdelay $0x4  }
0x313: {  	v2 =	vadd.f32 v3, v2;
	_ =	sdelay $0x1  }
0x314: {  	v2 =	vmax.f32 v2, $0.0e+00  }
0x315: {  	[tilespmem:s23+$0xD0] =	vst v2;
	v2 =	vld [tilespmem:s23+$0xE0]  }
0x316: {  	v3 =	vld [tilespmem:s28+$0xE0];
	_ =	sdelay $0x4  }
0x317: {  	v2 =	vadd.f32 v3, v2;
	_ =	sdelay $0x1  }
0x318: {  	v2 =	vmax.f32 v2, $0.0e+00  }
0x319: {  	[tilespmem:s23+$0xE0] =	vst v2;
	v2 =	vld [tilespmem:s23+$0xF0]  }
0x31a: {  	v3 =	vld [tilespmem:s28+$0xF0];
	_ =	sdelay $0x4  }
0x31b: {  	v2 =	vadd.f32 v3, v2;
	_ =	sdelay $0x1  }
0x31c: {  	s30 =	simm.s32 $0x0;
	s19 =	simm.s32 $0xF440;
	v2 =	vmax.f32 v2, $0.0e+00  }
.LBB2_11:
0x31d: {  	v3 =	vld [tilespmem:s19+$0xFFFFFF00];
	[tilespmem:s23+$0xF0] =	vst v2;
	s28 =	sadd.s32 $0x200, s28;
	s23 =	smov.u32 s19  }
0x31e: {  	s30 =	sadd.s32 $0x8, s30;
	v2 =	vld [tilespmem:s28+$0xFFFFFF00]  }
0x31f: {  	p0 =	slt.u32 s30, $0x48;
	_ =	sdelay $0x3  }
0x320: {  	v2 =	vadd.f32 v2, v3;
	_ =	sdelay $0x1  }
0x321: {  	v2 =	vmax.f32 v2, $0.0e+00  }
0x322: {  	[tilespmem:s19+$0xFFFFFF00] =	vst v2;
	v2 =	vld [tilespmem:s19+$0xFFFFFF10]  }
0x323: {  	v3 =	vld [tilespmem:s28+$0xFFFFFF10];
	_ =	sdelay $0x4  }
0x324: {  	v2 =	vadd.f32 v3, v2;
	_ =	sdelay $0x1  }
0x325: {  	v2 =	vmax.f32 v2, $0.0e+00  }
0x326: {  	[tilespmem:s19+$0xFFFFFF10] =	vst v2;
	v2 =	vld [tilespmem:s19+$0xFFFFFF20]  }
0x327: {  	v3 =	vld [tilespmem:s28+$0xFFFFFF20];
	_ =	sdelay $0x4  }
0x328: {  	v2 =	vadd.f32 v3, v2;
	_ =	sdelay $0x1  }
0x329: {  	v2 =	vmax.f32 v2, $0.0e+00  }
0x32a: {  	[tilespmem:s19+$0xFFFFFF20] =	vst v2;
	v2 =	vld [tilespmem:s19+$0xFFFFFF30]  }
0x32b: {  	v3 =	vld [tilespmem:s28+$0xFFFFFF30];
	_ =	sdelay $0x4  }
0x32c: {  	v2 =	vadd.f32 v3, v2;
	_ =	sdelay $0x1  }
0x32d: {  	v2 =	vmax.f32 v2, $0.0e+00  }
0x32e: {  	[tilespmem:s19+$0xFFFFFF30] =	vst v2;
	v2 =	vld [tilespmem:s19+$0xFFFFFF40]  }
0x32f: {  	v3 =	vld [tilespmem:s28+$0xFFFFFF40];
	_ =	sdelay $0x4  }
0x330: {  	v2 =	vadd.f32 v3, v2;
	_ =	sdelay $0x1  }
0x331: {  	v2 =	vmax.f32 v2, $0.0e+00  }
0x332: {  	[tilespmem:s19+$0xFFFFFF40] =	vst v2;
	v2 =	vld [tilespmem:s19+$0xFFFFFF50]  }
0x333: {  	v3 =	vld [tilespmem:s28+$0xFFFFFF50];
	_ =	sdelay $0x4  }
0x334: {  	v2 =	vadd.f32 v3, v2;
	_ =	sdelay $0x1  }
0x335: {  	v2 =	vmax.f32 v2, $0.0e+00  }
0x336: {  	[tilespmem:s19+$0xFFFFFF50] =	vst v2;
	v2 =	vld [tilespmem:s19+$0xFFFFFF60]  }
0x337: {  	v3 =	vld [tilespmem:s28+$0xFFFFFF60];
	_ =	sdelay $0x4  }
0x338: {  	v2 =	vadd.f32 v3, v2;
	_ =	sdelay $0x1  }
0x339: {  	v2 =	vmax.f32 v2, $0.0e+00  }
0x33a: {  	[tilespmem:s19+$0xFFFFFF60] =	vst v2;
	v2 =	vld [tilespmem:s19+$0xFFFFFF70]  }
0x33b: {  	v3 =	vld [tilespmem:s28+$0xFFFFFF70];
	_ =	sdelay $0x4  }
0x33c: {  	v2 =	vadd.f32 v3, v2;
	_ =	sdelay $0x1  }
0x33d: {  	v2 =	vmax.f32 v2, $0.0e+00  }
0x33e: {  	[tilespmem:s19+$0xFFFFFF70] =	vst v2;
	v2 =	vld [tilespmem:s19+$0xFFFFFF80]  }
0x33f: {  	v3 =	vld [tilespmem:s28+$0xFFFFFF80];
	_ =	sdelay $0x4  }
0x340: {  	v2 =	vadd.f32 v3, v2;
	_ =	sdelay $0x1  }
0x341: {  	v2 =	vmax.f32 v2, $0.0e+00  }
0x342: {  	[tilespmem:s19+$0xFFFFFF80] =	vst v2;
	v2 =	vld [tilespmem:s19+$0xFFFFFF90]  }
0x343: {  	v3 =	vld [tilespmem:s28+$0xFFFFFF90];
	_ =	sdelay $0x4  }
0x344: {  	v2 =	vadd.f32 v3, v2;
	_ =	sdelay $0x1  }
0x345: {  	v2 =	vmax.f32 v2, $0.0e+00  }
0x346: {  	[tilespmem:s19+$0xFFFFFF90] =	vst v2;
	v2 =	vld [tilespmem:s19+$0xFFFFFFA0]  }
0x347: {  	v3 =	vld [tilespmem:s28+$0xFFFFFFA0];
	_ =	sdelay $0x4  }
0x348: {  	v2 =	vadd.f32 v3, v2;
	_ =	sdelay $0x1  }
0x349: {  	v2 =	vmax.f32 v2, $0.0e+00  }
0x34a: {  	[tilespmem:s19+$0xFFFFFFA0] =	vst v2;
	v2 =	vld [tilespmem:s19+$0xFFFFFFB0]  }
0x34b: {  	v3 =	vld [tilespmem:s28+$0xFFFFFFB0];
	_ =	sdelay $0x4  }
0x34c: {  	v2 =	vadd.f32 v3, v2;
	_ =	sdelay $0x1  }
0x34d: {  	v2 =	vmax.f32 v2, $0.0e+00  }
0x34e: {  	[tilespmem:s19+$0xFFFFFFB0] =	vst v2;
	v2 =	vld [tilespmem:s19+$0xFFFFFFC0]  }
0x34f: {  	v3 =	vld [tilespmem:s28+$0xFFFFFFC0];
	_ =	sdelay $0x4  }
0x350: {  	v2 =	vadd.f32 v3, v2;
	_ =	sdelay $0x1  }
0x351: {  	v2 =	vmax.f32 v2, $0.0e+00  }
0x352: {  	[tilespmem:s19+$0xFFFFFFC0] =	vst v2;
	v2 =	vld [tilespmem:s19+$0xFFFFFFD0]  }
0x353: {  	v3 =	vld [tilespmem:s28+$0xFFFFFFD0];
	_ =	sdelay $0x4  }
0x354: {  	v2 =	vadd.f32 v3, v2;
	_ =	sdelay $0x1  }
0x355: {  	v2 =	vmax.f32 v2, $0.0e+00  }
0x356: {  	[tilespmem:s19+$0xFFFFFFD0] =	vst v2;
	v2 =	vld [tilespmem:s19+$0xFFFFFFE0]  }
0x357: {  	v3 =	vld [tilespmem:s28+$0xFFFFFFE0];
	_ =	sdelay $0x4  }
0x358: {  	v2 =	vadd.f32 v3, v2;
	_ =	sdelay $0x1  }
0x359: {  	v2 =	vmax.f32 v2, $0.0e+00  }
0x35a: {  	[tilespmem:s19+$0xFFFFFFE0] =	vst v2;
	v2 =	vld [tilespmem:s19+$0xFFFFFFF0]  }
0x35b: {  	v3 =	vld [tilespmem:s28+$0xFFFFFFF0];
	_ =	sdelay $0x4  }
0x35c: {  	v2 =	vadd.f32 v3, v2;
	_ =	sdelay $0x1  }
0x35d: {  	v2 =	vmax.f32 v2, $0.0e+00  }
0x35e: {  	[tilespmem:s19+$0xFFFFFFF0] =	vst v2;
	v2 =	vld [tilespmem:s19+$0x0]  }
0x35f: {  	v3 =	vld [tilespmem:s28+$0x0];
	_ =	sdelay $0x4  }
0x360: {  	v2 =	vadd.f32 v3, v2;
	_ =	sdelay $0x1  }
0x361: {  	v2 =	vmax.f32 v2, $0.0e+00  }
0x362: {  	[tilespmem:s19+$0x0] =	vst v2;
	v2 =	vld [tilespmem:s19+$0x10]  }
0x363: {  	v3 =	vld [tilespmem:s28+$0x10];
	_ =	sdelay $0x4  }
0x364: {  	v2 =	vadd.f32 v3, v2;
	_ =	sdelay $0x1  }
0x365: {  	v2 =	vmax.f32 v2, $0.0e+00  }
0x366: {  	[tilespmem:s19+$0x10] =	vst v2;
	v2 =	vld [tilespmem:s19+$0x20]  }
0x367: {  	v3 =	vld [tilespmem:s28+$0x20];
	_ =	sdelay $0x4  }
0x368: {  	v2 =	vadd.f32 v3, v2;
	_ =	sdelay $0x1  }
0x369: {  	v2 =	vmax.f32 v2, $0.0e+00  }
0x36a: {  	[tilespmem:s19+$0x20] =	vst v2;
	v2 =	vld [tilespmem:s19+$0x30]  }
0x36b: {  	v3 =	vld [tilespmem:s28+$0x30];
	_ =	sdelay $0x4  }
0x36c: {  	v2 =	vadd.f32 v3, v2;
	_ =	sdelay $0x1  }
0x36d: {  	v2 =	vmax.f32 v2, $0.0e+00  }
0x36e: {  	[tilespmem:s19+$0x30] =	vst v2;
	v2 =	vld [tilespmem:s19+$0x40]  }
0x36f: {  	v3 =	vld [tilespmem:s28+$0x40];
	_ =	sdelay $0x4  }
0x370: {  	v2 =	vadd.f32 v3, v2;
	_ =	sdelay $0x1  }
0x371: {  	v2 =	vmax.f32 v2, $0.0e+00  }
0x372: {  	[tilespmem:s19+$0x40] =	vst v2;
	v2 =	vld [tilespmem:s19+$0x50]  }
0x373: {  	v3 =	vld [tilespmem:s28+$0x50];
	_ =	sdelay $0x4  }
0x374: {  	v2 =	vadd.f32 v3, v2;
	_ =	sdelay $0x1  }
0x375: {  	v2 =	vmax.f32 v2, $0.0e+00  }
0x376: {  	[tilespmem:s19+$0x50] =	vst v2;
	v2 =	vld [tilespmem:s19+$0x60]  }
0x377: {  	v3 =	vld [tilespmem:s28+$0x60];
	_ =	sdelay $0x4  }
0x378: {  	v2 =	vadd.f32 v3, v2;
	_ =	sdelay $0x1  }
0x379: {  	v2 =	vmax.f32 v2, $0.0e+00  }
0x37a: {  	[tilespmem:s19+$0x60] =	vst v2;
	v2 =	vld [tilespmem:s19+$0x70]  }
0x37b: {  	v3 =	vld [tilespmem:s28+$0x70];
	_ =	sdelay $0x4  }
0x37c: {  	v2 =	vadd.f32 v3, v2;
	_ =	sdelay $0x1  }
0x37d: {  	v2 =	vmax.f32 v2, $0.0e+00  }
0x37e: {  	[tilespmem:s19+$0x70] =	vst v2;
	v2 =	vld [tilespmem:s19+$0x80]  }
0x37f: {  	v3 =	vld [tilespmem:s28+$0x80];
	_ =	sdelay $0x4  }
0x380: {  	v2 =	vadd.f32 v3, v2;
	_ =	sdelay $0x1  }
0x381: {  	v2 =	vmax.f32 v2, $0.0e+00  }
0x382: {  	[tilespmem:s19+$0x80] =	vst v2;
	v2 =	vld [tilespmem:s19+$0x90]  }
0x383: {  	v3 =	vld [tilespmem:s28+$0x90];
	_ =	sdelay $0x4  }
0x384: {  	v2 =	vadd.f32 v3, v2;
	_ =	sdelay $0x1  }
0x385: {  	v2 =	vmax.f32 v2, $0.0e+00  }
0x386: {  	[tilespmem:s19+$0x90] =	vst v2;
	v2 =	vld [tilespmem:s19+$0xA0]  }
0x387: {  	v3 =	vld [tilespmem:s28+$0xA0];
	_ =	sdelay $0x4  }
0x388: {  	v2 =	vadd.f32 v3, v2;
	_ =	sdelay $0x1  }
0x389: {  	v2 =	vmax.f32 v2, $0.0e+00  }
0x38a: {  	[tilespmem:s19+$0xA0] =	vst v2;
	v2 =	vld [tilespmem:s19+$0xB0]  }
0x38b: {  	v3 =	vld [tilespmem:s28+$0xB0];
	_ =	sdelay $0x4  }
0x38c: {  	v2 =	vadd.f32 v3, v2;
	_ =	sdelay $0x1  }
0x38d: {  	v2 =	vmax.f32 v2, $0.0e+00  }
0x38e: {  	[tilespmem:s19+$0xB0] =	vst v2;
	v2 =	vld [tilespmem:s19+$0xC0]  }
0x38f: {  	v3 =	vld [tilespmem:s28+$0xC0];
	_ =	sdelay $0x4  }
0x390: {  	v2 =	vadd.f32 v3, v2;
	_ =	sdelay $0x1  }
0x391: {  	v2 =	vmax.f32 v2, $0.0e+00  }
0x392: {  	[tilespmem:s19+$0xC0] =	vst v2;
	v2 =	vld [tilespmem:s19+$0xD0]  }
0x393: {  	v3 =	vld [tilespmem:s28+$0xD0];
	_ =	sdelay $0x4  }
0x394: {  	v2 =	vadd.f32 v3, v2;
	_ =	sdelay $0x1  }
0x395: {  	v2 =	vmax.f32 v2, $0.0e+00  }
0x396: {  	[tilespmem:s19+$0xD0] =	vst v2;
	v2 =	vld [tilespmem:s19+$0xE0]  }
0x397: {  	v3 =	vld [tilespmem:s28+$0xE0];
	_ =	sdelay $0x4  }
0x398: {  	v2 =	vadd.f32 v3, v2;
	_ =	sdelay $0x1  }
0x399: {  	v2 =	vmax.f32 v2, $0.0e+00  }
0x39a: {  	[tilespmem:s19+$0xE0] =	vst v2;
	v2 =	vld [tilespmem:s19+$0xF0]  }
0x39b: {  	v3 =	vld [tilespmem:s28+$0xF0];
	_ =	sdelay $0x2  }
.Ltmp4:
0x39c: {  	(pc) =	sbr.rel @p0 .LBB2_11-.Ltmp4, $3  }
0x39d: {  	_ = 	snop  }
0x39e: {  	v2 =	vadd.f32 v3, v2;
	_ =	sdelay $0x1  }
0x39f: {  	s19 =	sadd.s32 $0x200, s19;
	v2 =	vmax.f32 v2, $0.0e+00  }
0x3a0: {  	[tilespmem:s23+$0xF0] =	vst v2  }
0x3a1: {  	[spmem:s2] =	stream.indirect.scatter.add.f32 [tilespmem:s13], [sflag:$0x9], $0x40, s14, s1, $0xb8;
	[tilespmem:$0x15540] =	vst v63  }
0x3a2: {  	_ =	swait.ge [sflag:s25], $0x1400  }
0x3a3: {  	[sflag:s25] =	ssyncset.done $0x0  }
0x3a4: {  	[sflag:s25] =	ssyncadd.s32 $0xFFFFEC00  }
0x3a5: {  	v2 =	vld [tilespmem:$0xA0F0];
	_ =	sdelay $0x7  }
0x3a6: {  	[tilespmem:v2+s17+$0x0] =	vst.idx.add.f32.msk $0xffff, v1  }
0x3a7: {  	v2 =	vld [tilespmem:$0xA100];
	_ =	sdelay $0x7  }
0x3a8: {  	[tilespmem:v2+s17+$0x0] =	vst.idx.add.f32.msk $0xffff, v1  }
0x3a9: {  	v2 =	vld [tilespmem:$0xA110];
	_ =	sdelay $0x7  }
0x3aa: {  	[tilespmem:v2+s17+$0x0] =	vst.idx.add.f32.msk $0xffff, v1  }
0x3ab: {  	v2 =	vld [tilespmem:$0xA120];
	_ =	sdelay $0x7  }
0x3ac: {  	[tilespmem:v2+s17+$0x0] =	vst.idx.add.f32.msk $0xffff, v1  }
0x3ad: {  	v2 =	vld [tilespmem:$0xA130];
	_ =	sdelay $0x7  }
0x3ae: {  	[tilespmem:v2+s17+$0x0] =	vst.idx.add.f32.msk $0xffff, v1  }
0x3af: {  	_ =	swait.ge [sflag:s22], $0x1400  }
0x3b0: {  	[sflag:s22] =	ssyncset.done $0x0  }
0x3b1: {  	s23 =	simm.s32 $0x10640;
	[sflag:s22] =	ssyncadd.s32 $0xFFFFEC00  }
0x3b2: {  	s28 =	simm.s32 $0xB640;
	v2 =	vld [tilespmem:s23+$0xFFFFFF00]  }
0x3b3: {  	v3 =	vld [tilespmem:s28+$0xFFFFFF00];
	_ =	sdelay $0x4  }
0x3b4: {  	v2 =	vadd.f32 v3, v2;
	_ =	sdelay $0x1  }
0x3b5: {  	v2 =	vmax.f32 v2, $0.0e+00  }
0x3b6: {  	[tilespmem:s23+$0xFFFFFF00] =	vst v2;
	v2 =	vld [tilespmem:s23+$0xFFFFFF10]  }
0x3b7: {  	v3 =	vld [tilespmem:s28+$0xFFFFFF10];
	_ =	sdelay $0x4  }
0x3b8: {  	v2 =	vadd.f32 v3, v2;
	_ =	sdelay $0x1  }
0x3b9: {  	v2 =	vmax.f32 v2, $0.0e+00  }
0x3ba: {  	[tilespmem:s23+$0xFFFFFF10] =	vst v2;
	v2 =	vld [tilespmem:s23+$0xFFFFFF20]  }
0x3bb: {  	v3 =	vld [tilespmem:s28+$0xFFFFFF20];
	_ =	sdelay $0x4  }
0x3bc: {  	v2 =	vadd.f32 v3, v2;
	_ =	sdelay $0x1  }
0x3bd: {  	v2 =	vmax.f32 v2, $0.0e+00  }
0x3be: {  	[tilespmem:s23+$0xFFFFFF20] =	vst v2;
	v2 =	vld [tilespmem:s23+$0xFFFFFF30]  }
0x3bf: {  	v3 =	vld [tilespmem:s28+$0xFFFFFF30];
	_ =	sdelay $0x4  }
0x3c0: {  	v2 =	vadd.f32 v3, v2;
	_ =	sdelay $0x1  }
0x3c1: {  	v2 =	vmax.f32 v2, $0.0e+00  }
0x3c2: {  	[tilespmem:s23+$0xFFFFFF30] =	vst v2;
	v2 =	vld [tilespmem:s23+$0xFFFFFF40]  }
0x3c3: {  	v3 =	vld [tilespmem:s28+$0xFFFFFF40];
	_ =	sdelay $0x4  }
0x3c4: {  	v2 =	vadd.f32 v3, v2;
	_ =	sdelay $0x1  }
0x3c5: {  	v2 =	vmax.f32 v2, $0.0e+00  }
0x3c6: {  	[tilespmem:s23+$0xFFFFFF40] =	vst v2;
	v2 =	vld [tilespmem:s23+$0xFFFFFF50]  }
0x3c7: {  	v3 =	vld [tilespmem:s28+$0xFFFFFF50];
	_ =	sdelay $0x4  }
0x3c8: {  	v2 =	vadd.f32 v3, v2;
	_ =	sdelay $0x1  }
0x3c9: {  	v2 =	vmax.f32 v2, $0.0e+00  }
0x3ca: {  	[tilespmem:s23+$0xFFFFFF50] =	vst v2;
	v2 =	vld [tilespmem:s23+$0xFFFFFF60]  }
0x3cb: {  	v3 =	vld [tilespmem:s28+$0xFFFFFF60];
	_ =	sdelay $0x4  }
0x3cc: {  	v2 =	vadd.f32 v3, v2;
	_ =	sdelay $0x1  }
0x3cd: {  	v2 =	vmax.f32 v2, $0.0e+00  }
0x3ce: {  	[tilespmem:s23+$0xFFFFFF60] =	vst v2;
	v2 =	vld [tilespmem:s23+$0xFFFFFF70]  }
0x3cf: {  	v3 =	vld [tilespmem:s28+$0xFFFFFF70];
	_ =	sdelay $0x4  }
0x3d0: {  	v2 =	vadd.f32 v3, v2;
	_ =	sdelay $0x1  }
0x3d1: {  	v2 =	vmax.f32 v2, $0.0e+00  }
0x3d2: {  	[tilespmem:s23+$0xFFFFFF70] =	vst v2;
	v2 =	vld [tilespmem:s23+$0xFFFFFF80]  }
0x3d3: {  	v3 =	vld [tilespmem:s28+$0xFFFFFF80];
	_ =	sdelay $0x4  }
0x3d4: {  	v2 =	vadd.f32 v3, v2;
	_ =	sdelay $0x1  }
0x3d5: {  	v2 =	vmax.f32 v2, $0.0e+00  }
0x3d6: {  	[tilespmem:s23+$0xFFFFFF80] =	vst v2;
	v2 =	vld [tilespmem:s23+$0xFFFFFF90]  }
0x3d7: {  	v3 =	vld [tilespmem:s28+$0xFFFFFF90];
	_ =	sdelay $0x4  }
0x3d8: {  	v2 =	vadd.f32 v3, v2;
	_ =	sdelay $0x1  }
0x3d9: {  	v2 =	vmax.f32 v2, $0.0e+00  }
0x3da: {  	[tilespmem:s23+$0xFFFFFF90] =	vst v2;
	v2 =	vld [tilespmem:s23+$0xFFFFFFA0]  }
0x3db: {  	v3 =	vld [tilespmem:s28+$0xFFFFFFA0];
	_ =	sdelay $0x4  }
0x3dc: {  	v2 =	vadd.f32 v3, v2;
	_ =	sdelay $0x1  }
0x3dd: {  	v2 =	vmax.f32 v2, $0.0e+00  }
0x3de: {  	[tilespmem:s23+$0xFFFFFFA0] =	vst v2;
	v2 =	vld [tilespmem:s23+$0xFFFFFFB0]  }
0x3df: {  	v3 =	vld [tilespmem:s28+$0xFFFFFFB0];
	_ =	sdelay $0x4  }
0x3e0: {  	v2 =	vadd.f32 v3, v2;
	_ =	sdelay $0x1  }
0x3e1: {  	v2 =	vmax.f32 v2, $0.0e+00  }
0x3e2: {  	[tilespmem:s23+$0xFFFFFFB0] =	vst v2;
	v2 =	vld [tilespmem:s23+$0xFFFFFFC0]  }
0x3e3: {  	v3 =	vld [tilespmem:s28+$0xFFFFFFC0];
	_ =	sdelay $0x4  }
0x3e4: {  	v2 =	vadd.f32 v3, v2;
	_ =	sdelay $0x1  }
0x3e5: {  	v2 =	vmax.f32 v2, $0.0e+00  }
0x3e6: {  	[tilespmem:s23+$0xFFFFFFC0] =	vst v2;
	v2 =	vld [tilespmem:s23+$0xFFFFFFD0]  }
0x3e7: {  	v3 =	vld [tilespmem:s28+$0xFFFFFFD0];
	_ =	sdelay $0x4  }
0x3e8: {  	v2 =	vadd.f32 v3, v2;
	_ =	sdelay $0x1  }
0x3e9: {  	v2 =	vmax.f32 v2, $0.0e+00  }
0x3ea: {  	[tilespmem:s23+$0xFFFFFFD0] =	vst v2;
	v2 =	vld [tilespmem:s23+$0xFFFFFFE0]  }
0x3eb: {  	v3 =	vld [tilespmem:s28+$0xFFFFFFE0];
	_ =	sdelay $0x4  }
0x3ec: {  	v2 =	vadd.f32 v3, v2;
	_ =	sdelay $0x1  }
0x3ed: {  	v2 =	vmax.f32 v2, $0.0e+00  }
0x3ee: {  	[tilespmem:s23+$0xFFFFFFE0] =	vst v2;
	v2 =	vld [tilespmem:s23+$0xFFFFFFF0]  }
0x3ef: {  	v3 =	vld [tilespmem:s28+$0xFFFFFFF0];
	_ =	sdelay $0x4  }
0x3f0: {  	v2 =	vadd.f32 v3, v2;
	_ =	sdelay $0x1  }
0x3f1: {  	v2 =	vmax.f32 v2, $0.0e+00  }
0x3f2: {  	[tilespmem:s23+$0xFFFFFFF0] =	vst v2;
	v2 =	vld [tilespmem:s23+$0x0]  }
0x3f3: {  	v3 =	vld [tilespmem:s28+$0x0];
	_ =	sdelay $0x4  }
0x3f4: {  	v2 =	vadd.f32 v3, v2;
	_ =	sdelay $0x1  }
0x3f5: {  	v2 =	vmax.f32 v2, $0.0e+00  }
0x3f6: {  	[tilespmem:s23+$0x0] =	vst v2;
	v2 =	vld [tilespmem:s23+$0x10]  }
0x3f7: {  	v3 =	vld [tilespmem:s28+$0x10];
	_ =	sdelay $0x4  }
0x3f8: {  	v2 =	vadd.f32 v3, v2;
	_ =	sdelay $0x1  }
0x3f9: {  	v2 =	vmax.f32 v2, $0.0e+00  }
0x3fa: {  	[tilespmem:s23+$0x10] =	vst v2;
	v2 =	vld [tilespmem:s23+$0x20]  }
0x3fb: {  	v3 =	vld [tilespmem:s28+$0x20];
	_ =	sdelay $0x4  }
0x3fc: {  	v2 =	vadd.f32 v3, v2;
	_ =	sdelay $0x1  }
0x3fd: {  	v2 =	vmax.f32 v2, $0.0e+00  }
0x3fe: {  	[tilespmem:s23+$0x20] =	vst v2;
	v2 =	vld [tilespmem:s23+$0x30]  }
0x3ff: {  	v3 =	vld [tilespmem:s28+$0x30];
	_ =	sdelay $0x4  }
0x400: {  	v2 =	vadd.f32 v3, v2;
	_ =	sdelay $0x1  }
0x401: {  	v2 =	vmax.f32 v2, $0.0e+00  }
0x402: {  	[tilespmem:s23+$0x30] =	vst v2;
	v2 =	vld [tilespmem:s23+$0x40]  }
0x403: {  	v3 =	vld [tilespmem:s28+$0x40];
	_ =	sdelay $0x4  }
0x404: {  	v2 =	vadd.f32 v3, v2;
	_ =	sdelay $0x1  }
0x405: {  	v2 =	vmax.f32 v2, $0.0e+00  }
0x406: {  	[tilespmem:s23+$0x40] =	vst v2;
	v2 =	vld [tilespmem:s23+$0x50]  }
0x407: {  	v3 =	vld [tilespmem:s28+$0x50];
	_ =	sdelay $0x4  }
0x408: {  	v2 =	vadd.f32 v3, v2;
	_ =	sdelay $0x1  }
0x409: {  	v2 =	vmax.f32 v2, $0.0e+00  }
0x40a: {  	[tilespmem:s23+$0x50] =	vst v2;
	v2 =	vld [tilespmem:s23+$0x60]  }
0x40b: {  	v3 =	vld [tilespmem:s28+$0x60];
	_ =	sdelay $0x4  }
0x40c: {  	v2 =	vadd.f32 v3, v2;
	_ =	sdelay $0x1  }
0x40d: {  	v2 =	vmax.f32 v2, $0.0e+00  }
0x40e: {  	[tilespmem:s23+$0x60] =	vst v2;
	v2 =	vld [tilespmem:s23+$0x70]  }
0x40f: {  	v3 =	vld [tilespmem:s28+$0x70];
	_ =	sdelay $0x4  }
0x410: {  	v2 =	vadd.f32 v3, v2;
	_ =	sdelay $0x1  }
0x411: {  	v2 =	vmax.f32 v2, $0.0e+00  }
0x412: {  	[tilespmem:s23+$0x70] =	vst v2;
	v2 =	vld [tilespmem:s23+$0x80]  }
0x413: {  	v3 =	vld [tilespmem:s28+$0x80];
	_ =	sdelay $0x4  }
0x414: {  	v2 =	vadd.f32 v3, v2;
	_ =	sdelay $0x1  }
0x415: {  	v2 =	vmax.f32 v2, $0.0e+00  }
0x416: {  	[tilespmem:s23+$0x80] =	vst v2;
	v2 =	vld [tilespmem:s23+$0x90]  }
0x417: {  	v3 =	vld [tilespmem:s28+$0x90];
	_ =	sdelay $0x4  }
0x418: {  	v2 =	vadd.f32 v3, v2;
	_ =	sdelay $0x1  }
0x419: {  	v2 =	vmax.f32 v2, $0.0e+00  }
0x41a: {  	[tilespmem:s23+$0x90] =	vst v2;
	v2 =	vld [tilespmem:s23+$0xA0]  }
0x41b: {  	v3 =	vld [tilespmem:s28+$0xA0];
	_ =	sdelay $0x4  }
0x41c: {  	v2 =	vadd.f32 v3, v2;
	_ =	sdelay $0x1  }
0x41d: {  	v2 =	vmax.f32 v2, $0.0e+00  }
0x41e: {  	[tilespmem:s23+$0xA0] =	vst v2;
	v2 =	vld [tilespmem:s23+$0xB0]  }
0x41f: {  	v3 =	vld [tilespmem:s28+$0xB0];
	_ =	sdelay $0x4  }
0x420: {  	v2 =	vadd.f32 v3, v2;
	_ =	sdelay $0x1  }
0x421: {  	v2 =	vmax.f32 v2, $0.0e+00  }
0x422: {  	[tilespmem:s23+$0xB0] =	vst v2;
	v2 =	vld [tilespmem:s23+$0xC0]  }
0x423: {  	v3 =	vld [tilespmem:s28+$0xC0];
	_ =	sdelay $0x4  }
0x424: {  	v2 =	vadd.f32 v3, v2;
	_ =	sdelay $0x1  }
0x425: {  	v2 =	vmax.f32 v2, $0.0e+00  }
0x426: {  	[tilespmem:s23+$0xC0] =	vst v2;
	v2 =	vld [tilespmem:s23+$0xD0]  }
0x427: {  	v3 =	vld [tilespmem:s28+$0xD0];
	_ =	sdelay $0x4  }
0x428: {  	v2 =	vadd.f32 v3, v2;
	_ =	sdelay $0x1  }
0x429: {  	v2 =	vmax.f32 v2, $0.0e+00  }
0x42a: {  	[tilespmem:s23+$0xD0] =	vst v2;
	v2 =	vld [tilespmem:s23+$0xE0]  }
0x42b: {  	v3 =	vld [tilespmem:s28+$0xE0];
	_ =	sdelay $0x4  }
0x42c: {  	v2 =	vadd.f32 v3, v2;
	_ =	sdelay $0x1  }
0x42d: {  	v2 =	vmax.f32 v2, $0.0e+00  }
0x42e: {  	[tilespmem:s23+$0xE0] =	vst v2;
	v2 =	vld [tilespmem:s23+$0xF0]  }
0x42f: {  	v3 =	vld [tilespmem:s28+$0xF0];
	_ =	sdelay $0x4  }
0x430: {  	v2 =	vadd.f32 v3, v2;
	_ =	sdelay $0x1  }
0x431: {  	s30 =	simm.s32 $0x0;
	s19 =	simm.s32 $0x10840;
	v2 =	vmax.f32 v2, $0.0e+00  }
.LBB2_13:
0x432: {  	v3 =	vld [tilespmem:s19+$0xFFFFFF00];
	[tilespmem:s23+$0xF0] =	vst v2;
	s28 =	sadd.s32 $0x200, s28;
	s23 =	smov.u32 s19  }
0x433: {  	s30 =	sadd.s32 $0x8, s30;
	v2 =	vld [tilespmem:s28+$0xFFFFFF00]  }
0x434: {  	p0 =	slt.u32 s30, $0x48;
	_ =	sdelay $0x3  }
0x435: {  	v2 =	vadd.f32 v2, v3;
	_ =	sdelay $0x1  }
0x436: {  	v2 =	vmax.f32 v2, $0.0e+00  }
0x437: {  	[tilespmem:s19+$0xFFFFFF00] =	vst v2;
	v2 =	vld [tilespmem:s19+$0xFFFFFF10]  }
0x438: {  	v3 =	vld [tilespmem:s28+$0xFFFFFF10];
	_ =	sdelay $0x4  }
0x439: {  	v2 =	vadd.f32 v3, v2;
	_ =	sdelay $0x1  }
0x43a: {  	v2 =	vmax.f32 v2, $0.0e+00  }
0x43b: {  	[tilespmem:s19+$0xFFFFFF10] =	vst v2;
	v2 =	vld [tilespmem:s19+$0xFFFFFF20]  }
0x43c: {  	v3 =	vld [tilespmem:s28+$0xFFFFFF20];
	_ =	sdelay $0x4  }
0x43d: {  	v2 =	vadd.f32 v3, v2;
	_ =	sdelay $0x1  }
0x43e: {  	v2 =	vmax.f32 v2, $0.0e+00  }
0x43f: {  	[tilespmem:s19+$0xFFFFFF20] =	vst v2;
	v2 =	vld [tilespmem:s19+$0xFFFFFF30]  }
0x440: {  	v3 =	vld [tilespmem:s28+$0xFFFFFF30];
	_ =	sdelay $0x4  }
0x441: {  	v2 =	vadd.f32 v3, v2;
	_ =	sdelay $0x1  }
0x442: {  	v2 =	vmax.f32 v2, $0.0e+00  }
0x443: {  	[tilespmem:s19+$0xFFFFFF30] =	vst v2;
	v2 =	vld [tilespmem:s19+$0xFFFFFF40]  }
0x444: {  	v3 =	vld [tilespmem:s28+$0xFFFFFF40];
	_ =	sdelay $0x4  }
0x445: {  	v2 =	vadd.f32 v3, v2;
	_ =	sdelay $0x1  }
0x446: {  	v2 =	vmax.f32 v2, $0.0e+00  }
0x447: {  	[tilespmem:s19+$0xFFFFFF40] =	vst v2;
	v2 =	vld [tilespmem:s19+$0xFFFFFF50]  }
0x448: {  	v3 =	vld [tilespmem:s28+$0xFFFFFF50];
	_ =	sdelay $0x4  }
0x449: {  	v2 =	vadd.f32 v3, v2;
	_ =	sdelay $0x1  }
0x44a: {  	v2 =	vmax.f32 v2, $0.0e+00  }
0x44b: {  	[tilespmem:s19+$0xFFFFFF50] =	vst v2;
	v2 =	vld [tilespmem:s19+$0xFFFFFF60]  }
0x44c: {  	v3 =	vld [tilespmem:s28+$0xFFFFFF60];
	_ =	sdelay $0x4  }
0x44d: {  	v2 =	vadd.f32 v3, v2;
	_ =	sdelay $0x1  }
0x44e: {  	v2 =	vmax.f32 v2, $0.0e+00  }
0x44f: {  	[tilespmem:s19+$0xFFFFFF60] =	vst v2;
	v2 =	vld [tilespmem:s19+$0xFFFFFF70]  }
0x450: {  	v3 =	vld [tilespmem:s28+$0xFFFFFF70];
	_ =	sdelay $0x4  }
0x451: {  	v2 =	vadd.f32 v3, v2;
	_ =	sdelay $0x1  }
0x452: {  	v2 =	vmax.f32 v2, $0.0e+00  }
0x453: {  	[tilespmem:s19+$0xFFFFFF70] =	vst v2;
	v2 =	vld [tilespmem:s19+$0xFFFFFF80]  }
0x454: {  	v3 =	vld [tilespmem:s28+$0xFFFFFF80];
	_ =	sdelay $0x4  }
0x455: {  	v2 =	vadd.f32 v3, v2;
	_ =	sdelay $0x1  }
0x456: {  	v2 =	vmax.f32 v2, $0.0e+00  }
0x457: {  	[tilespmem:s19+$0xFFFFFF80] =	vst v2;
	v2 =	vld [tilespmem:s19+$0xFFFFFF90]  }
0x458: {  	v3 =	vld [tilespmem:s28+$0xFFFFFF90];
	_ =	sdelay $0x4  }
0x459: {  	v2 =	vadd.f32 v3, v2;
	_ =	sdelay $0x1  }
0x45a: {  	v2 =	vmax.f32 v2, $0.0e+00  }
0x45b: {  	[tilespmem:s19+$0xFFFFFF90] =	vst v2;
	v2 =	vld [tilespmem:s19+$0xFFFFFFA0]  }
0x45c: {  	v3 =	vld [tilespmem:s28+$0xFFFFFFA0];
	_ =	sdelay $0x4  }
0x45d: {  	v2 =	vadd.f32 v3, v2;
	_ =	sdelay $0x1  }
0x45e: {  	v2 =	vmax.f32 v2, $0.0e+00  }
0x45f: {  	[tilespmem:s19+$0xFFFFFFA0] =	vst v2;
	v2 =	vld [tilespmem:s19+$0xFFFFFFB0]  }
0x460: {  	v3 =	vld [tilespmem:s28+$0xFFFFFFB0];
	_ =	sdelay $0x4  }
0x461: {  	v2 =	vadd.f32 v3, v2;
	_ =	sdelay $0x1  }
0x462: {  	v2 =	vmax.f32 v2, $0.0e+00  }
0x463: {  	[tilespmem:s19+$0xFFFFFFB0] =	vst v2;
	v2 =	vld [tilespmem:s19+$0xFFFFFFC0]  }
0x464: {  	v3 =	vld [tilespmem:s28+$0xFFFFFFC0];
	_ =	sdelay $0x4  }
0x465: {  	v2 =	vadd.f32 v3, v2;
	_ =	sdelay $0x1  }
0x466: {  	v2 =	vmax.f32 v2, $0.0e+00  }
0x467: {  	[tilespmem:s19+$0xFFFFFFC0] =	vst v2;
	v2 =	vld [tilespmem:s19+$0xFFFFFFD0]  }
0x468: {  	v3 =	vld [tilespmem:s28+$0xFFFFFFD0];
	_ =	sdelay $0x4  }
0x469: {  	v2 =	vadd.f32 v3, v2;
	_ =	sdelay $0x1  }
0x46a: {  	v2 =	vmax.f32 v2, $0.0e+00  }
0x46b: {  	[tilespmem:s19+$0xFFFFFFD0] =	vst v2;
	v2 =	vld [tilespmem:s19+$0xFFFFFFE0]  }
0x46c: {  	v3 =	vld [tilespmem:s28+$0xFFFFFFE0];
	_ =	sdelay $0x4  }
0x46d: {  	v2 =	vadd.f32 v3, v2;
	_ =	sdelay $0x1  }
0x46e: {  	v2 =	vmax.f32 v2, $0.0e+00  }
0x46f: {  	[tilespmem:s19+$0xFFFFFFE0] =	vst v2;
	v2 =	vld [tilespmem:s19+$0xFFFFFFF0]  }
0x470: {  	v3 =	vld [tilespmem:s28+$0xFFFFFFF0];
	_ =	sdelay $0x4  }
0x471: {  	v2 =	vadd.f32 v3, v2;
	_ =	sdelay $0x1  }
0x472: {  	v2 =	vmax.f32 v2, $0.0e+00  }
0x473: {  	[tilespmem:s19+$0xFFFFFFF0] =	vst v2;
	v2 =	vld [tilespmem:s19+$0x0]  }
0x474: {  	v3 =	vld [tilespmem:s28+$0x0];
	_ =	sdelay $0x4  }
0x475: {  	v2 =	vadd.f32 v3, v2;
	_ =	sdelay $0x1  }
0x476: {  	v2 =	vmax.f32 v2, $0.0e+00  }
0x477: {  	[tilespmem:s19+$0x0] =	vst v2;
	v2 =	vld [tilespmem:s19+$0x10]  }
0x478: {  	v3 =	vld [tilespmem:s28+$0x10];
	_ =	sdelay $0x4  }
0x479: {  	v2 =	vadd.f32 v3, v2;
	_ =	sdelay $0x1  }
0x47a: {  	v2 =	vmax.f32 v2, $0.0e+00  }
0x47b: {  	[tilespmem:s19+$0x10] =	vst v2;
	v2 =	vld [tilespmem:s19+$0x20]  }
0x47c: {  	v3 =	vld [tilespmem:s28+$0x20];
	_ =	sdelay $0x4  }
0x47d: {  	v2 =	vadd.f32 v3, v2;
	_ =	sdelay $0x1  }
0x47e: {  	v2 =	vmax.f32 v2, $0.0e+00  }
0x47f: {  	[tilespmem:s19+$0x20] =	vst v2;
	v2 =	vld [tilespmem:s19+$0x30]  }
0x480: {  	v3 =	vld [tilespmem:s28+$0x30];
	_ =	sdelay $0x4  }
0x481: {  	v2 =	vadd.f32 v3, v2;
	_ =	sdelay $0x1  }
0x482: {  	v2 =	vmax.f32 v2, $0.0e+00  }
0x483: {  	[tilespmem:s19+$0x30] =	vst v2;
	v2 =	vld [tilespmem:s19+$0x40]  }
0x484: {  	v3 =	vld [tilespmem:s28+$0x40];
	_ =	sdelay $0x4  }
0x485: {  	v2 =	vadd.f32 v3, v2;
	_ =	sdelay $0x1  }
0x486: {  	v2 =	vmax.f32 v2, $0.0e+00  }
0x487: {  	[tilespmem:s19+$0x40] =	vst v2;
	v2 =	vld [tilespmem:s19+$0x50]  }
0x488: {  	v3 =	vld [tilespmem:s28+$0x50];
	_ =	sdelay $0x4  }
0x489: {  	v2 =	vadd.f32 v3, v2;
	_ =	sdelay $0x1  }
0x48a: {  	v2 =	vmax.f32 v2, $0.0e+00  }
0x48b: {  	[tilespmem:s19+$0x50] =	vst v2;
	v2 =	vld [tilespmem:s19+$0x60]  }
0x48c: {  	v3 =	vld [tilespmem:s28+$0x60];
	_ =	sdelay $0x4  }
0x48d: {  	v2 =	vadd.f32 v3, v2;
	_ =	sdelay $0x1  }
0x48e: {  	v2 =	vmax.f32 v2, $0.0e+00  }
0x48f: {  	[tilespmem:s19+$0x60] =	vst v2;
	v2 =	vld [tilespmem:s19+$0x70]  }
0x490: {  	v3 =	vld [tilespmem:s28+$0x70];
	_ =	sdelay $0x4  }
0x491: {  	v2 =	vadd.f32 v3, v2;
	_ =	sdelay $0x1  }
0x492: {  	v2 =	vmax.f32 v2, $0.0e+00  }
0x493: {  	[tilespmem:s19+$0x70] =	vst v2;
	v2 =	vld [tilespmem:s19+$0x80]  }
0x494: {  	v3 =	vld [tilespmem:s28+$0x80];
	_ =	sdelay $0x4  }
0x495: {  	v2 =	vadd.f32 v3, v2;
	_ =	sdelay $0x1  }
0x496: {  	v2 =	vmax.f32 v2, $0.0e+00  }
0x497: {  	[tilespmem:s19+$0x80] =	vst v2;
	v2 =	vld [tilespmem:s19+$0x90]  }
0x498: {  	v3 =	vld [tilespmem:s28+$0x90];
	_ =	sdelay $0x4  }
0x499: {  	v2 =	vadd.f32 v3, v2;
	_ =	sdelay $0x1  }
0x49a: {  	v2 =	vmax.f32 v2, $0.0e+00  }
0x49b: {  	[tilespmem:s19+$0x90] =	vst v2;
	v2 =	vld [tilespmem:s19+$0xA0]  }
0x49c: {  	v3 =	vld [tilespmem:s28+$0xA0];
	_ =	sdelay $0x4  }
0x49d: {  	v2 =	vadd.f32 v3, v2;
	_ =	sdelay $0x1  }
0x49e: {  	v2 =	vmax.f32 v2, $0.0e+00  }
0x49f: {  	[tilespmem:s19+$0xA0] =	vst v2;
	v2 =	vld [tilespmem:s19+$0xB0]  }
0x4a0: {  	v3 =	vld [tilespmem:s28+$0xB0];
	_ =	sdelay $0x4  }
0x4a1: {  	v2 =	vadd.f32 v3, v2;
	_ =	sdelay $0x1  }
0x4a2: {  	v2 =	vmax.f32 v2, $0.0e+00  }
0x4a3: {  	[tilespmem:s19+$0xB0] =	vst v2;
	v2 =	vld [tilespmem:s19+$0xC0]  }
0x4a4: {  	v3 =	vld [tilespmem:s28+$0xC0];
	_ =	sdelay $0x4  }
0x4a5: {  	v2 =	vadd.f32 v3, v2;
	_ =	sdelay $0x1  }
0x4a6: {  	v2 =	vmax.f32 v2, $0.0e+00  }
0x4a7: {  	[tilespmem:s19+$0xC0] =	vst v2;
	v2 =	vld [tilespmem:s19+$0xD0]  }
0x4a8: {  	v3 =	vld [tilespmem:s28+$0xD0];
	_ =	sdelay $0x4  }
0x4a9: {  	v2 =	vadd.f32 v3, v2;
	_ =	sdelay $0x1  }
0x4aa: {  	v2 =	vmax.f32 v2, $0.0e+00  }
0x4ab: {  	[tilespmem:s19+$0xD0] =	vst v2;
	v2 =	vld [tilespmem:s19+$0xE0]  }
0x4ac: {  	v3 =	vld [tilespmem:s28+$0xE0];
	_ =	sdelay $0x4  }
0x4ad: {  	v2 =	vadd.f32 v3, v2;
	_ =	sdelay $0x1  }
0x4ae: {  	v2 =	vmax.f32 v2, $0.0e+00  }
0x4af: {  	[tilespmem:s19+$0xE0] =	vst v2;
	v2 =	vld [tilespmem:s19+$0xF0]  }
0x4b0: {  	v3 =	vld [tilespmem:s28+$0xF0];
	_ =	sdelay $0x2  }
.Ltmp5:
0x4b1: {  	(pc) =	sbr.rel @p0 .LBB2_13-.Ltmp5, $3  }
0x4b2: {  	_ = 	snop  }
0x4b3: {  	v2 =	vadd.f32 v3, v2;
	_ =	sdelay $0x1  }
0x4b4: {  	s19 =	sadd.s32 $0x200, s19;
	v2 =	vmax.f32 v2, $0.0e+00  }
0x4b5: {  	[tilespmem:s23+$0xF0] =	vst v2  }
0x4b6: {  	[spmem:s2] =	stream.indirect.scatter.add.f32 [tilespmem:s15], [sflag:$0x9], $0x40, s29, s1, $0xb8;
	[tilespmem:$0x15540] =	vst v63  }
0x4b7: {  	_ =	swait.ge [sflag:s25], $0x1400  }
0x4b8: {  	[sflag:s25] =	ssyncset.done $0x0  }
0x4b9: {  	[sflag:s25] =	ssyncadd.s32 $0xFFFFEC00  }
0x4ba: {  	v2 =	vld [tilespmem:$0xA0A0];
	_ =	sdelay $0x7  }
0x4bb: {  	[tilespmem:v2+s17+$0x0] =	vst.idx.add.f32.msk $0xffff, v1  }
0x4bc: {  	v2 =	vld [tilespmem:$0xA0B0];
	_ =	sdelay $0x7  }
0x4bd: {  	[tilespmem:v2+s17+$0x0] =	vst.idx.add.f32.msk $0xffff, v1  }
0x4be: {  	v2 =	vld [tilespmem:$0xA0C0];
	_ =	sdelay $0x7  }
0x4bf: {  	[tilespmem:v2+s17+$0x0] =	vst.idx.add.f32.msk $0xffff, v1  }
0x4c0: {  	v2 =	vld [tilespmem:$0xA0D0];
	_ =	sdelay $0x7  }
0x4c1: {  	[tilespmem:v2+s17+$0x0] =	vst.idx.add.f32.msk $0xffff, v1  }
0x4c2: {  	v2 =	vld [tilespmem:$0xA0E0];
	_ =	sdelay $0x3  }
0x4c3: {  	s19 =	smin.u32 s24, $0x7A  }
0x4c4: {  	s7 =	sadd.s32 $0x1, s7;
	s19 =	sadd.s32 s19, s20  }
0x4c5: {  	p0 =	sne.s32 s7, $0x3F;
	s28 =	smul.u32 $0x14, s19  }
.Ltmp6:
0x4c6: {  	_ = 	snop;
	(pc) =	sbr.rel @p0 .LBB2_6-.Ltmp6, $4  }
0x4c7: {  	s19 =	smul.u32 $0x280, s19;
	s23 =	sadd.s32 s6, s28;
	[tilespmem:v2+s17+$0x0] =	vst.idx.add.f32.msk $0xffff, v1  }
0x4c8: {  	[tilespmem:s29], [sflag:$0x3] =	stream.linear.gather [hbm4b:s23+s3], $0xA0, $0x38;
	[tilespmem:$0x15540] =	vst v63  }
0x4c9: {  	s30 =	simm.s32 $0xB540;
	s19 =	sadd.s32 s4, s19  }
0x4ca: {  	[tilespmem:s30], [sflag:$0x4] =	stream.linear.gather [hbm4b:s19+s3], $0x1400, $0x38;
	[tilespmem:$0x15540] =	vst v63  }
0x4cb: {  	_ =	swait.ge [sflag:s31], $0xA0  }
0x4cc: {  	[sflag:s31] =	ssyncset.done $0x0  }
0x4cd: {  	[sflag:s31] =	ssyncadd.s32 $0xFFFFFF60  }
0x4ce: {  	_ =	swait.ge [sflag:s0], $0x1400  }
0x4cf: {  	[sflag:s0] =	ssyncset.done $0x0  }
0x4d0: {  	[sflag:s0] =	ssyncadd.s32 $0xFFFFEC00  }
0x4d1: {  	_ =	swait.ge [sflag:s11], $0xA0  }
0x4d2: {  	[sflag:s11] =	ssyncset.done $0x0  }
0x4d3: {  	[sflag:s11] =	ssyncadd.s32 $0xFFFFFF60  }
0x4d4: {  	_ =	swait.ge [sflag:s12], $0x1400  }
0x4d5: {  	[sflag:s12] =	ssyncset.done $0x0  }
0x4d6: {  	[sflag:s12] =	ssyncadd.s32 $0xFFFFEC00  }
0x4d7: {  	s7 =	stileid.u32;
	[bflag:$0x0] =	sbarrier.arrive $0xFFFF  }
0x4d8: {  	s7 =	sshll.u32 s7, $0x6;
	s24 =	rddreg [dreg:$0x3]  }
0x4d9: {  	s7 =	sor.u32 $0x1C09, s7;
	s23 =	rddreg [dreg:$0x10];
	s19 =	sshrl.u32 s24, $0x3  }
0x4da: {  	[hbm:s23], [sflag:s7] =	dma.local [spmem:s19], $0x1400  }
0x4db: {  	_ =	swait.ge [sflag:s25], $0x1400  }
0x4dc: {  	[sflag:s25] =	ssyncset.done $0x0  }
0x4dd: {  	s23 =	rddreg [dreg:$0x11];
	[sflag:s25] =	ssyncadd.s32 $0xFFFFEC00  }
0x4de: {  	[hbm4b:s23+s3] =	stream.linear.scatter [tilespmem:s17], [sflag:$0x9], $0x2800, $0x38;
	[tilespmem:$0x15540] =	vst v63  }
0x4df: {  	_ =	swait.ge [sflag:s25], $0x2800  }
0x4e0: {  	s28 =	rddreg [dreg:$0x13]  }
0x4e1: {  	s30 =	rddreg [dreg:$0x12];
	s19 =	sadd.s32 $0x1, s28  }
0x4e2: {  	p0 =	sne.s32 s19, s30  }
.Ltmp7:
0x4e3: {  	_ = 	snop;
	(pc) =	sbr.rel @p0 .LBB2_1-.Ltmp7, $3  }
0x4e4: {  	_ =	sdelay $0x1  }
0x4e5: {  	[sflag:s25] =	ssyncset.done $0x0  }
0x4e6: {  	[sflag:s25] =	ssyncadd.s32 $0xFFFFD800  }
0x4e7: {  	_ =	sfence.sel $0x180000  }
0x4e8: {  	[bflag:$0x0] =	sbarrier.arrive $0xFFFF  }
0x4e9: {  	_ =	strace $0x90000047  }
0x4ea: {  	s0 =	stileid.u32;
	[bflag:$0x2] =	sbarrier.arrive $0xFFFF  }
0x4eb: {  	p0 =	sne.s32 s0, $0x0;
	s0 =	rddreg [dreg:$0x2]  }
0x4ec: {  	s0 =	sadd.s32 @!p0 $0x100000, s0  }
0x4ed: {  	[sflag:s0] =	ssyncadd.tile.s32 @!p0 $0x1;
	_ =	shalt  }
.Lfunc_end2:
_tile_overlayer_lowered:
.L_overlay_start_2:
0x4ee: {  	(tag) =	ssettag $0x2  }
0x4ef: {  	s0 =	rddreg [dreg:$0x0];
	s2 =	stileid.u32  }
0x4f0: {  	s1 =	rddreg [dreg:$0x1];
	p0 =	sne.s32 s2, $0x0  }
0x4f1: {  	s3 =	rddreg [dreg:$0x2];
	[bflag:$0x3] =	sbarrier.arrive $0xFFFF;
	s2 =	simm.s32 @!p0 $0x1C09  }
0x4f2: {  	[timem:s3], [sflag:s2] =	dma.local @!p0 [hbm:s0], s1  }
0x4f3: {  	s0 =	simm.s32 @!p0 $0x9  }
0x4f4: {  	_ =	swait.ge @!p0 [sflag:s0], s1  }
0x4f5: {  	s1 =	ssub.s32 @!p0 $0x0, s1;
	[sflag:s0] =	ssyncset.done @!p0 $0x0  }
0x4f6: {  	[sflag:s0] =	ssyncadd.s32 @!p0 s1  }
0x4f7: {  	[bflag:$0x3] =	sbarrier.arrive $0xFFFF  }
0x4f8: {  	_ =	shalt  }

</sc_bundles>
